<compile_context>
chip_gen: v7x
topology: tpu7x:2x2x1
jax: 0.10.2.dev20260603
libtpu: 0.0.44.dev20260713+nightly
codegen_flags: <defaults>
</compile_context>

<pallas_src>
import functools

import jax
import jax.numpy as jnp
from jax import lax
from jax.experimental import pallas as pl
from jax.experimental.pallas import tpu as pltpu, tpu_sc as plsc

EOS = 0
PAD = 1000
EPS = 1e-08

B, S, C = 256, 50, 1000
SP = 64
NW = 32
KSC = 64
BPW = KSC // NW
BB = 8
NCH = (C + 15) // 16

_INTERPRET = False


def _vsum(x):
    return plsc.cumsum(x)[15]


def _vmax(x):
    return plsc.cummax(x)[15]


def _sdiv(a, b):
    return (jnp.full((16,), a, jnp.float32) / jnp.full((16,), b, jnp.float32))[0]


def _sc_batches(l_flat, t_pad):
    mesh = plsc.VectorSubcoreMesh(core_axis_name="c", subcore_axis_name="s")

    @functools.partial(
        pl.kernel, mesh=mesh,
        compiler_params=pltpu.CompilerParams(needs_layout_passes=False),
        out_type=[
            jax.ShapeDtypeStruct((NW * 16,), jnp.float32),
            jax.ShapeDtypeStruct((KSC * SP,), jnp.float32),
        ],
        scratch_types=[
            pltpu.VMEM((S, C), jnp.float32),
            pltpu.VMEM((SP + 16,), jnp.int32),
            pltpu.VMEM((BPW * SP,), jnp.float32),
            pltpu.VMEM((16,), jnp.float32),
        ],
    )
    def k(l_hbm, t_hbm, part_hbm, p0_hbm, l_v2, t_v, p0_v, part_v):
        wid = lax.axis_index("s") * 2 + lax.axis_index("c")
        lane = lax.broadcasted_iota(jnp.int32, (16,), 0)
        tailmask = (lane >= 16 - (C - (NCH - 1) * 16)).astype(jnp.float32)
        lane0 = lane == 0
        lane0f = lane0.astype(jnp.float32)
        BIGF = jnp.float32(3.0e38)
        for z in range(BPW * SP // 16):
            p0_v[pl.ds(z * 16, 16)] = jnp.zeros((16,), jnp.float32)

        lab_acc = jnp.float32(0.0)
        for bloc in range(BPW):
            gb = wid * BPW + bloc
            pltpu.sync_copy(l_hbm.at[gb], l_v2)
            pltpu.sync_copy(t_hbm.at[pl.ds(gb * SP, SP)], t_v.at[pl.ds(0, SP)])

            tcl, hfj = [], []
            for c4 in range(4):
                tv = t_v[pl.ds(c4 * 16, 16)]
                tcl.append(jnp.minimum(jnp.maximum(tv, 0), C - 1))
                hfj.append(((tv != PAD) & (tv != EOS)).astype(jnp.float32))
            n_validj = _vsum(hfj[0] + hfj[1] + hfj[2] + hfj[3])
            invj_f = jnp.where(n_validj < S, 1.0, 0.0)
            hasj_f = jnp.where(n_validj > 0, 1.0, 0.0)

            def row(i, carry):
                chx, colm0, colm1, colm2, colm3, mins2, nvi = carry
                zacc = jnp.zeros((16,), jnp.float32)
                sacc = jnp.zeros((16,), jnp.float32)

                def chunk(c, zs):
                    za, sa = zs
                    ev = jnp.exp(l_v2[i, pl.ds(c * 16, 16)])
                    return (za + ev, sa + ev * ev)

                zacc, sacc = lax.fori_loop(0, NCH - 1, chunk, (zacc, sacc))
                evt = jnp.exp(l_v2[i, pl.ds(C - 16, 16)]) * tailmask
                zacc += evt
                sacc += evt * evt
                Z = _vsum(zacc)
                s2n = _vsum(sacc)
                e0 = _vsum(jnp.exp(l_v2[i, pl.ds(0, 16)]) * lane0f)
                rZ = _sdiv(1.0, Z)
                s2i = (s2n - e0 * e0) * rZ * rZ
                p0i = e0 * rZ
                plsc.store_scatter(
                    p0_v, [jnp.full((16,), bloc * SP + i, jnp.int32)],
                    jnp.full((16,), p0i, jnp.float32), mask=lane0)

                ti = plsc.load_gather(t_v, [jnp.full((16,), i, jnp.int32)])[0]
                hfi = jnp.where((ti != PAD) & (ti != EOS), 1.0, 0.0)

                ge = [jnp.exp(plsc.load_gather(
                          l_v2, [jnp.full((16,), i, jnp.int32), tcl[c4]]))
                      for c4 in range(4)]

                mx = jnp.float32(0.0)
                for c4 in range(4):
                    mx = jnp.maximum(mx, _vmax(ge[c4] * hfj[c4]))
                cand1 = invj_f * 0.0 + (1.0 - invj_f) * BIGF
                cand2 = hasj_f * (1.0 - 2.0 * mx * rZ) + (1.0 - hasj_f) * BIGF
                dmin_v = s2i + jnp.minimum(cand1, cand2)
                dmin_i = 1.0 - invj_f
                chx = chx + hfi * dmin_v + (1.0 - hfi) * dmin_i

                cm = [colm0, colm1, colm2, colm3]
                upd = []
                for c4 in range(4):
                    a = hfi * (s2i - 2.0 * ge[c4] * rZ) + (1.0 - hfi) * BIGF
                    upd.append(jnp.minimum(cm[c4], a))
                mins2 = jnp.minimum(mins2, hfi * s2i + (1.0 - hfi) * BIGF)
                nvi = nvi + hfi
                return (chx, upd[0], upd[1], upd[2], upd[3], mins2, nvi)

            init = (jnp.float32(0.0),
                    jnp.full((16,), BIGF), jnp.full((16,), BIGF),
                    jnp.full((16,), BIGF), jnp.full((16,), BIGF),
                    jnp.float32(BIGF), jnp.float32(0.0))
            chx, c0, c1, c2, c3, mins2, nvi = lax.fori_loop(0, S, row, init)

            invi_f = jnp.where(nvi < S, 1.0, 0.0)
            ysum = jnp.float32(0.0)
            for c4, cm in enumerate((c0, c1, c2, c3)):
                vp = invi_f * jnp.minimum(cm, 0.0) + (1.0 - invi_f) * cm
                ysum = ysum + _vsum((1.0 + vp) * hfj[c4])
            inval = (S - n_validj) * (1.0 - invi_f) * mins2
            lab_acc = lab_acc + (chx + ysum + inval) * jnp.float32(1.0 / S)

        part_v[...] = jnp.full((16,), lab_acc, jnp.float32) * lane0f
        pltpu.sync_copy(part_v, part_hbm.at[pl.ds(wid * 16, 16)])
        pltpu.sync_copy(p0_v, p0_hbm.at[pl.ds(wid * (BPW * SP), BPW * SP)])

    return k(l_flat, t_pad)


def _tc_body(l_ref, t_ref, tcol_ref, lab_ref, eos_ref):
    step = pl.program_id(0)

    @pl.when(step == 0)
    def _init():
        lab_ref[...] = jnp.zeros((1, 1), jnp.float32)
        eos_ref[...] = jnp.zeros((1, 1), jnp.float32)

    R, C_ = l_ref.shape
    bb, S_ = t_ref.shape
    e = jnp.exp(l_ref[...])
    Z = jnp.sum(e, axis=1, keepdims=True)
    s2n = jnp.sum(e * e, axis=1, keepdims=True)
    e0 = e[:, 0:1]
    rZ = 1.0 / Z
    p0 = e0 * rZ
    s2 = (s2n - e0 * e0) * rZ * rZ

    tcol = tcol_ref[...]
    hfc = ((tcol != PAD) & (tcol != EOS)).astype(jnp.float32)

    logp = jnp.maximum(jnp.log(p0), -100.0)
    log1mp = jnp.maximum(jnp.log(1.0 - p0), -100.0)
    y = 1.0 - hfc
    bce = -(y * logp + (1.0 - y) * log1mp)
    posc = (tcol == EOS).astype(jnp.float32)

    ci = lax.broadcasted_iota(jnp.int32, (C_, S_), 0)
    lab_acc = 0.0
    eos_acc = 0.0
    for b in range(bb):
        sl = slice(b * S_, (b + 1) * S_)
        tb = t_ref[b:b + 1, :]
        oh = (ci == jnp.broadcast_to(tb, (C_, S_))).astype(jnp.float32)
        Ge = lax.dot_general(e[sl], oh, (((1,), (0,)), ((), ())),
                             preferred_element_type=jnp.float32)
        G = Ge * rZ[sl]
        hfj = ((tb != PAD) & (tb != EOS)).astype(jnp.float32)
        hfi = hfc[sl]
        d = hfi * s2[sl] + hfj - 2.0 * (hfi * hfj) * G
        lab_acc += (jnp.sum(jnp.min(d, axis=1)) + jnp.sum(jnp.min(d, axis=0))) / S_

        bce_b, pos_b = bce[sl], posc[sl]
        eos_acc += (0.5 * jnp.sum(bce_b * pos_b) / (jnp.sum(pos_b) + EPS)
                    + 0.5 * jnp.sum(bce_b * hfi) / (jnp.sum(hfi) + EPS))

    lab_ref[...] += jnp.reshape(lab_acc, (1, 1))
    eos_ref[...] += jnp.reshape(eos_acc, (1, 1))


def _combine_body(lab_ref, eos_ref, part_ref, p0_ref, tcol_ref,
                  lab_o, eos_o):
    p0 = p0_ref[...]
    tcol = tcol_ref[...]
    hfc = ((tcol != PAD) & (tcol != EOS)).astype(jnp.float32)
    posc = (tcol == EOS).astype(jnp.float32)
    logp = jnp.maximum(jnp.log(p0), -100.0)
    log1mp = jnp.maximum(jnp.log(1.0 - p0), -100.0)
    y = 1.0 - hfc
    bce = -(y * logp + (1.0 - y) * log1mp)

    eos_acc = 0.0
    for b in range(KSC):
        sl = slice(b * SP, (b + 1) * SP)
        bce_b, pos_b, hf_b = bce[sl], posc[sl], hfc[sl]
        eos_acc += (0.5 * jnp.sum(bce_b * pos_b) / (jnp.sum(pos_b) + EPS)
                    + 0.5 * jnp.sum(bce_b * hf_b) / (jnp.sum(hf_b) + EPS))

    lab = lab_ref[0, 0] + jnp.sum(part_ref[...])
    eos = eos_ref[0, 0] + eos_acc
    lab_o[...] = jnp.reshape(lab / B, (1, 1))
    eos_o[...] = jnp.reshape(eos / B, (1, 1))


def kernel(logits, targets):
    l2 = logits.reshape(B * S, C)
    tcol = targets.reshape(B * S, 1)
    t_pad = jnp.pad(targets, ((0, 0), (0, SP - S)), constant_values=PAD)

    parts, p0sc = _sc_batches(logits, t_pad.reshape(B * SP))

    grid = (B - KSC) // BB
    lab_tc, eos_tc = pl.pallas_call(
        _tc_body,
        grid=(grid,),
        in_specs=[
            pl.BlockSpec((BB * S, C), lambda i: (KSC // BB + i, 0)),
            pl.BlockSpec((BB, S), lambda i: (KSC // BB + i, 0)),
            pl.BlockSpec((BB * S, 1), lambda i: (KSC // BB + i, 0)),
        ],
        out_specs=[
            pl.BlockSpec((1, 1), lambda i: (0, 0)),
            pl.BlockSpec((1, 1), lambda i: (0, 0)),
        ],
        out_shape=[
            jax.ShapeDtypeStruct((1, 1), jnp.float32),
            jax.ShapeDtypeStruct((1, 1), jnp.float32),
        ],
        interpret=_INTERPRET,
    )(l2, targets, tcol)

    lab, eos = pl.pallas_call(
        _combine_body,
        out_shape=[
            jax.ShapeDtypeStruct((1, 1), jnp.float32),
            jax.ShapeDtypeStruct((1, 1), jnp.float32),
        ],
        interpret=_INTERPRET,
    )(lab_tc, eos_tc, parts.reshape(NW * 16, 1), p0sc.reshape(KSC * SP, 1),
      t_pad.reshape(B * SP, 1)[:KSC * SP])
    return (lab[0, 0], eos[0, 0])

# --- scband reference (transcript-rebuilt; emitter-appended) ---
"""Pipeline reference for scband-chamfer-distance-criterion-29781303231230 (READ-ONLY COPY).

The authoritative reference and input builder live on the scoring server;
editing this copy changes nothing except your own understanding.
"""

import jax, jax.numpy as jnp
import numpy as np

EOS = 0
PAD = 1000
EPS = 1e-08


def setup_inputs(seed: int = 0) -> dict:
    key = jax.random.key(seed)
    k1, k2 = jax.random.split(key)
    logits = jax.random.normal(k1, (256, 50, 1000), dtype=jnp.float32)
    targets = jax.random.randint(k2, (256, 50), 0, 1001, dtype=jnp.int32)
    return {"logits": logits, "targets": targets}


def _chamfer_l2(x, y):
    # pytorch3d chamfer_distance with default point_reduction='mean',
    # batch_reduction='mean': loss = mean_b mean_i min_j ||x_i - y_j||^2
    #                              + mean_b mean_j min_i ||x_i - y_j||^2
    x2 = (x * x).sum(axis=-1)[:, :, None]
    y2 = (y * y).sum(axis=-1)[:, None, :]
    xy = jnp.einsum('bid,bjd->bij', x, y)
    d = x2 + y2 - 2.0 * xy
    cham_x = d.min(axis=2).mean(axis=1)
    cham_y = d.min(axis=1).mean(axis=1)
    return cham_x.mean() + cham_y.mean()


def reference(logits, targets):
    probs = jax.nn.softmax(logits, axis=-1)
    eos_probs = probs[:, :, EOS]
    eos_pos = (targets == EOS)
    eos_head = (targets != PAD) & (targets != EOS)
    eos_target = jnp.logical_not(eos_head)
    hf = eos_head.astype(jnp.float32)[..., None]
    probs_m = probs * hf
    # one_hot with num_classes = pad_value + 1, drop last (pad) and first (eos)
    oh = jax.nn.one_hot(targets, PAD + 1, dtype=jnp.float32)[:, :, :-1][:, :, 1:]
    oh = oh * hf
    label_loss = _chamfer_l2(probs_m[:, :, 1:], oh)
    # BCELoss(reduction='none') with torch's log clamp at -100
    logp = jnp.clip(jnp.log(eos_probs), -100.0, None)
    log1mp = jnp.clip(jnp.log(1.0 - eos_probs), -100.0, None)
    y = eos_target.astype(jnp.float32)
    bce = -(y * logp + (1.0 - y) * log1mp)
    posf = eos_pos.astype(jnp.float32)
    headf = eos_head.astype(jnp.float32)
    eos_loss = (0.5 * (bce * posf).sum(axis=1) / (posf.sum(axis=1) + EPS)
                + 0.5 * (bce * headf).sum(axis=1) / (headf.sum(axis=1) + EPS)).mean()
    return (label_loss, eos_loss)

if __name__ == "__main__":
    import jax
    _d = setup_inputs()
    print(jax.jit(kernel)(*tuple(_d.values())))

</pallas_src>

<mosaic_0001>
#map = affine_map<(d0, d1) -> (0, 0, 0)>
#map1 = affine_map<(d0, d1) -> (0)>
module attributes {stable_mosaic.version = 14 : i64} {
  func.func @k(%arg0: i32, %arg1: i32, %arg2: memref<256x50x1000xf32, #tpu.memory_space<hbm>>, %arg3: memref<16384xi32, #tpu.memory_space<hbm>>, %arg4: memref<512xf32, #tpu.memory_space<hbm>>, %arg5: memref<4096xf32, #tpu.memory_space<hbm>>, %arg6: memref<50x1000xf32, #tpu.memory_space<vmem>>, %arg7: memref<80xi32, #tpu.memory_space<vmem>>, %arg8: memref<128xf32, #tpu.memory_space<vmem>>, %arg9: memref<16xf32, #tpu.memory_space<vmem>>) attributes {dimension_semantics = [#tpu.dimension_semantics<core_parallel>, #tpu.dimension_semantics<subcore_parallel>], iteration_bounds = array<i64: 2, 16>, scalar_prefetch = 0 : i64, scratch_operands = 4 : i64, tpu.core_type = #tpu.core_type<sc_vector_subcore>, window_params = [{transform_indices = #map}, {transform_indices = #map1}, {transform_indices = #map1}, {transform_indices = #map1}]} {
    %mul3A = arith.constant 2 : i32
    %mul3A_0 = arith.muli %arg1, %mul3A : i32
    %add3A = arith.addi %mul3A_0, %arg0 : i32
    %iota3A = tpu.iota {dimensions = array<i32: 0>} : vector<16xi32>
    %ge3A = arith.constant 8 : i32
    %ge3A_1 = vector.broadcast %ge3A : i32 to vector<16xi32>
    %ge3A_2 = arith.cmpi sge, %iota3A, %ge3A_1 : vector<16xi32>
    %convert_element_type3A = arith.extui %ge3A_2 : vector<16xi1> to vector<16xi32>
    %convert_element_type3A_3 = arith.sitofp %convert_element_type3A : vector<16xi32> to vector<16xf32>
    %eq3A = arith.constant 0 : i32
    %eq3A_4 = vector.broadcast %eq3A : i32 to vector<16xi32>
    %eq3A_5 = arith.cmpi eq, %iota3A, %eq3A_4 : vector<16xi32>
    %convert_element_type3A_6 = arith.extui %eq3A_5 : vector<16xi1> to vector<16xi32>
    %convert_element_type3A_7 = arith.sitofp %convert_element_type3A_6 : vector<16xi32> to vector<16xf32>
    %broadcast_in_dim3A = arith.constant 0.000000e+00 : f32
    %broadcast_in_dim3A_8 = vector.broadcast %broadcast_in_dim3A : f32 to vector<16xf32>
    %swap3A = arith.constant 0 : index
    %swap3A_9 = tpu.vector_load %arg8[%swap3A] {strides = array<i32>} : memref<128xf32, #tpu.memory_space<vmem>>, vector<16xf32>,
    tpu.vector_store %arg8[%swap3A], %broadcast_in_dim3A_8 {strides = array<i32>} : memref<128xf32, #tpu.memory_space<vmem>>, vector<16xf32>,
    %broadcast_in_dim3A_10 = arith.constant 0.000000e+00 : f32
    %broadcast_in_dim3A_11 = vector.broadcast %broadcast_in_dim3A_10 : f32 to vector<16xf32>
    %swap3A_12 = arith.constant 16 : index
    %swap3A_13 = tpu.vector_load %arg8[%swap3A_12] {strides = array<i32>} : memref<128xf32, #tpu.memory_space<vmem>>, vector<16xf32>,
    tpu.vector_store %arg8[%swap3A_12], %broadcast_in_dim3A_11 {strides = array<i32>} : memref<128xf32, #tpu.memory_space<vmem>>, vector<16xf32>,
    %broadcast_in_dim3A_14 = arith.constant 0.000000e+00 : f32
    %broadcast_in_dim3A_15 = vector.broadcast %broadcast_in_dim3A_14 : f32 to vector<16xf32>
    %swap3A_16 = arith.constant 32 : index
    %swap3A_17 = tpu.vector_load %arg8[%swap3A_16] {strides = array<i32>} : memref<128xf32, #tpu.memory_space<vmem>>, vector<16xf32>,
    tpu.vector_store %arg8[%swap3A_16], %broadcast_in_dim3A_15 {strides = array<i32>} : memref<128xf32, #tpu.memory_space<vmem>>, vector<16xf32>,
    %broadcast_in_dim3A_18 = arith.constant 0.000000e+00 : f32
    %broadcast_in_dim3A_19 = vector.broadcast %broadcast_in_dim3A_18 : f32 to vector<16xf32>
    %swap3A_20 = arith.constant 48 : index
    %swap3A_21 = tpu.vector_load %arg8[%swap3A_20] {strides = array<i32>} : memref<128xf32, #tpu.memory_space<vmem>>, vector<16xf32>,
    tpu.vector_store %arg8[%swap3A_20], %broadcast_in_dim3A_19 {strides = array<i32>} : memref<128xf32, #tpu.memory_space<vmem>>, vector<16xf32>,
    %broadcast_in_dim3A_22 = arith.constant 0.000000e+00 : f32
    %broadcast_in_dim3A_23 = vector.broadcast %broadcast_in_dim3A_22 : f32 to vector<16xf32>
    %swap3A_24 = arith.constant 64 : index
    %swap3A_25 = tpu.vector_load %arg8[%swap3A_24] {strides = array<i32>} : memref<128xf32, #tpu.memory_space<vmem>>, vector<16xf32>,
    tpu.vector_store %arg8[%swap3A_24], %broadcast_in_dim3A_23 {strides = array<i32>} : memref<128xf32, #tpu.memory_space<vmem>>, vector<16xf32>,
    %broadcast_in_dim3A_26 = arith.constant 0.000000e+00 : f32
    %broadcast_in_dim3A_27 = vector.broadcast %broadcast_in_dim3A_26 : f32 to vector<16xf32>
    %swap3A_28 = arith.constant 80 : index
    %swap3A_29 = tpu.vector_load %arg8[%swap3A_28] {strides = array<i32>} : memref<128xf32, #tpu.memory_space<vmem>>, vector<16xf32>,
    tpu.vector_store %arg8[%swap3A_28], %broadcast_in_dim3A_27 {strides = array<i32>} : memref<128xf32, #tpu.memory_space<vmem>>, vector<16xf32>,
    %broadcast_in_dim3A_30 = arith.constant 0.000000e+00 : f32
    %broadcast_in_dim3A_31 = vector.broadcast %broadcast_in_dim3A_30 : f32 to vector<16xf32>
    %swap3A_32 = arith.constant 96 : index
    %swap3A_33 = tpu.vector_load %arg8[%swap3A_32] {strides = array<i32>} : memref<128xf32, #tpu.memory_space<vmem>>, vector<16xf32>,
    tpu.vector_store %arg8[%swap3A_32], %broadcast_in_dim3A_31 {strides = array<i32>} : memref<128xf32, #tpu.memory_space<vmem>>, vector<16xf32>,
    %broadcast_in_dim3A_34 = arith.constant 0.000000e+00 : f32
    %broadcast_in_dim3A_35 = vector.broadcast %broadcast_in_dim3A_34 : f32 to vector<16xf32>
    %swap3A_36 = arith.constant 112 : index
    %swap3A_37 = tpu.vector_load %arg8[%swap3A_36] {strides = array<i32>} : memref<128xf32, #tpu.memory_space<vmem>>, vector<16xf32>,
    tpu.vector_store %arg8[%swap3A_36], %broadcast_in_dim3A_35 {strides = array<i32>} : memref<128xf32, #tpu.memory_space<vmem>>, vector<16xf32>,
    %mul3A_38 = arith.constant 2 : i32
    %mul3A_39 = arith.muli %add3A, %mul3A_38 : i32
    %add3A_40 = arith.constant 0 : i32
    %add3A_41 = arith.addi %mul3A_39, %add3A_40 : i32
    "tpu.region"() ({
      %run_scoped3A = tpu.sem_alloc : memref<!tpu.dma_semaphore, #tpu.memory_space<semaphore_mem>>
      %dma_start3A = arith.constant 0 : i32
      %dma_start3A_447 = arith.constant 0 : i32
      %dma_start3A_448 = tpu.memref_slice %arg2[%add3A_41, %dma_start3A, %dma_start3A_447] : memref<256x50x1000xf32, #tpu.memory_space<hbm>> -> memref<1x50x1000xf32, #tpu.memory_space<hbm>>
      %dma_start3A_449 = tpu.memref_squeeze %dma_start3A_448 : memref<1x50x1000xf32, #tpu.memory_space<hbm>> -> memref<50x1000xf32, #tpu.memory_space<hbm>>
      %dma_start3A_450 = arith.constant 0 : i32
      %dma_start3A_451 = arith.constant 0 : i32
      %dma_start3A_452 = tpu.memref_slice %arg2[%add3A_41, %dma_start3A_450, %dma_start3A_451] : memref<256x50x1000xf32, #tpu.memory_space<hbm>> -> memref<1x50x1000xf32, #tpu.memory_space<hbm>>
      %dma_start3A_453 = tpu.memref_squeeze %dma_start3A_452 : memref<1x50x1000xf32, #tpu.memory_space<hbm>> -> memref<50x1000xf32, #tpu.memory_space<hbm>>
      tpu.enqueue_dma source(%dma_start3A_453 : memref<50x1000xf32, #tpu.memory_space<hbm>>) target(%arg6 : memref<50x1000xf32, #tpu.memory_space<vmem>>) target_semaphore(%run_scoped3A : memref<!tpu.dma_semaphore, #tpu.memory_space<semaphore_mem>>)
      %dma_wait3A = arith.constant 0 : i32
      %dma_wait3A_454 = arith.constant 0 : i32
      %dma_wait3A_455 = tpu.memref_slice %arg2[%add3A_41, %dma_wait3A, %dma_wait3A_454] : memref<256x50x1000xf32, #tpu.memory_space<hbm>> -> memref<1x50x1000xf32, #tpu.memory_space<hbm>>
      %dma_wait3A_456 = tpu.memref_squeeze %dma_wait3A_455 : memref<1x50x1000xf32, #tpu.memory_space<hbm>> -> memref<50x1000xf32, #tpu.memory_space<hbm>>
      %dma_wait3A_457 = arith.constant 0 : i32
      %dma_wait3A_458 = arith.constant 0 : i32
      %dma_wait3A_459 = tpu.memref_slice %arg2[%add3A_41, %dma_wait3A_457, %dma_wait3A_458] : memref<256x50x1000xf32, #tpu.memory_space<hbm>> -> memref<1x50x1000xf32, #tpu.memory_space<hbm>>
      %dma_wait3A_460 = tpu.memref_squeeze %dma_wait3A_459 : memref<1x50x1000xf32, #tpu.memory_space<hbm>> -> memref<50x1000xf32, #tpu.memory_space<hbm>>
      tpu.wait_dma2 semaphore(%run_scoped3A : memref<!tpu.dma_semaphore, #tpu.memory_space<semaphore_mem>>) src(%dma_wait3A_460 : memref<50x1000xf32, #tpu.memory_space<hbm>>) dst(%arg6 : memref<50x1000xf32, #tpu.memory_space<vmem>>)
      tpu.yield
    }) : () -> ()
    %mul3A_42 = arith.constant 64 : i32
    %mul3A_43 = arith.muli %add3A_41, %mul3A_42 : i32
    "tpu.region"() ({
      %run_scoped3A = tpu.sem_alloc : memref<!tpu.dma_semaphore, #tpu.memory_space<semaphore_mem>>
      %dma_start3A = arith.constant 0 : i32
      %dma_start3A_447 = tpu.memref_slice %arg7[%dma_start3A] : memref<80xi32, #tpu.memory_space<vmem>> -> memref<64xi32, #tpu.memory_space<vmem>>
      %dma_start3A_448 = tpu.memref_slice %arg3[%mul3A_43] : memref<16384xi32, #tpu.memory_space<hbm>> -> memref<64xi32, #tpu.memory_space<hbm>>
      %dma_start3A_449 = arith.constant 0 : i32
      %dma_start3A_450 = tpu.memref_slice %arg7[%dma_start3A_449] : memref<80xi32, #tpu.memory_space<vmem>> -> memref<64xi32, #tpu.memory_space<vmem>>
      %dma_start3A_451 = tpu.memref_slice %arg3[%mul3A_43] : memref<16384xi32, #tpu.memory_space<hbm>> -> memref<64xi32, #tpu.memory_space<hbm>>
      tpu.enqueue_dma source(%dma_start3A_451 : memref<64xi32, #tpu.memory_space<hbm>>) target(%dma_start3A_450 : memref<64xi32, #tpu.memory_space<vmem>>) target_semaphore(%run_scoped3A : memref<!tpu.dma_semaphore, #tpu.memory_space<semaphore_mem>>)
      %dma_wait3A = arith.constant 0 : i32
      %dma_wait3A_452 = tpu.memref_slice %arg7[%dma_wait3A] : memref<80xi32, #tpu.memory_space<vmem>> -> memref<64xi32, #tpu.memory_space<vmem>>
      %dma_wait3A_453 = tpu.memref_slice %arg3[%mul3A_43] : memref<16384xi32, #tpu.memory_space<hbm>> -> memref<64xi32, #tpu.memory_space<hbm>>
      %dma_wait3A_454 = arith.constant 0 : i32
      %dma_wait3A_455 = tpu.memref_slice %arg7[%dma_wait3A_454] : memref<80xi32, #tpu.memory_space<vmem>> -> memref<64xi32, #tpu.memory_space<vmem>>
      %dma_wait3A_456 = tpu.memref_slice %arg3[%mul3A_43] : memref<16384xi32, #tpu.memory_space<hbm>> -> memref<64xi32, #tpu.memory_space<hbm>>
      tpu.wait_dma2 semaphore(%run_scoped3A : memref<!tpu.dma_semaphore, #tpu.memory_space<semaphore_mem>>) src(%dma_wait3A_456 : memref<64xi32, #tpu.memory_space<hbm>>) dst(%dma_wait3A_455 : memref<64xi32, #tpu.memory_space<vmem>>)
      tpu.yield
    }) : () -> ()
    %get3A = arith.constant 0 : index
    %get3A_44 = tpu.vector_load %arg7[%get3A] {strides = array<i32>} : memref<80xi32, #tpu.memory_space<vmem>>, vector<16xi32>,
    %max3A = arith.constant 0 : i32
    %max3A_45 = vector.broadcast %max3A : i32 to vector<16xi32>
    %max3A_46 = arith.maxsi %get3A_44, %max3A_45 : vector<16xi32>
    %min3A = arith.constant 999 : i32
    %min3A_47 = vector.broadcast %min3A : i32 to vector<16xi32>
    %min3A_48 = arith.minsi %max3A_46, %min3A_47 : vector<16xi32>
    %ne3A = arith.constant 1000 : i32
    %ne3A_49 = vector.broadcast %ne3A : i32 to vector<16xi32>
    %ne3A_50 = arith.cmpi ne, %get3A_44, %ne3A_49 : vector<16xi32>
    %ne3A_51 = arith.constant 0 : i32
    %ne3A_52 = vector.broadcast %ne3A_51 : i32 to vector<16xi32>
    %ne3A_53 = arith.cmpi ne, %get3A_44, %ne3A_52 : vector<16xi32>
    %and3A = arith.andi %ne3A_50, %ne3A_53 : vector<16xi1>
    %convert_element_type3A_54 = arith.extui %and3A : vector<16xi1> to vector<16xi32>
    %convert_element_type3A_55 = arith.sitofp %convert_element_type3A_54 : vector<16xi32> to vector<16xf32>
    %get3A_56 = arith.constant 16 : index
    %get3A_57 = tpu.vector_load %arg7[%get3A_56] {strides = array<i32>} : memref<80xi32, #tpu.memory_space<vmem>>, vector<16xi32>,
    %max3A_58 = arith.constant 0 : i32
    %max3A_59 = vector.broadcast %max3A_58 : i32 to vector<16xi32>
    %max3A_60 = arith.maxsi %get3A_57, %max3A_59 : vector<16xi32>
    %min3A_61 = arith.constant 999 : i32
    %min3A_62 = vector.broadcast %min3A_61 : i32 to vector<16xi32>
    %min3A_63 = arith.minsi %max3A_60, %min3A_62 : vector<16xi32>
    %ne3A_64 = arith.constant 1000 : i32
    %ne3A_65 = vector.broadcast %ne3A_64 : i32 to vector<16xi32>
    %ne3A_66 = arith.cmpi ne, %get3A_57, %ne3A_65 : vector<16xi32>
    %ne3A_67 = arith.constant 0 : i32
    %ne3A_68 = vector.broadcast %ne3A_67 : i32 to vector<16xi32>
    %ne3A_69 = arith.cmpi ne, %get3A_57, %ne3A_68 : vector<16xi32>
    %and3A_70 = arith.andi %ne3A_66, %ne3A_69 : vector<16xi1>
    %convert_element_type3A_71 = arith.extui %and3A_70 : vector<16xi1> to vector<16xi32>
    %convert_element_type3A_72 = arith.sitofp %convert_element_type3A_71 : vector<16xi32> to vector<16xf32>
    %get3A_73 = arith.constant 32 : index
    %get3A_74 = tpu.vector_load %arg7[%get3A_73] {strides = array<i32>} : memref<80xi32, #tpu.memory_space<vmem>>, vector<16xi32>,
    %max3A_75 = arith.constant 0 : i32
    %max3A_76 = vector.broadcast %max3A_75 : i32 to vector<16xi32>
    %max3A_77 = arith.maxsi %get3A_74, %max3A_76 : vector<16xi32>
    %min3A_78 = arith.constant 999 : i32
    %min3A_79 = vector.broadcast %min3A_78 : i32 to vector<16xi32>
    %min3A_80 = arith.minsi %max3A_77, %min3A_79 : vector<16xi32>
    %ne3A_81 = arith.constant 1000 : i32
    %ne3A_82 = vector.broadcast %ne3A_81 : i32 to vector<16xi32>
    %ne3A_83 = arith.cmpi ne, %get3A_74, %ne3A_82 : vector<16xi32>
    %ne3A_84 = arith.constant 0 : i32
    %ne3A_85 = vector.broadcast %ne3A_84 : i32 to vector<16xi32>
    %ne3A_86 = arith.cmpi ne, %get3A_74, %ne3A_85 : vector<16xi32>
    %and3A_87 = arith.andi %ne3A_83, %ne3A_86 : vector<16xi1>
    %convert_element_type3A_88 = arith.extui %and3A_87 : vector<16xi1> to vector<16xi32>
    %convert_element_type3A_89 = arith.sitofp %convert_element_type3A_88 : vector<16xi32> to vector<16xf32>
    %get3A_90 = arith.constant 48 : index
    %get3A_91 = tpu.vector_load %arg7[%get3A_90] {strides = array<i32>} : memref<80xi32, #tpu.memory_space<vmem>>, vector<16xi32>,
    %max3A_92 = arith.constant 0 : i32
    %max3A_93 = vector.broadcast %max3A_92 : i32 to vector<16xi32>
    %max3A_94 = arith.maxsi %get3A_91, %max3A_93 : vector<16xi32>
    %min3A_95 = arith.constant 999 : i32
    %min3A_96 = vector.broadcast %min3A_95 : i32 to vector<16xi32>
    %min3A_97 = arith.minsi %max3A_94, %min3A_96 : vector<16xi32>
    %ne3A_98 = arith.constant 1000 : i32
    %ne3A_99 = vector.broadcast %ne3A_98 : i32 to vector<16xi32>
    %ne3A_100 = arith.cmpi ne, %get3A_91, %ne3A_99 : vector<16xi32>
    %ne3A_101 = arith.constant 0 : i32
    %ne3A_102 = vector.broadcast %ne3A_101 : i32 to vector<16xi32>
    %ne3A_103 = arith.cmpi ne, %get3A_91, %ne3A_102 : vector<16xi32>
    %and3A_104 = arith.andi %ne3A_100, %ne3A_103 : vector<16xi1>
    %convert_element_type3A_105 = arith.extui %and3A_104 : vector<16xi1> to vector<16xi32>
    %convert_element_type3A_106 = arith.sitofp %convert_element_type3A_105 : vector<16xi32> to vector<16xf32>
    %add3A_107 = arith.addf %convert_element_type3A_55, %convert_element_type3A_72 : vector<16xf32>
    %add3A_108 = arith.addf %add3A_107, %convert_element_type3A_89 : vector<16xf32>
    %add3A_109 = arith.addf %add3A_108, %convert_element_type3A_106 : vector<16xf32>
    %broadcast_in_dim3A_110 = arith.constant true
    %broadcast_in_dim3A_111 = vector.broadcast %broadcast_in_dim3A_110 : i1 to vector<16xi1>
    %masked_cumsum3A = tpu.scan <sum>, %add3A_109 masked %broadcast_in_dim3A_111 : vector<16xf32>, vector<16xi1> -> vector<16xf32>
    %slice3A = vector.extract_strided_slice %masked_cumsum3A {offsets = [15], sizes = [1], strides = [1]} : vector<16xf32> to vector<1xf32>
    %squeeze3A = vector.extract %slice3A[0] : f32 from vector<1xf32>
    %lt3A = arith.constant 5.000000e+01 : f32
    %lt3A_112 = arith.cmpf olt, %squeeze3A, %lt3A : f32
    %jit3A = arith.constant 1.000000e+00 : f32
    %jit3A_113 = arith.constant 0.000000e+00 : f32
    %select_n3A = arith.select %lt3A_112, %jit3A, %jit3A_113 : f32
    %gt3A = arith.constant 0.000000e+00 : f32
    %gt3A_114 = arith.cmpf ogt, %squeeze3A, %gt3A : f32
    %jit3A_115 = arith.constant 1.000000e+00 : f32
    %jit3A_116 = arith.constant 0.000000e+00 : f32
    %select_n3A_117 = arith.select %gt3A_114, %jit3A_115, %jit3A_116 : f32
    %broadcast_in_dim3A_118 = arith.constant 3.000000e+38 : f32
    %broadcast_in_dim3A_119 = vector.broadcast %broadcast_in_dim3A_118 : f32 to vector<16xf32>
    %broadcast_in_dim3A_120 = arith.constant 3.000000e+38 : f32
    %broadcast_in_dim3A_121 = vector.broadcast %broadcast_in_dim3A_120 : f32 to vector<16xf32>
    %broadcast_in_dim3A_122 = arith.constant 3.000000e+38 : f32
    %broadcast_in_dim3A_123 = vector.broadcast %broadcast_in_dim3A_122 : f32 to vector<16xf32>
    %broadcast_in_dim3A_124 = arith.constant 3.000000e+38 : f32
    %broadcast_in_dim3A_125 = vector.broadcast %broadcast_in_dim3A_124 : f32 to vector<16xf32>
    %scan3A = arith.constant 3.000000e+38 : f32
    %scan3A_126 = arith.constant 0.000000e+00 : f32
    %scan3A_127 = arith.constant 3.000000e+38 : f32
    %scan3A_128 = arith.constant 0.000000e+00 : f32
    %scan3A_129 = arith.constant 0 : i32
    %scan3A_130 = arith.constant 50 : i32
    %scan3A_131 = arith.addi %scan3A_129, %scan3A_130 : i32
    %scan3A_132 = arith.constant 1 : i32
    %scan3A_133:7 = scf.for %scan3A_447 = %scan3A_129 to %scan3A_131 step %scan3A_132 iter_args(%scan3A_448 = %scan3A_126, %scan3A_449 = %broadcast_in_dim3A_119, %scan3A_450 = %broadcast_in_dim3A_121, %scan3A_451 = %broadcast_in_dim3A_123, %scan3A_452 = %broadcast_in_dim3A_125, %scan3A_453 = %scan3A_127, %scan3A_454 = %scan3A_128) -> (f32, vector<16xf32>, vector<16xf32>, vector<16xf32>, vector<16xf32>, f32, f32)  : i32 {
      %broadcast_in_dim3A_455 = arith.constant 0.000000e+00 : f32
      %broadcast_in_dim3A_456 = vector.broadcast %broadcast_in_dim3A_455 : f32 to vector<16xf32>
      %broadcast_in_dim3A_457 = arith.constant 0.000000e+00 : f32
      %broadcast_in_dim3A_458 = vector.broadcast %broadcast_in_dim3A_457 : f32 to vector<16xf32>
      %scan3A_459 = arith.constant 0 : i32
      %scan3A_460 = arith.constant 62 : i32
      %scan3A_461 = arith.addi %scan3A_459, %scan3A_460 : i32
      %scan3A_462 = arith.constant 1 : i32
      %scan3A_463:2 = scf.for %scan3A_650 = %scan3A_459 to %scan3A_461 step %scan3A_462 iter_args(%scan3A_651 = %broadcast_in_dim3A_456, %scan3A_652 = %broadcast_in_dim3A_458) -> (vector<16xf32>, vector<16xf32>)  : i32 {
        %mul3A_653 = arith.constant 16 : i32
        %mul3A_654 = arith.muli %scan3A_650, %mul3A_653 : i32
        %get3A_655 = arith.index_cast %scan3A_447 : i32 to index
        %get3A_656 = arith.index_cast %mul3A_654 : i32 to index
        %get3A_657 = tpu.vector_load %arg6[%get3A_655, %get3A_656] {strides = array<i32>} : memref<50x1000xf32, #tpu.memory_space<vmem>>, vector<16xf32>,
        %exp3A_658 = math.exp %get3A_657 : vector<16xf32>
        %add3A_659 = arith.addf %scan3A_651, %exp3A_658 : vector<16xf32>
        %mul3A_660 = arith.mulf %exp3A_658, %exp3A_658 : vector<16xf32>
        %add3A_661 = arith.addf %scan3A_652, %mul3A_660 : vector<16xf32>
        scf.yield %add3A_659, %add3A_661 : vector<16xf32>, vector<16xf32>
      }
      %scan3A_464 = arith.constant 62 : i32
      %get3A_465 = arith.index_cast %scan3A_447 : i32 to index
      %get3A_466 = arith.constant 984 : index
      %get3A_467 = tpu.vector_load %arg6[%get3A_465, %get3A_466] {strides = array<i32>} : memref<50x1000xf32, #tpu.memory_space<vmem>>, vector<16xf32>,
      %exp3A = math.exp %get3A_467 : vector<16xf32>
      %mul3A_468 = arith.mulf %exp3A, %convert_element_type3A_3 : vector<16xf32>
      %add3A_469 = arith.addf %scan3A_463#0, %mul3A_468 : vector<16xf32>
      %mul3A_470 = arith.mulf %mul3A_468, %mul3A_468 : vector<16xf32>
      %add3A_471 = arith.addf %scan3A_463#1, %mul3A_470 : vector<16xf32>
      %broadcast_in_dim3A_472 = arith.constant true
      %broadcast_in_dim3A_473 = vector.broadcast %broadcast_in_dim3A_472 : i1 to vector<16xi1>
      %masked_cumsum3A_474 = tpu.scan <sum>, %add3A_469 masked %broadcast_in_dim3A_473 : vector<16xf32>, vector<16xi1> -> vector<16xf32>
      %slice3A_475 = vector.extract_strided_slice %masked_cumsum3A_474 {offsets = [15], sizes = [1], strides = [1]} : vector<16xf32> to vector<1xf32>
      %squeeze3A_476 = vector.extract %slice3A_475[0] : f32 from vector<1xf32>
      %broadcast_in_dim3A_477 = arith.constant true
      %broadcast_in_dim3A_478 = vector.broadcast %broadcast_in_dim3A_477 : i1 to vector<16xi1>
      %masked_cumsum3A_479 = tpu.scan <sum>, %add3A_471 masked %broadcast_in_dim3A_478 : vector<16xf32>, vector<16xi1> -> vector<16xf32>
      %slice3A_480 = vector.extract_strided_slice %masked_cumsum3A_479 {offsets = [15], sizes = [1], strides = [1]} : vector<16xf32> to vector<1xf32>
      %squeeze3A_481 = vector.extract %slice3A_480[0] : f32 from vector<1xf32>
      %get3A_482 = arith.index_cast %scan3A_447 : i32 to index
      %get3A_483 = arith.constant 0 : index
      %get3A_484 = tpu.vector_load %arg6[%get3A_482, %get3A_483] {strides = array<i32>} : memref<50x1000xf32, #tpu.memory_space<vmem>>, vector<16xf32>,
      %exp3A_485 = math.exp %get3A_484 : vector<16xf32>
      %mul3A_486 = arith.mulf %exp3A_485, %convert_element_type3A_7 : vector<16xf32>
      %broadcast_in_dim3A_487 = arith.constant true
      %broadcast_in_dim3A_488 = vector.broadcast %broadcast_in_dim3A_487 : i1 to vector<16xi1>
      %masked_cumsum3A_489 = tpu.scan <sum>, %mul3A_486 masked %broadcast_in_dim3A_488 : vector<16xf32>, vector<16xi1> -> vector<16xf32>
      %slice3A_490 = vector.extract_strided_slice %masked_cumsum3A_489 {offsets = [15], sizes = [1], strides = [1]} : vector<16xf32> to vector<1xf32>
      %squeeze3A_491 = vector.extract %slice3A_490[0] : f32 from vector<1xf32>
      %broadcast_in_dim3A_492 = arith.constant 1.000000e+00 : f32
      %broadcast_in_dim3A_493 = vector.broadcast %broadcast_in_dim3A_492 : f32 to vector<16xf32>
      %broadcast_in_dim3A_494 = vector.broadcast %squeeze3A_476 : f32 to vector<16xf32>
      %div3A = arith.divf %broadcast_in_dim3A_493, %broadcast_in_dim3A_494 : vector<16xf32>
      %slice3A_495 = vector.extract_strided_slice %div3A {offsets = [0], sizes = [1], strides = [1]} : vector<16xf32> to vector<1xf32>
      %squeeze3A_496 = vector.extract %slice3A_495[0] : f32 from vector<1xf32>
      %mul3A_497 = arith.mulf %squeeze3A_491, %squeeze3A_491 : f32
      %sub3A_498 = arith.subf %squeeze3A_481, %mul3A_497 : f32
      %mul3A_499 = arith.mulf %sub3A_498, %squeeze3A_496 : f32
      %mul3A_500 = arith.mulf %mul3A_499, %squeeze3A_496 : f32
      %mul3A_501 = arith.mulf %squeeze3A_491, %squeeze3A_496 : f32
      %add3A_502 = arith.constant 0 : i32
      %add3A_503 = arith.addi %add3A_502, %scan3A_447 : i32
      %broadcast_in_dim3A_504 = vector.broadcast %add3A_503 : i32 to vector<16xi32>
      %broadcast_in_dim3A_505 = vector.broadcast %mul3A_501 : f32 to vector<16xf32>
      tpu.vector_store_idx %arg8[%broadcast_in_dim3A_504], %broadcast_in_dim3A_505 masked %eq3A_5 : memref<128xf32, #tpu.memory_space<vmem>>[vector<16xi32>], vector<16xf32>, vector<16xi1>
      %broadcast_in_dim3A_506 = vector.broadcast %scan3A_447 : i32 to vector<16xi32>
      %gather3A = tpu.vector_load_idx %arg7[%broadcast_in_dim3A_506] : memref<80xi32, #tpu.memory_space<vmem>>[vector<16xi32>], vector<16xi32>,
      %slice3A_507 = vector.extract_strided_slice %gather3A {offsets = [0], sizes = [1], strides = [1]} : vector<16xi32> to vector<1xi32>
      %squeeze3A_508 = vector.extract %slice3A_507[0] : i32 from vector<1xi32>
      %ne3A_509 = arith.constant 1000 : i32
      %ne3A_510 = arith.cmpi ne, %squeeze3A_508, %ne3A_509 : i32
      %ne3A_511 = arith.constant 0 : i32
      %ne3A_512 = arith.cmpi ne, %squeeze3A_508, %ne3A_511 : i32
      %and3A_513 = arith.andi %ne3A_510, %ne3A_512 : i1
      %jit3A_514 = arith.constant 1.000000e+00 : f32
      %jit3A_515 = arith.constant 0.000000e+00 : f32
      %select_n3A_516 = arith.select %and3A_513, %jit3A_514, %jit3A_515 : f32
      %broadcast_in_dim3A_517 = vector.broadcast %scan3A_447 : i32 to vector<16xi32>
      %gather3A_518 = tpu.vector_load_idx %arg6[%broadcast_in_dim3A_517, %min3A_48] : memref<50x1000xf32, #tpu.memory_space<vmem>>[vector<16xi32>, vector<16xi32>], vector<16xf32>,
      %exp3A_519 = math.exp %gather3A_518 : vector<16xf32>
      %broadcast_in_dim3A_520 = vector.broadcast %scan3A_447 : i32 to vector<16xi32>
      %gather3A_521 = tpu.vector_load_idx %arg6[%broadcast_in_dim3A_520, %min3A_63] : memref<50x1000xf32, #tpu.memory_space<vmem>>[vector<16xi32>, vector<16xi32>], vector<16xf32>,
      %exp3A_522 = math.exp %gather3A_521 : vector<16xf32>
      %broadcast_in_dim3A_523 = vector.broadcast %scan3A_447 : i32 to vector<16xi32>
      %gather3A_524 = tpu.vector_load_idx %arg6[%broadcast_in_dim3A_523, %min3A_80] : memref<50x1000xf32, #tpu.memory_space<vmem>>[vector<16xi32>, vector<16xi32>], vector<16xf32>,
      %exp3A_525 = math.exp %gather3A_524 : vector<16xf32>
      %broadcast_in_dim3A_526 = vector.broadcast %scan3A_447 : i32 to vector<16xi32>
      %gather3A_527 = tpu.vector_load_idx %arg6[%broadcast_in_dim3A_526, %min3A_97] : memref<50x1000xf32, #tpu.memory_space<vmem>>[vector<16xi32>, vector<16xi32>], vector<16xf32>,
      %exp3A_528 = math.exp %gather3A_527 : vector<16xf32>
      %mul3A_529 = arith.mulf %exp3A_519, %convert_element_type3A_55 : vector<16xf32>
      %broadcast_in_dim3A_530 = arith.constant true
      %broadcast_in_dim3A_531 = vector.broadcast %broadcast_in_dim3A_530 : i1 to vector<16xi1>
      %masked_cummax3A = tpu.scan <max>, %mul3A_529 masked %broadcast_in_dim3A_531 : vector<16xf32>, vector<16xi1> -> vector<16xf32>
      %slice3A_532 = vector.extract_strided_slice %masked_cummax3A {offsets = [15], sizes = [1], strides = [1]} : vector<16xf32> to vector<1xf32>
      %squeeze3A_533 = vector.extract %slice3A_532[0] : f32 from vector<1xf32>
      %max3A_534 = arith.constant 0.000000e+00 : f32
      %max3A_535 = arith.maximumf %max3A_534, %squeeze3A_533 : f32
      %mul3A_536 = arith.mulf %exp3A_522, %convert_element_type3A_72 : vector<16xf32>
      %broadcast_in_dim3A_537 = arith.constant true
      %broadcast_in_dim3A_538 = vector.broadcast %broadcast_in_dim3A_537 : i1 to vector<16xi1>
      %masked_cummax3A_539 = tpu.scan <max>, %mul3A_536 masked %broadcast_in_dim3A_538 : vector<16xf32>, vector<16xi1> -> vector<16xf32>
      %slice3A_540 = vector.extract_strided_slice %masked_cummax3A_539 {offsets = [15], sizes = [1], strides = [1]} : vector<16xf32> to vector<1xf32>
      %squeeze3A_541 = vector.extract %slice3A_540[0] : f32 from vector<1xf32>
      %max3A_542 = arith.maximumf %max3A_535, %squeeze3A_541 : f32
      %mul3A_543 = arith.mulf %exp3A_525, %convert_element_type3A_89 : vector<16xf32>
      %broadcast_in_dim3A_544 = arith.constant true
      %broadcast_in_dim3A_545 = vector.broadcast %broadcast_in_dim3A_544 : i1 to vector<16xi1>
      %masked_cummax3A_546 = tpu.scan <max>, %mul3A_543 masked %broadcast_in_dim3A_545 : vector<16xf32>, vector<16xi1> -> vector<16xf32>
      %slice3A_547 = vector.extract_strided_slice %masked_cummax3A_546 {offsets = [15], sizes = [1], strides = [1]} : vector<16xf32> to vector<1xf32>
      %squeeze3A_548 = vector.extract %slice3A_547[0] : f32 from vector<1xf32>
      %max3A_549 = arith.maximumf %max3A_542, %squeeze3A_548 : f32
      %mul3A_550 = arith.mulf %exp3A_528, %convert_element_type3A_106 : vector<16xf32>
      %broadcast_in_dim3A_551 = arith.constant true
      %broadcast_in_dim3A_552 = vector.broadcast %broadcast_in_dim3A_551 : i1 to vector<16xi1>
      %masked_cummax3A_553 = tpu.scan <max>, %mul3A_550 masked %broadcast_in_dim3A_552 : vector<16xf32>, vector<16xi1> -> vector<16xf32>
      %slice3A_554 = vector.extract_strided_slice %masked_cummax3A_553 {offsets = [15], sizes = [1], strides = [1]} : vector<16xf32> to vector<1xf32>
      %squeeze3A_555 = vector.extract %slice3A_554[0] : f32 from vector<1xf32>
      %max3A_556 = arith.maximumf %max3A_549, %squeeze3A_555 : f32
      %mul3A_557 = arith.constant 0.000000e+00 : f32
      %mul3A_558 = arith.mulf %select_n3A, %mul3A_557 : f32
      %sub3A_559 = arith.constant 1.000000e+00 : f32
      %sub3A_560 = arith.subf %sub3A_559, %select_n3A : f32
      %mul3A_561 = arith.mulf %sub3A_560, %scan3A : f32
      %add3A_562 = arith.addf %mul3A_558, %mul3A_561 : f32
      %mul3A_563 = arith.constant 2.000000e+00 : f32
      %mul3A_564 = arith.mulf %mul3A_563, %max3A_556 : f32
      %mul3A_565 = arith.mulf %mul3A_564, %squeeze3A_496 : f32
      %sub3A_566 = arith.constant 1.000000e+00 : f32
      %sub3A_567 = arith.subf %sub3A_566, %mul3A_565 : f32
      %mul3A_568 = arith.mulf %select_n3A_117, %sub3A_567 : f32
      %sub3A_569 = arith.constant 1.000000e+00 : f32
      %sub3A_570 = arith.subf %sub3A_569, %select_n3A_117 : f32
      %mul3A_571 = arith.mulf %sub3A_570, %scan3A : f32
      %add3A_572 = arith.addf %mul3A_568, %mul3A_571 : f32
      %min3A_573 = arith.minimumf %add3A_562, %add3A_572 : f32
      %add3A_574 = arith.addf %mul3A_500, %min3A_573 : f32
      %sub3A_575 = arith.constant 1.000000e+00 : f32
      %sub3A_576 = arith.subf %sub3A_575, %select_n3A : f32
      %mul3A_577 = arith.mulf %select_n3A_516, %add3A_574 : f32
      %add3A_578 = arith.addf %scan3A_448, %mul3A_577 : f32
      %sub3A_579 = arith.constant 1.000000e+00 : f32
      %sub3A_580 = arith.subf %sub3A_579, %select_n3A_516 : f32
      %mul3A_581 = arith.mulf %sub3A_580, %sub3A_576 : f32
      %add3A_582 = arith.addf %add3A_578, %mul3A_581 : f32
      %mul3A_583 = arith.constant 2.000000e+00 : f32
      %mul3A_584 = vector.broadcast %mul3A_583 : f32 to vector<16xf32>
      %mul3A_585 = arith.mulf %mul3A_584, %exp3A_519 : vector<16xf32>
      %mul3A_586 = vector.broadcast %squeeze3A_496 : f32 to vector<16xf32>
      %mul3A_587 = arith.mulf %mul3A_585, %mul3A_586 : vector<16xf32>
      %sub3A_588 = vector.broadcast %mul3A_500 : f32 to vector<16xf32>
      %sub3A_589 = arith.subf %sub3A_588, %mul3A_587 : vector<16xf32>
      %mul3A_590 = vector.broadcast %select_n3A_516 : f32 to vector<16xf32>
      %mul3A_591 = arith.mulf %mul3A_590, %sub3A_589 : vector<16xf32>
      %sub3A_592 = arith.constant 1.000000e+00 : f32
      %sub3A_593 = arith.subf %sub3A_592, %select_n3A_516 : f32
      %mul3A_594 = arith.mulf %sub3A_593, %scan3A : f32
      %add3A_595 = vector.broadcast %mul3A_594 : f32 to vector<16xf32>
      %add3A_596 = arith.addf %mul3A_591, %add3A_595 : vector<16xf32>
      %min3A_597 = arith.minimumf %scan3A_449, %add3A_596 : vector<16xf32>
      %mul3A_598 = arith.constant 2.000000e+00 : f32
      %mul3A_599 = vector.broadcast %mul3A_598 : f32 to vector<16xf32>
      %mul3A_600 = arith.mulf %mul3A_599, %exp3A_522 : vector<16xf32>
      %mul3A_601 = vector.broadcast %squeeze3A_496 : f32 to vector<16xf32>
      %mul3A_602 = arith.mulf %mul3A_600, %mul3A_601 : vector<16xf32>
      %sub3A_603 = vector.broadcast %mul3A_500 : f32 to vector<16xf32>
      %sub3A_604 = arith.subf %sub3A_603, %mul3A_602 : vector<16xf32>
      %mul3A_605 = vector.broadcast %select_n3A_516 : f32 to vector<16xf32>
      %mul3A_606 = arith.mulf %mul3A_605, %sub3A_604 : vector<16xf32>
      %sub3A_607 = arith.constant 1.000000e+00 : f32
      %sub3A_608 = arith.subf %sub3A_607, %select_n3A_516 : f32
      %mul3A_609 = arith.mulf %sub3A_608, %scan3A : f32
      %add3A_610 = vector.broadcast %mul3A_609 : f32 to vector<16xf32>
      %add3A_611 = arith.addf %mul3A_606, %add3A_610 : vector<16xf32>
      %min3A_612 = arith.minimumf %scan3A_450, %add3A_611 : vector<16xf32>
      %mul3A_613 = arith.constant 2.000000e+00 : f32
      %mul3A_614 = vector.broadcast %mul3A_613 : f32 to vector<16xf32>
      %mul3A_615 = arith.mulf %mul3A_614, %exp3A_525 : vector<16xf32>
      %mul3A_616 = vector.broadcast %squeeze3A_496 : f32 to vector<16xf32>
      %mul3A_617 = arith.mulf %mul3A_615, %mul3A_616 : vector<16xf32>
      %sub3A_618 = vector.broadcast %mul3A_500 : f32 to vector<16xf32>
      %sub3A_619 = arith.subf %sub3A_618, %mul3A_617 : vector<16xf32>
      %mul3A_620 = vector.broadcast %select_n3A_516 : f32 to vector<16xf32>
      %mul3A_621 = arith.mulf %mul3A_620, %sub3A_619 : vector<16xf32>
      %sub3A_622 = arith.constant 1.000000e+00 : f32
      %sub3A_623 = arith.subf %sub3A_622, %select_n3A_516 : f32
      %mul3A_624 = arith.mulf %sub3A_623, %scan3A : f32
      %add3A_625 = vector.broadcast %mul3A_624 : f32 to vector<16xf32>
      %add3A_626 = arith.addf %mul3A_621, %add3A_625 : vector<16xf32>
      %min3A_627 = arith.minimumf %scan3A_451, %add3A_626 : vector<16xf32>
      %mul3A_628 = arith.constant 2.000000e+00 : f32
      %mul3A_629 = vector.broadcast %mul3A_628 : f32 to vector<16xf32>
      %mul3A_630 = arith.mulf %mul3A_629, %exp3A_528 : vector<16xf32>
      %mul3A_631 = vector.broadcast %squeeze3A_496 : f32 to vector<16xf32>
      %mul3A_632 = arith.mulf %mul3A_630, %mul3A_631 : vector<16xf32>
      %sub3A_633 = vector.broadcast %mul3A_500 : f32 to vector<16xf32>
      %sub3A_634 = arith.subf %sub3A_633, %mul3A_632 : vector<16xf32>
      %mul3A_635 = vector.broadcast %select_n3A_516 : f32 to vector<16xf32>
      %mul3A_636 = arith.mulf %mul3A_635, %sub3A_634 : vector<16xf32>
      %sub3A_637 = arith.constant 1.000000e+00 : f32
      %sub3A_638 = arith.subf %sub3A_637, %select_n3A_516 : f32
      %mul3A_639 = arith.mulf %sub3A_638, %scan3A : f32
      %add3A_640 = vector.broadcast %mul3A_639 : f32 to vector<16xf32>
      %add3A_641 = arith.addf %mul3A_636, %add3A_640 : vector<16xf32>
      %min3A_642 = arith.minimumf %scan3A_452, %add3A_641 : vector<16xf32>
      %mul3A_643 = arith.mulf %select_n3A_516, %mul3A_500 : f32
      %sub3A_644 = arith.constant 1.000000e+00 : f32
      %sub3A_645 = arith.subf %sub3A_644, %select_n3A_516 : f32
      %mul3A_646 = arith.mulf %sub3A_645, %scan3A : f32
      %add3A_647 = arith.addf %mul3A_643, %mul3A_646 : f32
      %min3A_648 = arith.minimumf %scan3A_453, %add3A_647 : f32
      %add3A_649 = arith.addf %scan3A_454, %select_n3A_516 : f32
      scf.yield %add3A_582, %min3A_597, %min3A_612, %min3A_627, %min3A_642, %min3A_648, %add3A_649 : f32, vector<16xf32>, vector<16xf32>, vector<16xf32>, vector<16xf32>, f32, f32
    }
    %scan3A_134 = arith.constant 50 : i32
    %lt3A_135 = arith.constant 5.000000e+01 : f32
    %lt3A_136 = arith.cmpf olt, %scan3A_133#6, %lt3A_135 : f32
    %jit3A_137 = arith.constant 1.000000e+00 : f32
    %jit3A_138 = arith.constant 0.000000e+00 : f32
    %select_n3A_139 = arith.select %lt3A_136, %jit3A_137, %jit3A_138 : f32
    %min3A_140 = arith.constant 0.000000e+00 : f32
    %min3A_141 = vector.broadcast %min3A_140 : f32 to vector<16xf32>
    %min3A_142 = arith.minimumf %scan3A_133#1, %min3A_141 : vector<16xf32>
    %mul3A_143 = vector.broadcast %select_n3A_139 : f32 to vector<16xf32>
    %mul3A_144 = arith.mulf %mul3A_143, %min3A_142 : vector<16xf32>
    %sub3A = arith.constant 1.000000e+00 : f32
    %sub3A_145 = arith.subf %sub3A, %select_n3A_139 : f32
    %mul3A_146 = vector.broadcast %sub3A_145 : f32 to vector<16xf32>
    %mul3A_147 = arith.mulf %mul3A_146, %scan3A_133#1 : vector<16xf32>
    %add3A_148 = arith.addf %mul3A_144, %mul3A_147 : vector<16xf32>
    %add3A_149 = arith.constant 1.000000e+00 : f32
    %add3A_150 = vector.broadcast %add3A_149 : f32 to vector<16xf32>
    %add3A_151 = arith.addf %add3A_150, %add3A_148 : vector<16xf32>
    %mul3A_152 = arith.mulf %add3A_151, %convert_element_type3A_55 : vector<16xf32>
    %broadcast_in_dim3A_153 = arith.constant true
    %broadcast_in_dim3A_154 = vector.broadcast %broadcast_in_dim3A_153 : i1 to vector<16xi1>
    %masked_cumsum3A_155 = tpu.scan <sum>, %mul3A_152 masked %broadcast_in_dim3A_154 : vector<16xf32>, vector<16xi1> -> vector<16xf32>
    %slice3A_156 = vector.extract_strided_slice %masked_cumsum3A_155 {offsets = [15], sizes = [1], strides = [1]} : vector<16xf32> to vector<1xf32>
    %squeeze3A_157 = vector.extract %slice3A_156[0] : f32 from vector<1xf32>
    %add3A_158 = arith.constant 0.000000e+00 : f32
    %add3A_159 = arith.addf %add3A_158, %squeeze3A_157 : f32
    %min3A_160 = arith.constant 0.000000e+00 : f32
    %min3A_161 = vector.broadcast %min3A_160 : f32 to vector<16xf32>
    %min3A_162 = arith.minimumf %scan3A_133#2, %min3A_161 : vector<16xf32>
    %mul3A_163 = vector.broadcast %select_n3A_139 : f32 to vector<16xf32>
    %mul3A_164 = arith.mulf %mul3A_163, %min3A_162 : vector<16xf32>
    %sub3A_165 = arith.constant 1.000000e+00 : f32
    %sub3A_166 = arith.subf %sub3A_165, %select_n3A_139 : f32
    %mul3A_167 = vector.broadcast %sub3A_166 : f32 to vector<16xf32>
    %mul3A_168 = arith.mulf %mul3A_167, %scan3A_133#2 : vector<16xf32>
    %add3A_169 = arith.addf %mul3A_164, %mul3A_168 : vector<16xf32>
    %add3A_170 = arith.constant 1.000000e+00 : f32
    %add3A_171 = vector.broadcast %add3A_170 : f32 to vector<16xf32>
    %add3A_172 = arith.addf %add3A_171, %add3A_169 : vector<16xf32>
    %mul3A_173 = arith.mulf %add3A_172, %convert_element_type3A_72 : vector<16xf32>
    %broadcast_in_dim3A_174 = arith.constant true
    %broadcast_in_dim3A_175 = vector.broadcast %broadcast_in_dim3A_174 : i1 to vector<16xi1>
    %masked_cumsum3A_176 = tpu.scan <sum>, %mul3A_173 masked %broadcast_in_dim3A_175 : vector<16xf32>, vector<16xi1> -> vector<16xf32>
    %slice3A_177 = vector.extract_strided_slice %masked_cumsum3A_176 {offsets = [15], sizes = [1], strides = [1]} : vector<16xf32> to vector<1xf32>
    %squeeze3A_178 = vector.extract %slice3A_177[0] : f32 from vector<1xf32>
    %add3A_179 = arith.addf %add3A_159, %squeeze3A_178 : f32
    %min3A_180 = arith.constant 0.000000e+00 : f32
    %min3A_181 = vector.broadcast %min3A_180 : f32 to vector<16xf32>
    %min3A_182 = arith.minimumf %scan3A_133#3, %min3A_181 : vector<16xf32>
    %mul3A_183 = vector.broadcast %select_n3A_139 : f32 to vector<16xf32>
    %mul3A_184 = arith.mulf %mul3A_183, %min3A_182 : vector<16xf32>
    %sub3A_185 = arith.constant 1.000000e+00 : f32
    %sub3A_186 = arith.subf %sub3A_185, %select_n3A_139 : f32
    %mul3A_187 = vector.broadcast %sub3A_186 : f32 to vector<16xf32>
    %mul3A_188 = arith.mulf %mul3A_187, %scan3A_133#3 : vector<16xf32>
    %add3A_189 = arith.addf %mul3A_184, %mul3A_188 : vector<16xf32>
    %add3A_190 = arith.constant 1.000000e+00 : f32
    %add3A_191 = vector.broadcast %add3A_190 : f32 to vector<16xf32>
    %add3A_192 = arith.addf %add3A_191, %add3A_189 : vector<16xf32>
    %mul3A_193 = arith.mulf %add3A_192, %convert_element_type3A_89 : vector<16xf32>
    %broadcast_in_dim3A_194 = arith.constant true
    %broadcast_in_dim3A_195 = vector.broadcast %broadcast_in_dim3A_194 : i1 to vector<16xi1>
    %masked_cumsum3A_196 = tpu.scan <sum>, %mul3A_193 masked %broadcast_in_dim3A_195 : vector<16xf32>, vector<16xi1> -> vector<16xf32>
    %slice3A_197 = vector.extract_strided_slice %masked_cumsum3A_196 {offsets = [15], sizes = [1], strides = [1]} : vector<16xf32> to vector<1xf32>
    %squeeze3A_198 = vector.extract %slice3A_197[0] : f32 from vector<1xf32>
    %add3A_199 = arith.addf %add3A_179, %squeeze3A_198 : f32
    %min3A_200 = arith.constant 0.000000e+00 : f32
    %min3A_201 = vector.broadcast %min3A_200 : f32 to vector<16xf32>
    %min3A_202 = arith.minimumf %scan3A_133#4, %min3A_201 : vector<16xf32>
    %mul3A_203 = vector.broadcast %select_n3A_139 : f32 to vector<16xf32>
    %mul3A_204 = arith.mulf %mul3A_203, %min3A_202 : vector<16xf32>
    %sub3A_205 = arith.constant 1.000000e+00 : f32
    %sub3A_206 = arith.subf %sub3A_205, %select_n3A_139 : f32
    %mul3A_207 = vector.broadcast %sub3A_206 : f32 to vector<16xf32>
    %mul3A_208 = arith.mulf %mul3A_207, %scan3A_133#4 : vector<16xf32>
    %add3A_209 = arith.addf %mul3A_204, %mul3A_208 : vector<16xf32>
    %add3A_210 = arith.constant 1.000000e+00 : f32
    %add3A_211 = vector.broadcast %add3A_210 : f32 to vector<16xf32>
    %add3A_212 = arith.addf %add3A_211, %add3A_209 : vector<16xf32>
    %mul3A_213 = arith.mulf %add3A_212, %convert_element_type3A_106 : vector<16xf32>
    %broadcast_in_dim3A_214 = arith.constant true
    %broadcast_in_dim3A_215 = vector.broadcast %broadcast_in_dim3A_214 : i1 to vector<16xi1>
    %masked_cumsum3A_216 = tpu.scan <sum>, %mul3A_213 masked %broadcast_in_dim3A_215 : vector<16xf32>, vector<16xi1> -> vector<16xf32>
    %slice3A_217 = vector.extract_strided_slice %masked_cumsum3A_216 {offsets = [15], sizes = [1], strides = [1]} : vector<16xf32> to vector<1xf32>
    %squeeze3A_218 = vector.extract %slice3A_217[0] : f32 from vector<1xf32>
    %add3A_219 = arith.addf %add3A_199, %squeeze3A_218 : f32
    %sub3A_220 = arith.constant 5.000000e+01 : f32
    %sub3A_221 = arith.subf %sub3A_220, %squeeze3A : f32
    %sub3A_222 = arith.constant 1.000000e+00 : f32
    %sub3A_223 = arith.subf %sub3A_222, %select_n3A_139 : f32
    %mul3A_224 = arith.mulf %sub3A_221, %sub3A_223 : f32
    %mul3A_225 = arith.mulf %mul3A_224, %scan3A_133#5 : f32
    %add3A_226 = arith.addf %scan3A_133#0, %add3A_219 : f32
    %add3A_227 = arith.addf %add3A_226, %mul3A_225 : f32
    %mul3A_228 = arith.constant 2.000000e-02 : f32
    %mul3A_229 = arith.mulf %add3A_227, %mul3A_228 : f32
    %add3A_230 = arith.constant 0.000000e+00 : f32
    %add3A_231 = arith.addf %add3A_230, %mul3A_229 : f32
    %mul3A_232 = arith.constant 2 : i32
    %mul3A_233 = arith.muli %add3A, %mul3A_232 : i32
    %add3A_234 = arith.constant 1 : i32
    %add3A_235 = arith.addi %mul3A_233, %add3A_234 : i32
    "tpu.region"() ({
      %run_scoped3A = tpu.sem_alloc : memref<!tpu.dma_semaphore, #tpu.memory_space<semaphore_mem>>
      %dma_start3A = arith.constant 0 : i32
      %dma_start3A_447 = arith.constant 0 : i32
      %dma_start3A_448 = tpu.memref_slice %arg2[%add3A_235, %dma_start3A, %dma_start3A_447] : memref<256x50x1000xf32, #tpu.memory_space<hbm>> -> memref<1x50x1000xf32, #tpu.memory_space<hbm>>
      %dma_start3A_449 = tpu.memref_squeeze %dma_start3A_448 : memref<1x50x1000xf32, #tpu.memory_space<hbm>> -> memref<50x1000xf32, #tpu.memory_space<hbm>>
      %dma_start3A_450 = arith.constant 0 : i32
      %dma_start3A_451 = arith.constant 0 : i32
      %dma_start3A_452 = tpu.memref_slice %arg2[%add3A_235, %dma_start3A_450, %dma_start3A_451] : memref<256x50x1000xf32, #tpu.memory_space<hbm>> -> memref<1x50x1000xf32, #tpu.memory_space<hbm>>
      %dma_start3A_453 = tpu.memref_squeeze %dma_start3A_452 : memref<1x50x1000xf32, #tpu.memory_space<hbm>> -> memref<50x1000xf32, #tpu.memory_space<hbm>>
      tpu.enqueue_dma source(%dma_start3A_453 : memref<50x1000xf32, #tpu.memory_space<hbm>>) target(%arg6 : memref<50x1000xf32, #tpu.memory_space<vmem>>) target_semaphore(%run_scoped3A : memref<!tpu.dma_semaphore, #tpu.memory_space<semaphore_mem>>)
      %dma_wait3A = arith.constant 0 : i32
      %dma_wait3A_454 = arith.constant 0 : i32
      %dma_wait3A_455 = tpu.memref_slice %arg2[%add3A_235, %dma_wait3A, %dma_wait3A_454] : memref<256x50x1000xf32, #tpu.memory_space<hbm>> -> memref<1x50x1000xf32, #tpu.memory_space<hbm>>
      %dma_wait3A_456 = tpu.memref_squeeze %dma_wait3A_455 : memref<1x50x1000xf32, #tpu.memory_space<hbm>> -> memref<50x1000xf32, #tpu.memory_space<hbm>>
      %dma_wait3A_457 = arith.constant 0 : i32
      %dma_wait3A_458 = arith.constant 0 : i32
      %dma_wait3A_459 = tpu.memref_slice %arg2[%add3A_235, %dma_wait3A_457, %dma_wait3A_458] : memref<256x50x1000xf32, #tpu.memory_space<hbm>> -> memref<1x50x1000xf32, #tpu.memory_space<hbm>>
      %dma_wait3A_460 = tpu.memref_squeeze %dma_wait3A_459 : memref<1x50x1000xf32, #tpu.memory_space<hbm>> -> memref<50x1000xf32, #tpu.memory_space<hbm>>
      tpu.wait_dma2 semaphore(%run_scoped3A : memref<!tpu.dma_semaphore, #tpu.memory_space<semaphore_mem>>) src(%dma_wait3A_460 : memref<50x1000xf32, #tpu.memory_space<hbm>>) dst(%arg6 : memref<50x1000xf32, #tpu.memory_space<vmem>>)
      tpu.yield
    }) : () -> ()
    %mul3A_236 = arith.constant 64 : i32
    %mul3A_237 = arith.muli %add3A_235, %mul3A_236 : i32
    "tpu.region"() ({
      %run_scoped3A = tpu.sem_alloc : memref<!tpu.dma_semaphore, #tpu.memory_space<semaphore_mem>>
      %dma_start3A = arith.constant 0 : i32
      %dma_start3A_447 = tpu.memref_slice %arg7[%dma_start3A] : memref<80xi32, #tpu.memory_space<vmem>> -> memref<64xi32, #tpu.memory_space<vmem>>
      %dma_start3A_448 = tpu.memref_slice %arg3[%mul3A_237] : memref<16384xi32, #tpu.memory_space<hbm>> -> memref<64xi32, #tpu.memory_space<hbm>>
      %dma_start3A_449 = arith.constant 0 : i32
      %dma_start3A_450 = tpu.memref_slice %arg7[%dma_start3A_449] : memref<80xi32, #tpu.memory_space<vmem>> -> memref<64xi32, #tpu.memory_space<vmem>>
      %dma_start3A_451 = tpu.memref_slice %arg3[%mul3A_237] : memref<16384xi32, #tpu.memory_space<hbm>> -> memref<64xi32, #tpu.memory_space<hbm>>
      tpu.enqueue_dma source(%dma_start3A_451 : memref<64xi32, #tpu.memory_space<hbm>>) target(%dma_start3A_450 : memref<64xi32, #tpu.memory_space<vmem>>) target_semaphore(%run_scoped3A : memref<!tpu.dma_semaphore, #tpu.memory_space<semaphore_mem>>)
      %dma_wait3A = arith.constant 0 : i32
      %dma_wait3A_452 = tpu.memref_slice %arg7[%dma_wait3A] : memref<80xi32, #tpu.memory_space<vmem>> -> memref<64xi32, #tpu.memory_space<vmem>>
      %dma_wait3A_453 = tpu.memref_slice %arg3[%mul3A_237] : memref<16384xi32, #tpu.memory_space<hbm>> -> memref<64xi32, #tpu.memory_space<hbm>>
      %dma_wait3A_454 = arith.constant 0 : i32
      %dma_wait3A_455 = tpu.memref_slice %arg7[%dma_wait3A_454] : memref<80xi32, #tpu.memory_space<vmem>> -> memref<64xi32, #tpu.memory_space<vmem>>
      %dma_wait3A_456 = tpu.memref_slice %arg3[%mul3A_237] : memref<16384xi32, #tpu.memory_space<hbm>> -> memref<64xi32, #tpu.memory_space<hbm>>
      tpu.wait_dma2 semaphore(%run_scoped3A : memref<!tpu.dma_semaphore, #tpu.memory_space<semaphore_mem>>) src(%dma_wait3A_456 : memref<64xi32, #tpu.memory_space<hbm>>) dst(%dma_wait3A_455 : memref<64xi32, #tpu.memory_space<vmem>>)
      tpu.yield
    }) : () -> ()
    %get3A_238 = arith.constant 0 : index
    %get3A_239 = tpu.vector_load %arg7[%get3A_238] {strides = array<i32>} : memref<80xi32, #tpu.memory_space<vmem>>, vector<16xi32>,
    %max3A_240 = arith.constant 0 : i32
    %max3A_241 = vector.broadcast %max3A_240 : i32 to vector<16xi32>
    %max3A_242 = arith.maxsi %get3A_239, %max3A_241 : vector<16xi32>
    %min3A_243 = arith.constant 999 : i32
    %min3A_244 = vector.broadcast %min3A_243 : i32 to vector<16xi32>
    %min3A_245 = arith.minsi %max3A_242, %min3A_244 : vector<16xi32>
    %ne3A_246 = arith.constant 1000 : i32
    %ne3A_247 = vector.broadcast %ne3A_246 : i32 to vector<16xi32>
    %ne3A_248 = arith.cmpi ne, %get3A_239, %ne3A_247 : vector<16xi32>
    %ne3A_249 = arith.constant 0 : i32
    %ne3A_250 = vector.broadcast %ne3A_249 : i32 to vector<16xi32>
    %ne3A_251 = arith.cmpi ne, %get3A_239, %ne3A_250 : vector<16xi32>
    %and3A_252 = arith.andi %ne3A_248, %ne3A_251 : vector<16xi1>
    %convert_element_type3A_253 = arith.extui %and3A_252 : vector<16xi1> to vector<16xi32>
    %convert_element_type3A_254 = arith.sitofp %convert_element_type3A_253 : vector<16xi32> to vector<16xf32>
    %get3A_255 = arith.constant 16 : index
    %get3A_256 = tpu.vector_load %arg7[%get3A_255] {strides = array<i32>} : memref<80xi32, #tpu.memory_space<vmem>>, vector<16xi32>,
    %max3A_257 = arith.constant 0 : i32
    %max3A_258 = vector.broadcast %max3A_257 : i32 to vector<16xi32>
    %max3A_259 = arith.maxsi %get3A_256, %max3A_258 : vector<16xi32>
    %min3A_260 = arith.constant 999 : i32
    %min3A_261 = vector.broadcast %min3A_260 : i32 to vector<16xi32>
    %min3A_262 = arith.minsi %max3A_259, %min3A_261 : vector<16xi32>
    %ne3A_263 = arith.constant 1000 : i32
    %ne3A_264 = vector.broadcast %ne3A_263 : i32 to vector<16xi32>
    %ne3A_265 = arith.cmpi ne, %get3A_256, %ne3A_264 : vector<16xi32>
    %ne3A_266 = arith.constant 0 : i32
    %ne3A_267 = vector.broadcast %ne3A_266 : i32 to vector<16xi32>
    %ne3A_268 = arith.cmpi ne, %get3A_256, %ne3A_267 : vector<16xi32>
    %and3A_269 = arith.andi %ne3A_265, %ne3A_268 : vector<16xi1>
    %convert_element_type3A_270 = arith.extui %and3A_269 : vector<16xi1> to vector<16xi32>
    %convert_element_type3A_271 = arith.sitofp %convert_element_type3A_270 : vector<16xi32> to vector<16xf32>
    %get3A_272 = arith.constant 32 : index
    %get3A_273 = tpu.vector_load %arg7[%get3A_272] {strides = array<i32>} : memref<80xi32, #tpu.memory_space<vmem>>, vector<16xi32>,
    %max3A_274 = arith.constant 0 : i32
    %max3A_275 = vector.broadcast %max3A_274 : i32 to vector<16xi32>
    %max3A_276 = arith.maxsi %get3A_273, %max3A_275 : vector<16xi32>
    %min3A_277 = arith.constant 999 : i32
    %min3A_278 = vector.broadcast %min3A_277 : i32 to vector<16xi32>
    %min3A_279 = arith.minsi %max3A_276, %min3A_278 : vector<16xi32>
    %ne3A_280 = arith.constant 1000 : i32
    %ne3A_281 = vector.broadcast %ne3A_280 : i32 to vector<16xi32>
    %ne3A_282 = arith.cmpi ne, %get3A_273, %ne3A_281 : vector<16xi32>
    %ne3A_283 = arith.constant 0 : i32
    %ne3A_284 = vector.broadcast %ne3A_283 : i32 to vector<16xi32>
    %ne3A_285 = arith.cmpi ne, %get3A_273, %ne3A_284 : vector<16xi32>
    %and3A_286 = arith.andi %ne3A_282, %ne3A_285 : vector<16xi1>
    %convert_element_type3A_287 = arith.extui %and3A_286 : vector<16xi1> to vector<16xi32>
    %convert_element_type3A_288 = arith.sitofp %convert_element_type3A_287 : vector<16xi32> to vector<16xf32>
    %get3A_289 = arith.constant 48 : index
    %get3A_290 = tpu.vector_load %arg7[%get3A_289] {strides = array<i32>} : memref<80xi32, #tpu.memory_space<vmem>>, vector<16xi32>,
    %max3A_291 = arith.constant 0 : i32
    %max3A_292 = vector.broadcast %max3A_291 : i32 to vector<16xi32>
    %max3A_293 = arith.maxsi %get3A_290, %max3A_292 : vector<16xi32>
    %min3A_294 = arith.constant 999 : i32
    %min3A_295 = vector.broadcast %min3A_294 : i32 to vector<16xi32>
    %min3A_296 = arith.minsi %max3A_293, %min3A_295 : vector<16xi32>
    %ne3A_297 = arith.constant 1000 : i32
    %ne3A_298 = vector.broadcast %ne3A_297 : i32 to vector<16xi32>
    %ne3A_299 = arith.cmpi ne, %get3A_290, %ne3A_298 : vector<16xi32>
    %ne3A_300 = arith.constant 0 : i32
    %ne3A_301 = vector.broadcast %ne3A_300 : i32 to vector<16xi32>
    %ne3A_302 = arith.cmpi ne, %get3A_290, %ne3A_301 : vector<16xi32>
    %and3A_303 = arith.andi %ne3A_299, %ne3A_302 : vector<16xi1>
    %convert_element_type3A_304 = arith.extui %and3A_303 : vector<16xi1> to vector<16xi32>
    %convert_element_type3A_305 = arith.sitofp %convert_element_type3A_304 : vector<16xi32> to vector<16xf32>
    %add3A_306 = arith.addf %convert_element_type3A_254, %convert_element_type3A_271 : vector<16xf32>
    %add3A_307 = arith.addf %add3A_306, %convert_element_type3A_288 : vector<16xf32>
    %add3A_308 = arith.addf %add3A_307, %convert_element_type3A_305 : vector<16xf32>
    %broadcast_in_dim3A_309 = arith.constant true
    %broadcast_in_dim3A_310 = vector.broadcast %broadcast_in_dim3A_309 : i1 to vector<16xi1>
    %masked_cumsum3A_311 = tpu.scan <sum>, %add3A_308 masked %broadcast_in_dim3A_310 : vector<16xf32>, vector<16xi1> -> vector<16xf32>
    %slice3A_312 = vector.extract_strided_slice %masked_cumsum3A_311 {offsets = [15], sizes = [1], strides = [1]} : vector<16xf32> to vector<1xf32>
    %squeeze3A_313 = vector.extract %slice3A_312[0] : f32 from vector<1xf32>
    %lt3A_314 = arith.constant 5.000000e+01 : f32
    %lt3A_315 = arith.cmpf olt, %squeeze3A_313, %lt3A_314 : f32
    %jit3A_316 = arith.constant 1.000000e+00 : f32
    %jit3A_317 = arith.constant 0.000000e+00 : f32
    %select_n3A_318 = arith.select %lt3A_315, %jit3A_316, %jit3A_317 : f32
    %gt3A_319 = arith.constant 0.000000e+00 : f32
    %gt3A_320 = arith.cmpf ogt, %squeeze3A_313, %gt3A_319 : f32
    %jit3A_321 = arith.constant 1.000000e+00 : f32
    %jit3A_322 = arith.constant 0.000000e+00 : f32
    %select_n3A_323 = arith.select %gt3A_320, %jit3A_321, %jit3A_322 : f32
    %broadcast_in_dim3A_324 = arith.constant 3.000000e+38 : f32
    %broadcast_in_dim3A_325 = vector.broadcast %broadcast_in_dim3A_324 : f32 to vector<16xf32>
    %broadcast_in_dim3A_326 = arith.constant 3.000000e+38 : f32
    %broadcast_in_dim3A_327 = vector.broadcast %broadcast_in_dim3A_326 : f32 to vector<16xf32>
    %broadcast_in_dim3A_328 = arith.constant 3.000000e+38 : f32
    %broadcast_in_dim3A_329 = vector.broadcast %broadcast_in_dim3A_328 : f32 to vector<16xf32>
    %broadcast_in_dim3A_330 = arith.constant 3.000000e+38 : f32
    %broadcast_in_dim3A_331 = vector.broadcast %broadcast_in_dim3A_330 : f32 to vector<16xf32>
    %scan3A_332 = arith.constant 3.000000e+38 : f32
    %scan3A_333 = arith.constant 0.000000e+00 : f32
    %scan3A_334 = arith.constant 3.000000e+38 : f32
    %scan3A_335 = arith.constant 0.000000e+00 : f32
    %scan3A_336 = arith.constant 0 : i32
    %scan3A_337 = arith.constant 50 : i32
    %scan3A_338 = arith.addi %scan3A_336, %scan3A_337 : i32
    %scan3A_339 = arith.constant 1 : i32
    %scan3A_340:7 = scf.for %scan3A_447 = %scan3A_336 to %scan3A_338 step %scan3A_339 iter_args(%scan3A_448 = %scan3A_333, %scan3A_449 = %broadcast_in_dim3A_325, %scan3A_450 = %broadcast_in_dim3A_327, %scan3A_451 = %broadcast_in_dim3A_329, %scan3A_452 = %broadcast_in_dim3A_331, %scan3A_453 = %scan3A_334, %scan3A_454 = %scan3A_335) -> (f32, vector<16xf32>, vector<16xf32>, vector<16xf32>, vector<16xf32>, f32, f32)  : i32 {
      %broadcast_in_dim3A_455 = arith.constant 0.000000e+00 : f32
      %broadcast_in_dim3A_456 = vector.broadcast %broadcast_in_dim3A_455 : f32 to vector<16xf32>
      %broadcast_in_dim3A_457 = arith.constant 0.000000e+00 : f32
      %broadcast_in_dim3A_458 = vector.broadcast %broadcast_in_dim3A_457 : f32 to vector<16xf32>
      %scan3A_459 = arith.constant 0 : i32
      %scan3A_460 = arith.constant 62 : i32
      %scan3A_461 = arith.addi %scan3A_459, %scan3A_460 : i32
      %scan3A_462 = arith.constant 1 : i32
      %scan3A_463:2 = scf.for %scan3A_650 = %scan3A_459 to %scan3A_461 step %scan3A_462 iter_args(%scan3A_651 = %broadcast_in_dim3A_456, %scan3A_652 = %broadcast_in_dim3A_458) -> (vector<16xf32>, vector<16xf32>)  : i32 {
        %mul3A_653 = arith.constant 16 : i32
        %mul3A_654 = arith.muli %scan3A_650, %mul3A_653 : i32
        %get3A_655 = arith.index_cast %scan3A_447 : i32 to index
        %get3A_656 = arith.index_cast %mul3A_654 : i32 to index
        %get3A_657 = tpu.vector_load %arg6[%get3A_655, %get3A_656] {strides = array<i32>} : memref<50x1000xf32, #tpu.memory_space<vmem>>, vector<16xf32>,
        %exp3A_658 = math.exp %get3A_657 : vector<16xf32>
        %add3A_659 = arith.addf %scan3A_651, %exp3A_658 : vector<16xf32>
        %mul3A_660 = arith.mulf %exp3A_658, %exp3A_658 : vector<16xf32>
        %add3A_661 = arith.addf %scan3A_652, %mul3A_660 : vector<16xf32>
        scf.yield %add3A_659, %add3A_661 : vector<16xf32>, vector<16xf32>
      }
      %scan3A_464 = arith.constant 62 : i32
      %get3A_465 = arith.index_cast %scan3A_447 : i32 to index
      %get3A_466 = arith.constant 984 : index
      %get3A_467 = tpu.vector_load %arg6[%get3A_465, %get3A_466] {strides = array<i32>} : memref<50x1000xf32, #tpu.memory_space<vmem>>, vector<16xf32>,
      %exp3A = math.exp %get3A_467 : vector<16xf32>
      %mul3A_468 = arith.mulf %exp3A, %convert_element_type3A_3 : vector<16xf32>
      %add3A_469 = arith.addf %scan3A_463#0, %mul3A_468 : vector<16xf32>
      %mul3A_470 = arith.mulf %mul3A_468, %mul3A_468 : vector<16xf32>
      %add3A_471 = arith.addf %scan3A_463#1, %mul3A_470 : vector<16xf32>
      %broadcast_in_dim3A_472 = arith.constant true
      %broadcast_in_dim3A_473 = vector.broadcast %broadcast_in_dim3A_472 : i1 to vector<16xi1>
      %masked_cumsum3A_474 = tpu.scan <sum>, %add3A_469 masked %broadcast_in_dim3A_473 : vector<16xf32>, vector<16xi1> -> vector<16xf32>
      %slice3A_475 = vector.extract_strided_slice %masked_cumsum3A_474 {offsets = [15], sizes = [1], strides = [1]} : vector<16xf32> to vector<1xf32>
      %squeeze3A_476 = vector.extract %slice3A_475[0] : f32 from vector<1xf32>
      %broadcast_in_dim3A_477 = arith.constant true
      %broadcast_in_dim3A_478 = vector.broadcast %broadcast_in_dim3A_477 : i1 to vector<16xi1>
      %masked_cumsum3A_479 = tpu.scan <sum>, %add3A_471 masked %broadcast_in_dim3A_478 : vector<16xf32>, vector<16xi1> -> vector<16xf32>
      %slice3A_480 = vector.extract_strided_slice %masked_cumsum3A_479 {offsets = [15], sizes = [1], strides = [1]} : vector<16xf32> to vector<1xf32>
      %squeeze3A_481 = vector.extract %slice3A_480[0] : f32 from vector<1xf32>
      %get3A_482 = arith.index_cast %scan3A_447 : i32 to index
      %get3A_483 = arith.constant 0 : index
      %get3A_484 = tpu.vector_load %arg6[%get3A_482, %get3A_483] {strides = array<i32>} : memref<50x1000xf32, #tpu.memory_space<vmem>>, vector<16xf32>,
      %exp3A_485 = math.exp %get3A_484 : vector<16xf32>
      %mul3A_486 = arith.mulf %exp3A_485, %convert_element_type3A_7 : vector<16xf32>
      %broadcast_in_dim3A_487 = arith.constant true
      %broadcast_in_dim3A_488 = vector.broadcast %broadcast_in_dim3A_487 : i1 to vector<16xi1>
      %masked_cumsum3A_489 = tpu.scan <sum>, %mul3A_486 masked %broadcast_in_dim3A_488 : vector<16xf32>, vector<16xi1> -> vector<16xf32>
      %slice3A_490 = vector.extract_strided_slice %masked_cumsum3A_489 {offsets = [15], sizes = [1], strides = [1]} : vector<16xf32> to vector<1xf32>
      %squeeze3A_491 = vector.extract %slice3A_490[0] : f32 from vector<1xf32>
      %broadcast_in_dim3A_492 = arith.constant 1.000000e+00 : f32
      %broadcast_in_dim3A_493 = vector.broadcast %broadcast_in_dim3A_492 : f32 to vector<16xf32>
      %broadcast_in_dim3A_494 = vector.broadcast %squeeze3A_476 : f32 to vector<16xf32>
      %div3A = arith.divf %broadcast_in_dim3A_493, %broadcast_in_dim3A_494 : vector<16xf32>
      %slice3A_495 = vector.extract_strided_slice %div3A {offsets = [0], sizes = [1], strides = [1]} : vector<16xf32> to vector<1xf32>
      %squeeze3A_496 = vector.extract %slice3A_495[0] : f32 from vector<1xf32>
      %mul3A_497 = arith.mulf %squeeze3A_491, %squeeze3A_491 : f32
      %sub3A_498 = arith.subf %squeeze3A_481, %mul3A_497 : f32
      %mul3A_499 = arith.mulf %sub3A_498, %squeeze3A_496 : f32
      %mul3A_500 = arith.mulf %mul3A_499, %squeeze3A_496 : f32
      %mul3A_501 = arith.mulf %squeeze3A_491, %squeeze3A_496 : f32
      %add3A_502 = arith.constant 64 : i32
      %add3A_503 = arith.addi %add3A_502, %scan3A_447 : i32
      %broadcast_in_dim3A_504 = vector.broadcast %add3A_503 : i32 to vector<16xi32>
      %broadcast_in_dim3A_505 = vector.broadcast %mul3A_501 : f32 to vector<16xf32>
      tpu.vector_store_idx %arg8[%broadcast_in_dim3A_504], %broadcast_in_dim3A_505 masked %eq3A_5 : memref<128xf32, #tpu.memory_space<vmem>>[vector<16xi32>], vector<16xf32>, vector<16xi1>
      %broadcast_in_dim3A_506 = vector.broadcast %scan3A_447 : i32 to vector<16xi32>
      %gather3A = tpu.vector_load_idx %arg7[%broadcast_in_dim3A_506] : memref<80xi32, #tpu.memory_space<vmem>>[vector<16xi32>], vector<16xi32>,
      %slice3A_507 = vector.extract_strided_slice %gather3A {offsets = [0], sizes = [1], strides = [1]} : vector<16xi32> to vector<1xi32>
      %squeeze3A_508 = vector.extract %slice3A_507[0] : i32 from vector<1xi32>
      %ne3A_509 = arith.constant 1000 : i32
      %ne3A_510 = arith.cmpi ne, %squeeze3A_508, %ne3A_509 : i32
      %ne3A_511 = arith.constant 0 : i32
      %ne3A_512 = arith.cmpi ne, %squeeze3A_508, %ne3A_511 : i32
      %and3A_513 = arith.andi %ne3A_510, %ne3A_512 : i1
      %jit3A_514 = arith.constant 1.000000e+00 : f32
      %jit3A_515 = arith.constant 0.000000e+00 : f32
      %select_n3A_516 = arith.select %and3A_513, %jit3A_514, %jit3A_515 : f32
      %broadcast_in_dim3A_517 = vector.broadcast %scan3A_447 : i32 to vector<16xi32>
      %gather3A_518 = tpu.vector_load_idx %arg6[%broadcast_in_dim3A_517, %min3A_245] : memref<50x1000xf32, #tpu.memory_space<vmem>>[vector<16xi32>, vector<16xi32>], vector<16xf32>,
      %exp3A_519 = math.exp %gather3A_518 : vector<16xf32>
      %broadcast_in_dim3A_520 = vector.broadcast %scan3A_447 : i32 to vector<16xi32>
      %gather3A_521 = tpu.vector_load_idx %arg6[%broadcast_in_dim3A_520, %min3A_262] : memref<50x1000xf32, #tpu.memory_space<vmem>>[vector<16xi32>, vector<16xi32>], vector<16xf32>,
      %exp3A_522 = math.exp %gather3A_521 : vector<16xf32>
      %broadcast_in_dim3A_523 = vector.broadcast %scan3A_447 : i32 to vector<16xi32>
      %gather3A_524 = tpu.vector_load_idx %arg6[%broadcast_in_dim3A_523, %min3A_279] : memref<50x1000xf32, #tpu.memory_space<vmem>>[vector<16xi32>, vector<16xi32>], vector<16xf32>,
      %exp3A_525 = math.exp %gather3A_524 : vector<16xf32>
      %broadcast_in_dim3A_526 = vector.broadcast %scan3A_447 : i32 to vector<16xi32>
      %gather3A_527 = tpu.vector_load_idx %arg6[%broadcast_in_dim3A_526, %min3A_296] : memref<50x1000xf32, #tpu.memory_space<vmem>>[vector<16xi32>, vector<16xi32>], vector<16xf32>,
      %exp3A_528 = math.exp %gather3A_527 : vector<16xf32>
      %mul3A_529 = arith.mulf %exp3A_519, %convert_element_type3A_254 : vector<16xf32>
      %broadcast_in_dim3A_530 = arith.constant true
      %broadcast_in_dim3A_531 = vector.broadcast %broadcast_in_dim3A_530 : i1 to vector<16xi1>
      %masked_cummax3A = tpu.scan <max>, %mul3A_529 masked %broadcast_in_dim3A_531 : vector<16xf32>, vector<16xi1> -> vector<16xf32>
      %slice3A_532 = vector.extract_strided_slice %masked_cummax3A {offsets = [15], sizes = [1], strides = [1]} : vector<16xf32> to vector<1xf32>
      %squeeze3A_533 = vector.extract %slice3A_532[0] : f32 from vector<1xf32>
      %max3A_534 = arith.constant 0.000000e+00 : f32
      %max3A_535 = arith.maximumf %max3A_534, %squeeze3A_533 : f32
      %mul3A_536 = arith.mulf %exp3A_522, %convert_element_type3A_271 : vector<16xf32>
      %broadcast_in_dim3A_537 = arith.constant true
      %broadcast_in_dim3A_538 = vector.broadcast %broadcast_in_dim3A_537 : i1 to vector<16xi1>
      %masked_cummax3A_539 = tpu.scan <max>, %mul3A_536 masked %broadcast_in_dim3A_538 : vector<16xf32>, vector<16xi1> -> vector<16xf32>
      %slice3A_540 = vector.extract_strided_slice %masked_cummax3A_539 {offsets = [15], sizes = [1], strides = [1]} : vector<16xf32> to vector<1xf32>
      %squeeze3A_541 = vector.extract %slice3A_540[0] : f32 from vector<1xf32>
      %max3A_542 = arith.maximumf %max3A_535, %squeeze3A_541 : f32
      %mul3A_543 = arith.mulf %exp3A_525, %convert_element_type3A_288 : vector<16xf32>
      %broadcast_in_dim3A_544 = arith.constant true
      %broadcast_in_dim3A_545 = vector.broadcast %broadcast_in_dim3A_544 : i1 to vector<16xi1>
      %masked_cummax3A_546 = tpu.scan <max>, %mul3A_543 masked %broadcast_in_dim3A_545 : vector<16xf32>, vector<16xi1> -> vector<16xf32>
      %slice3A_547 = vector.extract_strided_slice %masked_cummax3A_546 {offsets = [15], sizes = [1], strides = [1]} : vector<16xf32> to vector<1xf32>
      %squeeze3A_548 = vector.extract %slice3A_547[0] : f32 from vector<1xf32>
      %max3A_549 = arith.maximumf %max3A_542, %squeeze3A_548 : f32
      %mul3A_550 = arith.mulf %exp3A_528, %convert_element_type3A_305 : vector<16xf32>
      %broadcast_in_dim3A_551 = arith.constant true
      %broadcast_in_dim3A_552 = vector.broadcast %broadcast_in_dim3A_551 : i1 to vector<16xi1>
      %masked_cummax3A_553 = tpu.scan <max>, %mul3A_550 masked %broadcast_in_dim3A_552 : vector<16xf32>, vector<16xi1> -> vector<16xf32>
      %slice3A_554 = vector.extract_strided_slice %masked_cummax3A_553 {offsets = [15], sizes = [1], strides = [1]} : vector<16xf32> to vector<1xf32>
      %squeeze3A_555 = vector.extract %slice3A_554[0] : f32 from vector<1xf32>
      %max3A_556 = arith.maximumf %max3A_549, %squeeze3A_555 : f32
      %mul3A_557 = arith.constant 0.000000e+00 : f32
      %mul3A_558 = arith.mulf %select_n3A_318, %mul3A_557 : f32
      %sub3A_559 = arith.constant 1.000000e+00 : f32
      %sub3A_560 = arith.subf %sub3A_559, %select_n3A_318 : f32
      %mul3A_561 = arith.mulf %sub3A_560, %scan3A_332 : f32
      %add3A_562 = arith.addf %mul3A_558, %mul3A_561 : f32
      %mul3A_563 = arith.constant 2.000000e+00 : f32
      %mul3A_564 = arith.mulf %mul3A_563, %max3A_556 : f32
      %mul3A_565 = arith.mulf %mul3A_564, %squeeze3A_496 : f32
      %sub3A_566 = arith.constant 1.000000e+00 : f32
      %sub3A_567 = arith.subf %sub3A_566, %mul3A_565 : f32
      %mul3A_568 = arith.mulf %select_n3A_323, %sub3A_567 : f32
      %sub3A_569 = arith.constant 1.000000e+00 : f32
      %sub3A_570 = arith.subf %sub3A_569, %select_n3A_323 : f32
      %mul3A_571 = arith.mulf %sub3A_570, %scan3A_332 : f32
      %add3A_572 = arith.addf %mul3A_568, %mul3A_571 : f32
      %min3A_573 = arith.minimumf %add3A_562, %add3A_572 : f32
      %add3A_574 = arith.addf %mul3A_500, %min3A_573 : f32
      %sub3A_575 = arith.constant 1.000000e+00 : f32
      %sub3A_576 = arith.subf %sub3A_575, %select_n3A_318 : f32
      %mul3A_577 = arith.mulf %select_n3A_516, %add3A_574 : f32
      %add3A_578 = arith.addf %scan3A_448, %mul3A_577 : f32
      %sub3A_579 = arith.constant 1.000000e+00 : f32
      %sub3A_580 = arith.subf %sub3A_579, %select_n3A_516 : f32
      %mul3A_581 = arith.mulf %sub3A_580, %sub3A_576 : f32
      %add3A_582 = arith.addf %add3A_578, %mul3A_581 : f32
      %mul3A_583 = arith.constant 2.000000e+00 : f32
      %mul3A_584 = vector.broadcast %mul3A_583 : f32 to vector<16xf32>
      %mul3A_585 = arith.mulf %mul3A_584, %exp3A_519 : vector<16xf32>
      %mul3A_586 = vector.broadcast %squeeze3A_496 : f32 to vector<16xf32>
      %mul3A_587 = arith.mulf %mul3A_585, %mul3A_586 : vector<16xf32>
      %sub3A_588 = vector.broadcast %mul3A_500 : f32 to vector<16xf32>
      %sub3A_589 = arith.subf %sub3A_588, %mul3A_587 : vector<16xf32>
      %mul3A_590 = vector.broadcast %select_n3A_516 : f32 to vector<16xf32>
      %mul3A_591 = arith.mulf %mul3A_590, %sub3A_589 : vector<16xf32>
      %sub3A_592 = arith.constant 1.000000e+00 : f32
      %sub3A_593 = arith.subf %sub3A_592, %select_n3A_516 : f32
      %mul3A_594 = arith.mulf %sub3A_593, %scan3A_332 : f32
      %add3A_595 = vector.broadcast %mul3A_594 : f32 to vector<16xf32>
      %add3A_596 = arith.addf %mul3A_591, %add3A_595 : vector<16xf32>
      %min3A_597 = arith.minimumf %scan3A_449, %add3A_596 : vector<16xf32>
      %mul3A_598 = arith.constant 2.000000e+00 : f32
      %mul3A_599 = vector.broadcast %mul3A_598 : f32 to vector<16xf32>
      %mul3A_600 = arith.mulf %mul3A_599, %exp3A_522 : vector<16xf32>
      %mul3A_601 = vector.broadcast %squeeze3A_496 : f32 to vector<16xf32>
      %mul3A_602 = arith.mulf %mul3A_600, %mul3A_601 : vector<16xf32>
      %sub3A_603 = vector.broadcast %mul3A_500 : f32 to vector<16xf32>
      %sub3A_604 = arith.subf %sub3A_603, %mul3A_602 : vector<16xf32>
      %mul3A_605 = vector.broadcast %select_n3A_516 : f32 to vector<16xf32>
      %mul3A_606 = arith.mulf %mul3A_605, %sub3A_604 : vector<16xf32>
      %sub3A_607 = arith.constant 1.000000e+00 : f32
      %sub3A_608 = arith.subf %sub3A_607, %select_n3A_516 : f32
      %mul3A_609 = arith.mulf %sub3A_608, %scan3A_332 : f32
      %add3A_610 = vector.broadcast %mul3A_609 : f32 to vector<16xf32>
      %add3A_611 = arith.addf %mul3A_606, %add3A_610 : vector<16xf32>
      %min3A_612 = arith.minimumf %scan3A_450, %add3A_611 : vector<16xf32>
      %mul3A_613 = arith.constant 2.000000e+00 : f32
      %mul3A_614 = vector.broadcast %mul3A_613 : f32 to vector<16xf32>
      %mul3A_615 = arith.mulf %mul3A_614, %exp3A_525 : vector<16xf32>
      %mul3A_616 = vector.broadcast %squeeze3A_496 : f32 to vector<16xf32>
      %mul3A_617 = arith.mulf %mul3A_615, %mul3A_616 : vector<16xf32>
      %sub3A_618 = vector.broadcast %mul3A_500 : f32 to vector<16xf32>
      %sub3A_619 = arith.subf %sub3A_618, %mul3A_617 : vector<16xf32>
      %mul3A_620 = vector.broadcast %select_n3A_516 : f32 to vector<16xf32>
      %mul3A_621 = arith.mulf %mul3A_620, %sub3A_619 : vector<16xf32>
      %sub3A_622 = arith.constant 1.000000e+00 : f32
      %sub3A_623 = arith.subf %sub3A_622, %select_n3A_516 : f32
      %mul3A_624 = arith.mulf %sub3A_623, %scan3A_332 : f32
      %add3A_625 = vector.broadcast %mul3A_624 : f32 to vector<16xf32>
      %add3A_626 = arith.addf %mul3A_621, %add3A_625 : vector<16xf32>
      %min3A_627 = arith.minimumf %scan3A_451, %add3A_626 : vector<16xf32>
      %mul3A_628 = arith.constant 2.000000e+00 : f32
      %mul3A_629 = vector.broadcast %mul3A_628 : f32 to vector<16xf32>
      %mul3A_630 = arith.mulf %mul3A_629, %exp3A_528 : vector<16xf32>
      %mul3A_631 = vector.broadcast %squeeze3A_496 : f32 to vector<16xf32>
      %mul3A_632 = arith.mulf %mul3A_630, %mul3A_631 : vector<16xf32>
      %sub3A_633 = vector.broadcast %mul3A_500 : f32 to vector<16xf32>
      %sub3A_634 = arith.subf %sub3A_633, %mul3A_632 : vector<16xf32>
      %mul3A_635 = vector.broadcast %select_n3A_516 : f32 to vector<16xf32>
      %mul3A_636 = arith.mulf %mul3A_635, %sub3A_634 : vector<16xf32>
      %sub3A_637 = arith.constant 1.000000e+00 : f32
      %sub3A_638 = arith.subf %sub3A_637, %select_n3A_516 : f32
      %mul3A_639 = arith.mulf %sub3A_638, %scan3A_332 : f32
      %add3A_640 = vector.broadcast %mul3A_639 : f32 to vector<16xf32>
      %add3A_641 = arith.addf %mul3A_636, %add3A_640 : vector<16xf32>
      %min3A_642 = arith.minimumf %scan3A_452, %add3A_641 : vector<16xf32>
      %mul3A_643 = arith.mulf %select_n3A_516, %mul3A_500 : f32
      %sub3A_644 = arith.constant 1.000000e+00 : f32
      %sub3A_645 = arith.subf %sub3A_644, %select_n3A_516 : f32
      %mul3A_646 = arith.mulf %sub3A_645, %scan3A_332 : f32
      %add3A_647 = arith.addf %mul3A_643, %mul3A_646 : f32
      %min3A_648 = arith.minimumf %scan3A_453, %add3A_647 : f32
      %add3A_649 = arith.addf %scan3A_454, %select_n3A_516 : f32
      scf.yield %add3A_582, %min3A_597, %min3A_612, %min3A_627, %min3A_642, %min3A_648, %add3A_649 : f32, vector<16xf32>, vector<16xf32>, vector<16xf32>, vector<16xf32>, f32, f32
    }
    %scan3A_341 = arith.constant 50 : i32
    %lt3A_342 = arith.constant 5.000000e+01 : f32
    %lt3A_343 = arith.cmpf olt, %scan3A_340#6, %lt3A_342 : f32
    %jit3A_344 = arith.constant 1.000000e+00 : f32
    %jit3A_345 = arith.constant 0.000000e+00 : f32
    %select_n3A_346 = arith.select %lt3A_343, %jit3A_344, %jit3A_345 : f32
    %min3A_347 = arith.constant 0.000000e+00 : f32
    %min3A_348 = vector.broadcast %min3A_347 : f32 to vector<16xf32>
    %min3A_349 = arith.minimumf %scan3A_340#1, %min3A_348 : vector<16xf32>
    %mul3A_350 = vector.broadcast %select_n3A_346 : f32 to vector<16xf32>
    %mul3A_351 = arith.mulf %mul3A_350, %min3A_349 : vector<16xf32>
    %sub3A_352 = arith.constant 1.000000e+00 : f32
    %sub3A_353 = arith.subf %sub3A_352, %select_n3A_346 : f32
    %mul3A_354 = vector.broadcast %sub3A_353 : f32 to vector<16xf32>
    %mul3A_355 = arith.mulf %mul3A_354, %scan3A_340#1 : vector<16xf32>
    %add3A_356 = arith.addf %mul3A_351, %mul3A_355 : vector<16xf32>
    %add3A_357 = arith.constant 1.000000e+00 : f32
    %add3A_358 = vector.broadcast %add3A_357 : f32 to vector<16xf32>
    %add3A_359 = arith.addf %add3A_358, %add3A_356 : vector<16xf32>
    %mul3A_360 = arith.mulf %add3A_359, %convert_element_type3A_254 : vector<16xf32>
    %broadcast_in_dim3A_361 = arith.constant true
    %broadcast_in_dim3A_362 = vector.broadcast %broadcast_in_dim3A_361 : i1 to vector<16xi1>
    %masked_cumsum3A_363 = tpu.scan <sum>, %mul3A_360 masked %broadcast_in_dim3A_362 : vector<16xf32>, vector<16xi1> -> vector<16xf32>
    %slice3A_364 = vector.extract_strided_slice %masked_cumsum3A_363 {offsets = [15], sizes = [1], strides = [1]} : vector<16xf32> to vector<1xf32>
    %squeeze3A_365 = vector.extract %slice3A_364[0] : f32 from vector<1xf32>
    %add3A_366 = arith.constant 0.000000e+00 : f32
    %add3A_367 = arith.addf %add3A_366, %squeeze3A_365 : f32
    %min3A_368 = arith.constant 0.000000e+00 : f32
    %min3A_369 = vector.broadcast %min3A_368 : f32 to vector<16xf32>
    %min3A_370 = arith.minimumf %scan3A_340#2, %min3A_369 : vector<16xf32>
    %mul3A_371 = vector.broadcast %select_n3A_346 : f32 to vector<16xf32>
    %mul3A_372 = arith.mulf %mul3A_371, %min3A_370 : vector<16xf32>
    %sub3A_373 = arith.constant 1.000000e+00 : f32
    %sub3A_374 = arith.subf %sub3A_373, %select_n3A_346 : f32
    %mul3A_375 = vector.broadcast %sub3A_374 : f32 to vector<16xf32>
    %mul3A_376 = arith.mulf %mul3A_375, %scan3A_340#2 : vector<16xf32>
    %add3A_377 = arith.addf %mul3A_372, %mul3A_376 : vector<16xf32>
    %add3A_378 = arith.constant 1.000000e+00 : f32
    %add3A_379 = vector.broadcast %add3A_378 : f32 to vector<16xf32>
    %add3A_380 = arith.addf %add3A_379, %add3A_377 : vector<16xf32>
    %mul3A_381 = arith.mulf %add3A_380, %convert_element_type3A_271 : vector<16xf32>
    %broadcast_in_dim3A_382 = arith.constant true
    %broadcast_in_dim3A_383 = vector.broadcast %broadcast_in_dim3A_382 : i1 to vector<16xi1>
    %masked_cumsum3A_384 = tpu.scan <sum>, %mul3A_381 masked %broadcast_in_dim3A_383 : vector<16xf32>, vector<16xi1> -> vector<16xf32>
    %slice3A_385 = vector.extract_strided_slice %masked_cumsum3A_384 {offsets = [15], sizes = [1], strides = [1]} : vector<16xf32> to vector<1xf32>
    %squeeze3A_386 = vector.extract %slice3A_385[0] : f32 from vector<1xf32>
    %add3A_387 = arith.addf %add3A_367, %squeeze3A_386 : f32
    %min3A_388 = arith.constant 0.000000e+00 : f32
    %min3A_389 = vector.broadcast %min3A_388 : f32 to vector<16xf32>
    %min3A_390 = arith.minimumf %scan3A_340#3, %min3A_389 : vector<16xf32>
    %mul3A_391 = vector.broadcast %select_n3A_346 : f32 to vector<16xf32>
    %mul3A_392 = arith.mulf %mul3A_391, %min3A_390 : vector<16xf32>
    %sub3A_393 = arith.constant 1.000000e+00 : f32
    %sub3A_394 = arith.subf %sub3A_393, %select_n3A_346 : f32
    %mul3A_395 = vector.broadcast %sub3A_394 : f32 to vector<16xf32>
    %mul3A_396 = arith.mulf %mul3A_395, %scan3A_340#3 : vector<16xf32>
    %add3A_397 = arith.addf %mul3A_392, %mul3A_396 : vector<16xf32>
    %add3A_398 = arith.constant 1.000000e+00 : f32
    %add3A_399 = vector.broadcast %add3A_398 : f32 to vector<16xf32>
    %add3A_400 = arith.addf %add3A_399, %add3A_397 : vector<16xf32>
    %mul3A_401 = arith.mulf %add3A_400, %convert_element_type3A_288 : vector<16xf32>
    %broadcast_in_dim3A_402 = arith.constant true
    %broadcast_in_dim3A_403 = vector.broadcast %broadcast_in_dim3A_402 : i1 to vector<16xi1>
    %masked_cumsum3A_404 = tpu.scan <sum>, %mul3A_401 masked %broadcast_in_dim3A_403 : vector<16xf32>, vector<16xi1> -> vector<16xf32>
    %slice3A_405 = vector.extract_strided_slice %masked_cumsum3A_404 {offsets = [15], sizes = [1], strides = [1]} : vector<16xf32> to vector<1xf32>
    %squeeze3A_406 = vector.extract %slice3A_405[0] : f32 from vector<1xf32>
    %add3A_407 = arith.addf %add3A_387, %squeeze3A_406 : f32
    %min3A_408 = arith.constant 0.000000e+00 : f32
    %min3A_409 = vector.broadcast %min3A_408 : f32 to vector<16xf32>
    %min3A_410 = arith.minimumf %scan3A_340#4, %min3A_409 : vector<16xf32>
    %mul3A_411 = vector.broadcast %select_n3A_346 : f32 to vector<16xf32>
    %mul3A_412 = arith.mulf %mul3A_411, %min3A_410 : vector<16xf32>
    %sub3A_413 = arith.constant 1.000000e+00 : f32
    %sub3A_414 = arith.subf %sub3A_413, %select_n3A_346 : f32
    %mul3A_415 = vector.broadcast %sub3A_414 : f32 to vector<16xf32>
    %mul3A_416 = arith.mulf %mul3A_415, %scan3A_340#4 : vector<16xf32>
    %add3A_417 = arith.addf %mul3A_412, %mul3A_416 : vector<16xf32>
    %add3A_418 = arith.constant 1.000000e+00 : f32
    %add3A_419 = vector.broadcast %add3A_418 : f32 to vector<16xf32>
    %add3A_420 = arith.addf %add3A_419, %add3A_417 : vector<16xf32>
    %mul3A_421 = arith.mulf %add3A_420, %convert_element_type3A_305 : vector<16xf32>
    %broadcast_in_dim3A_422 = arith.constant true
    %broadcast_in_dim3A_423 = vector.broadcast %broadcast_in_dim3A_422 : i1 to vector<16xi1>
    %masked_cumsum3A_424 = tpu.scan <sum>, %mul3A_421 masked %broadcast_in_dim3A_423 : vector<16xf32>, vector<16xi1> -> vector<16xf32>
    %slice3A_425 = vector.extract_strided_slice %masked_cumsum3A_424 {offsets = [15], sizes = [1], strides = [1]} : vector<16xf32> to vector<1xf32>
    %squeeze3A_426 = vector.extract %slice3A_425[0] : f32 from vector<1xf32>
    %add3A_427 = arith.addf %add3A_407, %squeeze3A_426 : f32
    %sub3A_428 = arith.constant 5.000000e+01 : f32
    %sub3A_429 = arith.subf %sub3A_428, %squeeze3A_313 : f32
    %sub3A_430 = arith.constant 1.000000e+00 : f32
    %sub3A_431 = arith.subf %sub3A_430, %select_n3A_346 : f32
    %mul3A_432 = arith.mulf %sub3A_429, %sub3A_431 : f32
    %mul3A_433 = arith.mulf %mul3A_432, %scan3A_340#5 : f32
    %add3A_434 = arith.addf %scan3A_340#0, %add3A_427 : f32
    %add3A_435 = arith.addf %add3A_434, %mul3A_433 : f32
    %mul3A_436 = arith.constant 2.000000e-02 : f32
    %mul3A_437 = arith.mulf %add3A_435, %mul3A_436 : f32
    %add3A_438 = arith.addf %add3A_231, %mul3A_437 : f32
    %broadcast_in_dim3A_439 = vector.broadcast %add3A_438 : f32 to vector<16xf32>
    %mul3A_440 = arith.mulf %broadcast_in_dim3A_439, %convert_element_type3A_7 : vector<16xf32>
    %swap3A_441 = arith.constant 0 : index
    %swap3A_442 = tpu.vector_load %arg9[%swap3A_441] {strides = array<i32>} : memref<16xf32, #tpu.memory_space<vmem>>, vector<16xf32>,
    tpu.vector_store %arg9[%swap3A_441], %mul3A_440 {strides = array<i32>} : memref<16xf32, #tpu.memory_space<vmem>>, vector<16xf32>,
    %mul3A_443 = arith.constant 16 : i32
    %mul3A_444 = arith.muli %add3A, %mul3A_443 : i32
    "tpu.region"() ({
      %run_scoped3A = tpu.sem_alloc : memref<!tpu.dma_semaphore, #tpu.memory_space<semaphore_mem>>
      %dma_start3A = tpu.memref_slice %arg4[%mul3A_444] : memref<512xf32, #tpu.memory_space<hbm>> -> memref<16xf32, #tpu.memory_space<hbm>>
      %dma_start3A_447 = tpu.memref_slice %arg4[%mul3A_444] : memref<512xf32, #tpu.memory_space<hbm>> -> memref<16xf32, #tpu.memory_space<hbm>>
      tpu.enqueue_dma source(%arg9 : memref<16xf32, #tpu.memory_space<vmem>>) target(%dma_start3A_447 : memref<16xf32, #tpu.memory_space<hbm>>) target_semaphore(%run_scoped3A : memref<!tpu.dma_semaphore, #tpu.memory_space<semaphore_mem>>)
      %dma_wait3A = tpu.memref_slice %arg4[%mul3A_444] : memref<512xf32, #tpu.memory_space<hbm>> -> memref<16xf32, #tpu.memory_space<hbm>>
      %dma_wait3A_448 = tpu.memref_slice %arg4[%mul3A_444] : memref<512xf32, #tpu.memory_space<hbm>> -> memref<16xf32, #tpu.memory_space<hbm>>
      tpu.wait_dma2 semaphore(%run_scoped3A : memref<!tpu.dma_semaphore, #tpu.memory_space<semaphore_mem>>) src(%arg9 : memref<16xf32, #tpu.memory_space<vmem>>) dst(%dma_wait3A_448 : memref<16xf32, #tpu.memory_space<hbm>>)
      tpu.yield
    }) : () -> ()
    %mul3A_445 = arith.constant 128 : i32
    %mul3A_446 = arith.muli %add3A, %mul3A_445 : i32
    "tpu.region"() ({
      %run_scoped3A = tpu.sem_alloc : memref<!tpu.dma_semaphore, #tpu.memory_space<semaphore_mem>>
      %dma_start3A = tpu.memref_slice %arg5[%mul3A_446] : memref<4096xf32, #tpu.memory_space<hbm>> -> memref<128xf32, #tpu.memory_space<hbm>>
      %dma_start3A_447 = tpu.memref_slice %arg5[%mul3A_446] : memref<4096xf32, #tpu.memory_space<hbm>> -> memref<128xf32, #tpu.memory_space<hbm>>
      tpu.enqueue_dma source(%arg8 : memref<128xf32, #tpu.memory_space<vmem>>) target(%dma_start3A_447 : memref<128xf32, #tpu.memory_space<hbm>>) target_semaphore(%run_scoped3A : memref<!tpu.dma_semaphore, #tpu.memory_space<semaphore_mem>>)
      %dma_wait3A = tpu.memref_slice %arg5[%mul3A_446] : memref<4096xf32, #tpu.memory_space<hbm>> -> memref<128xf32, #tpu.memory_space<hbm>>
      %dma_wait3A_448 = tpu.memref_slice %arg5[%mul3A_446] : memref<4096xf32, #tpu.memory_space<hbm>> -> memref<128xf32, #tpu.memory_space<hbm>>
      tpu.wait_dma2 semaphore(%run_scoped3A : memref<!tpu.dma_semaphore, #tpu.memory_space<semaphore_mem>>) src(%arg8 : memref<128xf32, #tpu.memory_space<vmem>>) dst(%dma_wait3A_448 : memref<128xf32, #tpu.memory_space<hbm>>)
      tpu.yield
    }) : () -> ()
    return
  }
}

module attributes {stable_mosaic.version = 14 : i64} {
  func.func @_tc_body(%arg0: i32, %arg1: memref<400x1000xf32, #tpu.memory_space<vmem>>, %arg2: memref<8x50xi32, #tpu.memory_space<vmem>>, %arg3: memref<400x1xi32, #tpu.memory_space<vmem>>, %arg4: memref<1x1xf32, #tpu.memory_space<vmem>>, %arg5: memref<1x1xf32, #tpu.memory_space<vmem>>) attributes {dimension_semantics = [#tpu.dimension_semantics<arbitrary>], iteration_bounds = array<i64: 24>, scalar_prefetch = 0 : i64, scratch_operands = 0 : i64, tpu.core_type = #tpu.core_type<tc>, window_params = [{transform_indices = @transform_0, window_bounds = array<i64: 400, 1000>}, {transform_indices = @transform_1, window_bounds = array<i64: 8, 50>}, {transform_indices = @transform_2, window_bounds = array<i64: 400, 1>}, {pipeline_mode = #tpu.pipeline_mode<synchronous>, transform_indices = @transform_3, window_bounds = array<i64: 1, 1>}, {pipeline_mode = #tpu.pipeline_mode<synchronous>, transform_indices = @transform_4, window_bounds = array<i64: 1, 1>}]} {
    %eq3A = arith.constant 0 : i32
    %eq3A_0 = arith.cmpi eq, %arg0, %eq3A : i32
    %convert_element_type3A = arith.extui %eq3A_0 : i1 to i32
    %cond3A = arith.constant 0 : i32
    %cond3A_1 = arith.cmpi ne, %convert_element_type3A, %cond3A : i32
    scf.if %cond3A_1 {
      %broadcast_in_dim3A_790 = arith.constant 0.000000e+00 : f32
      %broadcast_in_dim3A_791 = vector.broadcast %broadcast_in_dim3A_790 : f32 to vector<1x1xf32>
      %swap3A_792 = arith.constant 0 : index
      %swap3A_793 = arith.constant 0 : index
      %swap3A_794 = vector.load %arg4[%swap3A_792, %swap3A_793] : memref<1x1xf32, #tpu.memory_space<vmem>>, vector<1x1xf32>
      tpu.vector_store %arg4[%swap3A_792, %swap3A_793], %broadcast_in_dim3A_791 {strides = array<i32>} : memref<1x1xf32, #tpu.memory_space<vmem>>, vector<1x1xf32>,
      %broadcast_in_dim3A_795 = arith.constant 0.000000e+00 : f32
      %broadcast_in_dim3A_796 = vector.broadcast %broadcast_in_dim3A_795 : f32 to vector<1x1xf32>
      %swap3A_797 = arith.constant 0 : index
      %swap3A_798 = arith.constant 0 : index
      %swap3A_799 = vector.load %arg5[%swap3A_797, %swap3A_798] : memref<1x1xf32, #tpu.memory_space<vmem>>, vector<1x1xf32>
      tpu.vector_store %arg5[%swap3A_797, %swap3A_798], %broadcast_in_dim3A_796 {strides = array<i32>} : memref<1x1xf32, #tpu.memory_space<vmem>>, vector<1x1xf32>,
    } else {
    }
    %get3A = arith.constant 0 : index
    %get3A_2 = arith.constant 0 : index
    %get3A_3 = vector.load %arg1[%get3A, %get3A_2] : memref<400x1000xf32, #tpu.memory_space<vmem>>, vector<400x1000xf32>
    %exp3A = math.exp %get3A_3 : vector<400x1000xf32>
    %reduce_sum3A = arith.constant dense<0.000000e+00> : vector<400xf32>
    %reduce_sum3A_4 = vector.multi_reduction <add>, %exp3A, %reduce_sum3A [1] : vector<400x1000xf32> to vector<400xf32>
    %broadcast_in_dim3A = vector.shape_cast %reduce_sum3A_4 : vector<400xf32> to vector<400x1xf32>
    %mul3A = arith.mulf %exp3A, %exp3A : vector<400x1000xf32>
    %reduce_sum3A_5 = arith.constant dense<0.000000e+00> : vector<400xf32>
    %reduce_sum3A_6 = vector.multi_reduction <add>, %mul3A, %reduce_sum3A_5 [1] : vector<400x1000xf32> to vector<400xf32>
    %broadcast_in_dim3A_7 = vector.shape_cast %reduce_sum3A_6 : vector<400xf32> to vector<400x1xf32>
    %slice3A = vector.extract_strided_slice %exp3A {offsets = [0, 0], sizes = [400, 1], strides = [1, 1]} : vector<400x1000xf32> to vector<400x1xf32>
    %div3A = arith.constant 1.000000e+00 : f32
    %div3A_8 = vector.broadcast %div3A : f32 to vector<400x1xf32>
    %div3A_9 = arith.divf %div3A_8, %broadcast_in_dim3A : vector<400x1xf32>
    %mul3A_10 = arith.mulf %slice3A, %div3A_9 : vector<400x1xf32>
    %mul3A_11 = arith.mulf %slice3A, %slice3A : vector<400x1xf32>
    %sub3A = arith.subf %broadcast_in_dim3A_7, %mul3A_11 : vector<400x1xf32>
    %mul3A_12 = arith.mulf %sub3A, %div3A_9 : vector<400x1xf32>
    %mul3A_13 = arith.mulf %mul3A_12, %div3A_9 : vector<400x1xf32>
    %get3A_14 = arith.constant 0 : index
    %get3A_15 = arith.constant 0 : index
    %get3A_16 = vector.load %arg3[%get3A_14, %get3A_15] : memref<400x1xi32, #tpu.memory_space<vmem>>, vector<400x1xi32>
    %ne3A = arith.constant 1000 : i32
    %ne3A_17 = vector.broadcast %ne3A : i32 to vector<400x1xi32>
    %ne3A_18 = arith.cmpi ne, %get3A_16, %ne3A_17 : vector<400x1xi32>
    %ne3A_19 = arith.constant 0 : i32
    %ne3A_20 = vector.broadcast %ne3A_19 : i32 to vector<400x1xi32>
    %ne3A_21 = arith.cmpi ne, %get3A_16, %ne3A_20 : vector<400x1xi32>
    %and3A = arith.andi %ne3A_18, %ne3A_21 : vector<400x1xi1>
    %convert_element_type3A_22 = arith.extui %and3A : vector<400x1xi1> to vector<400x1xi32>
    %convert_element_type3A_23 = arith.sitofp %convert_element_type3A_22 : vector<400x1xi32> to vector<400x1xf32>
    %log3A = math.log %mul3A_10 : vector<400x1xf32>
    %max3A = arith.constant -1.000000e+02 : f32
    %max3A_24 = vector.broadcast %max3A : f32 to vector<400x1xf32>
    %max3A_25 = arith.maximumf %log3A, %max3A_24 : vector<400x1xf32>
    %sub3A_26 = arith.constant 1.000000e+00 : f32
    %sub3A_27 = vector.broadcast %sub3A_26 : f32 to vector<400x1xf32>
    %sub3A_28 = arith.subf %sub3A_27, %mul3A_10 : vector<400x1xf32>
    %log3A_29 = math.log %sub3A_28 : vector<400x1xf32>
    %max3A_30 = arith.constant -1.000000e+02 : f32
    %max3A_31 = vector.broadcast %max3A_30 : f32 to vector<400x1xf32>
    %max3A_32 = arith.maximumf %log3A_29, %max3A_31 : vector<400x1xf32>
    %sub3A_33 = arith.constant 1.000000e+00 : f32
    %sub3A_34 = vector.broadcast %sub3A_33 : f32 to vector<400x1xf32>
    %sub3A_35 = arith.subf %sub3A_34, %convert_element_type3A_23 : vector<400x1xf32>
    %mul3A_36 = arith.mulf %sub3A_35, %max3A_25 : vector<400x1xf32>
    %sub3A_37 = arith.constant 1.000000e+00 : f32
    %sub3A_38 = vector.broadcast %sub3A_37 : f32 to vector<400x1xf32>
    %sub3A_39 = arith.subf %sub3A_38, %sub3A_35 : vector<400x1xf32>
    %mul3A_40 = arith.mulf %sub3A_39, %max3A_32 : vector<400x1xf32>
    %add3A = arith.addf %mul3A_36, %mul3A_40 : vector<400x1xf32>
    %neg3A = arith.constant 0.000000e+00 : f32
    %neg3A_41 = vector.broadcast %neg3A : f32 to vector<400x1xf32>
    %neg3A_42 = arith.subf %neg3A_41, %add3A : vector<400x1xf32>
    %eq3A_43 = arith.constant 0 : i32
    %eq3A_44 = vector.broadcast %eq3A_43 : i32 to vector<400x1xi32>
    %eq3A_45 = arith.cmpi eq, %get3A_16, %eq3A_44 : vector<400x1xi32>
    %convert_element_type3A_46 = arith.extui %eq3A_45 : vector<400x1xi1> to vector<400x1xi32>
    %convert_element_type3A_47 = arith.sitofp %convert_element_type3A_46 : vector<400x1xi32> to vector<400x1xf32>
    %iota3A = tpu.iota {dimensions = array<i32: 0>} : vector<1000x50xi32>
    %get3A_48 = arith.constant 0 : index
    %get3A_49 = arith.constant 0 : index
    %get3A_50 = vector.load %arg2[%get3A_48, %get3A_49] : memref<8x50xi32, #tpu.memory_space<vmem>>, vector<1x50xi32>
    %broadcast_in_dim3A_51 = vector.shape_cast %get3A_50 : vector<1x50xi32> to vector<1x50xi32>
    %broadcast_in_dim3A_52 = vector.broadcast %broadcast_in_dim3A_51 : vector<1x50xi32> to vector<1000x50xi32>
    %eq3A_53 = arith.cmpi eq, %iota3A, %broadcast_in_dim3A_52 : vector<1000x50xi32>
    %convert_element_type3A_54 = arith.extui %eq3A_53 : vector<1000x50xi1> to vector<1000x50xi32>
    %convert_element_type3A_55 = arith.sitofp %convert_element_type3A_54 : vector<1000x50xi32> to vector<1000x50xf32>
    %slice3A_56 = vector.extract_strided_slice %exp3A {offsets = [0, 0], sizes = [50, 1000], strides = [1, 1]} : vector<400x1000xf32> to vector<50x1000xf32>
    %dot_general3A = arith.constant dense<0.000000e+00> : vector<50x50xf32>
    %dot_general3A_57 = tpu.matmul %slice3A_56, %convert_element_type3A_55, %dot_general3A {dimension_numbers = #tpu.dot_dimension_numbers<[1], [0], [0], [1], [0, 0, 1, 1], [], []>, transpose_lhs_hint = false} : vector<50x1000xf32>, vector<1000x50xf32>, vector<50x50xf32> -> vector<50x50xf32>
    %slice3A_58 = vector.extract_strided_slice %div3A_9 {offsets = [0, 0], sizes = [50, 1], strides = [1, 1]} : vector<400x1xf32> to vector<50x1xf32>
    %mul3A_59 = vector.broadcast %slice3A_58 : vector<50x1xf32> to vector<50x50xf32>
    %mul3A_60 = arith.mulf %dot_general3A_57, %mul3A_59 : vector<50x50xf32>
    %ne3A_61 = arith.constant 1000 : i32
    %ne3A_62 = vector.broadcast %ne3A_61 : i32 to vector<1x50xi32>
    %ne3A_63 = arith.cmpi ne, %get3A_50, %ne3A_62 : vector<1x50xi32>
    %ne3A_64 = arith.constant 0 : i32
    %ne3A_65 = vector.broadcast %ne3A_64 : i32 to vector<1x50xi32>
    %ne3A_66 = arith.cmpi ne, %get3A_50, %ne3A_65 : vector<1x50xi32>
    %and3A_67 = arith.andi %ne3A_63, %ne3A_66 : vector<1x50xi1>
    %convert_element_type3A_68 = arith.extui %and3A_67 : vector<1x50xi1> to vector<1x50xi32>
    %convert_element_type3A_69 = arith.sitofp %convert_element_type3A_68 : vector<1x50xi32> to vector<1x50xf32>
    %slice3A_70 = vector.extract_strided_slice %convert_element_type3A_23 {offsets = [0, 0], sizes = [50, 1], strides = [1, 1]} : vector<400x1xf32> to vector<50x1xf32>
    %slice3A_71 = vector.extract_strided_slice %mul3A_13 {offsets = [0, 0], sizes = [50, 1], strides = [1, 1]} : vector<400x1xf32> to vector<50x1xf32>
    %mul3A_72 = arith.mulf %slice3A_70, %slice3A_71 : vector<50x1xf32>
    %add3A_73 = vector.broadcast %mul3A_72 : vector<50x1xf32> to vector<50x50xf32>
    %add3A_74 = vector.broadcast %convert_element_type3A_69 : vector<1x50xf32> to vector<50x50xf32>
    %add3A_75 = arith.addf %add3A_73, %add3A_74 : vector<50x50xf32>
    %mul3A_76 = vector.broadcast %slice3A_70 : vector<50x1xf32> to vector<50x50xf32>
    %mul3A_77 = vector.broadcast %convert_element_type3A_69 : vector<1x50xf32> to vector<50x50xf32>
    %mul3A_78 = arith.mulf %mul3A_76, %mul3A_77 : vector<50x50xf32>
    %mul3A_79 = arith.constant 2.000000e+00 : f32
    %mul3A_80 = vector.broadcast %mul3A_79 : f32 to vector<50x50xf32>
    %mul3A_81 = arith.mulf %mul3A_80, %mul3A_78 : vector<50x50xf32>
    %mul3A_82 = arith.mulf %mul3A_81, %mul3A_60 : vector<50x50xf32>
    %sub3A_83 = arith.subf %add3A_75, %mul3A_82 : vector<50x50xf32>
    %reduce_min3A = arith.constant dense<0x7F800000> : vector<50xf32>
    %reduce_min3A_84 = vector.multi_reduction <minimumf>, %sub3A_83, %reduce_min3A [1] : vector<50x50xf32> to vector<50xf32>
    %reduce_sum3A_85 = vector.shape_cast %reduce_min3A_84 : vector<50xf32> to vector<1x50xf32>
    %reduce_sum3A_86 = arith.constant dense<0.000000e+00> : vector<1xf32>
    %reduce_sum3A_87 = vector.multi_reduction <add>, %reduce_sum3A_85, %reduce_sum3A_86 [1] : vector<1x50xf32> to vector<1xf32>
    %reduce_sum3A_88 = vector.shape_cast %reduce_sum3A_87 : vector<1xf32> to vector<1x1xf32>
    %reduce_sum3A_89 = vector.extract %reduce_sum3A_88[0, 0] : f32 from vector<1x1xf32>
    %reduce_min3A_90 = arith.constant dense<0x7F800000> : vector<50xf32>
    %reduce_min3A_91 = vector.multi_reduction <minimumf>, %sub3A_83, %reduce_min3A_90 [0] : vector<50x50xf32> to vector<50xf32>
    %reduce_sum3A_92 = vector.shape_cast %reduce_min3A_91 : vector<50xf32> to vector<1x50xf32>
    %reduce_sum3A_93 = arith.constant dense<0.000000e+00> : vector<1xf32>
    %reduce_sum3A_94 = vector.multi_reduction <add>, %reduce_sum3A_92, %reduce_sum3A_93 [1] : vector<1x50xf32> to vector<1xf32>
    %reduce_sum3A_95 = vector.shape_cast %reduce_sum3A_94 : vector<1xf32> to vector<1x1xf32>
    %reduce_sum3A_96 = vector.extract %reduce_sum3A_95[0, 0] : f32 from vector<1x1xf32>
    %add3A_97 = arith.addf %reduce_sum3A_89, %reduce_sum3A_96 : f32
    %div3A_98 = arith.constant 5.000000e+01 : f32
    %div3A_99 = arith.divf %add3A_97, %div3A_98 : f32
    %add3A_100 = arith.constant 0.000000e+00 : f32
    %add3A_101 = arith.addf %add3A_100, %div3A_99 : f32
    %slice3A_102 = vector.extract_strided_slice %neg3A_42 {offsets = [0, 0], sizes = [50, 1], strides = [1, 1]} : vector<400x1xf32> to vector<50x1xf32>
    %slice3A_103 = vector.extract_strided_slice %convert_element_type3A_47 {offsets = [0, 0], sizes = [50, 1], strides = [1, 1]} : vector<400x1xf32> to vector<50x1xf32>
    %mul3A_104 = arith.mulf %slice3A_102, %slice3A_103 : vector<50x1xf32>
    %reduce_sum3A_105 = vector.shape_cast %mul3A_104 : vector<50x1xf32> to vector<1x50x1xf32>
    %reduce_sum3A_106 = arith.constant dense<0.000000e+00> : vector<1xf32>
    %reduce_sum3A_107 = vector.multi_reduction <add>, %reduce_sum3A_105, %reduce_sum3A_106 [1, 2] : vector<1x50x1xf32> to vector<1xf32>
    %reduce_sum3A_108 = vector.shape_cast %reduce_sum3A_107 : vector<1xf32> to vector<1x1x1xf32>
    %reduce_sum3A_109 = vector.extract %reduce_sum3A_108[0, 0, 0] : f32 from vector<1x1x1xf32>
    %mul3A_110 = arith.constant 5.000000e-01 : f32
    %mul3A_111 = arith.mulf %mul3A_110, %reduce_sum3A_109 : f32
    %reduce_sum3A_112 = vector.shape_cast %slice3A_103 : vector<50x1xf32> to vector<1x50x1xf32>
    %reduce_sum3A_113 = arith.constant dense<0.000000e+00> : vector<1xf32>
    %reduce_sum3A_114 = vector.multi_reduction <add>, %reduce_sum3A_112, %reduce_sum3A_113 [1, 2] : vector<1x50x1xf32> to vector<1xf32>
    %reduce_sum3A_115 = vector.shape_cast %reduce_sum3A_114 : vector<1xf32> to vector<1x1x1xf32>
    %reduce_sum3A_116 = vector.extract %reduce_sum3A_115[0, 0, 0] : f32 from vector<1x1x1xf32>
    %add3A_117 = arith.constant 9.99999993E-9 : f32
    %add3A_118 = arith.addf %reduce_sum3A_116, %add3A_117 : f32
    %div3A_119 = arith.divf %mul3A_111, %add3A_118 : f32
    %mul3A_120 = arith.mulf %slice3A_102, %slice3A_70 : vector<50x1xf32>
    %reduce_sum3A_121 = vector.shape_cast %mul3A_120 : vector<50x1xf32> to vector<1x50x1xf32>
    %reduce_sum3A_122 = arith.constant dense<0.000000e+00> : vector<1xf32>
    %reduce_sum3A_123 = vector.multi_reduction <add>, %reduce_sum3A_121, %reduce_sum3A_122 [1, 2] : vector<1x50x1xf32> to vector<1xf32>
    %reduce_sum3A_124 = vector.shape_cast %reduce_sum3A_123 : vector<1xf32> to vector<1x1x1xf32>
    %reduce_sum3A_125 = vector.extract %reduce_sum3A_124[0, 0, 0] : f32 from vector<1x1x1xf32>
    %mul3A_126 = arith.constant 5.000000e-01 : f32
    %mul3A_127 = arith.mulf %mul3A_126, %reduce_sum3A_125 : f32
    %reduce_sum3A_128 = vector.shape_cast %slice3A_70 : vector<50x1xf32> to vector<1x50x1xf32>
    %reduce_sum3A_129 = arith.constant dense<0.000000e+00> : vector<1xf32>
    %reduce_sum3A_130 = vector.multi_reduction <add>, %reduce_sum3A_128, %reduce_sum3A_129 [1, 2] : vector<1x50x1xf32> to vector<1xf32>
    %reduce_sum3A_131 = vector.shape_cast %reduce_sum3A_130 : vector<1xf32> to vector<1x1x1xf32>
    %reduce_sum3A_132 = vector.extract %reduce_sum3A_131[0, 0, 0] : f32 from vector<1x1x1xf32>
    %add3A_133 = arith.constant 9.99999993E-9 : f32
    %add3A_134 = arith.addf %reduce_sum3A_132, %add3A_133 : f32
    %div3A_135 = arith.divf %mul3A_127, %add3A_134 : f32
    %add3A_136 = arith.addf %div3A_119, %div3A_135 : f32
    %add3A_137 = arith.constant 0.000000e+00 : f32
    %add3A_138 = arith.addf %add3A_137, %add3A_136 : f32
    %get3A_139 = arith.constant 1 : index
    %get3A_140 = arith.constant 0 : index
    %get3A_141 = vector.load %arg2[%get3A_139, %get3A_140] : memref<8x50xi32, #tpu.memory_space<vmem>>, vector<1x50xi32>
    %broadcast_in_dim3A_142 = vector.shape_cast %get3A_141 : vector<1x50xi32> to vector<1x50xi32>
    %broadcast_in_dim3A_143 = vector.broadcast %broadcast_in_dim3A_142 : vector<1x50xi32> to vector<1000x50xi32>
    %eq3A_144 = arith.cmpi eq, %iota3A, %broadcast_in_dim3A_143 : vector<1000x50xi32>
    %convert_element_type3A_145 = arith.extui %eq3A_144 : vector<1000x50xi1> to vector<1000x50xi32>
    %convert_element_type3A_146 = arith.sitofp %convert_element_type3A_145 : vector<1000x50xi32> to vector<1000x50xf32>
    %slice3A_147 = vector.extract_strided_slice %exp3A {offsets = [50, 0], sizes = [50, 1000], strides = [1, 1]} : vector<400x1000xf32> to vector<50x1000xf32>
    %dot_general3A_148 = arith.constant dense<0.000000e+00> : vector<50x50xf32>
    %dot_general3A_149 = tpu.matmul %slice3A_147, %convert_element_type3A_146, %dot_general3A_148 {dimension_numbers = #tpu.dot_dimension_numbers<[1], [0], [0], [1], [0, 0, 1, 1], [], []>, transpose_lhs_hint = false} : vector<50x1000xf32>, vector<1000x50xf32>, vector<50x50xf32> -> vector<50x50xf32>
    %slice3A_150 = vector.extract_strided_slice %div3A_9 {offsets = [50, 0], sizes = [50, 1], strides = [1, 1]} : vector<400x1xf32> to vector<50x1xf32>
    %mul3A_151 = vector.broadcast %slice3A_150 : vector<50x1xf32> to vector<50x50xf32>
    %mul3A_152 = arith.mulf %dot_general3A_149, %mul3A_151 : vector<50x50xf32>
    %ne3A_153 = arith.constant 1000 : i32
    %ne3A_154 = vector.broadcast %ne3A_153 : i32 to vector<1x50xi32>
    %ne3A_155 = arith.cmpi ne, %get3A_141, %ne3A_154 : vector<1x50xi32>
    %ne3A_156 = arith.constant 0 : i32
    %ne3A_157 = vector.broadcast %ne3A_156 : i32 to vector<1x50xi32>
    %ne3A_158 = arith.cmpi ne, %get3A_141, %ne3A_157 : vector<1x50xi32>
    %and3A_159 = arith.andi %ne3A_155, %ne3A_158 : vector<1x50xi1>
    %convert_element_type3A_160 = arith.extui %and3A_159 : vector<1x50xi1> to vector<1x50xi32>
    %convert_element_type3A_161 = arith.sitofp %convert_element_type3A_160 : vector<1x50xi32> to vector<1x50xf32>
    %slice3A_162 = vector.extract_strided_slice %convert_element_type3A_23 {offsets = [50, 0], sizes = [50, 1], strides = [1, 1]} : vector<400x1xf32> to vector<50x1xf32>
    %slice3A_163 = vector.extract_strided_slice %mul3A_13 {offsets = [50, 0], sizes = [50, 1], strides = [1, 1]} : vector<400x1xf32> to vector<50x1xf32>
    %mul3A_164 = arith.mulf %slice3A_162, %slice3A_163 : vector<50x1xf32>
    %add3A_165 = vector.broadcast %mul3A_164 : vector<50x1xf32> to vector<50x50xf32>
    %add3A_166 = vector.broadcast %convert_element_type3A_161 : vector<1x50xf32> to vector<50x50xf32>
    %add3A_167 = arith.addf %add3A_165, %add3A_166 : vector<50x50xf32>
    %mul3A_168 = vector.broadcast %slice3A_162 : vector<50x1xf32> to vector<50x50xf32>
    %mul3A_169 = vector.broadcast %convert_element_type3A_161 : vector<1x50xf32> to vector<50x50xf32>
    %mul3A_170 = arith.mulf %mul3A_168, %mul3A_169 : vector<50x50xf32>
    %mul3A_171 = arith.constant 2.000000e+00 : f32
    %mul3A_172 = vector.broadcast %mul3A_171 : f32 to vector<50x50xf32>
    %mul3A_173 = arith.mulf %mul3A_172, %mul3A_170 : vector<50x50xf32>
    %mul3A_174 = arith.mulf %mul3A_173, %mul3A_152 : vector<50x50xf32>
    %sub3A_175 = arith.subf %add3A_167, %mul3A_174 : vector<50x50xf32>
    %reduce_min3A_176 = arith.constant dense<0x7F800000> : vector<50xf32>
    %reduce_min3A_177 = vector.multi_reduction <minimumf>, %sub3A_175, %reduce_min3A_176 [1] : vector<50x50xf32> to vector<50xf32>
    %reduce_sum3A_178 = vector.shape_cast %reduce_min3A_177 : vector<50xf32> to vector<1x50xf32>
    %reduce_sum3A_179 = arith.constant dense<0.000000e+00> : vector<1xf32>
    %reduce_sum3A_180 = vector.multi_reduction <add>, %reduce_sum3A_178, %reduce_sum3A_179 [1] : vector<1x50xf32> to vector<1xf32>
    %reduce_sum3A_181 = vector.shape_cast %reduce_sum3A_180 : vector<1xf32> to vector<1x1xf32>
    %reduce_sum3A_182 = vector.extract %reduce_sum3A_181[0, 0] : f32 from vector<1x1xf32>
    %reduce_min3A_183 = arith.constant dense<0x7F800000> : vector<50xf32>
    %reduce_min3A_184 = vector.multi_reduction <minimumf>, %sub3A_175, %reduce_min3A_183 [0] : vector<50x50xf32> to vector<50xf32>
    %reduce_sum3A_185 = vector.shape_cast %reduce_min3A_184 : vector<50xf32> to vector<1x50xf32>
    %reduce_sum3A_186 = arith.constant dense<0.000000e+00> : vector<1xf32>
    %reduce_sum3A_187 = vector.multi_reduction <add>, %reduce_sum3A_185, %reduce_sum3A_186 [1] : vector<1x50xf32> to vector<1xf32>
    %reduce_sum3A_188 = vector.shape_cast %reduce_sum3A_187 : vector<1xf32> to vector<1x1xf32>
    %reduce_sum3A_189 = vector.extract %reduce_sum3A_188[0, 0] : f32 from vector<1x1xf32>
    %add3A_190 = arith.addf %reduce_sum3A_182, %reduce_sum3A_189 : f32
    %div3A_191 = arith.constant 5.000000e+01 : f32
    %div3A_192 = arith.divf %add3A_190, %div3A_191 : f32
    %add3A_193 = arith.addf %add3A_101, %div3A_192 : f32
    %slice3A_194 = vector.extract_strided_slice %neg3A_42 {offsets = [50, 0], sizes = [50, 1], strides = [1, 1]} : vector<400x1xf32> to vector<50x1xf32>
    %slice3A_195 = vector.extract_strided_slice %convert_element_type3A_47 {offsets = [50, 0], sizes = [50, 1], strides = [1, 1]} : vector<400x1xf32> to vector<50x1xf32>
    %mul3A_196 = arith.mulf %slice3A_194, %slice3A_195 : vector<50x1xf32>
    %reduce_sum3A_197 = vector.shape_cast %mul3A_196 : vector<50x1xf32> to vector<1x50x1xf32>
    %reduce_sum3A_198 = arith.constant dense<0.000000e+00> : vector<1xf32>
    %reduce_sum3A_199 = vector.multi_reduction <add>, %reduce_sum3A_197, %reduce_sum3A_198 [1, 2] : vector<1x50x1xf32> to vector<1xf32>
    %reduce_sum3A_200 = vector.shape_cast %reduce_sum3A_199 : vector<1xf32> to vector<1x1x1xf32>
    %reduce_sum3A_201 = vector.extract %reduce_sum3A_200[0, 0, 0] : f32 from vector<1x1x1xf32>
    %mul3A_202 = arith.constant 5.000000e-01 : f32
    %mul3A_203 = arith.mulf %mul3A_202, %reduce_sum3A_201 : f32
    %reduce_sum3A_204 = vector.shape_cast %slice3A_195 : vector<50x1xf32> to vector<1x50x1xf32>
    %reduce_sum3A_205 = arith.constant dense<0.000000e+00> : vector<1xf32>
    %reduce_sum3A_206 = vector.multi_reduction <add>, %reduce_sum3A_204, %reduce_sum3A_205 [1, 2] : vector<1x50x1xf32> to vector<1xf32>
    %reduce_sum3A_207 = vector.shape_cast %reduce_sum3A_206 : vector<1xf32> to vector<1x1x1xf32>
    %reduce_sum3A_208 = vector.extract %reduce_sum3A_207[0, 0, 0] : f32 from vector<1x1x1xf32>
    %add3A_209 = arith.constant 9.99999993E-9 : f32
    %add3A_210 = arith.addf %reduce_sum3A_208, %add3A_209 : f32
    %div3A_211 = arith.divf %mul3A_203, %add3A_210 : f32
    %mul3A_212 = arith.mulf %slice3A_194, %slice3A_162 : vector<50x1xf32>
    %reduce_sum3A_213 = vector.shape_cast %mul3A_212 : vector<50x1xf32> to vector<1x50x1xf32>
    %reduce_sum3A_214 = arith.constant dense<0.000000e+00> : vector<1xf32>
    %reduce_sum3A_215 = vector.multi_reduction <add>, %reduce_sum3A_213, %reduce_sum3A_214 [1, 2] : vector<1x50x1xf32> to vector<1xf32>
    %reduce_sum3A_216 = vector.shape_cast %reduce_sum3A_215 : vector<1xf32> to vector<1x1x1xf32>
    %reduce_sum3A_217 = vector.extract %reduce_sum3A_216[0, 0, 0] : f32 from vector<1x1x1xf32>
    %mul3A_218 = arith.constant 5.000000e-01 : f32
    %mul3A_219 = arith.mulf %mul3A_218, %reduce_sum3A_217 : f32
    %reduce_sum3A_220 = vector.shape_cast %slice3A_162 : vector<50x1xf32> to vector<1x50x1xf32>
    %reduce_sum3A_221 = arith.constant dense<0.000000e+00> : vector<1xf32>
    %reduce_sum3A_222 = vector.multi_reduction <add>, %reduce_sum3A_220, %reduce_sum3A_221 [1, 2] : vector<1x50x1xf32> to vector<1xf32>
    %reduce_sum3A_223 = vector.shape_cast %reduce_sum3A_222 : vector<1xf32> to vector<1x1x1xf32>
    %reduce_sum3A_224 = vector.extract %reduce_sum3A_223[0, 0, 0] : f32 from vector<1x1x1xf32>
    %add3A_225 = arith.constant 9.99999993E-9 : f32
    %add3A_226 = arith.addf %reduce_sum3A_224, %add3A_225 : f32
    %div3A_227 = arith.divf %mul3A_219, %add3A_226 : f32
    %add3A_228 = arith.addf %div3A_211, %div3A_227 : f32
    %add3A_229 = arith.addf %add3A_138, %add3A_228 : f32
    %get3A_230 = arith.constant 2 : index
    %get3A_231 = arith.constant 0 : index
    %get3A_232 = vector.load %arg2[%get3A_230, %get3A_231] : memref<8x50xi32, #tpu.memory_space<vmem>>, vector<1x50xi32>
    %broadcast_in_dim3A_233 = vector.shape_cast %get3A_232 : vector<1x50xi32> to vector<1x50xi32>
    %broadcast_in_dim3A_234 = vector.broadcast %broadcast_in_dim3A_233 : vector<1x50xi32> to vector<1000x50xi32>
    %eq3A_235 = arith.cmpi eq, %iota3A, %broadcast_in_dim3A_234 : vector<1000x50xi32>
    %convert_element_type3A_236 = arith.extui %eq3A_235 : vector<1000x50xi1> to vector<1000x50xi32>
    %convert_element_type3A_237 = arith.sitofp %convert_element_type3A_236 : vector<1000x50xi32> to vector<1000x50xf32>
    %slice3A_238 = vector.extract_strided_slice %exp3A {offsets = [100, 0], sizes = [50, 1000], strides = [1, 1]} : vector<400x1000xf32> to vector<50x1000xf32>
    %dot_general3A_239 = arith.constant dense<0.000000e+00> : vector<50x50xf32>
    %dot_general3A_240 = tpu.matmul %slice3A_238, %convert_element_type3A_237, %dot_general3A_239 {dimension_numbers = #tpu.dot_dimension_numbers<[1], [0], [0], [1], [0, 0, 1, 1], [], []>, transpose_lhs_hint = false} : vector<50x1000xf32>, vector<1000x50xf32>, vector<50x50xf32> -> vector<50x50xf32>
    %slice3A_241 = vector.extract_strided_slice %div3A_9 {offsets = [100, 0], sizes = [50, 1], strides = [1, 1]} : vector<400x1xf32> to vector<50x1xf32>
    %mul3A_242 = vector.broadcast %slice3A_241 : vector<50x1xf32> to vector<50x50xf32>
    %mul3A_243 = arith.mulf %dot_general3A_240, %mul3A_242 : vector<50x50xf32>
    %ne3A_244 = arith.constant 1000 : i32
    %ne3A_245 = vector.broadcast %ne3A_244 : i32 to vector<1x50xi32>
    %ne3A_246 = arith.cmpi ne, %get3A_232, %ne3A_245 : vector<1x50xi32>
    %ne3A_247 = arith.constant 0 : i32
    %ne3A_248 = vector.broadcast %ne3A_247 : i32 to vector<1x50xi32>
    %ne3A_249 = arith.cmpi ne, %get3A_232, %ne3A_248 : vector<1x50xi32>
    %and3A_250 = arith.andi %ne3A_246, %ne3A_249 : vector<1x50xi1>
    %convert_element_type3A_251 = arith.extui %and3A_250 : vector<1x50xi1> to vector<1x50xi32>
    %convert_element_type3A_252 = arith.sitofp %convert_element_type3A_251 : vector<1x50xi32> to vector<1x50xf32>
    %slice3A_253 = vector.extract_strided_slice %convert_element_type3A_23 {offsets = [100, 0], sizes = [50, 1], strides = [1, 1]} : vector<400x1xf32> to vector<50x1xf32>
    %slice3A_254 = vector.extract_strided_slice %mul3A_13 {offsets = [100, 0], sizes = [50, 1], strides = [1, 1]} : vector<400x1xf32> to vector<50x1xf32>
    %mul3A_255 = arith.mulf %slice3A_253, %slice3A_254 : vector<50x1xf32>
    %add3A_256 = vector.broadcast %mul3A_255 : vector<50x1xf32> to vector<50x50xf32>
    %add3A_257 = vector.broadcast %convert_element_type3A_252 : vector<1x50xf32> to vector<50x50xf32>
    %add3A_258 = arith.addf %add3A_256, %add3A_257 : vector<50x50xf32>
    %mul3A_259 = vector.broadcast %slice3A_253 : vector<50x1xf32> to vector<50x50xf32>
    %mul3A_260 = vector.broadcast %convert_element_type3A_252 : vector<1x50xf32> to vector<50x50xf32>
    %mul3A_261 = arith.mulf %mul3A_259, %mul3A_260 : vector<50x50xf32>
    %mul3A_262 = arith.constant 2.000000e+00 : f32
    %mul3A_263 = vector.broadcast %mul3A_262 : f32 to vector<50x50xf32>
    %mul3A_264 = arith.mulf %mul3A_263, %mul3A_261 : vector<50x50xf32>
    %mul3A_265 = arith.mulf %mul3A_264, %mul3A_243 : vector<50x50xf32>
    %sub3A_266 = arith.subf %add3A_258, %mul3A_265 : vector<50x50xf32>
    %reduce_min3A_267 = arith.constant dense<0x7F800000> : vector<50xf32>
    %reduce_min3A_268 = vector.multi_reduction <minimumf>, %sub3A_266, %reduce_min3A_267 [1] : vector<50x50xf32> to vector<50xf32>
    %reduce_sum3A_269 = vector.shape_cast %reduce_min3A_268 : vector<50xf32> to vector<1x50xf32>
    %reduce_sum3A_270 = arith.constant dense<0.000000e+00> : vector<1xf32>
    %reduce_sum3A_271 = vector.multi_reduction <add>, %reduce_sum3A_269, %reduce_sum3A_270 [1] : vector<1x50xf32> to vector<1xf32>
    %reduce_sum3A_272 = vector.shape_cast %reduce_sum3A_271 : vector<1xf32> to vector<1x1xf32>
    %reduce_sum3A_273 = vector.extract %reduce_sum3A_272[0, 0] : f32 from vector<1x1xf32>
    %reduce_min3A_274 = arith.constant dense<0x7F800000> : vector<50xf32>
    %reduce_min3A_275 = vector.multi_reduction <minimumf>, %sub3A_266, %reduce_min3A_274 [0] : vector<50x50xf32> to vector<50xf32>
    %reduce_sum3A_276 = vector.shape_cast %reduce_min3A_275 : vector<50xf32> to vector<1x50xf32>
    %reduce_sum3A_277 = arith.constant dense<0.000000e+00> : vector<1xf32>
    %reduce_sum3A_278 = vector.multi_reduction <add>, %reduce_sum3A_276, %reduce_sum3A_277 [1] : vector<1x50xf32> to vector<1xf32>
    %reduce_sum3A_279 = vector.shape_cast %reduce_sum3A_278 : vector<1xf32> to vector<1x1xf32>
    %reduce_sum3A_280 = vector.extract %reduce_sum3A_279[0, 0] : f32 from vector<1x1xf32>
    %add3A_281 = arith.addf %reduce_sum3A_273, %reduce_sum3A_280 : f32
    %div3A_282 = arith.constant 5.000000e+01 : f32
    %div3A_283 = arith.divf %add3A_281, %div3A_282 : f32
    %add3A_284 = arith.addf %add3A_193, %div3A_283 : f32
    %slice3A_285 = vector.extract_strided_slice %neg3A_42 {offsets = [100, 0], sizes = [50, 1], strides = [1, 1]} : vector<400x1xf32> to vector<50x1xf32>
    %slice3A_286 = vector.extract_strided_slice %convert_element_type3A_47 {offsets = [100, 0], sizes = [50, 1], strides = [1, 1]} : vector<400x1xf32> to vector<50x1xf32>
    %mul3A_287 = arith.mulf %slice3A_285, %slice3A_286 : vector<50x1xf32>
    %reduce_sum3A_288 = vector.shape_cast %mul3A_287 : vector<50x1xf32> to vector<1x50x1xf32>
    %reduce_sum3A_289 = arith.constant dense<0.000000e+00> : vector<1xf32>
    %reduce_sum3A_290 = vector.multi_reduction <add>, %reduce_sum3A_288, %reduce_sum3A_289 [1, 2] : vector<1x50x1xf32> to vector<1xf32>
    %reduce_sum3A_291 = vector.shape_cast %reduce_sum3A_290 : vector<1xf32> to vector<1x1x1xf32>
    %reduce_sum3A_292 = vector.extract %reduce_sum3A_291[0, 0, 0] : f32 from vector<1x1x1xf32>
    %mul3A_293 = arith.constant 5.000000e-01 : f32
    %mul3A_294 = arith.mulf %mul3A_293, %reduce_sum3A_292 : f32
    %reduce_sum3A_295 = vector.shape_cast %slice3A_286 : vector<50x1xf32> to vector<1x50x1xf32>
    %reduce_sum3A_296 = arith.constant dense<0.000000e+00> : vector<1xf32>
    %reduce_sum3A_297 = vector.multi_reduction <add>, %reduce_sum3A_295, %reduce_sum3A_296 [1, 2] : vector<1x50x1xf32> to vector<1xf32>
    %reduce_sum3A_298 = vector.shape_cast %reduce_sum3A_297 : vector<1xf32> to vector<1x1x1xf32>
    %reduce_sum3A_299 = vector.extract %reduce_sum3A_298[0, 0, 0] : f32 from vector<1x1x1xf32>
    %add3A_300 = arith.constant 9.99999993E-9 : f32
    %add3A_301 = arith.addf %reduce_sum3A_299, %add3A_300 : f32
    %div3A_302 = arith.divf %mul3A_294, %add3A_301 : f32
    %mul3A_303 = arith.mulf %slice3A_285, %slice3A_253 : vector<50x1xf32>
    %reduce_sum3A_304 = vector.shape_cast %mul3A_303 : vector<50x1xf32> to vector<1x50x1xf32>
    %reduce_sum3A_305 = arith.constant dense<0.000000e+00> : vector<1xf32>
    %reduce_sum3A_306 = vector.multi_reduction <add>, %reduce_sum3A_304, %reduce_sum3A_305 [1, 2] : vector<1x50x1xf32> to vector<1xf32>
    %reduce_sum3A_307 = vector.shape_cast %reduce_sum3A_306 : vector<1xf32> to vector<1x1x1xf32>
    %reduce_sum3A_308 = vector.extract %reduce_sum3A_307[0, 0, 0] : f32 from vector<1x1x1xf32>
    %mul3A_309 = arith.constant 5.000000e-01 : f32
    %mul3A_310 = arith.mulf %mul3A_309, %reduce_sum3A_308 : f32
    %reduce_sum3A_311 = vector.shape_cast %slice3A_253 : vector<50x1xf32> to vector<1x50x1xf32>
    %reduce_sum3A_312 = arith.constant dense<0.000000e+00> : vector<1xf32>
    %reduce_sum3A_313 = vector.multi_reduction <add>, %reduce_sum3A_311, %reduce_sum3A_312 [1, 2] : vector<1x50x1xf32> to vector<1xf32>
    %reduce_sum3A_314 = vector.shape_cast %reduce_sum3A_313 : vector<1xf32> to vector<1x1x1xf32>
    %reduce_sum3A_315 = vector.extract %reduce_sum3A_314[0, 0, 0] : f32 from vector<1x1x1xf32>
    %add3A_316 = arith.constant 9.99999993E-9 : f32
    %add3A_317 = arith.addf %reduce_sum3A_315, %add3A_316 : f32
    %div3A_318 = arith.divf %mul3A_310, %add3A_317 : f32
    %add3A_319 = arith.addf %div3A_302, %div3A_318 : f32
    %add3A_320 = arith.addf %add3A_229, %add3A_319 : f32
    %get3A_321 = arith.constant 3 : index
    %get3A_322 = arith.constant 0 : index
    %get3A_323 = vector.load %arg2[%get3A_321, %get3A_322] : memref<8x50xi32, #tpu.memory_space<vmem>>, vector<1x50xi32>
    %broadcast_in_dim3A_324 = vector.shape_cast %get3A_323 : vector<1x50xi32> to vector<1x50xi32>
    %broadcast_in_dim3A_325 = vector.broadcast %broadcast_in_dim3A_324 : vector<1x50xi32> to vector<1000x50xi32>
    %eq3A_326 = arith.cmpi eq, %iota3A, %broadcast_in_dim3A_325 : vector<1000x50xi32>
    %convert_element_type3A_327 = arith.extui %eq3A_326 : vector<1000x50xi1> to vector<1000x50xi32>
    %convert_element_type3A_328 = arith.sitofp %convert_element_type3A_327 : vector<1000x50xi32> to vector<1000x50xf32>
    %slice3A_329 = vector.extract_strided_slice %exp3A {offsets = [150, 0], sizes = [50, 1000], strides = [1, 1]} : vector<400x1000xf32> to vector<50x1000xf32>
    %dot_general3A_330 = arith.constant dense<0.000000e+00> : vector<50x50xf32>
    %dot_general3A_331 = tpu.matmul %slice3A_329, %convert_element_type3A_328, %dot_general3A_330 {dimension_numbers = #tpu.dot_dimension_numbers<[1], [0], [0], [1], [0, 0, 1, 1], [], []>, transpose_lhs_hint = false} : vector<50x1000xf32>, vector<1000x50xf32>, vector<50x50xf32> -> vector<50x50xf32>
    %slice3A_332 = vector.extract_strided_slice %div3A_9 {offsets = [150, 0], sizes = [50, 1], strides = [1, 1]} : vector<400x1xf32> to vector<50x1xf32>
    %mul3A_333 = vector.broadcast %slice3A_332 : vector<50x1xf32> to vector<50x50xf32>
    %mul3A_334 = arith.mulf %dot_general3A_331, %mul3A_333 : vector<50x50xf32>
    %ne3A_335 = arith.constant 1000 : i32
    %ne3A_336 = vector.broadcast %ne3A_335 : i32 to vector<1x50xi32>
    %ne3A_337 = arith.cmpi ne, %get3A_323, %ne3A_336 : vector<1x50xi32>
    %ne3A_338 = arith.constant 0 : i32
    %ne3A_339 = vector.broadcast %ne3A_338 : i32 to vector<1x50xi32>
    %ne3A_340 = arith.cmpi ne, %get3A_323, %ne3A_339 : vector<1x50xi32>
    %and3A_341 = arith.andi %ne3A_337, %ne3A_340 : vector<1x50xi1>
    %convert_element_type3A_342 = arith.extui %and3A_341 : vector<1x50xi1> to vector<1x50xi32>
    %convert_element_type3A_343 = arith.sitofp %convert_element_type3A_342 : vector<1x50xi32> to vector<1x50xf32>
    %slice3A_344 = vector.extract_strided_slice %convert_element_type3A_23 {offsets = [150, 0], sizes = [50, 1], strides = [1, 1]} : vector<400x1xf32> to vector<50x1xf32>
    %slice3A_345 = vector.extract_strided_slice %mul3A_13 {offsets = [150, 0], sizes = [50, 1], strides = [1, 1]} : vector<400x1xf32> to vector<50x1xf32>
    %mul3A_346 = arith.mulf %slice3A_344, %slice3A_345 : vector<50x1xf32>
    %add3A_347 = vector.broadcast %mul3A_346 : vector<50x1xf32> to vector<50x50xf32>
    %add3A_348 = vector.broadcast %convert_element_type3A_343 : vector<1x50xf32> to vector<50x50xf32>
    %add3A_349 = arith.addf %add3A_347, %add3A_348 : vector<50x50xf32>
    %mul3A_350 = vector.broadcast %slice3A_344 : vector<50x1xf32> to vector<50x50xf32>
    %mul3A_351 = vector.broadcast %convert_element_type3A_343 : vector<1x50xf32> to vector<50x50xf32>
    %mul3A_352 = arith.mulf %mul3A_350, %mul3A_351 : vector<50x50xf32>
    %mul3A_353 = arith.constant 2.000000e+00 : f32
    %mul3A_354 = vector.broadcast %mul3A_353 : f32 to vector<50x50xf32>
    %mul3A_355 = arith.mulf %mul3A_354, %mul3A_352 : vector<50x50xf32>
    %mul3A_356 = arith.mulf %mul3A_355, %mul3A_334 : vector<50x50xf32>
    %sub3A_357 = arith.subf %add3A_349, %mul3A_356 : vector<50x50xf32>
    %reduce_min3A_358 = arith.constant dense<0x7F800000> : vector<50xf32>
    %reduce_min3A_359 = vector.multi_reduction <minimumf>, %sub3A_357, %reduce_min3A_358 [1] : vector<50x50xf32> to vector<50xf32>
    %reduce_sum3A_360 = vector.shape_cast %reduce_min3A_359 : vector<50xf32> to vector<1x50xf32>
    %reduce_sum3A_361 = arith.constant dense<0.000000e+00> : vector<1xf32>
    %reduce_sum3A_362 = vector.multi_reduction <add>, %reduce_sum3A_360, %reduce_sum3A_361 [1] : vector<1x50xf32> to vector<1xf32>
    %reduce_sum3A_363 = vector.shape_cast %reduce_sum3A_362 : vector<1xf32> to vector<1x1xf32>
    %reduce_sum3A_364 = vector.extract %reduce_sum3A_363[0, 0] : f32 from vector<1x1xf32>
    %reduce_min3A_365 = arith.constant dense<0x7F800000> : vector<50xf32>
    %reduce_min3A_366 = vector.multi_reduction <minimumf>, %sub3A_357, %reduce_min3A_365 [0] : vector<50x50xf32> to vector<50xf32>
    %reduce_sum3A_367 = vector.shape_cast %reduce_min3A_366 : vector<50xf32> to vector<1x50xf32>
    %reduce_sum3A_368 = arith.constant dense<0.000000e+00> : vector<1xf32>
    %reduce_sum3A_369 = vector.multi_reduction <add>, %reduce_sum3A_367, %reduce_sum3A_368 [1] : vector<1x50xf32> to vector<1xf32>
    %reduce_sum3A_370 = vector.shape_cast %reduce_sum3A_369 : vector<1xf32> to vector<1x1xf32>
    %reduce_sum3A_371 = vector.extract %reduce_sum3A_370[0, 0] : f32 from vector<1x1xf32>
    %add3A_372 = arith.addf %reduce_sum3A_364, %reduce_sum3A_371 : f32
    %div3A_373 = arith.constant 5.000000e+01 : f32
    %div3A_374 = arith.divf %add3A_372, %div3A_373 : f32
    %add3A_375 = arith.addf %add3A_284, %div3A_374 : f32
    %slice3A_376 = vector.extract_strided_slice %neg3A_42 {offsets = [150, 0], sizes = [50, 1], strides = [1, 1]} : vector<400x1xf32> to vector<50x1xf32>
    %slice3A_377 = vector.extract_strided_slice %convert_element_type3A_47 {offsets = [150, 0], sizes = [50, 1], strides = [1, 1]} : vector<400x1xf32> to vector<50x1xf32>
    %mul3A_378 = arith.mulf %slice3A_376, %slice3A_377 : vector<50x1xf32>
    %reduce_sum3A_379 = vector.shape_cast %mul3A_378 : vector<50x1xf32> to vector<1x50x1xf32>
    %reduce_sum3A_380 = arith.constant dense<0.000000e+00> : vector<1xf32>
    %reduce_sum3A_381 = vector.multi_reduction <add>, %reduce_sum3A_379, %reduce_sum3A_380 [1, 2] : vector<1x50x1xf32> to vector<1xf32>
    %reduce_sum3A_382 = vector.shape_cast %reduce_sum3A_381 : vector<1xf32> to vector<1x1x1xf32>
    %reduce_sum3A_383 = vector.extract %reduce_sum3A_382[0, 0, 0] : f32 from vector<1x1x1xf32>
    %mul3A_384 = arith.constant 5.000000e-01 : f32
    %mul3A_385 = arith.mulf %mul3A_384, %reduce_sum3A_383 : f32
    %reduce_sum3A_386 = vector.shape_cast %slice3A_377 : vector<50x1xf32> to vector<1x50x1xf32>
    %reduce_sum3A_387 = arith.constant dense<0.000000e+00> : vector<1xf32>
    %reduce_sum3A_388 = vector.multi_reduction <add>, %reduce_sum3A_386, %reduce_sum3A_387 [1, 2] : vector<1x50x1xf32> to vector<1xf32>
    %reduce_sum3A_389 = vector.shape_cast %reduce_sum3A_388 : vector<1xf32> to vector<1x1x1xf32>
    %reduce_sum3A_390 = vector.extract %reduce_sum3A_389[0, 0, 0] : f32 from vector<1x1x1xf32>
    %add3A_391 = arith.constant 9.99999993E-9 : f32
    %add3A_392 = arith.addf %reduce_sum3A_390, %add3A_391 : f32
    %div3A_393 = arith.divf %mul3A_385, %add3A_392 : f32
    %mul3A_394 = arith.mulf %slice3A_376, %slice3A_344 : vector<50x1xf32>
    %reduce_sum3A_395 = vector.shape_cast %mul3A_394 : vector<50x1xf32> to vector<1x50x1xf32>
    %reduce_sum3A_396 = arith.constant dense<0.000000e+00> : vector<1xf32>
    %reduce_sum3A_397 = vector.multi_reduction <add>, %reduce_sum3A_395, %reduce_sum3A_396 [1, 2] : vector<1x50x1xf32> to vector<1xf32>
    %reduce_sum3A_398 = vector.shape_cast %reduce_sum3A_397 : vector<1xf32> to vector<1x1x1xf32>
    %reduce_sum3A_399 = vector.extract %reduce_sum3A_398[0, 0, 0] : f32 from vector<1x1x1xf32>
    %mul3A_400 = arith.constant 5.000000e-01 : f32
    %mul3A_401 = arith.mulf %mul3A_400, %reduce_sum3A_399 : f32
    %reduce_sum3A_402 = vector.shape_cast %slice3A_344 : vector<50x1xf32> to vector<1x50x1xf32>
    %reduce_sum3A_403 = arith.constant dense<0.000000e+00> : vector<1xf32>
    %reduce_sum3A_404 = vector.multi_reduction <add>, %reduce_sum3A_402, %reduce_sum3A_403 [1, 2] : vector<1x50x1xf32> to vector<1xf32>
    %reduce_sum3A_405 = vector.shape_cast %reduce_sum3A_404 : vector<1xf32> to vector<1x1x1xf32>
    %reduce_sum3A_406 = vector.extract %reduce_sum3A_405[0, 0, 0] : f32 from vector<1x1x1xf32>
    %add3A_407 = arith.constant 9.99999993E-9 : f32
    %add3A_408 = arith.addf %reduce_sum3A_406, %add3A_407 : f32
    %div3A_409 = arith.divf %mul3A_401, %add3A_408 : f32
    %add3A_410 = arith.addf %div3A_393, %div3A_409 : f32
    %add3A_411 = arith.addf %add3A_320, %add3A_410 : f32
    %get3A_412 = arith.constant 4 : index
    %get3A_413 = arith.constant 0 : index
    %get3A_414 = vector.load %arg2[%get3A_412, %get3A_413] : memref<8x50xi32, #tpu.memory_space<vmem>>, vector<1x50xi32>
    %broadcast_in_dim3A_415 = vector.shape_cast %get3A_414 : vector<1x50xi32> to vector<1x50xi32>
    %broadcast_in_dim3A_416 = vector.broadcast %broadcast_in_dim3A_415 : vector<1x50xi32> to vector<1000x50xi32>
    %eq3A_417 = arith.cmpi eq, %iota3A, %broadcast_in_dim3A_416 : vector<1000x50xi32>
    %convert_element_type3A_418 = arith.extui %eq3A_417 : vector<1000x50xi1> to vector<1000x50xi32>
    %convert_element_type3A_419 = arith.sitofp %convert_element_type3A_418 : vector<1000x50xi32> to vector<1000x50xf32>
    %slice3A_420 = vector.extract_strided_slice %exp3A {offsets = [200, 0], sizes = [50, 1000], strides = [1, 1]} : vector<400x1000xf32> to vector<50x1000xf32>
    %dot_general3A_421 = arith.constant dense<0.000000e+00> : vector<50x50xf32>
    %dot_general3A_422 = tpu.matmul %slice3A_420, %convert_element_type3A_419, %dot_general3A_421 {dimension_numbers = #tpu.dot_dimension_numbers<[1], [0], [0], [1], [0, 0, 1, 1], [], []>, transpose_lhs_hint = false} : vector<50x1000xf32>, vector<1000x50xf32>, vector<50x50xf32> -> vector<50x50xf32>
    %slice3A_423 = vector.extract_strided_slice %div3A_9 {offsets = [200, 0], sizes = [50, 1], strides = [1, 1]} : vector<400x1xf32> to vector<50x1xf32>
    %mul3A_424 = vector.broadcast %slice3A_423 : vector<50x1xf32> to vector<50x50xf32>
    %mul3A_425 = arith.mulf %dot_general3A_422, %mul3A_424 : vector<50x50xf32>
    %ne3A_426 = arith.constant 1000 : i32
    %ne3A_427 = vector.broadcast %ne3A_426 : i32 to vector<1x50xi32>
    %ne3A_428 = arith.cmpi ne, %get3A_414, %ne3A_427 : vector<1x50xi32>
    %ne3A_429 = arith.constant 0 : i32
    %ne3A_430 = vector.broadcast %ne3A_429 : i32 to vector<1x50xi32>
    %ne3A_431 = arith.cmpi ne, %get3A_414, %ne3A_430 : vector<1x50xi32>
    %and3A_432 = arith.andi %ne3A_428, %ne3A_431 : vector<1x50xi1>
    %convert_element_type3A_433 = arith.extui %and3A_432 : vector<1x50xi1> to vector<1x50xi32>
    %convert_element_type3A_434 = arith.sitofp %convert_element_type3A_433 : vector<1x50xi32> to vector<1x50xf32>
    %slice3A_435 = vector.extract_strided_slice %convert_element_type3A_23 {offsets = [200, 0], sizes = [50, 1], strides = [1, 1]} : vector<400x1xf32> to vector<50x1xf32>
    %slice3A_436 = vector.extract_strided_slice %mul3A_13 {offsets = [200, 0], sizes = [50, 1], strides = [1, 1]} : vector<400x1xf32> to vector<50x1xf32>
    %mul3A_437 = arith.mulf %slice3A_435, %slice3A_436 : vector<50x1xf32>
    %add3A_438 = vector.broadcast %mul3A_437 : vector<50x1xf32> to vector<50x50xf32>
    %add3A_439 = vector.broadcast %convert_element_type3A_434 : vector<1x50xf32> to vector<50x50xf32>
    %add3A_440 = arith.addf %add3A_438, %add3A_439 : vector<50x50xf32>
    %mul3A_441 = vector.broadcast %slice3A_435 : vector<50x1xf32> to vector<50x50xf32>
    %mul3A_442 = vector.broadcast %convert_element_type3A_434 : vector<1x50xf32> to vector<50x50xf32>
    %mul3A_443 = arith.mulf %mul3A_441, %mul3A_442 : vector<50x50xf32>
    %mul3A_444 = arith.constant 2.000000e+00 : f32
    %mul3A_445 = vector.broadcast %mul3A_444 : f32 to vector<50x50xf32>
    %mul3A_446 = arith.mulf %mul3A_445, %mul3A_443 : vector<50x50xf32>
    %mul3A_447 = arith.mulf %mul3A_446, %mul3A_425 : vector<50x50xf32>
    %sub3A_448 = arith.subf %add3A_440, %mul3A_447 : vector<50x50xf32>
    %reduce_min3A_449 = arith.constant dense<0x7F800000> : vector<50xf32>
    %reduce_min3A_450 = vector.multi_reduction <minimumf>, %sub3A_448, %reduce_min3A_449 [1] : vector<50x50xf32> to vector<50xf32>
    %reduce_sum3A_451 = vector.shape_cast %reduce_min3A_450 : vector<50xf32> to vector<1x50xf32>
    %reduce_sum3A_452 = arith.constant dense<0.000000e+00> : vector<1xf32>
    %reduce_sum3A_453 = vector.multi_reduction <add>, %reduce_sum3A_451, %reduce_sum3A_452 [1] : vector<1x50xf32> to vector<1xf32>
    %reduce_sum3A_454 = vector.shape_cast %reduce_sum3A_453 : vector<1xf32> to vector<1x1xf32>
    %reduce_sum3A_455 = vector.extract %reduce_sum3A_454[0, 0] : f32 from vector<1x1xf32>
    %reduce_min3A_456 = arith.constant dense<0x7F800000> : vector<50xf32>
    %reduce_min3A_457 = vector.multi_reduction <minimumf>, %sub3A_448, %reduce_min3A_456 [0] : vector<50x50xf32> to vector<50xf32>
    %reduce_sum3A_458 = vector.shape_cast %reduce_min3A_457 : vector<50xf32> to vector<1x50xf32>
    %reduce_sum3A_459 = arith.constant dense<0.000000e+00> : vector<1xf32>
    %reduce_sum3A_460 = vector.multi_reduction <add>, %reduce_sum3A_458, %reduce_sum3A_459 [1] : vector<1x50xf32> to vector<1xf32>
    %reduce_sum3A_461 = vector.shape_cast %reduce_sum3A_460 : vector<1xf32> to vector<1x1xf32>
    %reduce_sum3A_462 = vector.extract %reduce_sum3A_461[0, 0] : f32 from vector<1x1xf32>
    %add3A_463 = arith.addf %reduce_sum3A_455, %reduce_sum3A_462 : f32
    %div3A_464 = arith.constant 5.000000e+01 : f32
    %div3A_465 = arith.divf %add3A_463, %div3A_464 : f32
    %add3A_466 = arith.addf %add3A_375, %div3A_465 : f32
    %slice3A_467 = vector.extract_strided_slice %neg3A_42 {offsets = [200, 0], sizes = [50, 1], strides = [1, 1]} : vector<400x1xf32> to vector<50x1xf32>
    %slice3A_468 = vector.extract_strided_slice %convert_element_type3A_47 {offsets = [200, 0], sizes = [50, 1], strides = [1, 1]} : vector<400x1xf32> to vector<50x1xf32>
    %mul3A_469 = arith.mulf %slice3A_467, %slice3A_468 : vector<50x1xf32>
    %reduce_sum3A_470 = vector.shape_cast %mul3A_469 : vector<50x1xf32> to vector<1x50x1xf32>
    %reduce_sum3A_471 = arith.constant dense<0.000000e+00> : vector<1xf32>
    %reduce_sum3A_472 = vector.multi_reduction <add>, %reduce_sum3A_470, %reduce_sum3A_471 [1, 2] : vector<1x50x1xf32> to vector<1xf32>
    %reduce_sum3A_473 = vector.shape_cast %reduce_sum3A_472 : vector<1xf32> to vector<1x1x1xf32>
    %reduce_sum3A_474 = vector.extract %reduce_sum3A_473[0, 0, 0] : f32 from vector<1x1x1xf32>
    %mul3A_475 = arith.constant 5.000000e-01 : f32
    %mul3A_476 = arith.mulf %mul3A_475, %reduce_sum3A_474 : f32
    %reduce_sum3A_477 = vector.shape_cast %slice3A_468 : vector<50x1xf32> to vector<1x50x1xf32>
    %reduce_sum3A_478 = arith.constant dense<0.000000e+00> : vector<1xf32>
    %reduce_sum3A_479 = vector.multi_reduction <add>, %reduce_sum3A_477, %reduce_sum3A_478 [1, 2] : vector<1x50x1xf32> to vector<1xf32>
    %reduce_sum3A_480 = vector.shape_cast %reduce_sum3A_479 : vector<1xf32> to vector<1x1x1xf32>
    %reduce_sum3A_481 = vector.extract %reduce_sum3A_480[0, 0, 0] : f32 from vector<1x1x1xf32>
    %add3A_482 = arith.constant 9.99999993E-9 : f32
    %add3A_483 = arith.addf %reduce_sum3A_481, %add3A_482 : f32
    %div3A_484 = arith.divf %mul3A_476, %add3A_483 : f32
    %mul3A_485 = arith.mulf %slice3A_467, %slice3A_435 : vector<50x1xf32>
    %reduce_sum3A_486 = vector.shape_cast %mul3A_485 : vector<50x1xf32> to vector<1x50x1xf32>
    %reduce_sum3A_487 = arith.constant dense<0.000000e+00> : vector<1xf32>
    %reduce_sum3A_488 = vector.multi_reduction <add>, %reduce_sum3A_486, %reduce_sum3A_487 [1, 2] : vector<1x50x1xf32> to vector<1xf32>
    %reduce_sum3A_489 = vector.shape_cast %reduce_sum3A_488 : vector<1xf32> to vector<1x1x1xf32>
    %reduce_sum3A_490 = vector.extract %reduce_sum3A_489[0, 0, 0] : f32 from vector<1x1x1xf32>
    %mul3A_491 = arith.constant 5.000000e-01 : f32
    %mul3A_492 = arith.mulf %mul3A_491, %reduce_sum3A_490 : f32
    %reduce_sum3A_493 = vector.shape_cast %slice3A_435 : vector<50x1xf32> to vector<1x50x1xf32>
    %reduce_sum3A_494 = arith.constant dense<0.000000e+00> : vector<1xf32>
    %reduce_sum3A_495 = vector.multi_reduction <add>, %reduce_sum3A_493, %reduce_sum3A_494 [1, 2] : vector<1x50x1xf32> to vector<1xf32>
    %reduce_sum3A_496 = vector.shape_cast %reduce_sum3A_495 : vector<1xf32> to vector<1x1x1xf32>
    %reduce_sum3A_497 = vector.extract %reduce_sum3A_496[0, 0, 0] : f32 from vector<1x1x1xf32>
    %add3A_498 = arith.constant 9.99999993E-9 : f32
    %add3A_499 = arith.addf %reduce_sum3A_497, %add3A_498 : f32
    %div3A_500 = arith.divf %mul3A_492, %add3A_499 : f32
    %add3A_501 = arith.addf %div3A_484, %div3A_500 : f32
    %add3A_502 = arith.addf %add3A_411, %add3A_501 : f32
    %get3A_503 = arith.constant 5 : index
    %get3A_504 = arith.constant 0 : index
    %get3A_505 = vector.load %arg2[%get3A_503, %get3A_504] : memref<8x50xi32, #tpu.memory_space<vmem>>, vector<1x50xi32>
    %broadcast_in_dim3A_506 = vector.shape_cast %get3A_505 : vector<1x50xi32> to vector<1x50xi32>
    %broadcast_in_dim3A_507 = vector.broadcast %broadcast_in_dim3A_506 : vector<1x50xi32> to vector<1000x50xi32>
    %eq3A_508 = arith.cmpi eq, %iota3A, %broadcast_in_dim3A_507 : vector<1000x50xi32>
    %convert_element_type3A_509 = arith.extui %eq3A_508 : vector<1000x50xi1> to vector<1000x50xi32>
    %convert_element_type3A_510 = arith.sitofp %convert_element_type3A_509 : vector<1000x50xi32> to vector<1000x50xf32>
    %slice3A_511 = vector.extract_strided_slice %exp3A {offsets = [250, 0], sizes = [50, 1000], strides = [1, 1]} : vector<400x1000xf32> to vector<50x1000xf32>
    %dot_general3A_512 = arith.constant dense<0.000000e+00> : vector<50x50xf32>
    %dot_general3A_513 = tpu.matmul %slice3A_511, %convert_element_type3A_510, %dot_general3A_512 {dimension_numbers = #tpu.dot_dimension_numbers<[1], [0], [0], [1], [0, 0, 1, 1], [], []>, transpose_lhs_hint = false} : vector<50x1000xf32>, vector<1000x50xf32>, vector<50x50xf32> -> vector<50x50xf32>
    %slice3A_514 = vector.extract_strided_slice %div3A_9 {offsets = [250, 0], sizes = [50, 1], strides = [1, 1]} : vector<400x1xf32> to vector<50x1xf32>
    %mul3A_515 = vector.broadcast %slice3A_514 : vector<50x1xf32> to vector<50x50xf32>
    %mul3A_516 = arith.mulf %dot_general3A_513, %mul3A_515 : vector<50x50xf32>
    %ne3A_517 = arith.constant 1000 : i32
    %ne3A_518 = vector.broadcast %ne3A_517 : i32 to vector<1x50xi32>
    %ne3A_519 = arith.cmpi ne, %get3A_505, %ne3A_518 : vector<1x50xi32>
    %ne3A_520 = arith.constant 0 : i32
    %ne3A_521 = vector.broadcast %ne3A_520 : i32 to vector<1x50xi32>
    %ne3A_522 = arith.cmpi ne, %get3A_505, %ne3A_521 : vector<1x50xi32>
    %and3A_523 = arith.andi %ne3A_519, %ne3A_522 : vector<1x50xi1>
    %convert_element_type3A_524 = arith.extui %and3A_523 : vector<1x50xi1> to vector<1x50xi32>
    %convert_element_type3A_525 = arith.sitofp %convert_element_type3A_524 : vector<1x50xi32> to vector<1x50xf32>
    %slice3A_526 = vector.extract_strided_slice %convert_element_type3A_23 {offsets = [250, 0], sizes = [50, 1], strides = [1, 1]} : vector<400x1xf32> to vector<50x1xf32>
    %slice3A_527 = vector.extract_strided_slice %mul3A_13 {offsets = [250, 0], sizes = [50, 1], strides = [1, 1]} : vector<400x1xf32> to vector<50x1xf32>
    %mul3A_528 = arith.mulf %slice3A_526, %slice3A_527 : vector<50x1xf32>
    %add3A_529 = vector.broadcast %mul3A_528 : vector<50x1xf32> to vector<50x50xf32>
    %add3A_530 = vector.broadcast %convert_element_type3A_525 : vector<1x50xf32> to vector<50x50xf32>
    %add3A_531 = arith.addf %add3A_529, %add3A_530 : vector<50x50xf32>
    %mul3A_532 = vector.broadcast %slice3A_526 : vector<50x1xf32> to vector<50x50xf32>
    %mul3A_533 = vector.broadcast %convert_element_type3A_525 : vector<1x50xf32> to vector<50x50xf32>
    %mul3A_534 = arith.mulf %mul3A_532, %mul3A_533 : vector<50x50xf32>
    %mul3A_535 = arith.constant 2.000000e+00 : f32
    %mul3A_536 = vector.broadcast %mul3A_535 : f32 to vector<50x50xf32>
    %mul3A_537 = arith.mulf %mul3A_536, %mul3A_534 : vector<50x50xf32>
    %mul3A_538 = arith.mulf %mul3A_537, %mul3A_516 : vector<50x50xf32>
    %sub3A_539 = arith.subf %add3A_531, %mul3A_538 : vector<50x50xf32>
    %reduce_min3A_540 = arith.constant dense<0x7F800000> : vector<50xf32>
    %reduce_min3A_541 = vector.multi_reduction <minimumf>, %sub3A_539, %reduce_min3A_540 [1] : vector<50x50xf32> to vector<50xf32>
    %reduce_sum3A_542 = vector.shape_cast %reduce_min3A_541 : vector<50xf32> to vector<1x50xf32>
    %reduce_sum3A_543 = arith.constant dense<0.000000e+00> : vector<1xf32>
    %reduce_sum3A_544 = vector.multi_reduction <add>, %reduce_sum3A_542, %reduce_sum3A_543 [1] : vector<1x50xf32> to vector<1xf32>
    %reduce_sum3A_545 = vector.shape_cast %reduce_sum3A_544 : vector<1xf32> to vector<1x1xf32>
    %reduce_sum3A_546 = vector.extract %reduce_sum3A_545[0, 0] : f32 from vector<1x1xf32>
    %reduce_min3A_547 = arith.constant dense<0x7F800000> : vector<50xf32>
    %reduce_min3A_548 = vector.multi_reduction <minimumf>, %sub3A_539, %reduce_min3A_547 [0] : vector<50x50xf32> to vector<50xf32>
    %reduce_sum3A_549 = vector.shape_cast %reduce_min3A_548 : vector<50xf32> to vector<1x50xf32>
    %reduce_sum3A_550 = arith.constant dense<0.000000e+00> : vector<1xf32>
    %reduce_sum3A_551 = vector.multi_reduction <add>, %reduce_sum3A_549, %reduce_sum3A_550 [1] : vector<1x50xf32> to vector<1xf32>
    %reduce_sum3A_552 = vector.shape_cast %reduce_sum3A_551 : vector<1xf32> to vector<1x1xf32>
    %reduce_sum3A_553 = vector.extract %reduce_sum3A_552[0, 0] : f32 from vector<1x1xf32>
    %add3A_554 = arith.addf %reduce_sum3A_546, %reduce_sum3A_553 : f32
    %div3A_555 = arith.constant 5.000000e+01 : f32
    %div3A_556 = arith.divf %add3A_554, %div3A_555 : f32
    %add3A_557 = arith.addf %add3A_466, %div3A_556 : f32
    %slice3A_558 = vector.extract_strided_slice %neg3A_42 {offsets = [250, 0], sizes = [50, 1], strides = [1, 1]} : vector<400x1xf32> to vector<50x1xf32>
    %slice3A_559 = vector.extract_strided_slice %convert_element_type3A_47 {offsets = [250, 0], sizes = [50, 1], strides = [1, 1]} : vector<400x1xf32> to vector<50x1xf32>
    %mul3A_560 = arith.mulf %slice3A_558, %slice3A_559 : vector<50x1xf32>
    %reduce_sum3A_561 = vector.shape_cast %mul3A_560 : vector<50x1xf32> to vector<1x50x1xf32>
    %reduce_sum3A_562 = arith.constant dense<0.000000e+00> : vector<1xf32>
    %reduce_sum3A_563 = vector.multi_reduction <add>, %reduce_sum3A_561, %reduce_sum3A_562 [1, 2] : vector<1x50x1xf32> to vector<1xf32>
    %reduce_sum3A_564 = vector.shape_cast %reduce_sum3A_563 : vector<1xf32> to vector<1x1x1xf32>
    %reduce_sum3A_565 = vector.extract %reduce_sum3A_564[0, 0, 0] : f32 from vector<1x1x1xf32>
    %mul3A_566 = arith.constant 5.000000e-01 : f32
    %mul3A_567 = arith.mulf %mul3A_566, %reduce_sum3A_565 : f32
    %reduce_sum3A_568 = vector.shape_cast %slice3A_559 : vector<50x1xf32> to vector<1x50x1xf32>
    %reduce_sum3A_569 = arith.constant dense<0.000000e+00> : vector<1xf32>
    %reduce_sum3A_570 = vector.multi_reduction <add>, %reduce_sum3A_568, %reduce_sum3A_569 [1, 2] : vector<1x50x1xf32> to vector<1xf32>
    %reduce_sum3A_571 = vector.shape_cast %reduce_sum3A_570 : vector<1xf32> to vector<1x1x1xf32>
    %reduce_sum3A_572 = vector.extract %reduce_sum3A_571[0, 0, 0] : f32 from vector<1x1x1xf32>
    %add3A_573 = arith.constant 9.99999993E-9 : f32
    %add3A_574 = arith.addf %reduce_sum3A_572, %add3A_573 : f32
    %div3A_575 = arith.divf %mul3A_567, %add3A_574 : f32
    %mul3A_576 = arith.mulf %slice3A_558, %slice3A_526 : vector<50x1xf32>
    %reduce_sum3A_577 = vector.shape_cast %mul3A_576 : vector<50x1xf32> to vector<1x50x1xf32>
    %reduce_sum3A_578 = arith.constant dense<0.000000e+00> : vector<1xf32>
    %reduce_sum3A_579 = vector.multi_reduction <add>, %reduce_sum3A_577, %reduce_sum3A_578 [1, 2] : vector<1x50x1xf32> to vector<1xf32>
    %reduce_sum3A_580 = vector.shape_cast %reduce_sum3A_579 : vector<1xf32> to vector<1x1x1xf32>
    %reduce_sum3A_581 = vector.extract %reduce_sum3A_580[0, 0, 0] : f32 from vector<1x1x1xf32>
    %mul3A_582 = arith.constant 5.000000e-01 : f32
    %mul3A_583 = arith.mulf %mul3A_582, %reduce_sum3A_581 : f32
    %reduce_sum3A_584 = vector.shape_cast %slice3A_526 : vector<50x1xf32> to vector<1x50x1xf32>
    %reduce_sum3A_585 = arith.constant dense<0.000000e+00> : vector<1xf32>
    %reduce_sum3A_586 = vector.multi_reduction <add>, %reduce_sum3A_584, %reduce_sum3A_585 [1, 2] : vector<1x50x1xf32> to vector<1xf32>
    %reduce_sum3A_587 = vector.shape_cast %reduce_sum3A_586 : vector<1xf32> to vector<1x1x1xf32>
    %reduce_sum3A_588 = vector.extract %reduce_sum3A_587[0, 0, 0] : f32 from vector<1x1x1xf32>
    %add3A_589 = arith.constant 9.99999993E-9 : f32
    %add3A_590 = arith.addf %reduce_sum3A_588, %add3A_589 : f32
    %div3A_591 = arith.divf %mul3A_583, %add3A_590 : f32
    %add3A_592 = arith.addf %div3A_575, %div3A_591 : f32
    %add3A_593 = arith.addf %add3A_502, %add3A_592 : f32
    %get3A_594 = arith.constant 6 : index
    %get3A_595 = arith.constant 0 : index
    %get3A_596 = vector.load %arg2[%get3A_594, %get3A_595] : memref<8x50xi32, #tpu.memory_space<vmem>>, vector<1x50xi32>
    %broadcast_in_dim3A_597 = vector.shape_cast %get3A_596 : vector<1x50xi32> to vector<1x50xi32>
    %broadcast_in_dim3A_598 = vector.broadcast %broadcast_in_dim3A_597 : vector<1x50xi32> to vector<1000x50xi32>
    %eq3A_599 = arith.cmpi eq, %iota3A, %broadcast_in_dim3A_598 : vector<1000x50xi32>
    %convert_element_type3A_600 = arith.extui %eq3A_599 : vector<1000x50xi1> to vector<1000x50xi32>
    %convert_element_type3A_601 = arith.sitofp %convert_element_type3A_600 : vector<1000x50xi32> to vector<1000x50xf32>
    %slice3A_602 = vector.extract_strided_slice %exp3A {offsets = [300, 0], sizes = [50, 1000], strides = [1, 1]} : vector<400x1000xf32> to vector<50x1000xf32>
    %dot_general3A_603 = arith.constant dense<0.000000e+00> : vector<50x50xf32>
    %dot_general3A_604 = tpu.matmul %slice3A_602, %convert_element_type3A_601, %dot_general3A_603 {dimension_numbers = #tpu.dot_dimension_numbers<[1], [0], [0], [1], [0, 0, 1, 1], [], []>, transpose_lhs_hint = false} : vector<50x1000xf32>, vector<1000x50xf32>, vector<50x50xf32> -> vector<50x50xf32>
    %slice3A_605 = vector.extract_strided_slice %div3A_9 {offsets = [300, 0], sizes = [50, 1], strides = [1, 1]} : vector<400x1xf32> to vector<50x1xf32>
    %mul3A_606 = vector.broadcast %slice3A_605 : vector<50x1xf32> to vector<50x50xf32>
    %mul3A_607 = arith.mulf %dot_general3A_604, %mul3A_606 : vector<50x50xf32>
    %ne3A_608 = arith.constant 1000 : i32
    %ne3A_609 = vector.broadcast %ne3A_608 : i32 to vector<1x50xi32>
    %ne3A_610 = arith.cmpi ne, %get3A_596, %ne3A_609 : vector<1x50xi32>
    %ne3A_611 = arith.constant 0 : i32
    %ne3A_612 = vector.broadcast %ne3A_611 : i32 to vector<1x50xi32>
    %ne3A_613 = arith.cmpi ne, %get3A_596, %ne3A_612 : vector<1x50xi32>
    %and3A_614 = arith.andi %ne3A_610, %ne3A_613 : vector<1x50xi1>
    %convert_element_type3A_615 = arith.extui %and3A_614 : vector<1x50xi1> to vector<1x50xi32>
    %convert_element_type3A_616 = arith.sitofp %convert_element_type3A_615 : vector<1x50xi32> to vector<1x50xf32>
    %slice3A_617 = vector.extract_strided_slice %convert_element_type3A_23 {offsets = [300, 0], sizes = [50, 1], strides = [1, 1]} : vector<400x1xf32> to vector<50x1xf32>
    %slice3A_618 = vector.extract_strided_slice %mul3A_13 {offsets = [300, 0], sizes = [50, 1], strides = [1, 1]} : vector<400x1xf32> to vector<50x1xf32>
    %mul3A_619 = arith.mulf %slice3A_617, %slice3A_618 : vector<50x1xf32>
    %add3A_620 = vector.broadcast %mul3A_619 : vector<50x1xf32> to vector<50x50xf32>
    %add3A_621 = vector.broadcast %convert_element_type3A_616 : vector<1x50xf32> to vector<50x50xf32>
    %add3A_622 = arith.addf %add3A_620, %add3A_621 : vector<50x50xf32>
    %mul3A_623 = vector.broadcast %slice3A_617 : vector<50x1xf32> to vector<50x50xf32>
    %mul3A_624 = vector.broadcast %convert_element_type3A_616 : vector<1x50xf32> to vector<50x50xf32>
    %mul3A_625 = arith.mulf %mul3A_623, %mul3A_624 : vector<50x50xf32>
    %mul3A_626 = arith.constant 2.000000e+00 : f32
    %mul3A_627 = vector.broadcast %mul3A_626 : f32 to vector<50x50xf32>
    %mul3A_628 = arith.mulf %mul3A_627, %mul3A_625 : vector<50x50xf32>
    %mul3A_629 = arith.mulf %mul3A_628, %mul3A_607 : vector<50x50xf32>
    %sub3A_630 = arith.subf %add3A_622, %mul3A_629 : vector<50x50xf32>
    %reduce_min3A_631 = arith.constant dense<0x7F800000> : vector<50xf32>
    %reduce_min3A_632 = vector.multi_reduction <minimumf>, %sub3A_630, %reduce_min3A_631 [1] : vector<50x50xf32> to vector<50xf32>
    %reduce_sum3A_633 = vector.shape_cast %reduce_min3A_632 : vector<50xf32> to vector<1x50xf32>
    %reduce_sum3A_634 = arith.constant dense<0.000000e+00> : vector<1xf32>
    %reduce_sum3A_635 = vector.multi_reduction <add>, %reduce_sum3A_633, %reduce_sum3A_634 [1] : vector<1x50xf32> to vector<1xf32>
    %reduce_sum3A_636 = vector.shape_cast %reduce_sum3A_635 : vector<1xf32> to vector<1x1xf32>
    %reduce_sum3A_637 = vector.extract %reduce_sum3A_636[0, 0] : f32 from vector<1x1xf32>
    %reduce_min3A_638 = arith.constant dense<0x7F800000> : vector<50xf32>
    %reduce_min3A_639 = vector.multi_reduction <minimumf>, %sub3A_630, %reduce_min3A_638 [0] : vector<50x50xf32> to vector<50xf32>
    %reduce_sum3A_640 = vector.shape_cast %reduce_min3A_639 : vector<50xf32> to vector<1x50xf32>
    %reduce_sum3A_641 = arith.constant dense<0.000000e+00> : vector<1xf32>
    %reduce_sum3A_642 = vector.multi_reduction <add>, %reduce_sum3A_640, %reduce_sum3A_641 [1] : vector<1x50xf32> to vector<1xf32>
    %reduce_sum3A_643 = vector.shape_cast %reduce_sum3A_642 : vector<1xf32> to vector<1x1xf32>
    %reduce_sum3A_644 = vector.extract %reduce_sum3A_643[0, 0] : f32 from vector<1x1xf32>
    %add3A_645 = arith.addf %reduce_sum3A_637, %reduce_sum3A_644 : f32
    %div3A_646 = arith.constant 5.000000e+01 : f32
    %div3A_647 = arith.divf %add3A_645, %div3A_646 : f32
    %add3A_648 = arith.addf %add3A_557, %div3A_647 : f32
    %slice3A_649 = vector.extract_strided_slice %neg3A_42 {offsets = [300, 0], sizes = [50, 1], strides = [1, 1]} : vector<400x1xf32> to vector<50x1xf32>
    %slice3A_650 = vector.extract_strided_slice %convert_element_type3A_47 {offsets = [300, 0], sizes = [50, 1], strides = [1, 1]} : vector<400x1xf32> to vector<50x1xf32>
    %mul3A_651 = arith.mulf %slice3A_649, %slice3A_650 : vector<50x1xf32>
    %reduce_sum3A_652 = vector.shape_cast %mul3A_651 : vector<50x1xf32> to vector<1x50x1xf32>
    %reduce_sum3A_653 = arith.constant dense<0.000000e+00> : vector<1xf32>
    %reduce_sum3A_654 = vector.multi_reduction <add>, %reduce_sum3A_652, %reduce_sum3A_653 [1, 2] : vector<1x50x1xf32> to vector<1xf32>
    %reduce_sum3A_655 = vector.shape_cast %reduce_sum3A_654 : vector<1xf32> to vector<1x1x1xf32>
    %reduce_sum3A_656 = vector.extract %reduce_sum3A_655[0, 0, 0] : f32 from vector<1x1x1xf32>
    %mul3A_657 = arith.constant 5.000000e-01 : f32
    %mul3A_658 = arith.mulf %mul3A_657, %reduce_sum3A_656 : f32
    %reduce_sum3A_659 = vector.shape_cast %slice3A_650 : vector<50x1xf32> to vector<1x50x1xf32>
    %reduce_sum3A_660 = arith.constant dense<0.000000e+00> : vector<1xf32>
    %reduce_sum3A_661 = vector.multi_reduction <add>, %reduce_sum3A_659, %reduce_sum3A_660 [1, 2] : vector<1x50x1xf32> to vector<1xf32>
    %reduce_sum3A_662 = vector.shape_cast %reduce_sum3A_661 : vector<1xf32> to vector<1x1x1xf32>
    %reduce_sum3A_663 = vector.extract %reduce_sum3A_662[0, 0, 0] : f32 from vector<1x1x1xf32>
    %add3A_664 = arith.constant 9.99999993E-9 : f32
    %add3A_665 = arith.addf %reduce_sum3A_663, %add3A_664 : f32
    %div3A_666 = arith.divf %mul3A_658, %add3A_665 : f32
    %mul3A_667 = arith.mulf %slice3A_649, %slice3A_617 : vector<50x1xf32>
    %reduce_sum3A_668 = vector.shape_cast %mul3A_667 : vector<50x1xf32> to vector<1x50x1xf32>
    %reduce_sum3A_669 = arith.constant dense<0.000000e+00> : vector<1xf32>
    %reduce_sum3A_670 = vector.multi_reduction <add>, %reduce_sum3A_668, %reduce_sum3A_669 [1, 2] : vector<1x50x1xf32> to vector<1xf32>
    %reduce_sum3A_671 = vector.shape_cast %reduce_sum3A_670 : vector<1xf32> to vector<1x1x1xf32>
    %reduce_sum3A_672 = vector.extract %reduce_sum3A_671[0, 0, 0] : f32 from vector<1x1x1xf32>
    %mul3A_673 = arith.constant 5.000000e-01 : f32
    %mul3A_674 = arith.mulf %mul3A_673, %reduce_sum3A_672 : f32
    %reduce_sum3A_675 = vector.shape_cast %slice3A_617 : vector<50x1xf32> to vector<1x50x1xf32>
    %reduce_sum3A_676 = arith.constant dense<0.000000e+00> : vector<1xf32>
    %reduce_sum3A_677 = vector.multi_reduction <add>, %reduce_sum3A_675, %reduce_sum3A_676 [1, 2] : vector<1x50x1xf32> to vector<1xf32>
    %reduce_sum3A_678 = vector.shape_cast %reduce_sum3A_677 : vector<1xf32> to vector<1x1x1xf32>
    %reduce_sum3A_679 = vector.extract %reduce_sum3A_678[0, 0, 0] : f32 from vector<1x1x1xf32>
    %add3A_680 = arith.constant 9.99999993E-9 : f32
    %add3A_681 = arith.addf %reduce_sum3A_679, %add3A_680 : f32
    %div3A_682 = arith.divf %mul3A_674, %add3A_681 : f32
    %add3A_683 = arith.addf %div3A_666, %div3A_682 : f32
    %add3A_684 = arith.addf %add3A_593, %add3A_683 : f32
    %get3A_685 = arith.constant 7 : index
    %get3A_686 = arith.constant 0 : index
    %get3A_687 = vector.load %arg2[%get3A_685, %get3A_686] : memref<8x50xi32, #tpu.memory_space<vmem>>, vector<1x50xi32>
    %broadcast_in_dim3A_688 = vector.shape_cast %get3A_687 : vector<1x50xi32> to vector<1x50xi32>
    %broadcast_in_dim3A_689 = vector.broadcast %broadcast_in_dim3A_688 : vector<1x50xi32> to vector<1000x50xi32>
    %eq3A_690 = arith.cmpi eq, %iota3A, %broadcast_in_dim3A_689 : vector<1000x50xi32>
    %convert_element_type3A_691 = arith.extui %eq3A_690 : vector<1000x50xi1> to vector<1000x50xi32>
    %convert_element_type3A_692 = arith.sitofp %convert_element_type3A_691 : vector<1000x50xi32> to vector<1000x50xf32>
    %slice3A_693 = vector.extract_strided_slice %exp3A {offsets = [350, 0], sizes = [50, 1000], strides = [1, 1]} : vector<400x1000xf32> to vector<50x1000xf32>
    %dot_general3A_694 = arith.constant dense<0.000000e+00> : vector<50x50xf32>
    %dot_general3A_695 = tpu.matmul %slice3A_693, %convert_element_type3A_692, %dot_general3A_694 {dimension_numbers = #tpu.dot_dimension_numbers<[1], [0], [0], [1], [0, 0, 1, 1], [], []>, transpose_lhs_hint = false} : vector<50x1000xf32>, vector<1000x50xf32>, vector<50x50xf32> -> vector<50x50xf32>
    %slice3A_696 = vector.extract_strided_slice %div3A_9 {offsets = [350, 0], sizes = [50, 1], strides = [1, 1]} : vector<400x1xf32> to vector<50x1xf32>
    %mul3A_697 = vector.broadcast %slice3A_696 : vector<50x1xf32> to vector<50x50xf32>
    %mul3A_698 = arith.mulf %dot_general3A_695, %mul3A_697 : vector<50x50xf32>
    %ne3A_699 = arith.constant 1000 : i32
    %ne3A_700 = vector.broadcast %ne3A_699 : i32 to vector<1x50xi32>
    %ne3A_701 = arith.cmpi ne, %get3A_687, %ne3A_700 : vector<1x50xi32>
    %ne3A_702 = arith.constant 0 : i32
    %ne3A_703 = vector.broadcast %ne3A_702 : i32 to vector<1x50xi32>
    %ne3A_704 = arith.cmpi ne, %get3A_687, %ne3A_703 : vector<1x50xi32>
    %and3A_705 = arith.andi %ne3A_701, %ne3A_704 : vector<1x50xi1>
    %convert_element_type3A_706 = arith.extui %and3A_705 : vector<1x50xi1> to vector<1x50xi32>
    %convert_element_type3A_707 = arith.sitofp %convert_element_type3A_706 : vector<1x50xi32> to vector<1x50xf32>
    %slice3A_708 = vector.extract_strided_slice %convert_element_type3A_23 {offsets = [350, 0], sizes = [50, 1], strides = [1, 1]} : vector<400x1xf32> to vector<50x1xf32>
    %slice3A_709 = vector.extract_strided_slice %mul3A_13 {offsets = [350, 0], sizes = [50, 1], strides = [1, 1]} : vector<400x1xf32> to vector<50x1xf32>
    %mul3A_710 = arith.mulf %slice3A_708, %slice3A_709 : vector<50x1xf32>
    %add3A_711 = vector.broadcast %mul3A_710 : vector<50x1xf32> to vector<50x50xf32>
    %add3A_712 = vector.broadcast %convert_element_type3A_707 : vector<1x50xf32> to vector<50x50xf32>
    %add3A_713 = arith.addf %add3A_711, %add3A_712 : vector<50x50xf32>
    %mul3A_714 = vector.broadcast %slice3A_708 : vector<50x1xf32> to vector<50x50xf32>
    %mul3A_715 = vector.broadcast %convert_element_type3A_707 : vector<1x50xf32> to vector<50x50xf32>
    %mul3A_716 = arith.mulf %mul3A_714, %mul3A_715 : vector<50x50xf32>
    %mul3A_717 = arith.constant 2.000000e+00 : f32
    %mul3A_718 = vector.broadcast %mul3A_717 : f32 to vector<50x50xf32>
    %mul3A_719 = arith.mulf %mul3A_718, %mul3A_716 : vector<50x50xf32>
    %mul3A_720 = arith.mulf %mul3A_719, %mul3A_698 : vector<50x50xf32>
    %sub3A_721 = arith.subf %add3A_713, %mul3A_720 : vector<50x50xf32>
    %reduce_min3A_722 = arith.constant dense<0x7F800000> : vector<50xf32>
    %reduce_min3A_723 = vector.multi_reduction <minimumf>, %sub3A_721, %reduce_min3A_722 [1] : vector<50x50xf32> to vector<50xf32>
    %reduce_sum3A_724 = vector.shape_cast %reduce_min3A_723 : vector<50xf32> to vector<1x50xf32>
    %reduce_sum3A_725 = arith.constant dense<0.000000e+00> : vector<1xf32>
    %reduce_sum3A_726 = vector.multi_reduction <add>, %reduce_sum3A_724, %reduce_sum3A_725 [1] : vector<1x50xf32> to vector<1xf32>
    %reduce_sum3A_727 = vector.shape_cast %reduce_sum3A_726 : vector<1xf32> to vector<1x1xf32>
    %reduce_sum3A_728 = vector.extract %reduce_sum3A_727[0, 0] : f32 from vector<1x1xf32>
    %reduce_min3A_729 = arith.constant dense<0x7F800000> : vector<50xf32>
    %reduce_min3A_730 = vector.multi_reduction <minimumf>, %sub3A_721, %reduce_min3A_729 [0] : vector<50x50xf32> to vector<50xf32>
    %reduce_sum3A_731 = vector.shape_cast %reduce_min3A_730 : vector<50xf32> to vector<1x50xf32>
    %reduce_sum3A_732 = arith.constant dense<0.000000e+00> : vector<1xf32>
    %reduce_sum3A_733 = vector.multi_reduction <add>, %reduce_sum3A_731, %reduce_sum3A_732 [1] : vector<1x50xf32> to vector<1xf32>
    %reduce_sum3A_734 = vector.shape_cast %reduce_sum3A_733 : vector<1xf32> to vector<1x1xf32>
    %reduce_sum3A_735 = vector.extract %reduce_sum3A_734[0, 0] : f32 from vector<1x1xf32>
    %add3A_736 = arith.addf %reduce_sum3A_728, %reduce_sum3A_735 : f32
    %div3A_737 = arith.constant 5.000000e+01 : f32
    %div3A_738 = arith.divf %add3A_736, %div3A_737 : f32
    %add3A_739 = arith.addf %add3A_648, %div3A_738 : f32
    %slice3A_740 = vector.extract_strided_slice %neg3A_42 {offsets = [350, 0], sizes = [50, 1], strides = [1, 1]} : vector<400x1xf32> to vector<50x1xf32>
    %slice3A_741 = vector.extract_strided_slice %convert_element_type3A_47 {offsets = [350, 0], sizes = [50, 1], strides = [1, 1]} : vector<400x1xf32> to vector<50x1xf32>
    %mul3A_742 = arith.mulf %slice3A_740, %slice3A_741 : vector<50x1xf32>
    %reduce_sum3A_743 = vector.shape_cast %mul3A_742 : vector<50x1xf32> to vector<1x50x1xf32>
    %reduce_sum3A_744 = arith.constant dense<0.000000e+00> : vector<1xf32>
    %reduce_sum3A_745 = vector.multi_reduction <add>, %reduce_sum3A_743, %reduce_sum3A_744 [1, 2] : vector<1x50x1xf32> to vector<1xf32>
    %reduce_sum3A_746 = vector.shape_cast %reduce_sum3A_745 : vector<1xf32> to vector<1x1x1xf32>
    %reduce_sum3A_747 = vector.extract %reduce_sum3A_746[0, 0, 0] : f32 from vector<1x1x1xf32>
    %mul3A_748 = arith.constant 5.000000e-01 : f32
    %mul3A_749 = arith.mulf %mul3A_748, %reduce_sum3A_747 : f32
    %reduce_sum3A_750 = vector.shape_cast %slice3A_741 : vector<50x1xf32> to vector<1x50x1xf32>
    %reduce_sum3A_751 = arith.constant dense<0.000000e+00> : vector<1xf32>
    %reduce_sum3A_752 = vector.multi_reduction <add>, %reduce_sum3A_750, %reduce_sum3A_751 [1, 2] : vector<1x50x1xf32> to vector<1xf32>
    %reduce_sum3A_753 = vector.shape_cast %reduce_sum3A_752 : vector<1xf32> to vector<1x1x1xf32>
    %reduce_sum3A_754 = vector.extract %reduce_sum3A_753[0, 0, 0] : f32 from vector<1x1x1xf32>
    %add3A_755 = arith.constant 9.99999993E-9 : f32
    %add3A_756 = arith.addf %reduce_sum3A_754, %add3A_755 : f32
    %div3A_757 = arith.divf %mul3A_749, %add3A_756 : f32
    %mul3A_758 = arith.mulf %slice3A_740, %slice3A_708 : vector<50x1xf32>
    %reduce_sum3A_759 = vector.shape_cast %mul3A_758 : vector<50x1xf32> to vector<1x50x1xf32>
    %reduce_sum3A_760 = arith.constant dense<0.000000e+00> : vector<1xf32>
    %reduce_sum3A_761 = vector.multi_reduction <add>, %reduce_sum3A_759, %reduce_sum3A_760 [1, 2] : vector<1x50x1xf32> to vector<1xf32>
    %reduce_sum3A_762 = vector.shape_cast %reduce_sum3A_761 : vector<1xf32> to vector<1x1x1xf32>
    %reduce_sum3A_763 = vector.extract %reduce_sum3A_762[0, 0, 0] : f32 from vector<1x1x1xf32>
    %mul3A_764 = arith.constant 5.000000e-01 : f32
    %mul3A_765 = arith.mulf %mul3A_764, %reduce_sum3A_763 : f32
    %reduce_sum3A_766 = vector.shape_cast %slice3A_708 : vector<50x1xf32> to vector<1x50x1xf32>
    %reduce_sum3A_767 = arith.constant dense<0.000000e+00> : vector<1xf32>
    %reduce_sum3A_768 = vector.multi_reduction <add>, %reduce_sum3A_766, %reduce_sum3A_767 [1, 2] : vector<1x50x1xf32> to vector<1xf32>
    %reduce_sum3A_769 = vector.shape_cast %reduce_sum3A_768 : vector<1xf32> to vector<1x1x1xf32>
    %reduce_sum3A_770 = vector.extract %reduce_sum3A_769[0, 0, 0] : f32 from vector<1x1x1xf32>
    %add3A_771 = arith.constant 9.99999993E-9 : f32
    %add3A_772 = arith.addf %reduce_sum3A_770, %add3A_771 : f32
    %div3A_773 = arith.divf %mul3A_765, %add3A_772 : f32
    %add3A_774 = arith.addf %div3A_757, %div3A_773 : f32
    %add3A_775 = arith.addf %add3A_684, %add3A_774 : f32
    %get3A_776 = arith.constant 0 : index
    %get3A_777 = arith.constant 0 : index
    %get3A_778 = vector.load %arg4[%get3A_776, %get3A_777] : memref<1x1xf32, #tpu.memory_space<vmem>>, vector<1x1xf32>
    %reshape3A = vector.broadcast %add3A_739 : f32 to vector<1x1xf32>
    %add3A_779 = arith.addf %get3A_778, %reshape3A : vector<1x1xf32>
    %swap3A = arith.constant 0 : index
    %swap3A_780 = arith.constant 0 : index
    %swap3A_781 = vector.load %arg4[%swap3A, %swap3A_780] : memref<1x1xf32, #tpu.memory_space<vmem>>, vector<1x1xf32>
    tpu.vector_store %arg4[%swap3A, %swap3A_780], %add3A_779 {strides = array<i32>} : memref<1x1xf32, #tpu.memory_space<vmem>>, vector<1x1xf32>,
    %get3A_782 = arith.constant 0 : index
    %get3A_783 = arith.constant 0 : index
    %get3A_784 = vector.load %arg5[%get3A_782, %get3A_783] : memref<1x1xf32, #tpu.memory_space<vmem>>, vector<1x1xf32>
    %reshape3A_785 = vector.broadcast %add3A_775 : f32 to vector<1x1xf32>
    %add3A_786 = arith.addf %get3A_784, %reshape3A_785 : vector<1x1xf32>
    %swap3A_787 = arith.constant 0 : index
    %swap3A_788 = arith.constant 0 : index
    %swap3A_789 = vector.load %arg5[%swap3A_787, %swap3A_788] : memref<1x1xf32, #tpu.memory_space<vmem>>, vector<1x1xf32>
    tpu.vector_store %arg5[%swap3A_787, %swap3A_788], %add3A_786 {strides = array<i32>} : memref<1x1xf32, #tpu.memory_space<vmem>>, vector<1x1xf32>,
    return
  }
  func.func @transform_0(%arg0: i32) -> (i32, i32) {
    %add3A = arith.constant 8 : i32
    %add3A_0 = arith.addi %add3A, %arg0 : i32
    %c0_i32 = arith.constant 0 : i32
    %c0_i32_1 = arith.constant 0 : i32
    return %add3A_0, %c0_i32 : i32, i32
  }
  func.func @transform_1(%arg0: i32) -> (i32, i32) {
    %add3A = arith.constant 8 : i32
    %add3A_0 = arith.addi %add3A, %arg0 : i32
    %c0_i32 = arith.constant 0 : i32
    %c0_i32_1 = arith.constant 0 : i32
    return %add3A_0, %c0_i32 : i32, i32
  }
  func.func @transform_2(%arg0: i32) -> (i32, i32) {
    %add3A = arith.constant 8 : i32
    %add3A_0 = arith.addi %add3A, %arg0 : i32
    %c0_i32 = arith.constant 0 : i32
    %c0_i32_1 = arith.constant 0 : i32
    return %add3A_0, %c0_i32 : i32, i32
  }
  func.func @transform_3(%arg0: i32) -> (i32, i32) {
    %c0_i32 = arith.constant 0 : i32
    %c0_i32_0 = arith.constant 0 : i32
    %c0_i32_1 = arith.constant 0 : i32
    return %c0_i32, %c0_i32_0 : i32, i32
  }
  func.func @transform_4(%arg0: i32) -> (i32, i32) {
    %c0_i32 = arith.constant 0 : i32
    %c0_i32_0 = arith.constant 0 : i32
    %c0_i32_1 = arith.constant 0 : i32
    return %c0_i32, %c0_i32_0 : i32, i32
  }
}

module attributes {stable_mosaic.version = 14 : i64} {
  func.func @_combine_body(%arg0: memref<1x1xf32, #tpu.memory_space<vmem>>, %arg1: memref<1x1xf32, #tpu.memory_space<vmem>>, %arg2: memref<512x1xf32, #tpu.memory_space<vmem>>, %arg3: memref<4096x1xf32, #tpu.memory_space<vmem>>, %arg4: memref<4096x1xi32, #tpu.memory_space<vmem>>, %arg5: memref<1x1xf32, #tpu.memory_space<vmem>>, %arg6: memref<1x1xf32, #tpu.memory_space<vmem>>) attributes {dimension_semantics = [], scalar_prefetch = 0 : i64, scratch_operands = 0 : i64, tpu.core_type = #tpu.core_type<tc>} {
    %get3A = arith.constant 0 : index
    %get3A_0 = arith.constant 0 : index
    %get3A_1 = vector.load %arg3[%get3A, %get3A_0] : memref<4096x1xf32, #tpu.memory_space<vmem>>, vector<4096x1xf32>
    %get3A_2 = arith.constant 0 : index
    %get3A_3 = arith.constant 0 : index
    %get3A_4 = vector.load %arg4[%get3A_2, %get3A_3] : memref<4096x1xi32, #tpu.memory_space<vmem>>, vector<4096x1xi32>
    %ne3A = arith.constant 1000 : i32
    %ne3A_5 = vector.broadcast %ne3A : i32 to vector<4096x1xi32>
    %ne3A_6 = arith.cmpi ne, %get3A_4, %ne3A_5 : vector<4096x1xi32>
    %ne3A_7 = arith.constant 0 : i32
    %ne3A_8 = vector.broadcast %ne3A_7 : i32 to vector<4096x1xi32>
    %ne3A_9 = arith.cmpi ne, %get3A_4, %ne3A_8 : vector<4096x1xi32>
    %and3A = arith.andi %ne3A_6, %ne3A_9 : vector<4096x1xi1>
    %convert_element_type3A = arith.extui %and3A : vector<4096x1xi1> to vector<4096x1xi32>
    %convert_element_type3A_10 = arith.sitofp %convert_element_type3A : vector<4096x1xi32> to vector<4096x1xf32>
    %eq3A = arith.constant 0 : i32
    %eq3A_11 = vector.broadcast %eq3A : i32 to vector<4096x1xi32>
    %eq3A_12 = arith.cmpi eq, %get3A_4, %eq3A_11 : vector<4096x1xi32>
    %convert_element_type3A_13 = arith.extui %eq3A_12 : vector<4096x1xi1> to vector<4096x1xi32>
    %convert_element_type3A_14 = arith.sitofp %convert_element_type3A_13 : vector<4096x1xi32> to vector<4096x1xf32>
    %log3A = math.log %get3A_1 : vector<4096x1xf32>
    %max3A = arith.constant -1.000000e+02 : f32
    %max3A_15 = vector.broadcast %max3A : f32 to vector<4096x1xf32>
    %max3A_16 = arith.maximumf %log3A, %max3A_15 : vector<4096x1xf32>
    %sub3A = arith.constant 1.000000e+00 : f32
    %sub3A_17 = vector.broadcast %sub3A : f32 to vector<4096x1xf32>
    %sub3A_18 = arith.subf %sub3A_17, %get3A_1 : vector<4096x1xf32>
    %log3A_19 = math.log %sub3A_18 : vector<4096x1xf32>
    %max3A_20 = arith.constant -1.000000e+02 : f32
    %max3A_21 = vector.broadcast %max3A_20 : f32 to vector<4096x1xf32>
    %max3A_22 = arith.maximumf %log3A_19, %max3A_21 : vector<4096x1xf32>
    %sub3A_23 = arith.constant 1.000000e+00 : f32
    %sub3A_24 = vector.broadcast %sub3A_23 : f32 to vector<4096x1xf32>
    %sub3A_25 = arith.subf %sub3A_24, %convert_element_type3A_10 : vector<4096x1xf32>
    %mul3A = arith.mulf %sub3A_25, %max3A_16 : vector<4096x1xf32>
    %sub3A_26 = arith.constant 1.000000e+00 : f32
    %sub3A_27 = vector.broadcast %sub3A_26 : f32 to vector<4096x1xf32>
    %sub3A_28 = arith.subf %sub3A_27, %sub3A_25 : vector<4096x1xf32>
    %mul3A_29 = arith.mulf %sub3A_28, %max3A_22 : vector<4096x1xf32>
    %add3A = arith.addf %mul3A, %mul3A_29 : vector<4096x1xf32>
    %neg3A = arith.constant 0.000000e+00 : f32
    %neg3A_30 = vector.broadcast %neg3A : f32 to vector<4096x1xf32>
    %neg3A_31 = arith.subf %neg3A_30, %add3A : vector<4096x1xf32>
    %slice3A = vector.extract_strided_slice %neg3A_31 {offsets = [0, 0], sizes = [64, 1], strides = [1, 1]} : vector<4096x1xf32> to vector<64x1xf32>
    %slice3A_32 = vector.extract_strided_slice %convert_element_type3A_14 {offsets = [0, 0], sizes = [64, 1], strides = [1, 1]} : vector<4096x1xf32> to vector<64x1xf32>
    %slice3A_33 = vector.extract_strided_slice %convert_element_type3A_10 {offsets = [0, 0], sizes = [64, 1], strides = [1, 1]} : vector<4096x1xf32> to vector<64x1xf32>
    %mul3A_34 = arith.mulf %slice3A, %slice3A_32 : vector<64x1xf32>
    %reduce_sum3A = vector.shape_cast %mul3A_34 : vector<64x1xf32> to vector<1x64x1xf32>
    %reduce_sum3A_35 = arith.constant dense<0.000000e+00> : vector<1xf32>
    %reduce_sum3A_36 = vector.multi_reduction <add>, %reduce_sum3A, %reduce_sum3A_35 [1, 2] : vector<1x64x1xf32> to vector<1xf32>
    %reduce_sum3A_37 = vector.shape_cast %reduce_sum3A_36 : vector<1xf32> to vector<1x1x1xf32>
    %reduce_sum3A_38 = vector.extract %reduce_sum3A_37[0, 0, 0] : f32 from vector<1x1x1xf32>
    %mul3A_39 = arith.constant 5.000000e-01 : f32
    %mul3A_40 = arith.mulf %mul3A_39, %reduce_sum3A_38 : f32
    %reduce_sum3A_41 = vector.shape_cast %slice3A_32 : vector<64x1xf32> to vector<1x64x1xf32>
    %reduce_sum3A_42 = arith.constant dense<0.000000e+00> : vector<1xf32>
    %reduce_sum3A_43 = vector.multi_reduction <add>, %reduce_sum3A_41, %reduce_sum3A_42 [1, 2] : vector<1x64x1xf32> to vector<1xf32>
    %reduce_sum3A_44 = vector.shape_cast %reduce_sum3A_43 : vector<1xf32> to vector<1x1x1xf32>
    %reduce_sum3A_45 = vector.extract %reduce_sum3A_44[0, 0, 0] : f32 from vector<1x1x1xf32>
    %add3A_46 = arith.constant 9.99999993E-9 : f32
    %add3A_47 = arith.addf %reduce_sum3A_45, %add3A_46 : f32
    %div3A = arith.divf %mul3A_40, %add3A_47 : f32
    %mul3A_48 = arith.mulf %slice3A, %slice3A_33 : vector<64x1xf32>
    %reduce_sum3A_49 = vector.shape_cast %mul3A_48 : vector<64x1xf32> to vector<1x64x1xf32>
    %reduce_sum3A_50 = arith.constant dense<0.000000e+00> : vector<1xf32>
    %reduce_sum3A_51 = vector.multi_reduction <add>, %reduce_sum3A_49, %reduce_sum3A_50 [1, 2] : vector<1x64x1xf32> to vector<1xf32>
    %reduce_sum3A_52 = vector.shape_cast %reduce_sum3A_51 : vector<1xf32> to vector<1x1x1xf32>
    %reduce_sum3A_53 = vector.extract %reduce_sum3A_52[0, 0, 0] : f32 from vector<1x1x1xf32>
    %mul3A_54 = arith.constant 5.000000e-01 : f32
    %mul3A_55 = arith.mulf %mul3A_54, %reduce_sum3A_53 : f32
    %reduce_sum3A_56 = vector.shape_cast %slice3A_33 : vector<64x1xf32> to vector<1x64x1xf32>
    %reduce_sum3A_57 = arith.constant dense<0.000000e+00> : vector<1xf32>
    %reduce_sum3A_58 = vector.multi_reduction <add>, %reduce_sum3A_56, %reduce_sum3A_57 [1, 2] : vector<1x64x1xf32> to vector<1xf32>
    %reduce_sum3A_59 = vector.shape_cast %reduce_sum3A_58 : vector<1xf32> to vector<1x1x1xf32>
    %reduce_sum3A_60 = vector.extract %reduce_sum3A_59[0, 0, 0] : f32 from vector<1x1x1xf32>
    %add3A_61 = arith.constant 9.99999993E-9 : f32
    %add3A_62 = arith.addf %reduce_sum3A_60, %add3A_61 : f32
    %div3A_63 = arith.divf %mul3A_55, %add3A_62 : f32
    %add3A_64 = arith.addf %div3A, %div3A_63 : f32
    %add3A_65 = arith.constant 0.000000e+00 : f32
    %add3A_66 = arith.addf %add3A_65, %add3A_64 : f32
    %slice3A_67 = vector.extract_strided_slice %neg3A_31 {offsets = [64, 0], sizes = [64, 1], strides = [1, 1]} : vector<4096x1xf32> to vector<64x1xf32>
    %slice3A_68 = vector.extract_strided_slice %convert_element_type3A_14 {offsets = [64, 0], sizes = [64, 1], strides = [1, 1]} : vector<4096x1xf32> to vector<64x1xf32>
    %slice3A_69 = vector.extract_strided_slice %convert_element_type3A_10 {offsets = [64, 0], sizes = [64, 1], strides = [1, 1]} : vector<4096x1xf32> to vector<64x1xf32>
    %mul3A_70 = arith.mulf %slice3A_67, %slice3A_68 : vector<64x1xf32>
    %reduce_sum3A_71 = vector.shape_cast %mul3A_70 : vector<64x1xf32> to vector<1x64x1xf32>
    %reduce_sum3A_72 = arith.constant dense<0.000000e+00> : vector<1xf32>
    %reduce_sum3A_73 = vector.multi_reduction <add>, %reduce_sum3A_71, %reduce_sum3A_72 [1, 2] : vector<1x64x1xf32> to vector<1xf32>
    %reduce_sum3A_74 = vector.shape_cast %reduce_sum3A_73 : vector<1xf32> to vector<1x1x1xf32>
    %reduce_sum3A_75 = vector.extract %reduce_sum3A_74[0, 0, 0] : f32 from vector<1x1x1xf32>
    %mul3A_76 = arith.constant 5.000000e-01 : f32
    %mul3A_77 = arith.mulf %mul3A_76, %reduce_sum3A_75 : f32
    %reduce_sum3A_78 = vector.shape_cast %slice3A_68 : vector<64x1xf32> to vector<1x64x1xf32>
    %reduce_sum3A_79 = arith.constant dense<0.000000e+00> : vector<1xf32>
    %reduce_sum3A_80 = vector.multi_reduction <add>, %reduce_sum3A_78, %reduce_sum3A_79 [1, 2] : vector<1x64x1xf32> to vector<1xf32>
    %reduce_sum3A_81 = vector.shape_cast %reduce_sum3A_80 : vector<1xf32> to vector<1x1x1xf32>
    %reduce_sum3A_82 = vector.extract %reduce_sum3A_81[0, 0, 0] : f32 from vector<1x1x1xf32>
    %add3A_83 = arith.constant 9.99999993E-9 : f32
    %add3A_84 = arith.addf %reduce_sum3A_82, %add3A_83 : f32
    %div3A_85 = arith.divf %mul3A_77, %add3A_84 : f32
    %mul3A_86 = arith.mulf %slice3A_67, %slice3A_69 : vector<64x1xf32>
    %reduce_sum3A_87 = vector.shape_cast %mul3A_86 : vector<64x1xf32> to vector<1x64x1xf32>
    %reduce_sum3A_88 = arith.constant dense<0.000000e+00> : vector<1xf32>
    %reduce_sum3A_89 = vector.multi_reduction <add>, %reduce_sum3A_87, %reduce_sum3A_88 [1, 2] : vector<1x64x1xf32> to vector<1xf32>
    %reduce_sum3A_90 = vector.shape_cast %reduce_sum3A_89 : vector<1xf32> to vector<1x1x1xf32>
    %reduce_sum3A_91 = vector.extract %reduce_sum3A_90[0, 0, 0] : f32 from vector<1x1x1xf32>
    %mul3A_92 = arith.constant 5.000000e-01 : f32
    %mul3A_93 = arith.mulf %mul3A_92, %reduce_sum3A_91 : f32
    %reduce_sum3A_94 = vector.shape_cast %slice3A_69 : vector<64x1xf32> to vector<1x64x1xf32>
    %reduce_sum3A_95 = arith.constant dense<0.000000e+00> : vector<1xf32>
    %reduce_sum3A_96 = vector.multi_reduction <add>, %reduce_sum3A_94, %reduce_sum3A_95 [1, 2] : vector<1x64x1xf32> to vector<1xf32>
    %reduce_sum3A_97 = vector.shape_cast %reduce_sum3A_96 : vector<1xf32> to vector<1x1x1xf32>
    %reduce_sum3A_98 = vector.extract %reduce_sum3A_97[0, 0, 0] : f32 from vector<1x1x1xf32>
    %add3A_99 = arith.constant 9.99999993E-9 : f32
    %add3A_100 = arith.addf %reduce_sum3A_98, %add3A_99 : f32
    %div3A_101 = arith.divf %mul3A_93, %add3A_100 : f32
    %add3A_102 = arith.addf %div3A_85, %div3A_101 : f32
    %add3A_103 = arith.addf %add3A_66, %add3A_102 : f32
    %slice3A_104 = vector.extract_strided_slice %neg3A_31 {offsets = [128, 0], sizes = [64, 1], strides = [1, 1]} : vector<4096x1xf32> to vector<64x1xf32>
    %slice3A_105 = vector.extract_strided_slice %convert_element_type3A_14 {offsets = [128, 0], sizes = [64, 1], strides = [1, 1]} : vector<4096x1xf32> to vector<64x1xf32>
    %slice3A_106 = vector.extract_strided_slice %convert_element_type3A_10 {offsets = [128, 0], sizes = [64, 1], strides = [1, 1]} : vector<4096x1xf32> to vector<64x1xf32>
    %mul3A_107 = arith.mulf %slice3A_104, %slice3A_105 : vector<64x1xf32>
    %reduce_sum3A_108 = vector.shape_cast %mul3A_107 : vector<64x1xf32> to vector<1x64x1xf32>
    %reduce_sum3A_109 = arith.constant dense<0.000000e+00> : vector<1xf32>
    %reduce_sum3A_110 = vector.multi_reduction <add>, %reduce_sum3A_108, %reduce_sum3A_109 [1, 2] : vector<1x64x1xf32> to vector<1xf32>
    %reduce_sum3A_111 = vector.shape_cast %reduce_sum3A_110 : vector<1xf32> to vector<1x1x1xf32>
    %reduce_sum3A_112 = vector.extract %reduce_sum3A_111[0, 0, 0] : f32 from vector<1x1x1xf32>
    %mul3A_113 = arith.constant 5.000000e-01 : f32
    %mul3A_114 = arith.mulf %mul3A_113, %reduce_sum3A_112 : f32
    %reduce_sum3A_115 = vector.shape_cast %slice3A_105 : vector<64x1xf32> to vector<1x64x1xf32>
    %reduce_sum3A_116 = arith.constant dense<0.000000e+00> : vector<1xf32>
    %reduce_sum3A_117 = vector.multi_reduction <add>, %reduce_sum3A_115, %reduce_sum3A_116 [1, 2] : vector<1x64x1xf32> to vector<1xf32>
    %reduce_sum3A_118 = vector.shape_cast %reduce_sum3A_117 : vector<1xf32> to vector<1x1x1xf32>
    %reduce_sum3A_119 = vector.extract %reduce_sum3A_118[0, 0, 0] : f32 from vector<1x1x1xf32>
    %add3A_120 = arith.constant 9.99999993E-9 : f32
    %add3A_121 = arith.addf %reduce_sum3A_119, %add3A_120 : f32
    %div3A_122 = arith.divf %mul3A_114, %add3A_121 : f32
    %mul3A_123 = arith.mulf %slice3A_104, %slice3A_106 : vector<64x1xf32>
    %reduce_sum3A_124 = vector.shape_cast %mul3A_123 : vector<64x1xf32> to vector<1x64x1xf32>
    %reduce_sum3A_125 = arith.constant dense<0.000000e+00> : vector<1xf32>
    %reduce_sum3A_126 = vector.multi_reduction <add>, %reduce_sum3A_124, %reduce_sum3A_125 [1, 2] : vector<1x64x1xf32> to vector<1xf32>
    %reduce_sum3A_127 = vector.shape_cast %reduce_sum3A_126 : vector<1xf32> to vector<1x1x1xf32>
    %reduce_sum3A_128 = vector.extract %reduce_sum3A_127[0, 0, 0] : f32 from vector<1x1x1xf32>
    %mul3A_129 = arith.constant 5.000000e-01 : f32
    %mul3A_130 = arith.mulf %mul3A_129, %reduce_sum3A_128 : f32
    %reduce_sum3A_131 = vector.shape_cast %slice3A_106 : vector<64x1xf32> to vector<1x64x1xf32>
    %reduce_sum3A_132 = arith.constant dense<0.000000e+00> : vector<1xf32>
    %reduce_sum3A_133 = vector.multi_reduction <add>, %reduce_sum3A_131, %reduce_sum3A_132 [1, 2] : vector<1x64x1xf32> to vector<1xf32>
    %reduce_sum3A_134 = vector.shape_cast %reduce_sum3A_133 : vector<1xf32> to vector<1x1x1xf32>
    %reduce_sum3A_135 = vector.extract %reduce_sum3A_134[0, 0, 0] : f32 from vector<1x1x1xf32>
    %add3A_136 = arith.constant 9.99999993E-9 : f32
    %add3A_137 = arith.addf %reduce_sum3A_135, %add3A_136 : f32
    %div3A_138 = arith.divf %mul3A_130, %add3A_137 : f32
    %add3A_139 = arith.addf %div3A_122, %div3A_138 : f32
    %add3A_140 = arith.addf %add3A_103, %add3A_139 : f32
    %slice3A_141 = vector.extract_strided_slice %neg3A_31 {offsets = [192, 0], sizes = [64, 1], strides = [1, 1]} : vector<4096x1xf32> to vector<64x1xf32>
    %slice3A_142 = vector.extract_strided_slice %convert_element_type3A_14 {offsets = [192, 0], sizes = [64, 1], strides = [1, 1]} : vector<4096x1xf32> to vector<64x1xf32>
    %slice3A_143 = vector.extract_strided_slice %convert_element_type3A_10 {offsets = [192, 0], sizes = [64, 1], strides = [1, 1]} : vector<4096x1xf32> to vector<64x1xf32>
    %mul3A_144 = arith.mulf %slice3A_141, %slice3A_142 : vector<64x1xf32>
    %reduce_sum3A_145 = vector.shape_cast %mul3A_144 : vector<64x1xf32> to vector<1x64x1xf32>
    %reduce_sum3A_146 = arith.constant dense<0.000000e+00> : vector<1xf32>
    %reduce_sum3A_147 = vector.multi_reduction <add>, %reduce_sum3A_145, %reduce_sum3A_146 [1, 2] : vector<1x64x1xf32> to vector<1xf32>
    %reduce_sum3A_148 = vector.shape_cast %reduce_sum3A_147 : vector<1xf32> to vector<1x1x1xf32>
    %reduce_sum3A_149 = vector.extract %reduce_sum3A_148[0, 0, 0] : f32 from vector<1x1x1xf32>
    %mul3A_150 = arith.constant 5.000000e-01 : f32
    %mul3A_151 = arith.mulf %mul3A_150, %reduce_sum3A_149 : f32
    %reduce_sum3A_152 = vector.shape_cast %slice3A_142 : vector<64x1xf32> to vector<1x64x1xf32>
    %reduce_sum3A_153 = arith.constant dense<0.000000e+00> : vector<1xf32>
    %reduce_sum3A_154 = vector.multi_reduction <add>, %reduce_sum3A_152, %reduce_sum3A_153 [1, 2] : vector<1x64x1xf32> to vector<1xf32>
    %reduce_sum3A_155 = vector.shape_cast %reduce_sum3A_154 : vector<1xf32> to vector<1x1x1xf32>
    %reduce_sum3A_156 = vector.extract %reduce_sum3A_155[0, 0, 0] : f32 from vector<1x1x1xf32>
    %add3A_157 = arith.constant 9.99999993E-9 : f32
    %add3A_158 = arith.addf %reduce_sum3A_156, %add3A_157 : f32
    %div3A_159 = arith.divf %mul3A_151, %add3A_158 : f32
    %mul3A_160 = arith.mulf %slice3A_141, %slice3A_143 : vector<64x1xf32>
    %reduce_sum3A_161 = vector.shape_cast %mul3A_160 : vector<64x1xf32> to vector<1x64x1xf32>
    %reduce_sum3A_162 = arith.constant dense<0.000000e+00> : vector<1xf32>
    %reduce_sum3A_163 = vector.multi_reduction <add>, %reduce_sum3A_161, %reduce_sum3A_162 [1, 2] : vector<1x64x1xf32> to vector<1xf32>
    %reduce_sum3A_164 = vector.shape_cast %reduce_sum3A_163 : vector<1xf32> to vector<1x1x1xf32>
    %reduce_sum3A_165 = vector.extract %reduce_sum3A_164[0, 0, 0] : f32 from vector<1x1x1xf32>
    %mul3A_166 = arith.constant 5.000000e-01 : f32
    %mul3A_167 = arith.mulf %mul3A_166, %reduce_sum3A_165 : f32
    %reduce_sum3A_168 = vector.shape_cast %slice3A_143 : vector<64x1xf32> to vector<1x64x1xf32>
    %reduce_sum3A_169 = arith.constant dense<0.000000e+00> : vector<1xf32>
    %reduce_sum3A_170 = vector.multi_reduction <add>, %reduce_sum3A_168, %reduce_sum3A_169 [1, 2] : vector<1x64x1xf32> to vector<1xf32>
    %reduce_sum3A_171 = vector.shape_cast %reduce_sum3A_170 : vector<1xf32> to vector<1x1x1xf32>
    %reduce_sum3A_172 = vector.extract %reduce_sum3A_171[0, 0, 0] : f32 from vector<1x1x1xf32>
    %add3A_173 = arith.constant 9.99999993E-9 : f32
    %add3A_174 = arith.addf %reduce_sum3A_172, %add3A_173 : f32
    %div3A_175 = arith.divf %mul3A_167, %add3A_174 : f32
    %add3A_176 = arith.addf %div3A_159, %div3A_175 : f32
    %add3A_177 = arith.addf %add3A_140, %add3A_176 : f32
    %slice3A_178 = vector.extract_strided_slice %neg3A_31 {offsets = [256, 0], sizes = [64, 1], strides = [1, 1]} : vector<4096x1xf32> to vector<64x1xf32>
    %slice3A_179 = vector.extract_strided_slice %convert_element_type3A_14 {offsets = [256, 0], sizes = [64, 1], strides = [1, 1]} : vector<4096x1xf32> to vector<64x1xf32>
    %slice3A_180 = vector.extract_strided_slice %convert_element_type3A_10 {offsets = [256, 0], sizes = [64, 1], strides = [1, 1]} : vector<4096x1xf32> to vector<64x1xf32>
    %mul3A_181 = arith.mulf %slice3A_178, %slice3A_179 : vector<64x1xf32>
    %reduce_sum3A_182 = vector.shape_cast %mul3A_181 : vector<64x1xf32> to vector<1x64x1xf32>
    %reduce_sum3A_183 = arith.constant dense<0.000000e+00> : vector<1xf32>
    %reduce_sum3A_184 = vector.multi_reduction <add>, %reduce_sum3A_182, %reduce_sum3A_183 [1, 2] : vector<1x64x1xf32> to vector<1xf32>
    %reduce_sum3A_185 = vector.shape_cast %reduce_sum3A_184 : vector<1xf32> to vector<1x1x1xf32>
    %reduce_sum3A_186 = vector.extract %reduce_sum3A_185[0, 0, 0] : f32 from vector<1x1x1xf32>
    %mul3A_187 = arith.constant 5.000000e-01 : f32
    %mul3A_188 = arith.mulf %mul3A_187, %reduce_sum3A_186 : f32
    %reduce_sum3A_189 = vector.shape_cast %slice3A_179 : vector<64x1xf32> to vector<1x64x1xf32>
    %reduce_sum3A_190 = arith.constant dense<0.000000e+00> : vector<1xf32>
    %reduce_sum3A_191 = vector.multi_reduction <add>, %reduce_sum3A_189, %reduce_sum3A_190 [1, 2] : vector<1x64x1xf32> to vector<1xf32>
    %reduce_sum3A_192 = vector.shape_cast %reduce_sum3A_191 : vector<1xf32> to vector<1x1x1xf32>
    %reduce_sum3A_193 = vector.extract %reduce_sum3A_192[0, 0, 0] : f32 from vector<1x1x1xf32>
    %add3A_194 = arith.constant 9.99999993E-9 : f32
    %add3A_195 = arith.addf %reduce_sum3A_193, %add3A_194 : f32
    %div3A_196 = arith.divf %mul3A_188, %add3A_195 : f32
    %mul3A_197 = arith.mulf %slice3A_178, %slice3A_180 : vector<64x1xf32>
    %reduce_sum3A_198 = vector.shape_cast %mul3A_197 : vector<64x1xf32> to vector<1x64x1xf32>
    %reduce_sum3A_199 = arith.constant dense<0.000000e+00> : vector<1xf32>
    %reduce_sum3A_200 = vector.multi_reduction <add>, %reduce_sum3A_198, %reduce_sum3A_199 [1, 2] : vector<1x64x1xf32> to vector<1xf32>
    %reduce_sum3A_201 = vector.shape_cast %reduce_sum3A_200 : vector<1xf32> to vector<1x1x1xf32>
    %reduce_sum3A_202 = vector.extract %reduce_sum3A_201[0, 0, 0] : f32 from vector<1x1x1xf32>
    %mul3A_203 = arith.constant 5.000000e-01 : f32
    %mul3A_204 = arith.mulf %mul3A_203, %reduce_sum3A_202 : f32
    %reduce_sum3A_205 = vector.shape_cast %slice3A_180 : vector<64x1xf32> to vector<1x64x1xf32>
    %reduce_sum3A_206 = arith.constant dense<0.000000e+00> : vector<1xf32>
    %reduce_sum3A_207 = vector.multi_reduction <add>, %reduce_sum3A_205, %reduce_sum3A_206 [1, 2] : vector<1x64x1xf32> to vector<1xf32>
    %reduce_sum3A_208 = vector.shape_cast %reduce_sum3A_207 : vector<1xf32> to vector<1x1x1xf32>
    %reduce_sum3A_209 = vector.extract %reduce_sum3A_208[0, 0, 0] : f32 from vector<1x1x1xf32>
    %add3A_210 = arith.constant 9.99999993E-9 : f32
    %add3A_211 = arith.addf %reduce_sum3A_209, %add3A_210 : f32
    %div3A_212 = arith.divf %mul3A_204, %add3A_211 : f32
    %add3A_213 = arith.addf %div3A_196, %div3A_212 : f32
    %add3A_214 = arith.addf %add3A_177, %add3A_213 : f32
    %slice3A_215 = vector.extract_strided_slice %neg3A_31 {offsets = [320, 0], sizes = [64, 1], strides = [1, 1]} : vector<4096x1xf32> to vector<64x1xf32>
    %slice3A_216 = vector.extract_strided_slice %convert_element_type3A_14 {offsets = [320, 0], sizes = [64, 1], strides = [1, 1]} : vector<4096x1xf32> to vector<64x1xf32>
    %slice3A_217 = vector.extract_strided_slice %convert_element_type3A_10 {offsets = [320, 0], sizes = [64, 1], strides = [1, 1]} : vector<4096x1xf32> to vector<64x1xf32>
    %mul3A_218 = arith.mulf %slice3A_215, %slice3A_216 : vector<64x1xf32>
    %reduce_sum3A_219 = vector.shape_cast %mul3A_218 : vector<64x1xf32> to vector<1x64x1xf32>
    %reduce_sum3A_220 = arith.constant dense<0.000000e+00> : vector<1xf32>
    %reduce_sum3A_221 = vector.multi_reduction <add>, %reduce_sum3A_219, %reduce_sum3A_220 [1, 2] : vector<1x64x1xf32> to vector<1xf32>
    %reduce_sum3A_222 = vector.shape_cast %reduce_sum3A_221 : vector<1xf32> to vector<1x1x1xf32>
    %reduce_sum3A_223 = vector.extract %reduce_sum3A_222[0, 0, 0] : f32 from vector<1x1x1xf32>
    %mul3A_224 = arith.constant 5.000000e-01 : f32
    %mul3A_225 = arith.mulf %mul3A_224, %reduce_sum3A_223 : f32
    %reduce_sum3A_226 = vector.shape_cast %slice3A_216 : vector<64x1xf32> to vector<1x64x1xf32>
    %reduce_sum3A_227 = arith.constant dense<0.000000e+00> : vector<1xf32>
    %reduce_sum3A_228 = vector.multi_reduction <add>, %reduce_sum3A_226, %reduce_sum3A_227 [1, 2] : vector<1x64x1xf32> to vector<1xf32>
    %reduce_sum3A_229 = vector.shape_cast %reduce_sum3A_228 : vector<1xf32> to vector<1x1x1xf32>
    %reduce_sum3A_230 = vector.extract %reduce_sum3A_229[0, 0, 0] : f32 from vector<1x1x1xf32>
    %add3A_231 = arith.constant 9.99999993E-9 : f32
    %add3A_232 = arith.addf %reduce_sum3A_230, %add3A_231 : f32
    %div3A_233 = arith.divf %mul3A_225, %add3A_232 : f32
    %mul3A_234 = arith.mulf %slice3A_215, %slice3A_217 : vector<64x1xf32>
    %reduce_sum3A_235 = vector.shape_cast %mul3A_234 : vector<64x1xf32> to vector<1x64x1xf32>
    %reduce_sum3A_236 = arith.constant dense<0.000000e+00> : vector<1xf32>
    %reduce_sum3A_237 = vector.multi_reduction <add>, %reduce_sum3A_235, %reduce_sum3A_236 [1, 2] : vector<1x64x1xf32> to vector<1xf32>
    %reduce_sum3A_238 = vector.shape_cast %reduce_sum3A_237 : vector<1xf32> to vector<1x1x1xf32>
    %reduce_sum3A_239 = vector.extract %reduce_sum3A_238[0, 0, 0] : f32 from vector<1x1x1xf32>
    %mul3A_240 = arith.constant 5.000000e-01 : f32
    %mul3A_241 = arith.mulf %mul3A_240, %reduce_sum3A_239 : f32
    %reduce_sum3A_242 = vector.shape_cast %slice3A_217 : vector<64x1xf32> to vector<1x64x1xf32>
    %reduce_sum3A_243 = arith.constant dense<0.000000e+00> : vector<1xf32>
    %reduce_sum3A_244 = vector.multi_reduction <add>, %reduce_sum3A_242, %reduce_sum3A_243 [1, 2] : vector<1x64x1xf32> to vector<1xf32>
    %reduce_sum3A_245 = vector.shape_cast %reduce_sum3A_244 : vector<1xf32> to vector<1x1x1xf32>
    %reduce_sum3A_246 = vector.extract %reduce_sum3A_245[0, 0, 0] : f32 from vector<1x1x1xf32>
    %add3A_247 = arith.constant 9.99999993E-9 : f32
    %add3A_248 = arith.addf %reduce_sum3A_246, %add3A_247 : f32
    %div3A_249 = arith.divf %mul3A_241, %add3A_248 : f32
    %add3A_250 = arith.addf %div3A_233, %div3A_249 : f32
    %add3A_251 = arith.addf %add3A_214, %add3A_250 : f32
    %slice3A_252 = vector.extract_strided_slice %neg3A_31 {offsets = [384, 0], sizes = [64, 1], strides = [1, 1]} : vector<4096x1xf32> to vector<64x1xf32>
    %slice3A_253 = vector.extract_strided_slice %convert_element_type3A_14 {offsets = [384, 0], sizes = [64, 1], strides = [1, 1]} : vector<4096x1xf32> to vector<64x1xf32>
    %slice3A_254 = vector.extract_strided_slice %convert_element_type3A_10 {offsets = [384, 0], sizes = [64, 1], strides = [1, 1]} : vector<4096x1xf32> to vector<64x1xf32>
    %mul3A_255 = arith.mulf %slice3A_252, %slice3A_253 : vector<64x1xf32>
    %reduce_sum3A_256 = vector.shape_cast %mul3A_255 : vector<64x1xf32> to vector<1x64x1xf32>
    %reduce_sum3A_257 = arith.constant dense<0.000000e+00> : vector<1xf32>
    %reduce_sum3A_258 = vector.multi_reduction <add>, %reduce_sum3A_256, %reduce_sum3A_257 [1, 2] : vector<1x64x1xf32> to vector<1xf32>
    %reduce_sum3A_259 = vector.shape_cast %reduce_sum3A_258 : vector<1xf32> to vector<1x1x1xf32>
    %reduce_sum3A_260 = vector.extract %reduce_sum3A_259[0, 0, 0] : f32 from vector<1x1x1xf32>
    %mul3A_261 = arith.constant 5.000000e-01 : f32
    %mul3A_262 = arith.mulf %mul3A_261, %reduce_sum3A_260 : f32
    %reduce_sum3A_263 = vector.shape_cast %slice3A_253 : vector<64x1xf32> to vector<1x64x1xf32>
    %reduce_sum3A_264 = arith.constant dense<0.000000e+00> : vector<1xf32>
    %reduce_sum3A_265 = vector.multi_reduction <add>, %reduce_sum3A_263, %reduce_sum3A_264 [1, 2] : vector<1x64x1xf32> to vector<1xf32>
    %reduce_sum3A_266 = vector.shape_cast %reduce_sum3A_265 : vector<1xf32> to vector<1x1x1xf32>
    %reduce_sum3A_267 = vector.extract %reduce_sum3A_266[0, 0, 0] : f32 from vector<1x1x1xf32>
    %add3A_268 = arith.constant 9.99999993E-9 : f32
    %add3A_269 = arith.addf %reduce_sum3A_267, %add3A_268 : f32
    %div3A_270 = arith.divf %mul3A_262, %add3A_269 : f32
    %mul3A_271 = arith.mulf %slice3A_252, %slice3A_254 : vector<64x1xf32>
    %reduce_sum3A_272 = vector.shape_cast %mul3A_271 : vector<64x1xf32> to vector<1x64x1xf32>
    %reduce_sum3A_273 = arith.constant dense<0.000000e+00> : vector<1xf32>
    %reduce_sum3A_274 = vector.multi_reduction <add>, %reduce_sum3A_272, %reduce_sum3A_273 [1, 2] : vector<1x64x1xf32> to vector<1xf32>
    %reduce_sum3A_275 = vector.shape_cast %reduce_sum3A_274 : vector<1xf32> to vector<1x1x1xf32>
    %reduce_sum3A_276 = vector.extract %reduce_sum3A_275[0, 0, 0] : f32 from vector<1x1x1xf32>
    %mul3A_277 = arith.constant 5.000000e-01 : f32
    %mul3A_278 = arith.mulf %mul3A_277, %reduce_sum3A_276 : f32
    %reduce_sum3A_279 = vector.shape_cast %slice3A_254 : vector<64x1xf32> to vector<1x64x1xf32>
    %reduce_sum3A_280 = arith.constant dense<0.000000e+00> : vector<1xf32>
    %reduce_sum3A_281 = vector.multi_reduction <add>, %reduce_sum3A_279, %reduce_sum3A_280 [1, 2] : vector<1x64x1xf32> to vector<1xf32>
    %reduce_sum3A_282 = vector.shape_cast %reduce_sum3A_281 : vector<1xf32> to vector<1x1x1xf32>
    %reduce_sum3A_283 = vector.extract %reduce_sum3A_282[0, 0, 0] : f32 from vector<1x1x1xf32>
    %add3A_284 = arith.constant 9.99999993E-9 : f32
    %add3A_285 = arith.addf %reduce_sum3A_283, %add3A_284 : f32
    %div3A_286 = arith.divf %mul3A_278, %add3A_285 : f32
    %add3A_287 = arith.addf %div3A_270, %div3A_286 : f32
    %add3A_288 = arith.addf %add3A_251, %add3A_287 : f32
    %slice3A_289 = vector.extract_strided_slice %neg3A_31 {offsets = [448, 0], sizes = [64, 1], strides = [1, 1]} : vector<4096x1xf32> to vector<64x1xf32>
    %slice3A_290 = vector.extract_strided_slice %convert_element_type3A_14 {offsets = [448, 0], sizes = [64, 1], strides = [1, 1]} : vector<4096x1xf32> to vector<64x1xf32>
    %slice3A_291 = vector.extract_strided_slice %convert_element_type3A_10 {offsets = [448, 0], sizes = [64, 1], strides = [1, 1]} : vector<4096x1xf32> to vector<64x1xf32>
    %mul3A_292 = arith.mulf %slice3A_289, %slice3A_290 : vector<64x1xf32>
    %reduce_sum3A_293 = vector.shape_cast %mul3A_292 : vector<64x1xf32> to vector<1x64x1xf32>
    %reduce_sum3A_294 = arith.constant dense<0.000000e+00> : vector<1xf32>
    %reduce_sum3A_295 = vector.multi_reduction <add>, %reduce_sum3A_293, %reduce_sum3A_294 [1, 2] : vector<1x64x1xf32> to vector<1xf32>
    %reduce_sum3A_296 = vector.shape_cast %reduce_sum3A_295 : vector<1xf32> to vector<1x1x1xf32>
    %reduce_sum3A_297 = vector.extract %reduce_sum3A_296[0, 0, 0] : f32 from vector<1x1x1xf32>
    %mul3A_298 = arith.constant 5.000000e-01 : f32
    %mul3A_299 = arith.mulf %mul3A_298, %reduce_sum3A_297 : f32
    %reduce_sum3A_300 = vector.shape_cast %slice3A_290 : vector<64x1xf32> to vector<1x64x1xf32>
    %reduce_sum3A_301 = arith.constant dense<0.000000e+00> : vector<1xf32>
    %reduce_sum3A_302 = vector.multi_reduction <add>, %reduce_sum3A_300, %reduce_sum3A_301 [1, 2] : vector<1x64x1xf32> to vector<1xf32>
    %reduce_sum3A_303 = vector.shape_cast %reduce_sum3A_302 : vector<1xf32> to vector<1x1x1xf32>
    %reduce_sum3A_304 = vector.extract %reduce_sum3A_303[0, 0, 0] : f32 from vector<1x1x1xf32>
    %add3A_305 = arith.constant 9.99999993E-9 : f32
    %add3A_306 = arith.addf %reduce_sum3A_304, %add3A_305 : f32
    %div3A_307 = arith.divf %mul3A_299, %add3A_306 : f32
    %mul3A_308 = arith.mulf %slice3A_289, %slice3A_291 : vector<64x1xf32>
    %reduce_sum3A_309 = vector.shape_cast %mul3A_308 : vector<64x1xf32> to vector<1x64x1xf32>
    %reduce_sum3A_310 = arith.constant dense<0.000000e+00> : vector<1xf32>
    %reduce_sum3A_311 = vector.multi_reduction <add>, %reduce_sum3A_309, %reduce_sum3A_310 [1, 2] : vector<1x64x1xf32> to vector<1xf32>
    %reduce_sum3A_312 = vector.shape_cast %reduce_sum3A_311 : vector<1xf32> to vector<1x1x1xf32>
    %reduce_sum3A_313 = vector.extract %reduce_sum3A_312[0, 0, 0] : f32 from vector<1x1x1xf32>
    %mul3A_314 = arith.constant 5.000000e-01 : f32
    %mul3A_315 = arith.mulf %mul3A_314, %reduce_sum3A_313 : f32
    %reduce_sum3A_316 = vector.shape_cast %slice3A_291 : vector<64x1xf32> to vector<1x64x1xf32>
    %reduce_sum3A_317 = arith.constant dense<0.000000e+00> : vector<1xf32>
    %reduce_sum3A_318 = vector.multi_reduction <add>, %reduce_sum3A_316, %reduce_sum3A_317 [1, 2] : vector<1x64x1xf32> to vector<1xf32>
    %reduce_sum3A_319 = vector.shape_cast %reduce_sum3A_318 : vector<1xf32> to vector<1x1x1xf32>
    %reduce_sum3A_320 = vector.extract %reduce_sum3A_319[0, 0, 0] : f32 from vector<1x1x1xf32>
    %add3A_321 = arith.constant 9.99999993E-9 : f32
    %add3A_322 = arith.addf %reduce_sum3A_320, %add3A_321 : f32
    %div3A_323 = arith.divf %mul3A_315, %add3A_322 : f32
    %add3A_324 = arith.addf %div3A_307, %div3A_323 : f32
    %add3A_325 = arith.addf %add3A_288, %add3A_324 : f32
    %slice3A_326 = vector.extract_strided_slice %neg3A_31 {offsets = [512, 0], sizes = [64, 1], strides = [1, 1]} : vector<4096x1xf32> to vector<64x1xf32>
    %slice3A_327 = vector.extract_strided_slice %convert_element_type3A_14 {offsets = [512, 0], sizes = [64, 1], strides = [1, 1]} : vector<4096x1xf32> to vector<64x1xf32>
    %slice3A_328 = vector.extract_strided_slice %convert_element_type3A_10 {offsets = [512, 0], sizes = [64, 1], strides = [1, 1]} : vector<4096x1xf32> to vector<64x1xf32>
    %mul3A_329 = arith.mulf %slice3A_326, %slice3A_327 : vector<64x1xf32>
    %reduce_sum3A_330 = vector.shape_cast %mul3A_329 : vector<64x1xf32> to vector<1x64x1xf32>
    %reduce_sum3A_331 = arith.constant dense<0.000000e+00> : vector<1xf32>
    %reduce_sum3A_332 = vector.multi_reduction <add>, %reduce_sum3A_330, %reduce_sum3A_331 [1, 2] : vector<1x64x1xf32> to vector<1xf32>
    %reduce_sum3A_333 = vector.shape_cast %reduce_sum3A_332 : vector<1xf32> to vector<1x1x1xf32>
    %reduce_sum3A_334 = vector.extract %reduce_sum3A_333[0, 0, 0] : f32 from vector<1x1x1xf32>
    %mul3A_335 = arith.constant 5.000000e-01 : f32
    %mul3A_336 = arith.mulf %mul3A_335, %reduce_sum3A_334 : f32
    %reduce_sum3A_337 = vector.shape_cast %slice3A_327 : vector<64x1xf32> to vector<1x64x1xf32>
    %reduce_sum3A_338 = arith.constant dense<0.000000e+00> : vector<1xf32>
    %reduce_sum3A_339 = vector.multi_reduction <add>, %reduce_sum3A_337, %reduce_sum3A_338 [1, 2] : vector<1x64x1xf32> to vector<1xf32>
    %reduce_sum3A_340 = vector.shape_cast %reduce_sum3A_339 : vector<1xf32> to vector<1x1x1xf32>
    %reduce_sum3A_341 = vector.extract %reduce_sum3A_340[0, 0, 0] : f32 from vector<1x1x1xf32>
    %add3A_342 = arith.constant 9.99999993E-9 : f32
    %add3A_343 = arith.addf %reduce_sum3A_341, %add3A_342 : f32
    %div3A_344 = arith.divf %mul3A_336, %add3A_343 : f32
    %mul3A_345 = arith.mulf %slice3A_326, %slice3A_328 : vector<64x1xf32>
    %reduce_sum3A_346 = vector.shape_cast %mul3A_345 : vector<64x1xf32> to vector<1x64x1xf32>
    %reduce_sum3A_347 = arith.constant dense<0.000000e+00> : vector<1xf32>
    %reduce_sum3A_348 = vector.multi_reduction <add>, %reduce_sum3A_346, %reduce_sum3A_347 [1, 2] : vector<1x64x1xf32> to vector<1xf32>
    %reduce_sum3A_349 = vector.shape_cast %reduce_sum3A_348 : vector<1xf32> to vector<1x1x1xf32>
    %reduce_sum3A_350 = vector.extract %reduce_sum3A_349[0, 0, 0] : f32 from vector<1x1x1xf32>
    %mul3A_351 = arith.constant 5.000000e-01 : f32
    %mul3A_352 = arith.mulf %mul3A_351, %reduce_sum3A_350 : f32
    %reduce_sum3A_353 = vector.shape_cast %slice3A_328 : vector<64x1xf32> to vector<1x64x1xf32>
    %reduce_sum3A_354 = arith.constant dense<0.000000e+00> : vector<1xf32>
    %reduce_sum3A_355 = vector.multi_reduction <add>, %reduce_sum3A_353, %reduce_sum3A_354 [1, 2] : vector<1x64x1xf32> to vector<1xf32>
    %reduce_sum3A_356 = vector.shape_cast %reduce_sum3A_355 : vector<1xf32> to vector<1x1x1xf32>
    %reduce_sum3A_357 = vector.extract %reduce_sum3A_356[0, 0, 0] : f32 from vector<1x1x1xf32>
    %add3A_358 = arith.constant 9.99999993E-9 : f32
    %add3A_359 = arith.addf %reduce_sum3A_357, %add3A_358 : f32
    %div3A_360 = arith.divf %mul3A_352, %add3A_359 : f32
    %add3A_361 = arith.addf %div3A_344, %div3A_360 : f32
    %add3A_362 = arith.addf %add3A_325, %add3A_361 : f32
    %slice3A_363 = vector.extract_strided_slice %neg3A_31 {offsets = [576, 0], sizes = [64, 1], strides = [1, 1]} : vector<4096x1xf32> to vector<64x1xf32>
    %slice3A_364 = vector.extract_strided_slice %convert_element_type3A_14 {offsets = [576, 0], sizes = [64, 1], strides = [1, 1]} : vector<4096x1xf32> to vector<64x1xf32>
    %slice3A_365 = vector.extract_strided_slice %convert_element_type3A_10 {offsets = [576, 0], sizes = [64, 1], strides = [1, 1]} : vector<4096x1xf32> to vector<64x1xf32>
    %mul3A_366 = arith.mulf %slice3A_363, %slice3A_364 : vector<64x1xf32>
    %reduce_sum3A_367 = vector.shape_cast %mul3A_366 : vector<64x1xf32> to vector<1x64x1xf32>
    %reduce_sum3A_368 = arith.constant dense<0.000000e+00> : vector<1xf32>
    %reduce_sum3A_369 = vector.multi_reduction <add>, %reduce_sum3A_367, %reduce_sum3A_368 [1, 2] : vector<1x64x1xf32> to vector<1xf32>
    %reduce_sum3A_370 = vector.shape_cast %reduce_sum3A_369 : vector<1xf32> to vector<1x1x1xf32>
    %reduce_sum3A_371 = vector.extract %reduce_sum3A_370[0, 0, 0] : f32 from vector<1x1x1xf32>
    %mul3A_372 = arith.constant 5.000000e-01 : f32
    %mul3A_373 = arith.mulf %mul3A_372, %reduce_sum3A_371 : f32
    %reduce_sum3A_374 = vector.shape_cast %slice3A_364 : vector<64x1xf32> to vector<1x64x1xf32>
    %reduce_sum3A_375 = arith.constant dense<0.000000e+00> : vector<1xf32>
    %reduce_sum3A_376 = vector.multi_reduction <add>, %reduce_sum3A_374, %reduce_sum3A_375 [1, 2] : vector<1x64x1xf32> to vector<1xf32>
    %reduce_sum3A_377 = vector.shape_cast %reduce_sum3A_376 : vector<1xf32> to vector<1x1x1xf32>
    %reduce_sum3A_378 = vector.extract %reduce_sum3A_377[0, 0, 0] : f32 from vector<1x1x1xf32>
    %add3A_379 = arith.constant 9.99999993E-9 : f32
    %add3A_380 = arith.addf %reduce_sum3A_378, %add3A_379 : f32
    %div3A_381 = arith.divf %mul3A_373, %add3A_380 : f32
    %mul3A_382 = arith.mulf %slice3A_363, %slice3A_365 : vector<64x1xf32>
    %reduce_sum3A_383 = vector.shape_cast %mul3A_382 : vector<64x1xf32> to vector<1x64x1xf32>
    %reduce_sum3A_384 = arith.constant dense<0.000000e+00> : vector<1xf32>
    %reduce_sum3A_385 = vector.multi_reduction <add>, %reduce_sum3A_383, %reduce_sum3A_384 [1, 2] : vector<1x64x1xf32> to vector<1xf32>
    %reduce_sum3A_386 = vector.shape_cast %reduce_sum3A_385 : vector<1xf32> to vector<1x1x1xf32>
    %reduce_sum3A_387 = vector.extract %reduce_sum3A_386[0, 0, 0] : f32 from vector<1x1x1xf32>
    %mul3A_388 = arith.constant 5.000000e-01 : f32
    %mul3A_389 = arith.mulf %mul3A_388, %reduce_sum3A_387 : f32
    %reduce_sum3A_390 = vector.shape_cast %slice3A_365 : vector<64x1xf32> to vector<1x64x1xf32>
    %reduce_sum3A_391 = arith.constant dense<0.000000e+00> : vector<1xf32>
    %reduce_sum3A_392 = vector.multi_reduction <add>, %reduce_sum3A_390, %reduce_sum3A_391 [1, 2] : vector<1x64x1xf32> to vector<1xf32>
    %reduce_sum3A_393 = vector.shape_cast %reduce_sum3A_392 : vector<1xf32> to vector<1x1x1xf32>
    %reduce_sum3A_394 = vector.extract %reduce_sum3A_393[0, 0, 0] : f32 from vector<1x1x1xf32>
    %add3A_395 = arith.constant 9.99999993E-9 : f32
    %add3A_396 = arith.addf %reduce_sum3A_394, %add3A_395 : f32
    %div3A_397 = arith.divf %mul3A_389, %add3A_396 : f32
    %add3A_398 = arith.addf %div3A_381, %div3A_397 : f32
    %add3A_399 = arith.addf %add3A_362, %add3A_398 : f32
    %slice3A_400 = vector.extract_strided_slice %neg3A_31 {offsets = [640, 0], sizes = [64, 1], strides = [1, 1]} : vector<4096x1xf32> to vector<64x1xf32>
    %slice3A_401 = vector.extract_strided_slice %convert_element_type3A_14 {offsets = [640, 0], sizes = [64, 1], strides = [1, 1]} : vector<4096x1xf32> to vector<64x1xf32>
    %slice3A_402 = vector.extract_strided_slice %convert_element_type3A_10 {offsets = [640, 0], sizes = [64, 1], strides = [1, 1]} : vector<4096x1xf32> to vector<64x1xf32>
    %mul3A_403 = arith.mulf %slice3A_400, %slice3A_401 : vector<64x1xf32>
    %reduce_sum3A_404 = vector.shape_cast %mul3A_403 : vector<64x1xf32> to vector<1x64x1xf32>
    %reduce_sum3A_405 = arith.constant dense<0.000000e+00> : vector<1xf32>
    %reduce_sum3A_406 = vector.multi_reduction <add>, %reduce_sum3A_404, %reduce_sum3A_405 [1, 2] : vector<1x64x1xf32> to vector<1xf32>
    %reduce_sum3A_407 = vector.shape_cast %reduce_sum3A_406 : vector<1xf32> to vector<1x1x1xf32>
    %reduce_sum3A_408 = vector.extract %reduce_sum3A_407[0, 0, 0] : f32 from vector<1x1x1xf32>
    %mul3A_409 = arith.constant 5.000000e-01 : f32
    %mul3A_410 = arith.mulf %mul3A_409, %reduce_sum3A_408 : f32
    %reduce_sum3A_411 = vector.shape_cast %slice3A_401 : vector<64x1xf32> to vector<1x64x1xf32>
    %reduce_sum3A_412 = arith.constant dense<0.000000e+00> : vector<1xf32>
    %reduce_sum3A_413 = vector.multi_reduction <add>, %reduce_sum3A_411, %reduce_sum3A_412 [1, 2] : vector<1x64x1xf32> to vector<1xf32>
    %reduce_sum3A_414 = vector.shape_cast %reduce_sum3A_413 : vector<1xf32> to vector<1x1x1xf32>
    %reduce_sum3A_415 = vector.extract %reduce_sum3A_414[0, 0, 0] : f32 from vector<1x1x1xf32>
    %add3A_416 = arith.constant 9.99999993E-9 : f32
    %add3A_417 = arith.addf %reduce_sum3A_415, %add3A_416 : f32
    %div3A_418 = arith.divf %mul3A_410, %add3A_417 : f32
    %mul3A_419 = arith.mulf %slice3A_400, %slice3A_402 : vector<64x1xf32>
    %reduce_sum3A_420 = vector.shape_cast %mul3A_419 : vector<64x1xf32> to vector<1x64x1xf32>
    %reduce_sum3A_421 = arith.constant dense<0.000000e+00> : vector<1xf32>
    %reduce_sum3A_422 = vector.multi_reduction <add>, %reduce_sum3A_420, %reduce_sum3A_421 [1, 2] : vector<1x64x1xf32> to vector<1xf32>
    %reduce_sum3A_423 = vector.shape_cast %reduce_sum3A_422 : vector<1xf32> to vector<1x1x1xf32>
    %reduce_sum3A_424 = vector.extract %reduce_sum3A_423[0, 0, 0] : f32 from vector<1x1x1xf32>
    %mul3A_425 = arith.constant 5.000000e-01 : f32
    %mul3A_426 = arith.mulf %mul3A_425, %reduce_sum3A_424 : f32
    %reduce_sum3A_427 = vector.shape_cast %slice3A_402 : vector<64x1xf32> to vector<1x64x1xf32>
    %reduce_sum3A_428 = arith.constant dense<0.000000e+00> : vector<1xf32>
    %reduce_sum3A_429 = vector.multi_reduction <add>, %reduce_sum3A_427, %reduce_sum3A_428 [1, 2] : vector<1x64x1xf32> to vector<1xf32>
    %reduce_sum3A_430 = vector.shape_cast %reduce_sum3A_429 : vector<1xf32> to vector<1x1x1xf32>
    %reduce_sum3A_431 = vector.extract %reduce_sum3A_430[0, 0, 0] : f32 from vector<1x1x1xf32>
    %add3A_432 = arith.constant 9.99999993E-9 : f32
    %add3A_433 = arith.addf %reduce_sum3A_431, %add3A_432 : f32
    %div3A_434 = arith.divf %mul3A_426, %add3A_433 : f32
    %add3A_435 = arith.addf %div3A_418, %div3A_434 : f32
    %add3A_436 = arith.addf %add3A_399, %add3A_435 : f32
    %slice3A_437 = vector.extract_strided_slice %neg3A_31 {offsets = [704, 0], sizes = [64, 1], strides = [1, 1]} : vector<4096x1xf32> to vector<64x1xf32>
    %slice3A_438 = vector.extract_strided_slice %convert_element_type3A_14 {offsets = [704, 0], sizes = [64, 1], strides = [1, 1]} : vector<4096x1xf32> to vector<64x1xf32>
    %slice3A_439 = vector.extract_strided_slice %convert_element_type3A_10 {offsets = [704, 0], sizes = [64, 1], strides = [1, 1]} : vector<4096x1xf32> to vector<64x1xf32>
    %mul3A_440 = arith.mulf %slice3A_437, %slice3A_438 : vector<64x1xf32>
    %reduce_sum3A_441 = vector.shape_cast %mul3A_440 : vector<64x1xf32> to vector<1x64x1xf32>
    %reduce_sum3A_442 = arith.constant dense<0.000000e+00> : vector<1xf32>
    %reduce_sum3A_443 = vector.multi_reduction <add>, %reduce_sum3A_441, %reduce_sum3A_442 [1, 2] : vector<1x64x1xf32> to vector<1xf32>
    %reduce_sum3A_444 = vector.shape_cast %reduce_sum3A_443 : vector<1xf32> to vector<1x1x1xf32>
    %reduce_sum3A_445 = vector.extract %reduce_sum3A_444[0, 0, 0] : f32 from vector<1x1x1xf32>
    %mul3A_446 = arith.constant 5.000000e-01 : f32
    %mul3A_447 = arith.mulf %mul3A_446, %reduce_sum3A_445 : f32
    %reduce_sum3A_448 = vector.shape_cast %slice3A_438 : vector<64x1xf32> to vector<1x64x1xf32>
    %reduce_sum3A_449 = arith.constant dense<0.000000e+00> : vector<1xf32>
    %reduce_sum3A_450 = vector.multi_reduction <add>, %reduce_sum3A_448, %reduce_sum3A_449 [1, 2] : vector<1x64x1xf32> to vector<1xf32>
    %reduce_sum3A_451 = vector.shape_cast %reduce_sum3A_450 : vector<1xf32> to vector<1x1x1xf32>
    %reduce_sum3A_452 = vector.extract %reduce_sum3A_451[0, 0, 0] : f32 from vector<1x1x1xf32>
    %add3A_453 = arith.constant 9.99999993E-9 : f32
    %add3A_454 = arith.addf %reduce_sum3A_452, %add3A_453 : f32
    %div3A_455 = arith.divf %mul3A_447, %add3A_454 : f32
    %mul3A_456 = arith.mulf %slice3A_437, %slice3A_439 : vector<64x1xf32>
    %reduce_sum3A_457 = vector.shape_cast %mul3A_456 : vector<64x1xf32> to vector<1x64x1xf32>
    %reduce_sum3A_458 = arith.constant dense<0.000000e+00> : vector<1xf32>
    %reduce_sum3A_459 = vector.multi_reduction <add>, %reduce_sum3A_457, %reduce_sum3A_458 [1, 2] : vector<1x64x1xf32> to vector<1xf32>
    %reduce_sum3A_460 = vector.shape_cast %reduce_sum3A_459 : vector<1xf32> to vector<1x1x1xf32>
    %reduce_sum3A_461 = vector.extract %reduce_sum3A_460[0, 0, 0] : f32 from vector<1x1x1xf32>
    %mul3A_462 = arith.constant 5.000000e-01 : f32
    %mul3A_463 = arith.mulf %mul3A_462, %reduce_sum3A_461 : f32
    %reduce_sum3A_464 = vector.shape_cast %slice3A_439 : vector<64x1xf32> to vector<1x64x1xf32>
    %reduce_sum3A_465 = arith.constant dense<0.000000e+00> : vector<1xf32>
    %reduce_sum3A_466 = vector.multi_reduction <add>, %reduce_sum3A_464, %reduce_sum3A_465 [1, 2] : vector<1x64x1xf32> to vector<1xf32>
    %reduce_sum3A_467 = vector.shape_cast %reduce_sum3A_466 : vector<1xf32> to vector<1x1x1xf32>
    %reduce_sum3A_468 = vector.extract %reduce_sum3A_467[0, 0, 0] : f32 from vector<1x1x1xf32>
    %add3A_469 = arith.constant 9.99999993E-9 : f32
    %add3A_470 = arith.addf %reduce_sum3A_468, %add3A_469 : f32
    %div3A_471 = arith.divf %mul3A_463, %add3A_470 : f32
    %add3A_472 = arith.addf %div3A_455, %div3A_471 : f32
    %add3A_473 = arith.addf %add3A_436, %add3A_472 : f32
    %slice3A_474 = vector.extract_strided_slice %neg3A_31 {offsets = [768, 0], sizes = [64, 1], strides = [1, 1]} : vector<4096x1xf32> to vector<64x1xf32>
    %slice3A_475 = vector.extract_strided_slice %convert_element_type3A_14 {offsets = [768, 0], sizes = [64, 1], strides = [1, 1]} : vector<4096x1xf32> to vector<64x1xf32>
    %slice3A_476 = vector.extract_strided_slice %convert_element_type3A_10 {offsets = [768, 0], sizes = [64, 1], strides = [1, 1]} : vector<4096x1xf32> to vector<64x1xf32>
    %mul3A_477 = arith.mulf %slice3A_474, %slice3A_475 : vector<64x1xf32>
    %reduce_sum3A_478 = vector.shape_cast %mul3A_477 : vector<64x1xf32> to vector<1x64x1xf32>
    %reduce_sum3A_479 = arith.constant dense<0.000000e+00> : vector<1xf32>
    %reduce_sum3A_480 = vector.multi_reduction <add>, %reduce_sum3A_478, %reduce_sum3A_479 [1, 2] : vector<1x64x1xf32> to vector<1xf32>
    %reduce_sum3A_481 = vector.shape_cast %reduce_sum3A_480 : vector<1xf32> to vector<1x1x1xf32>
    %reduce_sum3A_482 = vector.extract %reduce_sum3A_481[0, 0, 0] : f32 from vector<1x1x1xf32>
    %mul3A_483 = arith.constant 5.000000e-01 : f32
    %mul3A_484 = arith.mulf %mul3A_483, %reduce_sum3A_482 : f32
    %reduce_sum3A_485 = vector.shape_cast %slice3A_475 : vector<64x1xf32> to vector<1x64x1xf32>
    %reduce_sum3A_486 = arith.constant dense<0.000000e+00> : vector<1xf32>
    %reduce_sum3A_487 = vector.multi_reduction <add>, %reduce_sum3A_485, %reduce_sum3A_486 [1, 2] : vector<1x64x1xf32> to vector<1xf32>
    %reduce_sum3A_488 = vector.shape_cast %reduce_sum3A_487 : vector<1xf32> to vector<1x1x1xf32>
    %reduce_sum3A_489 = vector.extract %reduce_sum3A_488[0, 0, 0] : f32 from vector<1x1x1xf32>
    %add3A_490 = arith.constant 9.99999993E-9 : f32
    %add3A_491 = arith.addf %reduce_sum3A_489, %add3A_490 : f32
    %div3A_492 = arith.divf %mul3A_484, %add3A_491 : f32
    %mul3A_493 = arith.mulf %slice3A_474, %slice3A_476 : vector<64x1xf32>
    %reduce_sum3A_494 = vector.shape_cast %mul3A_493 : vector<64x1xf32> to vector<1x64x1xf32>
    %reduce_sum3A_495 = arith.constant dense<0.000000e+00> : vector<1xf32>
    %reduce_sum3A_496 = vector.multi_reduction <add>, %reduce_sum3A_494, %reduce_sum3A_495 [1, 2] : vector<1x64x1xf32> to vector<1xf32>
    %reduce_sum3A_497 = vector.shape_cast %reduce_sum3A_496 : vector<1xf32> to vector<1x1x1xf32>
    %reduce_sum3A_498 = vector.extract %reduce_sum3A_497[0, 0, 0] : f32 from vector<1x1x1xf32>
    %mul3A_499 = arith.constant 5.000000e-01 : f32
    %mul3A_500 = arith.mulf %mul3A_499, %reduce_sum3A_498 : f32
    %reduce_sum3A_501 = vector.shape_cast %slice3A_476 : vector<64x1xf32> to vector<1x64x1xf32>
    %reduce_sum3A_502 = arith.constant dense<0.000000e+00> : vector<1xf32>
    %reduce_sum3A_503 = vector.multi_reduction <add>, %reduce_sum3A_501, %reduce_sum3A_502 [1, 2] : vector<1x64x1xf32> to vector<1xf32>
    %reduce_sum3A_504 = vector.shape_cast %reduce_sum3A_503 : vector<1xf32> to vector<1x1x1xf32>
    %reduce_sum3A_505 = vector.extract %reduce_sum3A_504[0, 0, 0] : f32 from vector<1x1x1xf32>
    %add3A_506 = arith.constant 9.99999993E-9 : f32
    %add3A_507 = arith.addf %reduce_sum3A_505, %add3A_506 : f32
    %div3A_508 = arith.divf %mul3A_500, %add3A_507 : f32
    %add3A_509 = arith.addf %div3A_492, %div3A_508 : f32
    %add3A_510 = arith.addf %add3A_473, %add3A_509 : f32
    %slice3A_511 = vector.extract_strided_slice %neg3A_31 {offsets = [832, 0], sizes = [64, 1], strides = [1, 1]} : vector<4096x1xf32> to vector<64x1xf32>
    %slice3A_512 = vector.extract_strided_slice %convert_element_type3A_14 {offsets = [832, 0], sizes = [64, 1], strides = [1, 1]} : vector<4096x1xf32> to vector<64x1xf32>
    %slice3A_513 = vector.extract_strided_slice %convert_element_type3A_10 {offsets = [832, 0], sizes = [64, 1], strides = [1, 1]} : vector<4096x1xf32> to vector<64x1xf32>
    %mul3A_514 = arith.mulf %slice3A_511, %slice3A_512 : vector<64x1xf32>
    %reduce_sum3A_515 = vector.shape_cast %mul3A_514 : vector<64x1xf32> to vector<1x64x1xf32>
    %reduce_sum3A_516 = arith.constant dense<0.000000e+00> : vector<1xf32>
    %reduce_sum3A_517 = vector.multi_reduction <add>, %reduce_sum3A_515, %reduce_sum3A_516 [1, 2] : vector<1x64x1xf32> to vector<1xf32>
    %reduce_sum3A_518 = vector.shape_cast %reduce_sum3A_517 : vector<1xf32> to vector<1x1x1xf32>
    %reduce_sum3A_519 = vector.extract %reduce_sum3A_518[0, 0, 0] : f32 from vector<1x1x1xf32>
    %mul3A_520 = arith.constant 5.000000e-01 : f32
    %mul3A_521 = arith.mulf %mul3A_520, %reduce_sum3A_519 : f32
    %reduce_sum3A_522 = vector.shape_cast %slice3A_512 : vector<64x1xf32> to vector<1x64x1xf32>
    %reduce_sum3A_523 = arith.constant dense<0.000000e+00> : vector<1xf32>
    %reduce_sum3A_524 = vector.multi_reduction <add>, %reduce_sum3A_522, %reduce_sum3A_523 [1, 2] : vector<1x64x1xf32> to vector<1xf32>
    %reduce_sum3A_525 = vector.shape_cast %reduce_sum3A_524 : vector<1xf32> to vector<1x1x1xf32>
    %reduce_sum3A_526 = vector.extract %reduce_sum3A_525[0, 0, 0] : f32 from vector<1x1x1xf32>
    %add3A_527 = arith.constant 9.99999993E-9 : f32
    %add3A_528 = arith.addf %reduce_sum3A_526, %add3A_527 : f32
    %div3A_529 = arith.divf %mul3A_521, %add3A_528 : f32
    %mul3A_530 = arith.mulf %slice3A_511, %slice3A_513 : vector<64x1xf32>
    %reduce_sum3A_531 = vector.shape_cast %mul3A_530 : vector<64x1xf32> to vector<1x64x1xf32>
    %reduce_sum3A_532 = arith.constant dense<0.000000e+00> : vector<1xf32>
    %reduce_sum3A_533 = vector.multi_reduction <add>, %reduce_sum3A_531, %reduce_sum3A_532 [1, 2] : vector<1x64x1xf32> to vector<1xf32>
    %reduce_sum3A_534 = vector.shape_cast %reduce_sum3A_533 : vector<1xf32> to vector<1x1x1xf32>
    %reduce_sum3A_535 = vector.extract %reduce_sum3A_534[0, 0, 0] : f32 from vector<1x1x1xf32>
    %mul3A_536 = arith.constant 5.000000e-01 : f32
    %mul3A_537 = arith.mulf %mul3A_536, %reduce_sum3A_535 : f32
    %reduce_sum3A_538 = vector.shape_cast %slice3A_513 : vector<64x1xf32> to vector<1x64x1xf32>
    %reduce_sum3A_539 = arith.constant dense<0.000000e+00> : vector<1xf32>
    %reduce_sum3A_540 = vector.multi_reduction <add>, %reduce_sum3A_538, %reduce_sum3A_539 [1, 2] : vector<1x64x1xf32> to vector<1xf32>
    %reduce_sum3A_541 = vector.shape_cast %reduce_sum3A_540 : vector<1xf32> to vector<1x1x1xf32>
    %reduce_sum3A_542 = vector.extract %reduce_sum3A_541[0, 0, 0] : f32 from vector<1x1x1xf32>
    %add3A_543 = arith.constant 9.99999993E-9 : f32
    %add3A_544 = arith.addf %reduce_sum3A_542, %add3A_543 : f32
    %div3A_545 = arith.divf %mul3A_537, %add3A_544 : f32
    %add3A_546 = arith.addf %div3A_529, %div3A_545 : f32
    %add3A_547 = arith.addf %add3A_510, %add3A_546 : f32
    %slice3A_548 = vector.extract_strided_slice %neg3A_31 {offsets = [896, 0], sizes = [64, 1], strides = [1, 1]} : vector<4096x1xf32> to vector<64x1xf32>
    %slice3A_549 = vector.extract_strided_slice %convert_element_type3A_14 {offsets = [896, 0], sizes = [64, 1], strides = [1, 1]} : vector<4096x1xf32> to vector<64x1xf32>
    %slice3A_550 = vector.extract_strided_slice %convert_element_type3A_10 {offsets = [896, 0], sizes = [64, 1], strides = [1, 1]} : vector<4096x1xf32> to vector<64x1xf32>
    %mul3A_551 = arith.mulf %slice3A_548, %slice3A_549 : vector<64x1xf32>
    %reduce_sum3A_552 = vector.shape_cast %mul3A_551 : vector<64x1xf32> to vector<1x64x1xf32>
    %reduce_sum3A_553 = arith.constant dense<0.000000e+00> : vector<1xf32>
    %reduce_sum3A_554 = vector.multi_reduction <add>, %reduce_sum3A_552, %reduce_sum3A_553 [1, 2] : vector<1x64x1xf32> to vector<1xf32>
    %reduce_sum3A_555 = vector.shape_cast %reduce_sum3A_554 : vector<1xf32> to vector<1x1x1xf32>
    %reduce_sum3A_556 = vector.extract %reduce_sum3A_555[0, 0, 0] : f32 from vector<1x1x1xf32>
    %mul3A_557 = arith.constant 5.000000e-01 : f32
    %mul3A_558 = arith.mulf %mul3A_557, %reduce_sum3A_556 : f32
    %reduce_sum3A_559 = vector.shape_cast %slice3A_549 : vector<64x1xf32> to vector<1x64x1xf32>
    %reduce_sum3A_560 = arith.constant dense<0.000000e+00> : vector<1xf32>
    %reduce_sum3A_561 = vector.multi_reduction <add>, %reduce_sum3A_559, %reduce_sum3A_560 [1, 2] : vector<1x64x1xf32> to vector<1xf32>
    %reduce_sum3A_562 = vector.shape_cast %reduce_sum3A_561 : vector<1xf32> to vector<1x1x1xf32>
    %reduce_sum3A_563 = vector.extract %reduce_sum3A_562[0, 0, 0] : f32 from vector<1x1x1xf32>
    %add3A_564 = arith.constant 9.99999993E-9 : f32
    %add3A_565 = arith.addf %reduce_sum3A_563, %add3A_564 : f32
    %div3A_566 = arith.divf %mul3A_558, %add3A_565 : f32
    %mul3A_567 = arith.mulf %slice3A_548, %slice3A_550 : vector<64x1xf32>
    %reduce_sum3A_568 = vector.shape_cast %mul3A_567 : vector<64x1xf32> to vector<1x64x1xf32>
    %reduce_sum3A_569 = arith.constant dense<0.000000e+00> : vector<1xf32>
    %reduce_sum3A_570 = vector.multi_reduction <add>, %reduce_sum3A_568, %reduce_sum3A_569 [1, 2] : vector<1x64x1xf32> to vector<1xf32>
    %reduce_sum3A_571 = vector.shape_cast %reduce_sum3A_570 : vector<1xf32> to vector<1x1x1xf32>
    %reduce_sum3A_572 = vector.extract %reduce_sum3A_571[0, 0, 0] : f32 from vector<1x1x1xf32>
    %mul3A_573 = arith.constant 5.000000e-01 : f32
    %mul3A_574 = arith.mulf %mul3A_573, %reduce_sum3A_572 : f32
    %reduce_sum3A_575 = vector.shape_cast %slice3A_550 : vector<64x1xf32> to vector<1x64x1xf32>
    %reduce_sum3A_576 = arith.constant dense<0.000000e+00> : vector<1xf32>
    %reduce_sum3A_577 = vector.multi_reduction <add>, %reduce_sum3A_575, %reduce_sum3A_576 [1, 2] : vector<1x64x1xf32> to vector<1xf32>
    %reduce_sum3A_578 = vector.shape_cast %reduce_sum3A_577 : vector<1xf32> to vector<1x1x1xf32>
    %reduce_sum3A_579 = vector.extract %reduce_sum3A_578[0, 0, 0] : f32 from vector<1x1x1xf32>
    %add3A_580 = arith.constant 9.99999993E-9 : f32
    %add3A_581 = arith.addf %reduce_sum3A_579, %add3A_580 : f32
    %div3A_582 = arith.divf %mul3A_574, %add3A_581 : f32
    %add3A_583 = arith.addf %div3A_566, %div3A_582 : f32
    %add3A_584 = arith.addf %add3A_547, %add3A_583 : f32
    %slice3A_585 = vector.extract_strided_slice %neg3A_31 {offsets = [960, 0], sizes = [64, 1], strides = [1, 1]} : vector<4096x1xf32> to vector<64x1xf32>
    %slice3A_586 = vector.extract_strided_slice %convert_element_type3A_14 {offsets = [960, 0], sizes = [64, 1], strides = [1, 1]} : vector<4096x1xf32> to vector<64x1xf32>
    %slice3A_587 = vector.extract_strided_slice %convert_element_type3A_10 {offsets = [960, 0], sizes = [64, 1], strides = [1, 1]} : vector<4096x1xf32> to vector<64x1xf32>
    %mul3A_588 = arith.mulf %slice3A_585, %slice3A_586 : vector<64x1xf32>
    %reduce_sum3A_589 = vector.shape_cast %mul3A_588 : vector<64x1xf32> to vector<1x64x1xf32>
    %reduce_sum3A_590 = arith.constant dense<0.000000e+00> : vector<1xf32>
    %reduce_sum3A_591 = vector.multi_reduction <add>, %reduce_sum3A_589, %reduce_sum3A_590 [1, 2] : vector<1x64x1xf32> to vector<1xf32>
    %reduce_sum3A_592 = vector.shape_cast %reduce_sum3A_591 : vector<1xf32> to vector<1x1x1xf32>
    %reduce_sum3A_593 = vector.extract %reduce_sum3A_592[0, 0, 0] : f32 from vector<1x1x1xf32>
    %mul3A_594 = arith.constant 5.000000e-01 : f32
    %mul3A_595 = arith.mulf %mul3A_594, %reduce_sum3A_593 : f32
    %reduce_sum3A_596 = vector.shape_cast %slice3A_586 : vector<64x1xf32> to vector<1x64x1xf32>
    %reduce_sum3A_597 = arith.constant dense<0.000000e+00> : vector<1xf32>
    %reduce_sum3A_598 = vector.multi_reduction <add>, %reduce_sum3A_596, %reduce_sum3A_597 [1, 2] : vector<1x64x1xf32> to vector<1xf32>
    %reduce_sum3A_599 = vector.shape_cast %reduce_sum3A_598 : vector<1xf32> to vector<1x1x1xf32>
    %reduce_sum3A_600 = vector.extract %reduce_sum3A_599[0, 0, 0] : f32 from vector<1x1x1xf32>
    %add3A_601 = arith.constant 9.99999993E-9 : f32
    %add3A_602 = arith.addf %reduce_sum3A_600, %add3A_601 : f32
    %div3A_603 = arith.divf %mul3A_595, %add3A_602 : f32
    %mul3A_604 = arith.mulf %slice3A_585, %slice3A_587 : vector<64x1xf32>
    %reduce_sum3A_605 = vector.shape_cast %mul3A_604 : vector<64x1xf32> to vector<1x64x1xf32>
    %reduce_sum3A_606 = arith.constant dense<0.000000e+00> : vector<1xf32>
    %reduce_sum3A_607 = vector.multi_reduction <add>, %reduce_sum3A_605, %reduce_sum3A_606 [1, 2] : vector<1x64x1xf32> to vector<1xf32>
    %reduce_sum3A_608 = vector.shape_cast %reduce_sum3A_607 : vector<1xf32> to vector<1x1x1xf32>
    %reduce_sum3A_609 = vector.extract %reduce_sum3A_608[0, 0, 0] : f32 from vector<1x1x1xf32>
    %mul3A_610 = arith.constant 5.000000e-01 : f32
    %mul3A_611 = arith.mulf %mul3A_610, %reduce_sum3A_609 : f32
    %reduce_sum3A_612 = vector.shape_cast %slice3A_587 : vector<64x1xf32> to vector<1x64x1xf32>
    %reduce_sum3A_613 = arith.constant dense<0.000000e+00> : vector<1xf32>
    %reduce_sum3A_614 = vector.multi_reduction <add>, %reduce_sum3A_612, %reduce_sum3A_613 [1, 2] : vector<1x64x1xf32> to vector<1xf32>
    %reduce_sum3A_615 = vector.shape_cast %reduce_sum3A_614 : vector<1xf32> to vector<1x1x1xf32>
    %reduce_sum3A_616 = vector.extract %reduce_sum3A_615[0, 0, 0] : f32 from vector<1x1x1xf32>
    %add3A_617 = arith.constant 9.99999993E-9 : f32
    %add3A_618 = arith.addf %reduce_sum3A_616, %add3A_617 : f32
    %div3A_619 = arith.divf %mul3A_611, %add3A_618 : f32
    %add3A_620 = arith.addf %div3A_603, %div3A_619 : f32
    %add3A_621 = arith.addf %add3A_584, %add3A_620 : f32
    %slice3A_622 = vector.extract_strided_slice %neg3A_31 {offsets = [1024, 0], sizes = [64, 1], strides = [1, 1]} : vector<4096x1xf32> to vector<64x1xf32>
    %slice3A_623 = vector.extract_strided_slice %convert_element_type3A_14 {offsets = [1024, 0], sizes = [64, 1], strides = [1, 1]} : vector<4096x1xf32> to vector<64x1xf32>
    %slice3A_624 = vector.extract_strided_slice %convert_element_type3A_10 {offsets = [1024, 0], sizes = [64, 1], strides = [1, 1]} : vector<4096x1xf32> to vector<64x1xf32>
    %mul3A_625 = arith.mulf %slice3A_622, %slice3A_623 : vector<64x1xf32>
    %reduce_sum3A_626 = vector.shape_cast %mul3A_625 : vector<64x1xf32> to vector<1x64x1xf32>
    %reduce_sum3A_627 = arith.constant dense<0.000000e+00> : vector<1xf32>
    %reduce_sum3A_628 = vector.multi_reduction <add>, %reduce_sum3A_626, %reduce_sum3A_627 [1, 2] : vector<1x64x1xf32> to vector<1xf32>
    %reduce_sum3A_629 = vector.shape_cast %reduce_sum3A_628 : vector<1xf32> to vector<1x1x1xf32>
    %reduce_sum3A_630 = vector.extract %reduce_sum3A_629[0, 0, 0] : f32 from vector<1x1x1xf32>
    %mul3A_631 = arith.constant 5.000000e-01 : f32
    %mul3A_632 = arith.mulf %mul3A_631, %reduce_sum3A_630 : f32
    %reduce_sum3A_633 = vector.shape_cast %slice3A_623 : vector<64x1xf32> to vector<1x64x1xf32>
    %reduce_sum3A_634 = arith.constant dense<0.000000e+00> : vector<1xf32>
    %reduce_sum3A_635 = vector.multi_reduction <add>, %reduce_sum3A_633, %reduce_sum3A_634 [1, 2] : vector<1x64x1xf32> to vector<1xf32>
    %reduce_sum3A_636 = vector.shape_cast %reduce_sum3A_635 : vector<1xf32> to vector<1x1x1xf32>
    %reduce_sum3A_637 = vector.extract %reduce_sum3A_636[0, 0, 0] : f32 from vector<1x1x1xf32>
    %add3A_638 = arith.constant 9.99999993E-9 : f32
    %add3A_639 = arith.addf %reduce_sum3A_637, %add3A_638 : f32
    %div3A_640 = arith.divf %mul3A_632, %add3A_639 : f32
    %mul3A_641 = arith.mulf %slice3A_622, %slice3A_624 : vector<64x1xf32>
    %reduce_sum3A_642 = vector.shape_cast %mul3A_641 : vector<64x1xf32> to vector<1x64x1xf32>
    %reduce_sum3A_643 = arith.constant dense<0.000000e+00> : vector<1xf32>
    %reduce_sum3A_644 = vector.multi_reduction <add>, %reduce_sum3A_642, %reduce_sum3A_643 [1, 2] : vector<1x64x1xf32> to vector<1xf32>
    %reduce_sum3A_645 = vector.shape_cast %reduce_sum3A_644 : vector<1xf32> to vector<1x1x1xf32>
    %reduce_sum3A_646 = vector.extract %reduce_sum3A_645[0, 0, 0] : f32 from vector<1x1x1xf32>
    %mul3A_647 = arith.constant 5.000000e-01 : f32
    %mul3A_648 = arith.mulf %mul3A_647, %reduce_sum3A_646 : f32
    %reduce_sum3A_649 = vector.shape_cast %slice3A_624 : vector<64x1xf32> to vector<1x64x1xf32>
    %reduce_sum3A_650 = arith.constant dense<0.000000e+00> : vector<1xf32>
    %reduce_sum3A_651 = vector.multi_reduction <add>, %reduce_sum3A_649, %reduce_sum3A_650 [1, 2] : vector<1x64x1xf32> to vector<1xf32>
    %reduce_sum3A_652 = vector.shape_cast %reduce_sum3A_651 : vector<1xf32> to vector<1x1x1xf32>
    %reduce_sum3A_653 = vector.extract %reduce_sum3A_652[0, 0, 0] : f32 from vector<1x1x1xf32>
    %add3A_654 = arith.constant 9.99999993E-9 : f32
    %add3A_655 = arith.addf %reduce_sum3A_653, %add3A_654 : f32
    %div3A_656 = arith.divf %mul3A_648, %add3A_655 : f32
    %add3A_657 = arith.addf %div3A_640, %div3A_656 : f32
    %add3A_658 = arith.addf %add3A_621, %add3A_657 : f32
    %slice3A_659 = vector.extract_strided_slice %neg3A_31 {offsets = [1088, 0], sizes = [64, 1], strides = [1, 1]} : vector<4096x1xf32> to vector<64x1xf32>
    %slice3A_660 = vector.extract_strided_slice %convert_element_type3A_14 {offsets = [1088, 0], sizes = [64, 1], strides = [1, 1]} : vector<4096x1xf32> to vector<64x1xf32>
    %slice3A_661 = vector.extract_strided_slice %convert_element_type3A_10 {offsets = [1088, 0], sizes = [64, 1], strides = [1, 1]} : vector<4096x1xf32> to vector<64x1xf32>
    %mul3A_662 = arith.mulf %slice3A_659, %slice3A_660 : vector<64x1xf32>
    %reduce_sum3A_663 = vector.shape_cast %mul3A_662 : vector<64x1xf32> to vector<1x64x1xf32>
    %reduce_sum3A_664 = arith.constant dense<0.000000e+00> : vector<1xf32>
    %reduce_sum3A_665 = vector.multi_reduction <add>, %reduce_sum3A_663, %reduce_sum3A_664 [1, 2] : vector<1x64x1xf32> to vector<1xf32>
    %reduce_sum3A_666 = vector.shape_cast %reduce_sum3A_665 : vector<1xf32> to vector<1x1x1xf32>
    %reduce_sum3A_667 = vector.extract %reduce_sum3A_666[0, 0, 0] : f32 from vector<1x1x1xf32>
    %mul3A_668 = arith.constant 5.000000e-01 : f32
    %mul3A_669 = arith.mulf %mul3A_668, %reduce_sum3A_667 : f32
    %reduce_sum3A_670 = vector.shape_cast %slice3A_660 : vector<64x1xf32> to vector<1x64x1xf32>
    %reduce_sum3A_671 = arith.constant dense<0.000000e+00> : vector<1xf32>
    %reduce_sum3A_672 = vector.multi_reduction <add>, %reduce_sum3A_670, %reduce_sum3A_671 [1, 2] : vector<1x64x1xf32> to vector<1xf32>
    %reduce_sum3A_673 = vector.shape_cast %reduce_sum3A_672 : vector<1xf32> to vector<1x1x1xf32>
    %reduce_sum3A_674 = vector.extract %reduce_sum3A_673[0, 0, 0] : f32 from vector<1x1x1xf32>
    %add3A_675 = arith.constant 9.99999993E-9 : f32
    %add3A_676 = arith.addf %reduce_sum3A_674, %add3A_675 : f32
    %div3A_677 = arith.divf %mul3A_669, %add3A_676 : f32
    %mul3A_678 = arith.mulf %slice3A_659, %slice3A_661 : vector<64x1xf32>
    %reduce_sum3A_679 = vector.shape_cast %mul3A_678 : vector<64x1xf32> to vector<1x64x1xf32>
    %reduce_sum3A_680 = arith.constant dense<0.000000e+00> : vector<1xf32>
    %reduce_sum3A_681 = vector.multi_reduction <add>, %reduce_sum3A_679, %reduce_sum3A_680 [1, 2] : vector<1x64x1xf32> to vector<1xf32>
    %reduce_sum3A_682 = vector.shape_cast %reduce_sum3A_681 : vector<1xf32> to vector<1x1x1xf32>
    %reduce_sum3A_683 = vector.extract %reduce_sum3A_682[0, 0, 0] : f32 from vector<1x1x1xf32>
    %mul3A_684 = arith.constant 5.000000e-01 : f32
    %mul3A_685 = arith.mulf %mul3A_684, %reduce_sum3A_683 : f32
    %reduce_sum3A_686 = vector.shape_cast %slice3A_661 : vector<64x1xf32> to vector<1x64x1xf32>
    %reduce_sum3A_687 = arith.constant dense<0.000000e+00> : vector<1xf32>
    %reduce_sum3A_688 = vector.multi_reduction <add>, %reduce_sum3A_686, %reduce_sum3A_687 [1, 2] : vector<1x64x1xf32> to vector<1xf32>
    %reduce_sum3A_689 = vector.shape_cast %reduce_sum3A_688 : vector<1xf32> to vector<1x1x1xf32>
    %reduce_sum3A_690 = vector.extract %reduce_sum3A_689[0, 0, 0] : f32 from vector<1x1x1xf32>
    %add3A_691 = arith.constant 9.99999993E-9 : f32
    %add3A_692 = arith.addf %reduce_sum3A_690, %add3A_691 : f32
    %div3A_693 = arith.divf %mul3A_685, %add3A_692 : f32
    %add3A_694 = arith.addf %div3A_677, %div3A_693 : f32
    %add3A_695 = arith.addf %add3A_658, %add3A_694 : f32
    %slice3A_696 = vector.extract_strided_slice %neg3A_31 {offsets = [1152, 0], sizes = [64, 1], strides = [1, 1]} : vector<4096x1xf32> to vector<64x1xf32>
    %slice3A_697 = vector.extract_strided_slice %convert_element_type3A_14 {offsets = [1152, 0], sizes = [64, 1], strides = [1, 1]} : vector<4096x1xf32> to vector<64x1xf32>
    %slice3A_698 = vector.extract_strided_slice %convert_element_type3A_10 {offsets = [1152, 0], sizes = [64, 1], strides = [1, 1]} : vector<4096x1xf32> to vector<64x1xf32>
    %mul3A_699 = arith.mulf %slice3A_696, %slice3A_697 : vector<64x1xf32>
    %reduce_sum3A_700 = vector.shape_cast %mul3A_699 : vector<64x1xf32> to vector<1x64x1xf32>
    %reduce_sum3A_701 = arith.constant dense<0.000000e+00> : vector<1xf32>
    %reduce_sum3A_702 = vector.multi_reduction <add>, %reduce_sum3A_700, %reduce_sum3A_701 [1, 2] : vector<1x64x1xf32> to vector<1xf32>
    %reduce_sum3A_703 = vector.shape_cast %reduce_sum3A_702 : vector<1xf32> to vector<1x1x1xf32>
    %reduce_sum3A_704 = vector.extract %reduce_sum3A_703[0, 0, 0] : f32 from vector<1x1x1xf32>
    %mul3A_705 = arith.constant 5.000000e-01 : f32
    %mul3A_706 = arith.mulf %mul3A_705, %reduce_sum3A_704 : f32
    %reduce_sum3A_707 = vector.shape_cast %slice3A_697 : vector<64x1xf32> to vector<1x64x1xf32>
    %reduce_sum3A_708 = arith.constant dense<0.000000e+00> : vector<1xf32>
    %reduce_sum3A_709 = vector.multi_reduction <add>, %reduce_sum3A_707, %reduce_sum3A_708 [1, 2] : vector<1x64x1xf32> to vector<1xf32>
    %reduce_sum3A_710 = vector.shape_cast %reduce_sum3A_709 : vector<1xf32> to vector<1x1x1xf32>
    %reduce_sum3A_711 = vector.extract %reduce_sum3A_710[0, 0, 0] : f32 from vector<1x1x1xf32>
    %add3A_712 = arith.constant 9.99999993E-9 : f32
    %add3A_713 = arith.addf %reduce_sum3A_711, %add3A_712 : f32
    %div3A_714 = arith.divf %mul3A_706, %add3A_713 : f32
    %mul3A_715 = arith.mulf %slice3A_696, %slice3A_698 : vector<64x1xf32>
    %reduce_sum3A_716 = vector.shape_cast %mul3A_715 : vector<64x1xf32> to vector<1x64x1xf32>
    %reduce_sum3A_717 = arith.constant dense<0.000000e+00> : vector<1xf32>
    %reduce_sum3A_718 = vector.multi_reduction <add>, %reduce_sum3A_716, %reduce_sum3A_717 [1, 2] : vector<1x64x1xf32> to vector<1xf32>
    %reduce_sum3A_719 = vector.shape_cast %reduce_sum3A_718 : vector<1xf32> to vector<1x1x1xf32>
    %reduce_sum3A_720 = vector.extract %reduce_sum3A_719[0, 0, 0] : f32 from vector<1x1x1xf32>
    %mul3A_721 = arith.constant 5.000000e-01 : f32
    %mul3A_722 = arith.mulf %mul3A_721, %reduce_sum3A_720 : f32
    %reduce_sum3A_723 = vector.shape_cast %slice3A_698 : vector<64x1xf32> to vector<1x64x1xf32>
    %reduce_sum3A_724 = arith.constant dense<0.000000e+00> : vector<1xf32>
    %reduce_sum3A_725 = vector.multi_reduction <add>, %reduce_sum3A_723, %reduce_sum3A_724 [1, 2] : vector<1x64x1xf32> to vector<1xf32>
    %reduce_sum3A_726 = vector.shape_cast %reduce_sum3A_725 : vector<1xf32> to vector<1x1x1xf32>
    %reduce_sum3A_727 = vector.extract %reduce_sum3A_726[0, 0, 0] : f32 from vector<1x1x1xf32>
    %add3A_728 = arith.constant 9.99999993E-9 : f32
    %add3A_729 = arith.addf %reduce_sum3A_727, %add3A_728 : f32
    %div3A_730 = arith.divf %mul3A_722, %add3A_729 : f32
    %add3A_731 = arith.addf %div3A_714, %div3A_730 : f32
    %add3A_732 = arith.addf %add3A_695, %add3A_731 : f32
    %slice3A_733 = vector.extract_strided_slice %neg3A_31 {offsets = [1216, 0], sizes = [64, 1], strides = [1, 1]} : vector<4096x1xf32> to vector<64x1xf32>
    %slice3A_734 = vector.extract_strided_slice %convert_element_type3A_14 {offsets = [1216, 0], sizes = [64, 1], strides = [1, 1]} : vector<4096x1xf32> to vector<64x1xf32>
    %slice3A_735 = vector.extract_strided_slice %convert_element_type3A_10 {offsets = [1216, 0], sizes = [64, 1], strides = [1, 1]} : vector<4096x1xf32> to vector<64x1xf32>
    %mul3A_736 = arith.mulf %slice3A_733, %slice3A_734 : vector<64x1xf32>
    %reduce_sum3A_737 = vector.shape_cast %mul3A_736 : vector<64x1xf32> to vector<1x64x1xf32>
    %reduce_sum3A_738 = arith.constant dense<0.000000e+00> : vector<1xf32>
    %reduce_sum3A_739 = vector.multi_reduction <add>, %reduce_sum3A_737, %reduce_sum3A_738 [1, 2] : vector<1x64x1xf32> to vector<1xf32>
    %reduce_sum3A_740 = vector.shape_cast %reduce_sum3A_739 : vector<1xf32> to vector<1x1x1xf32>
    %reduce_sum3A_741 = vector.extract %reduce_sum3A_740[0, 0, 0] : f32 from vector<1x1x1xf32>
    %mul3A_742 = arith.constant 5.000000e-01 : f32
    %mul3A_743 = arith.mulf %mul3A_742, %reduce_sum3A_741 : f32
    %reduce_sum3A_744 = vector.shape_cast %slice3A_734 : vector<64x1xf32> to vector<1x64x1xf32>
    %reduce_sum3A_745 = arith.constant dense<0.000000e+00> : vector<1xf32>
    %reduce_sum3A_746 = vector.multi_reduction <add>, %reduce_sum3A_744, %reduce_sum3A_745 [1, 2] : vector<1x64x1xf32> to vector<1xf32>
    %reduce_sum3A_747 = vector.shape_cast %reduce_sum3A_746 : vector<1xf32> to vector<1x1x1xf32>
    %reduce_sum3A_748 = vector.extract %reduce_sum3A_747[0, 0, 0] : f32 from vector<1x1x1xf32>
    %add3A_749 = arith.constant 9.99999993E-9 : f32
    %add3A_750 = arith.addf %reduce_sum3A_748, %add3A_749 : f32
    %div3A_751 = arith.divf %mul3A_743, %add3A_750 : f32
    %mul3A_752 = arith.mulf %slice3A_733, %slice3A_735 : vector<64x1xf32>
    %reduce_sum3A_753 = vector.shape_cast %mul3A_752 : vector<64x1xf32> to vector<1x64x1xf32>
    %reduce_sum3A_754 = arith.constant dense<0.000000e+00> : vector<1xf32>
    %reduce_sum3A_755 = vector.multi_reduction <add>, %reduce_sum3A_753, %reduce_sum3A_754 [1, 2] : vector<1x64x1xf32> to vector<1xf32>
    %reduce_sum3A_756 = vector.shape_cast %reduce_sum3A_755 : vector<1xf32> to vector<1x1x1xf32>
    %reduce_sum3A_757 = vector.extract %reduce_sum3A_756[0, 0, 0] : f32 from vector<1x1x1xf32>
    %mul3A_758 = arith.constant 5.000000e-01 : f32
    %mul3A_759 = arith.mulf %mul3A_758, %reduce_sum3A_757 : f32
    %reduce_sum3A_760 = vector.shape_cast %slice3A_735 : vector<64x1xf32> to vector<1x64x1xf32>
    %reduce_sum3A_761 = arith.constant dense<0.000000e+00> : vector<1xf32>
    %reduce_sum3A_762 = vector.multi_reduction <add>, %reduce_sum3A_760, %reduce_sum3A_761 [1, 2] : vector<1x64x1xf32> to vector<1xf32>
    %reduce_sum3A_763 = vector.shape_cast %reduce_sum3A_762 : vector<1xf32> to vector<1x1x1xf32>
    %reduce_sum3A_764 = vector.extract %reduce_sum3A_763[0, 0, 0] : f32 from vector<1x1x1xf32>
    %add3A_765 = arith.constant 9.99999993E-9 : f32
    %add3A_766 = arith.addf %reduce_sum3A_764, %add3A_765 : f32
    %div3A_767 = arith.divf %mul3A_759, %add3A_766 : f32
    %add3A_768 = arith.addf %div3A_751, %div3A_767 : f32
    %add3A_769 = arith.addf %add3A_732, %add3A_768 : f32
    %slice3A_770 = vector.extract_strided_slice %neg3A_31 {offsets = [1280, 0], sizes = [64, 1], strides = [1, 1]} : vector<4096x1xf32> to vector<64x1xf32>
    %slice3A_771 = vector.extract_strided_slice %convert_element_type3A_14 {offsets = [1280, 0], sizes = [64, 1], strides = [1, 1]} : vector<4096x1xf32> to vector<64x1xf32>
    %slice3A_772 = vector.extract_strided_slice %convert_element_type3A_10 {offsets = [1280, 0], sizes = [64, 1], strides = [1, 1]} : vector<4096x1xf32> to vector<64x1xf32>
    %mul3A_773 = arith.mulf %slice3A_770, %slice3A_771 : vector<64x1xf32>
    %reduce_sum3A_774 = vector.shape_cast %mul3A_773 : vector<64x1xf32> to vector<1x64x1xf32>
    %reduce_sum3A_775 = arith.constant dense<0.000000e+00> : vector<1xf32>
    %reduce_sum3A_776 = vector.multi_reduction <add>, %reduce_sum3A_774, %reduce_sum3A_775 [1, 2] : vector<1x64x1xf32> to vector<1xf32>
    %reduce_sum3A_777 = vector.shape_cast %reduce_sum3A_776 : vector<1xf32> to vector<1x1x1xf32>
    %reduce_sum3A_778 = vector.extract %reduce_sum3A_777[0, 0, 0] : f32 from vector<1x1x1xf32>
    %mul3A_779 = arith.constant 5.000000e-01 : f32
    %mul3A_780 = arith.mulf %mul3A_779, %reduce_sum3A_778 : f32
    %reduce_sum3A_781 = vector.shape_cast %slice3A_771 : vector<64x1xf32> to vector<1x64x1xf32>
    %reduce_sum3A_782 = arith.constant dense<0.000000e+00> : vector<1xf32>
    %reduce_sum3A_783 = vector.multi_reduction <add>, %reduce_sum3A_781, %reduce_sum3A_782 [1, 2] : vector<1x64x1xf32> to vector<1xf32>
    %reduce_sum3A_784 = vector.shape_cast %reduce_sum3A_783 : vector<1xf32> to vector<1x1x1xf32>
    %reduce_sum3A_785 = vector.extract %reduce_sum3A_784[0, 0, 0] : f32 from vector<1x1x1xf32>
    %add3A_786 = arith.constant 9.99999993E-9 : f32
    %add3A_787 = arith.addf %reduce_sum3A_785, %add3A_786 : f32
    %div3A_788 = arith.divf %mul3A_780, %add3A_787 : f32
    %mul3A_789 = arith.mulf %slice3A_770, %slice3A_772 : vector<64x1xf32>
    %reduce_sum3A_790 = vector.shape_cast %mul3A_789 : vector<64x1xf32> to vector<1x64x1xf32>
    %reduce_sum3A_791 = arith.constant dense<0.000000e+00> : vector<1xf32>
    %reduce_sum3A_792 = vector.multi_reduction <add>, %reduce_sum3A_790, %reduce_sum3A_791 [1, 2] : vector<1x64x1xf32> to vector<1xf32>
    %reduce_sum3A_793 = vector.shape_cast %reduce_sum3A_792 : vector<1xf32> to vector<1x1x1xf32>
    %reduce_sum3A_794 = vector.extract %reduce_sum3A_793[0, 0, 0] : f32 from vector<1x1x1xf32>
    %mul3A_795 = arith.constant 5.000000e-01 : f32
    %mul3A_796 = arith.mulf %mul3A_795, %reduce_sum3A_794 : f32
    %reduce_sum3A_797 = vector.shape_cast %slice3A_772 : vector<64x1xf32> to vector<1x64x1xf32>
    %reduce_sum3A_798 = arith.constant dense<0.000000e+00> : vector<1xf32>
    %reduce_sum3A_799 = vector.multi_reduction <add>, %reduce_sum3A_797, %reduce_sum3A_798 [1, 2] : vector<1x64x1xf32> to vector<1xf32>
    %reduce_sum3A_800 = vector.shape_cast %reduce_sum3A_799 : vector<1xf32> to vector<1x1x1xf32>
    %reduce_sum3A_801 = vector.extract %reduce_sum3A_800[0, 0, 0] : f32 from vector<1x1x1xf32>
    %add3A_802 = arith.constant 9.99999993E-9 : f32
    %add3A_803 = arith.addf %reduce_sum3A_801, %add3A_802 : f32
    %div3A_804 = arith.divf %mul3A_796, %add3A_803 : f32
    %add3A_805 = arith.addf %div3A_788, %div3A_804 : f32
    %add3A_806 = arith.addf %add3A_769, %add3A_805 : f32
    %slice3A_807 = vector.extract_strided_slice %neg3A_31 {offsets = [1344, 0], sizes = [64, 1], strides = [1, 1]} : vector<4096x1xf32> to vector<64x1xf32>
    %slice3A_808 = vector.extract_strided_slice %convert_element_type3A_14 {offsets = [1344, 0], sizes = [64, 1], strides = [1, 1]} : vector<4096x1xf32> to vector<64x1xf32>
    %slice3A_809 = vector.extract_strided_slice %convert_element_type3A_10 {offsets = [1344, 0], sizes = [64, 1], strides = [1, 1]} : vector<4096x1xf32> to vector<64x1xf32>
    %mul3A_810 = arith.mulf %slice3A_807, %slice3A_808 : vector<64x1xf32>
    %reduce_sum3A_811 = vector.shape_cast %mul3A_810 : vector<64x1xf32> to vector<1x64x1xf32>
    %reduce_sum3A_812 = arith.constant dense<0.000000e+00> : vector<1xf32>
    %reduce_sum3A_813 = vector.multi_reduction <add>, %reduce_sum3A_811, %reduce_sum3A_812 [1, 2] : vector<1x64x1xf32> to vector<1xf32>
    %reduce_sum3A_814 = vector.shape_cast %reduce_sum3A_813 : vector<1xf32> to vector<1x1x1xf32>
    %reduce_sum3A_815 = vector.extract %reduce_sum3A_814[0, 0, 0] : f32 from vector<1x1x1xf32>
    %mul3A_816 = arith.constant 5.000000e-01 : f32
    %mul3A_817 = arith.mulf %mul3A_816, %reduce_sum3A_815 : f32
    %reduce_sum3A_818 = vector.shape_cast %slice3A_808 : vector<64x1xf32> to vector<1x64x1xf32>
    %reduce_sum3A_819 = arith.constant dense<0.000000e+00> : vector<1xf32>
    %reduce_sum3A_820 = vector.multi_reduction <add>, %reduce_sum3A_818, %reduce_sum3A_819 [1, 2] : vector<1x64x1xf32> to vector<1xf32>
    %reduce_sum3A_821 = vector.shape_cast %reduce_sum3A_820 : vector<1xf32> to vector<1x1x1xf32>
    %reduce_sum3A_822 = vector.extract %reduce_sum3A_821[0, 0, 0] : f32 from vector<1x1x1xf32>
    %add3A_823 = arith.constant 9.99999993E-9 : f32
    %add3A_824 = arith.addf %reduce_sum3A_822, %add3A_823 : f32
    %div3A_825 = arith.divf %mul3A_817, %add3A_824 : f32
    %mul3A_826 = arith.mulf %slice3A_807, %slice3A_809 : vector<64x1xf32>
    %reduce_sum3A_827 = vector.shape_cast %mul3A_826 : vector<64x1xf32> to vector<1x64x1xf32>
    %reduce_sum3A_828 = arith.constant dense<0.000000e+00> : vector<1xf32>
    %reduce_sum3A_829 = vector.multi_reduction <add>, %reduce_sum3A_827, %reduce_sum3A_828 [1, 2] : vector<1x64x1xf32> to vector<1xf32>
    %reduce_sum3A_830 = vector.shape_cast %reduce_sum3A_829 : vector<1xf32> to vector<1x1x1xf32>
    %reduce_sum3A_831 = vector.extract %reduce_sum3A_830[0, 0, 0] : f32 from vector<1x1x1xf32>
    %mul3A_832 = arith.constant 5.000000e-01 : f32
    %mul3A_833 = arith.mulf %mul3A_832, %reduce_sum3A_831 : f32
    %reduce_sum3A_834 = vector.shape_cast %slice3A_809 : vector<64x1xf32> to vector<1x64x1xf32>
    %reduce_sum3A_835 = arith.constant dense<0.000000e+00> : vector<1xf32>
    %reduce_sum3A_836 = vector.multi_reduction <add>, %reduce_sum3A_834, %reduce_sum3A_835 [1, 2] : vector<1x64x1xf32> to vector<1xf32>
    %reduce_sum3A_837 = vector.shape_cast %reduce_sum3A_836 : vector<1xf32> to vector<1x1x1xf32>
    %reduce_sum3A_838 = vector.extract %reduce_sum3A_837[0, 0, 0] : f32 from vector<1x1x1xf32>
    %add3A_839 = arith.constant 9.99999993E-9 : f32
    %add3A_840 = arith.addf %reduce_sum3A_838, %add3A_839 : f32
    %div3A_841 = arith.divf %mul3A_833, %add3A_840 : f32
    %add3A_842 = arith.addf %div3A_825, %div3A_841 : f32
    %add3A_843 = arith.addf %add3A_806, %add3A_842 : f32
    %slice3A_844 = vector.extract_strided_slice %neg3A_31 {offsets = [1408, 0], sizes = [64, 1], strides = [1, 1]} : vector<4096x1xf32> to vector<64x1xf32>
    %slice3A_845 = vector.extract_strided_slice %convert_element_type3A_14 {offsets = [1408, 0], sizes = [64, 1], strides = [1, 1]} : vector<4096x1xf32> to vector<64x1xf32>
    %slice3A_846 = vector.extract_strided_slice %convert_element_type3A_10 {offsets = [1408, 0], sizes = [64, 1], strides = [1, 1]} : vector<4096x1xf32> to vector<64x1xf32>
    %mul3A_847 = arith.mulf %slice3A_844, %slice3A_845 : vector<64x1xf32>
    %reduce_sum3A_848 = vector.shape_cast %mul3A_847 : vector<64x1xf32> to vector<1x64x1xf32>
    %reduce_sum3A_849 = arith.constant dense<0.000000e+00> : vector<1xf32>
    %reduce_sum3A_850 = vector.multi_reduction <add>, %reduce_sum3A_848, %reduce_sum3A_849 [1, 2] : vector<1x64x1xf32> to vector<1xf32>
    %reduce_sum3A_851 = vector.shape_cast %reduce_sum3A_850 : vector<1xf32> to vector<1x1x1xf32>
    %reduce_sum3A_852 = vector.extract %reduce_sum3A_851[0, 0, 0] : f32 from vector<1x1x1xf32>
    %mul3A_853 = arith.constant 5.000000e-01 : f32
    %mul3A_854 = arith.mulf %mul3A_853, %reduce_sum3A_852 : f32
    %reduce_sum3A_855 = vector.shape_cast %slice3A_845 : vector<64x1xf32> to vector<1x64x1xf32>
    %reduce_sum3A_856 = arith.constant dense<0.000000e+00> : vector<1xf32>
    %reduce_sum3A_857 = vector.multi_reduction <add>, %reduce_sum3A_855, %reduce_sum3A_856 [1, 2] : vector<1x64x1xf32> to vector<1xf32>
    %reduce_sum3A_858 = vector.shape_cast %reduce_sum3A_857 : vector<1xf32> to vector<1x1x1xf32>
    %reduce_sum3A_859 = vector.extract %reduce_sum3A_858[0, 0, 0] : f32 from vector<1x1x1xf32>
    %add3A_860 = arith.constant 9.99999993E-9 : f32
    %add3A_861 = arith.addf %reduce_sum3A_859, %add3A_860 : f32
    %div3A_862 = arith.divf %mul3A_854, %add3A_861 : f32
    %mul3A_863 = arith.mulf %slice3A_844, %slice3A_846 : vector<64x1xf32>
    %reduce_sum3A_864 = vector.shape_cast %mul3A_863 : vector<64x1xf32> to vector<1x64x1xf32>
    %reduce_sum3A_865 = arith.constant dense<0.000000e+00> : vector<1xf32>
    %reduce_sum3A_866 = vector.multi_reduction <add>, %reduce_sum3A_864, %reduce_sum3A_865 [1, 2] : vector<1x64x1xf32> to vector<1xf32>
    %reduce_sum3A_867 = vector.shape_cast %reduce_sum3A_866 : vector<1xf32> to vector<1x1x1xf32>
    %reduce_sum3A_868 = vector.extract %reduce_sum3A_867[0, 0, 0] : f32 from vector<1x1x1xf32>
    %mul3A_869 = arith.constant 5.000000e-01 : f32
    %mul3A_870 = arith.mulf %mul3A_869, %reduce_sum3A_868 : f32
    %reduce_sum3A_871 = vector.shape_cast %slice3A_846 : vector<64x1xf32> to vector<1x64x1xf32>
    %reduce_sum3A_872 = arith.constant dense<0.000000e+00> : vector<1xf32>
    %reduce_sum3A_873 = vector.multi_reduction <add>, %reduce_sum3A_871, %reduce_sum3A_872 [1, 2] : vector<1x64x1xf32> to vector<1xf32>
    %reduce_sum3A_874 = vector.shape_cast %reduce_sum3A_873 : vector<1xf32> to vector<1x1x1xf32>
    %reduce_sum3A_875 = vector.extract %reduce_sum3A_874[0, 0, 0] : f32 from vector<1x1x1xf32>
    %add3A_876 = arith.constant 9.99999993E-9 : f32
    %add3A_877 = arith.addf %reduce_sum3A_875, %add3A_876 : f32
    %div3A_878 = arith.divf %mul3A_870, %add3A_877 : f32
    %add3A_879 = arith.addf %div3A_862, %div3A_878 : f32
    %add3A_880 = arith.addf %add3A_843, %add3A_879 : f32
    %slice3A_881 = vector.extract_strided_slice %neg3A_31 {offsets = [1472, 0], sizes = [64, 1], strides = [1, 1]} : vector<4096x1xf32> to vector<64x1xf32>
    %slice3A_882 = vector.extract_strided_slice %convert_element_type3A_14 {offsets = [1472, 0], sizes = [64, 1], strides = [1, 1]} : vector<4096x1xf32> to vector<64x1xf32>
    %slice3A_883 = vector.extract_strided_slice %convert_element_type3A_10 {offsets = [1472, 0], sizes = [64, 1], strides = [1, 1]} : vector<4096x1xf32> to vector<64x1xf32>
    %mul3A_884 = arith.mulf %slice3A_881, %slice3A_882 : vector<64x1xf32>
    %reduce_sum3A_885 = vector.shape_cast %mul3A_884 : vector<64x1xf32> to vector<1x64x1xf32>
    %reduce_sum3A_886 = arith.constant dense<0.000000e+00> : vector<1xf32>
    %reduce_sum3A_887 = vector.multi_reduction <add>, %reduce_sum3A_885, %reduce_sum3A_886 [1, 2] : vector<1x64x1xf32> to vector<1xf32>
    %reduce_sum3A_888 = vector.shape_cast %reduce_sum3A_887 : vector<1xf32> to vector<1x1x1xf32>
    %reduce_sum3A_889 = vector.extract %reduce_sum3A_888[0, 0, 0] : f32 from vector<1x1x1xf32>
    %mul3A_890 = arith.constant 5.000000e-01 : f32
    %mul3A_891 = arith.mulf %mul3A_890, %reduce_sum3A_889 : f32
    %reduce_sum3A_892 = vector.shape_cast %slice3A_882 : vector<64x1xf32> to vector<1x64x1xf32>
    %reduce_sum3A_893 = arith.constant dense<0.000000e+00> : vector<1xf32>
    %reduce_sum3A_894 = vector.multi_reduction <add>, %reduce_sum3A_892, %reduce_sum3A_893 [1, 2] : vector<1x64x1xf32> to vector<1xf32>
    %reduce_sum3A_895 = vector.shape_cast %reduce_sum3A_894 : vector<1xf32> to vector<1x1x1xf32>
    %reduce_sum3A_896 = vector.extract %reduce_sum3A_895[0, 0, 0] : f32 from vector<1x1x1xf32>
    %add3A_897 = arith.constant 9.99999993E-9 : f32
    %add3A_898 = arith.addf %reduce_sum3A_896, %add3A_897 : f32
    %div3A_899 = arith.divf %mul3A_891, %add3A_898 : f32
    %mul3A_900 = arith.mulf %slice3A_881, %slice3A_883 : vector<64x1xf32>
    %reduce_sum3A_901 = vector.shape_cast %mul3A_900 : vector<64x1xf32> to vector<1x64x1xf32>
    %reduce_sum3A_902 = arith.constant dense<0.000000e+00> : vector<1xf32>
    %reduce_sum3A_903 = vector.multi_reduction <add>, %reduce_sum3A_901, %reduce_sum3A_902 [1, 2] : vector<1x64x1xf32> to vector<1xf32>
    %reduce_sum3A_904 = vector.shape_cast %reduce_sum3A_903 : vector<1xf32> to vector<1x1x1xf32>
    %reduce_sum3A_905 = vector.extract %reduce_sum3A_904[0, 0, 0] : f32 from vector<1x1x1xf32>
    %mul3A_906 = arith.constant 5.000000e-01 : f32
    %mul3A_907 = arith.mulf %mul3A_906, %reduce_sum3A_905 : f32
    %reduce_sum3A_908 = vector.shape_cast %slice3A_883 : vector<64x1xf32> to vector<1x64x1xf32>
    %reduce_sum3A_909 = arith.constant dense<0.000000e+00> : vector<1xf32>
    %reduce_sum3A_910 = vector.multi_reduction <add>, %reduce_sum3A_908, %reduce_sum3A_909 [1, 2] : vector<1x64x1xf32> to vector<1xf32>
    %reduce_sum3A_911 = vector.shape_cast %reduce_sum3A_910 : vector<1xf32> to vector<1x1x1xf32>
    %reduce_sum3A_912 = vector.extract %reduce_sum3A_911[0, 0, 0] : f32 from vector<1x1x1xf32>
    %add3A_913 = arith.constant 9.99999993E-9 : f32
    %add3A_914 = arith.addf %reduce_sum3A_912, %add3A_913 : f32
    %div3A_915 = arith.divf %mul3A_907, %add3A_914 : f32
    %add3A_916 = arith.addf %div3A_899, %div3A_915 : f32
    %add3A_917 = arith.addf %add3A_880, %add3A_916 : f32
    %slice3A_918 = vector.extract_strided_slice %neg3A_31 {offsets = [1536, 0], sizes = [64, 1], strides = [1, 1]} : vector<4096x1xf32> to vector<64x1xf32>
    %slice3A_919 = vector.extract_strided_slice %convert_element_type3A_14 {offsets = [1536, 0], sizes = [64, 1], strides = [1, 1]} : vector<4096x1xf32> to vector<64x1xf32>
    %slice3A_920 = vector.extract_strided_slice %convert_element_type3A_10 {offsets = [1536, 0], sizes = [64, 1], strides = [1, 1]} : vector<4096x1xf32> to vector<64x1xf32>
    %mul3A_921 = arith.mulf %slice3A_918, %slice3A_919 : vector<64x1xf32>
    %reduce_sum3A_922 = vector.shape_cast %mul3A_921 : vector<64x1xf32> to vector<1x64x1xf32>
    %reduce_sum3A_923 = arith.constant dense<0.000000e+00> : vector<1xf32>
    %reduce_sum3A_924 = vector.multi_reduction <add>, %reduce_sum3A_922, %reduce_sum3A_923 [1, 2] : vector<1x64x1xf32> to vector<1xf32>
    %reduce_sum3A_925 = vector.shape_cast %reduce_sum3A_924 : vector<1xf32> to vector<1x1x1xf32>
    %reduce_sum3A_926 = vector.extract %reduce_sum3A_925[0, 0, 0] : f32 from vector<1x1x1xf32>
    %mul3A_927 = arith.constant 5.000000e-01 : f32
    %mul3A_928 = arith.mulf %mul3A_927, %reduce_sum3A_926 : f32
    %reduce_sum3A_929 = vector.shape_cast %slice3A_919 : vector<64x1xf32> to vector<1x64x1xf32>
    %reduce_sum3A_930 = arith.constant dense<0.000000e+00> : vector<1xf32>
    %reduce_sum3A_931 = vector.multi_reduction <add>, %reduce_sum3A_929, %reduce_sum3A_930 [1, 2] : vector<1x64x1xf32> to vector<1xf32>
    %reduce_sum3A_932 = vector.shape_cast %reduce_sum3A_931 : vector<1xf32> to vector<1x1x1xf32>
    %reduce_sum3A_933 = vector.extract %reduce_sum3A_932[0, 0, 0] : f32 from vector<1x1x1xf32>
    %add3A_934 = arith.constant 9.99999993E-9 : f32
    %add3A_935 = arith.addf %reduce_sum3A_933, %add3A_934 : f32
    %div3A_936 = arith.divf %mul3A_928, %add3A_935 : f32
    %mul3A_937 = arith.mulf %slice3A_918, %slice3A_920 : vector<64x1xf32>
    %reduce_sum3A_938 = vector.shape_cast %mul3A_937 : vector<64x1xf32> to vector<1x64x1xf32>
    %reduce_sum3A_939 = arith.constant dense<0.000000e+00> : vector<1xf32>
    %reduce_sum3A_940 = vector.multi_reduction <add>, %reduce_sum3A_938, %reduce_sum3A_939 [1, 2] : vector<1x64x1xf32> to vector<1xf32>
    %reduce_sum3A_941 = vector.shape_cast %reduce_sum3A_940 : vector<1xf32> to vector<1x1x1xf32>
    %reduce_sum3A_942 = vector.extract %reduce_sum3A_941[0, 0, 0] : f32 from vector<1x1x1xf32>
    %mul3A_943 = arith.constant 5.000000e-01 : f32
    %mul3A_944 = arith.mulf %mul3A_943, %reduce_sum3A_942 : f32
    %reduce_sum3A_945 = vector.shape_cast %slice3A_920 : vector<64x1xf32> to vector<1x64x1xf32>
    %reduce_sum3A_946 = arith.constant dense<0.000000e+00> : vector<1xf32>
    %reduce_sum3A_947 = vector.multi_reduction <add>, %reduce_sum3A_945, %reduce_sum3A_946 [1, 2] : vector<1x64x1xf32> to vector<1xf32>
    %reduce_sum3A_948 = vector.shape_cast %reduce_sum3A_947 : vector<1xf32> to vector<1x1x1xf32>
    %reduce_sum3A_949 = vector.extract %reduce_sum3A_948[0, 0, 0] : f32 from vector<1x1x1xf32>
    %add3A_950 = arith.constant 9.99999993E-9 : f32
    %add3A_951 = arith.addf %reduce_sum3A_949, %add3A_950 : f32
    %div3A_952 = arith.divf %mul3A_944, %add3A_951 : f32
    %add3A_953 = arith.addf %div3A_936, %div3A_952 : f32
    %add3A_954 = arith.addf %add3A_917, %add3A_953 : f32
    %slice3A_955 = vector.extract_strided_slice %neg3A_31 {offsets = [1600, 0], sizes = [64, 1], strides = [1, 1]} : vector<4096x1xf32> to vector<64x1xf32>
    %slice3A_956 = vector.extract_strided_slice %convert_element_type3A_14 {offsets = [1600, 0], sizes = [64, 1], strides = [1, 1]} : vector<4096x1xf32> to vector<64x1xf32>
    %slice3A_957 = vector.extract_strided_slice %convert_element_type3A_10 {offsets = [1600, 0], sizes = [64, 1], strides = [1, 1]} : vector<4096x1xf32> to vector<64x1xf32>
    %mul3A_958 = arith.mulf %slice3A_955, %slice3A_956 : vector<64x1xf32>
    %reduce_sum3A_959 = vector.shape_cast %mul3A_958 : vector<64x1xf32> to vector<1x64x1xf32>
    %reduce_sum3A_960 = arith.constant dense<0.000000e+00> : vector<1xf32>
    %reduce_sum3A_961 = vector.multi_reduction <add>, %reduce_sum3A_959, %reduce_sum3A_960 [1, 2] : vector<1x64x1xf32> to vector<1xf32>
    %reduce_sum3A_962 = vector.shape_cast %reduce_sum3A_961 : vector<1xf32> to vector<1x1x1xf32>
    %reduce_sum3A_963 = vector.extract %reduce_sum3A_962[0, 0, 0] : f32 from vector<1x1x1xf32>
    %mul3A_964 = arith.constant 5.000000e-01 : f32
    %mul3A_965 = arith.mulf %mul3A_964, %reduce_sum3A_963 : f32
    %reduce_sum3A_966 = vector.shape_cast %slice3A_956 : vector<64x1xf32> to vector<1x64x1xf32>
    %reduce_sum3A_967 = arith.constant dense<0.000000e+00> : vector<1xf32>
    %reduce_sum3A_968 = vector.multi_reduction <add>, %reduce_sum3A_966, %reduce_sum3A_967 [1, 2] : vector<1x64x1xf32> to vector<1xf32>
    %reduce_sum3A_969 = vector.shape_cast %reduce_sum3A_968 : vector<1xf32> to vector<1x1x1xf32>
    %reduce_sum3A_970 = vector.extract %reduce_sum3A_969[0, 0, 0] : f32 from vector<1x1x1xf32>
    %add3A_971 = arith.constant 9.99999993E-9 : f32
    %add3A_972 = arith.addf %reduce_sum3A_970, %add3A_971 : f32
    %div3A_973 = arith.divf %mul3A_965, %add3A_972 : f32
    %mul3A_974 = arith.mulf %slice3A_955, %slice3A_957 : vector<64x1xf32>
    %reduce_sum3A_975 = vector.shape_cast %mul3A_974 : vector<64x1xf32> to vector<1x64x1xf32>
    %reduce_sum3A_976 = arith.constant dense<0.000000e+00> : vector<1xf32>
    %reduce_sum3A_977 = vector.multi_reduction <add>, %reduce_sum3A_975, %reduce_sum3A_976 [1, 2] : vector<1x64x1xf32> to vector<1xf32>
    %reduce_sum3A_978 = vector.shape_cast %reduce_sum3A_977 : vector<1xf32> to vector<1x1x1xf32>
    %reduce_sum3A_979 = vector.extract %reduce_sum3A_978[0, 0, 0] : f32 from vector<1x1x1xf32>
    %mul3A_980 = arith.constant 5.000000e-01 : f32
    %mul3A_981 = arith.mulf %mul3A_980, %reduce_sum3A_979 : f32
    %reduce_sum3A_982 = vector.shape_cast %slice3A_957 : vector<64x1xf32> to vector<1x64x1xf32>
    %reduce_sum3A_983 = arith.constant dense<0.000000e+00> : vector<1xf32>
    %reduce_sum3A_984 = vector.multi_reduction <add>, %reduce_sum3A_982, %reduce_sum3A_983 [1, 2] : vector<1x64x1xf32> to vector<1xf32>
    %reduce_sum3A_985 = vector.shape_cast %reduce_sum3A_984 : vector<1xf32> to vector<1x1x1xf32>
    %reduce_sum3A_986 = vector.extract %reduce_sum3A_985[0, 0, 0] : f32 from vector<1x1x1xf32>
    %add3A_987 = arith.constant 9.99999993E-9 : f32
    %add3A_988 = arith.addf %reduce_sum3A_986, %add3A_987 : f32
    %div3A_989 = arith.divf %mul3A_981, %add3A_988 : f32
    %add3A_990 = arith.addf %div3A_973, %div3A_989 : f32
    %add3A_991 = arith.addf %add3A_954, %add3A_990 : f32
    %slice3A_992 = vector.extract_strided_slice %neg3A_31 {offsets = [1664, 0], sizes = [64, 1], strides = [1, 1]} : vector<4096x1xf32> to vector<64x1xf32>
    %slice3A_993 = vector.extract_strided_slice %convert_element_type3A_14 {offsets = [1664, 0], sizes = [64, 1], strides = [1, 1]} : vector<4096x1xf32> to vector<64x1xf32>
    %slice3A_994 = vector.extract_strided_slice %convert_element_type3A_10 {offsets = [1664, 0], sizes = [64, 1], strides = [1, 1]} : vector<4096x1xf32> to vector<64x1xf32>
    %mul3A_995 = arith.mulf %slice3A_992, %slice3A_993 : vector<64x1xf32>
    %reduce_sum3A_996 = vector.shape_cast %mul3A_995 : vector<64x1xf32> to vector<1x64x1xf32>
    %reduce_sum3A_997 = arith.constant dense<0.000000e+00> : vector<1xf32>
    %reduce_sum3A_998 = vector.multi_reduction <add>, %reduce_sum3A_996, %reduce_sum3A_997 [1, 2] : vector<1x64x1xf32> to vector<1xf32>
    %reduce_sum3A_999 = vector.shape_cast %reduce_sum3A_998 : vector<1xf32> to vector<1x1x1xf32>
    %reduce_sum3A_1000 = vector.extract %reduce_sum3A_999[0, 0, 0] : f32 from vector<1x1x1xf32>
    %mul3A_1001 = arith.constant 5.000000e-01 : f32
    %mul3A_1002 = arith.mulf %mul3A_1001, %reduce_sum3A_1000 : f32
    %reduce_sum3A_1003 = vector.shape_cast %slice3A_993 : vector<64x1xf32> to vector<1x64x1xf32>
    %reduce_sum3A_1004 = arith.constant dense<0.000000e+00> : vector<1xf32>
    %reduce_sum3A_1005 = vector.multi_reduction <add>, %reduce_sum3A_1003, %reduce_sum3A_1004 [1, 2] : vector<1x64x1xf32> to vector<1xf32>
    %reduce_sum3A_1006 = vector.shape_cast %reduce_sum3A_1005 : vector<1xf32> to vector<1x1x1xf32>
    %reduce_sum3A_1007 = vector.extract %reduce_sum3A_1006[0, 0, 0] : f32 from vector<1x1x1xf32>
    %add3A_1008 = arith.constant 9.99999993E-9 : f32
    %add3A_1009 = arith.addf %reduce_sum3A_1007, %add3A_1008 : f32
    %div3A_1010 = arith.divf %mul3A_1002, %add3A_1009 : f32
    %mul3A_1011 = arith.mulf %slice3A_992, %slice3A_994 : vector<64x1xf32>
    %reduce_sum3A_1012 = vector.shape_cast %mul3A_1011 : vector<64x1xf32> to vector<1x64x1xf32>
    %reduce_sum3A_1013 = arith.constant dense<0.000000e+00> : vector<1xf32>
    %reduce_sum3A_1014 = vector.multi_reduction <add>, %reduce_sum3A_1012, %reduce_sum3A_1013 [1, 2] : vector<1x64x1xf32> to vector<1xf32>
    %reduce_sum3A_1015 = vector.shape_cast %reduce_sum3A_1014 : vector<1xf32> to vector<1x1x1xf32>
    %reduce_sum3A_1016 = vector.extract %reduce_sum3A_1015[0, 0, 0] : f32 from vector<1x1x1xf32>
    %mul3A_1017 = arith.constant 5.000000e-01 : f32
    %mul3A_1018 = arith.mulf %mul3A_1017, %reduce_sum3A_1016 : f32
    %reduce_sum3A_1019 = vector.shape_cast %slice3A_994 : vector<64x1xf32> to vector<1x64x1xf32>
    %reduce_sum3A_1020 = arith.constant dense<0.000000e+00> : vector<1xf32>
    %reduce_sum3A_1021 = vector.multi_reduction <add>, %reduce_sum3A_1019, %reduce_sum3A_1020 [1, 2] : vector<1x64x1xf32> to vector<1xf32>
    %reduce_sum3A_1022 = vector.shape_cast %reduce_sum3A_1021 : vector<1xf32> to vector<1x1x1xf32>
    %reduce_sum3A_1023 = vector.extract %reduce_sum3A_1022[0, 0, 0] : f32 from vector<1x1x1xf32>
    %add3A_1024 = arith.constant 9.99999993E-9 : f32
    %add3A_1025 = arith.addf %reduce_sum3A_1023, %add3A_1024 : f32
    %div3A_1026 = arith.divf %mul3A_1018, %add3A_1025 : f32
    %add3A_1027 = arith.addf %div3A_1010, %div3A_1026 : f32
    %add3A_1028 = arith.addf %add3A_991, %add3A_1027 : f32
    %slice3A_1029 = vector.extract_strided_slice %neg3A_31 {offsets = [1728, 0], sizes = [64, 1], strides = [1, 1]} : vector<4096x1xf32> to vector<64x1xf32>
    %slice3A_1030 = vector.extract_strided_slice %convert_element_type3A_14 {offsets = [1728, 0], sizes = [64, 1], strides = [1, 1]} : vector<4096x1xf32> to vector<64x1xf32>
    %slice3A_1031 = vector.extract_strided_slice %convert_element_type3A_10 {offsets = [1728, 0], sizes = [64, 1], strides = [1, 1]} : vector<4096x1xf32> to vector<64x1xf32>
    %mul3A_1032 = arith.mulf %slice3A_1029, %slice3A_1030 : vector<64x1xf32>
    %reduce_sum3A_1033 = vector.shape_cast %mul3A_1032 : vector<64x1xf32> to vector<1x64x1xf32>
    %reduce_sum3A_1034 = arith.constant dense<0.000000e+00> : vector<1xf32>
    %reduce_sum3A_1035 = vector.multi_reduction <add>, %reduce_sum3A_1033, %reduce_sum3A_1034 [1, 2] : vector<1x64x1xf32> to vector<1xf32>
    %reduce_sum3A_1036 = vector.shape_cast %reduce_sum3A_1035 : vector<1xf32> to vector<1x1x1xf32>
    %reduce_sum3A_1037 = vector.extract %reduce_sum3A_1036[0, 0, 0] : f32 from vector<1x1x1xf32>
    %mul3A_1038 = arith.constant 5.000000e-01 : f32
    %mul3A_1039 = arith.mulf %mul3A_1038, %reduce_sum3A_1037 : f32
    %reduce_sum3A_1040 = vector.shape_cast %slice3A_1030 : vector<64x1xf32> to vector<1x64x1xf32>
    %reduce_sum3A_1041 = arith.constant dense<0.000000e+00> : vector<1xf32>
    %reduce_sum3A_1042 = vector.multi_reduction <add>, %reduce_sum3A_1040, %reduce_sum3A_1041 [1, 2] : vector<1x64x1xf32> to vector<1xf32>
    %reduce_sum3A_1043 = vector.shape_cast %reduce_sum3A_1042 : vector<1xf32> to vector<1x1x1xf32>
    %reduce_sum3A_1044 = vector.extract %reduce_sum3A_1043[0, 0, 0] : f32 from vector<1x1x1xf32>
    %add3A_1045 = arith.constant 9.99999993E-9 : f32
    %add3A_1046 = arith.addf %reduce_sum3A_1044, %add3A_1045 : f32
    %div3A_1047 = arith.divf %mul3A_1039, %add3A_1046 : f32
    %mul3A_1048 = arith.mulf %slice3A_1029, %slice3A_1031 : vector<64x1xf32>
    %reduce_sum3A_1049 = vector.shape_cast %mul3A_1048 : vector<64x1xf32> to vector<1x64x1xf32>
    %reduce_sum3A_1050 = arith.constant dense<0.000000e+00> : vector<1xf32>
    %reduce_sum3A_1051 = vector.multi_reduction <add>, %reduce_sum3A_1049, %reduce_sum3A_1050 [1, 2] : vector<1x64x1xf32> to vector<1xf32>
    %reduce_sum3A_1052 = vector.shape_cast %reduce_sum3A_1051 : vector<1xf32> to vector<1x1x1xf32>
    %reduce_sum3A_1053 = vector.extract %reduce_sum3A_1052[0, 0, 0] : f32 from vector<1x1x1xf32>
    %mul3A_1054 = arith.constant 5.000000e-01 : f32
    %mul3A_1055 = arith.mulf %mul3A_1054, %reduce_sum3A_1053 : f32
    %reduce_sum3A_1056 = vector.shape_cast %slice3A_1031 : vector<64x1xf32> to vector<1x64x1xf32>
    %reduce_sum3A_1057 = arith.constant dense<0.000000e+00> : vector<1xf32>
    %reduce_sum3A_1058 = vector.multi_reduction <add>, %reduce_sum3A_1056, %reduce_sum3A_1057 [1, 2] : vector<1x64x1xf32> to vector<1xf32>
    %reduce_sum3A_1059 = vector.shape_cast %reduce_sum3A_1058 : vector<1xf32> to vector<1x1x1xf32>
    %reduce_sum3A_1060 = vector.extract %reduce_sum3A_1059[0, 0, 0] : f32 from vector<1x1x1xf32>
    %add3A_1061 = arith.constant 9.99999993E-9 : f32
    %add3A_1062 = arith.addf %reduce_sum3A_1060, %add3A_1061 : f32
    %div3A_1063 = arith.divf %mul3A_1055, %add3A_1062 : f32
    %add3A_1064 = arith.addf %div3A_1047, %div3A_1063 : f32
    %add3A_1065 = arith.addf %add3A_1028, %add3A_1064 : f32
    %slice3A_1066 = vector.extract_strided_slice %neg3A_31 {offsets = [1792, 0], sizes = [64, 1], strides = [1, 1]} : vector<4096x1xf32> to vector<64x1xf32>
    %slice3A_1067 = vector.extract_strided_slice %convert_element_type3A_14 {offsets = [1792, 0], sizes = [64, 1], strides = [1, 1]} : vector<4096x1xf32> to vector<64x1xf32>
    %slice3A_1068 = vector.extract_strided_slice %convert_element_type3A_10 {offsets = [1792, 0], sizes = [64, 1], strides = [1, 1]} : vector<4096x1xf32> to vector<64x1xf32>
    %mul3A_1069 = arith.mulf %slice3A_1066, %slice3A_1067 : vector<64x1xf32>
    %reduce_sum3A_1070 = vector.shape_cast %mul3A_1069 : vector<64x1xf32> to vector<1x64x1xf32>
    %reduce_sum3A_1071 = arith.constant dense<0.000000e+00> : vector<1xf32>
    %reduce_sum3A_1072 = vector.multi_reduction <add>, %reduce_sum3A_1070, %reduce_sum3A_1071 [1, 2] : vector<1x64x1xf32> to vector<1xf32>
    %reduce_sum3A_1073 = vector.shape_cast %reduce_sum3A_1072 : vector<1xf32> to vector<1x1x1xf32>
    %reduce_sum3A_1074 = vector.extract %reduce_sum3A_1073[0, 0, 0] : f32 from vector<1x1x1xf32>
    %mul3A_1075 = arith.constant 5.000000e-01 : f32
    %mul3A_1076 = arith.mulf %mul3A_1075, %reduce_sum3A_1074 : f32
    %reduce_sum3A_1077 = vector.shape_cast %slice3A_1067 : vector<64x1xf32> to vector<1x64x1xf32>
    %reduce_sum3A_1078 = arith.constant dense<0.000000e+00> : vector<1xf32>
    %reduce_sum3A_1079 = vector.multi_reduction <add>, %reduce_sum3A_1077, %reduce_sum3A_1078 [1, 2] : vector<1x64x1xf32> to vector<1xf32>
    %reduce_sum3A_1080 = vector.shape_cast %reduce_sum3A_1079 : vector<1xf32> to vector<1x1x1xf32>
    %reduce_sum3A_1081 = vector.extract %reduce_sum3A_1080[0, 0, 0] : f32 from vector<1x1x1xf32>
    %add3A_1082 = arith.constant 9.99999993E-9 : f32
    %add3A_1083 = arith.addf %reduce_sum3A_1081, %add3A_1082 : f32
    %div3A_1084 = arith.divf %mul3A_1076, %add3A_1083 : f32
    %mul3A_1085 = arith.mulf %slice3A_1066, %slice3A_1068 : vector<64x1xf32>
    %reduce_sum3A_1086 = vector.shape_cast %mul3A_1085 : vector<64x1xf32> to vector<1x64x1xf32>
    %reduce_sum3A_1087 = arith.constant dense<0.000000e+00> : vector<1xf32>
    %reduce_sum3A_1088 = vector.multi_reduction <add>, %reduce_sum3A_1086, %reduce_sum3A_1087 [1, 2] : vector<1x64x1xf32> to vector<1xf32>
    %reduce_sum3A_1089 = vector.shape_cast %reduce_sum3A_1088 : vector<1xf32> to vector<1x1x1xf32>
    %reduce_sum3A_1090 = vector.extract %reduce_sum3A_1089[0, 0, 0] : f32 from vector<1x1x1xf32>
    %mul3A_1091 = arith.constant 5.000000e-01 : f32
    %mul3A_1092 = arith.mulf %mul3A_1091, %reduce_sum3A_1090 : f32
    %reduce_sum3A_1093 = vector.shape_cast %slice3A_1068 : vector<64x1xf32> to vector<1x64x1xf32>
    %reduce_sum3A_1094 = arith.constant dense<0.000000e+00> : vector<1xf32>
    %reduce_sum3A_1095 = vector.multi_reduction <add>, %reduce_sum3A_1093, %reduce_sum3A_1094 [1, 2] : vector<1x64x1xf32> to vector<1xf32>
    %reduce_sum3A_1096 = vector.shape_cast %reduce_sum3A_1095 : vector<1xf32> to vector<1x1x1xf32>
    %reduce_sum3A_1097 = vector.extract %reduce_sum3A_1096[0, 0, 0] : f32 from vector<1x1x1xf32>
    %add3A_1098 = arith.constant 9.99999993E-9 : f32
    %add3A_1099 = arith.addf %reduce_sum3A_1097, %add3A_1098 : f32
    %div3A_1100 = arith.divf %mul3A_1092, %add3A_1099 : f32
    %add3A_1101 = arith.addf %div3A_1084, %div3A_1100 : f32
    %add3A_1102 = arith.addf %add3A_1065, %add3A_1101 : f32
    %slice3A_1103 = vector.extract_strided_slice %neg3A_31 {offsets = [1856, 0], sizes = [64, 1], strides = [1, 1]} : vector<4096x1xf32> to vector<64x1xf32>
    %slice3A_1104 = vector.extract_strided_slice %convert_element_type3A_14 {offsets = [1856, 0], sizes = [64, 1], strides = [1, 1]} : vector<4096x1xf32> to vector<64x1xf32>
    %slice3A_1105 = vector.extract_strided_slice %convert_element_type3A_10 {offsets = [1856, 0], sizes = [64, 1], strides = [1, 1]} : vector<4096x1xf32> to vector<64x1xf32>
    %mul3A_1106 = arith.mulf %slice3A_1103, %slice3A_1104 : vector<64x1xf32>
    %reduce_sum3A_1107 = vector.shape_cast %mul3A_1106 : vector<64x1xf32> to vector<1x64x1xf32>
    %reduce_sum3A_1108 = arith.constant dense<0.000000e+00> : vector<1xf32>
    %reduce_sum3A_1109 = vector.multi_reduction <add>, %reduce_sum3A_1107, %reduce_sum3A_1108 [1, 2] : vector<1x64x1xf32> to vector<1xf32>
    %reduce_sum3A_1110 = vector.shape_cast %reduce_sum3A_1109 : vector<1xf32> to vector<1x1x1xf32>
    %reduce_sum3A_1111 = vector.extract %reduce_sum3A_1110[0, 0, 0] : f32 from vector<1x1x1xf32>
    %mul3A_1112 = arith.constant 5.000000e-01 : f32
    %mul3A_1113 = arith.mulf %mul3A_1112, %reduce_sum3A_1111 : f32
    %reduce_sum3A_1114 = vector.shape_cast %slice3A_1104 : vector<64x1xf32> to vector<1x64x1xf32>
    %reduce_sum3A_1115 = arith.constant dense<0.000000e+00> : vector<1xf32>
    %reduce_sum3A_1116 = vector.multi_reduction <add>, %reduce_sum3A_1114, %reduce_sum3A_1115 [1, 2] : vector<1x64x1xf32> to vector<1xf32>
    %reduce_sum3A_1117 = vector.shape_cast %reduce_sum3A_1116 : vector<1xf32> to vector<1x1x1xf32>
    %reduce_sum3A_1118 = vector.extract %reduce_sum3A_1117[0, 0, 0] : f32 from vector<1x1x1xf32>
    %add3A_1119 = arith.constant 9.99999993E-9 : f32
    %add3A_1120 = arith.addf %reduce_sum3A_1118, %add3A_1119 : f32
    %div3A_1121 = arith.divf %mul3A_1113, %add3A_1120 : f32
    %mul3A_1122 = arith.mulf %slice3A_1103, %slice3A_1105 : vector<64x1xf32>
    %reduce_sum3A_1123 = vector.shape_cast %mul3A_1122 : vector<64x1xf32> to vector<1x64x1xf32>
    %reduce_sum3A_1124 = arith.constant dense<0.000000e+00> : vector<1xf32>
    %reduce_sum3A_1125 = vector.multi_reduction <add>, %reduce_sum3A_1123, %reduce_sum3A_1124 [1, 2] : vector<1x64x1xf32> to vector<1xf32>
    %reduce_sum3A_1126 = vector.shape_cast %reduce_sum3A_1125 : vector<1xf32> to vector<1x1x1xf32>
    %reduce_sum3A_1127 = vector.extract %reduce_sum3A_1126[0, 0, 0] : f32 from vector<1x1x1xf32>
    %mul3A_1128 = arith.constant 5.000000e-01 : f32
    %mul3A_1129 = arith.mulf %mul3A_1128, %reduce_sum3A_1127 : f32
    %reduce_sum3A_1130 = vector.shape_cast %slice3A_1105 : vector<64x1xf32> to vector<1x64x1xf32>
    %reduce_sum3A_1131 = arith.constant dense<0.000000e+00> : vector<1xf32>
    %reduce_sum3A_1132 = vector.multi_reduction <add>, %reduce_sum3A_1130, %reduce_sum3A_1131 [1, 2] : vector<1x64x1xf32> to vector<1xf32>
    %reduce_sum3A_1133 = vector.shape_cast %reduce_sum3A_1132 : vector<1xf32> to vector<1x1x1xf32>
    %reduce_sum3A_1134 = vector.extract %reduce_sum3A_1133[0, 0, 0] : f32 from vector<1x1x1xf32>
    %add3A_1135 = arith.constant 9.99999993E-9 : f32
    %add3A_1136 = arith.addf %reduce_sum3A_1134, %add3A_1135 : f32
    %div3A_1137 = arith.divf %mul3A_1129, %add3A_1136 : f32
    %add3A_1138 = arith.addf %div3A_1121, %div3A_1137 : f32
    %add3A_1139 = arith.addf %add3A_1102, %add3A_1138 : f32
    %slice3A_1140 = vector.extract_strided_slice %neg3A_31 {offsets = [1920, 0], sizes = [64, 1], strides = [1, 1]} : vector<4096x1xf32> to vector<64x1xf32>
    %slice3A_1141 = vector.extract_strided_slice %convert_element_type3A_14 {offsets = [1920, 0], sizes = [64, 1], strides = [1, 1]} : vector<4096x1xf32> to vector<64x1xf32>
    %slice3A_1142 = vector.extract_strided_slice %convert_element_type3A_10 {offsets = [1920, 0], sizes = [64, 1], strides = [1, 1]} : vector<4096x1xf32> to vector<64x1xf32>
    %mul3A_1143 = arith.mulf %slice3A_1140, %slice3A_1141 : vector<64x1xf32>
    %reduce_sum3A_1144 = vector.shape_cast %mul3A_1143 : vector<64x1xf32> to vector<1x64x1xf32>
    %reduce_sum3A_1145 = arith.constant dense<0.000000e+00> : vector<1xf32>
    %reduce_sum3A_1146 = vector.multi_reduction <add>, %reduce_sum3A_1144, %reduce_sum3A_1145 [1, 2] : vector<1x64x1xf32> to vector<1xf32>
    %reduce_sum3A_1147 = vector.shape_cast %reduce_sum3A_1146 : vector<1xf32> to vector<1x1x1xf32>
    %reduce_sum3A_1148 = vector.extract %reduce_sum3A_1147[0, 0, 0] : f32 from vector<1x1x1xf32>
    %mul3A_1149 = arith.constant 5.000000e-01 : f32
    %mul3A_1150 = arith.mulf %mul3A_1149, %reduce_sum3A_1148 : f32
    %reduce_sum3A_1151 = vector.shape_cast %slice3A_1141 : vector<64x1xf32> to vector<1x64x1xf32>
    %reduce_sum3A_1152 = arith.constant dense<0.000000e+00> : vector<1xf32>
    %reduce_sum3A_1153 = vector.multi_reduction <add>, %reduce_sum3A_1151, %reduce_sum3A_1152 [1, 2] : vector<1x64x1xf32> to vector<1xf32>
    %reduce_sum3A_1154 = vector.shape_cast %reduce_sum3A_1153 : vector<1xf32> to vector<1x1x1xf32>
    %reduce_sum3A_1155 = vector.extract %reduce_sum3A_1154[0, 0, 0] : f32 from vector<1x1x1xf32>
    %add3A_1156 = arith.constant 9.99999993E-9 : f32
    %add3A_1157 = arith.addf %reduce_sum3A_1155, %add3A_1156 : f32
    %div3A_1158 = arith.divf %mul3A_1150, %add3A_1157 : f32
    %mul3A_1159 = arith.mulf %slice3A_1140, %slice3A_1142 : vector<64x1xf32>
    %reduce_sum3A_1160 = vector.shape_cast %mul3A_1159 : vector<64x1xf32> to vector<1x64x1xf32>
    %reduce_sum3A_1161 = arith.constant dense<0.000000e+00> : vector<1xf32>
    %reduce_sum3A_1162 = vector.multi_reduction <add>, %reduce_sum3A_1160, %reduce_sum3A_1161 [1, 2] : vector<1x64x1xf32> to vector<1xf32>
    %reduce_sum3A_1163 = vector.shape_cast %reduce_sum3A_1162 : vector<1xf32> to vector<1x1x1xf32>
    %reduce_sum3A_1164 = vector.extract %reduce_sum3A_1163[0, 0, 0] : f32 from vector<1x1x1xf32>
    %mul3A_1165 = arith.constant 5.000000e-01 : f32
    %mul3A_1166 = arith.mulf %mul3A_1165, %reduce_sum3A_1164 : f32
    %reduce_sum3A_1167 = vector.shape_cast %slice3A_1142 : vector<64x1xf32> to vector<1x64x1xf32>
    %reduce_sum3A_1168 = arith.constant dense<0.000000e+00> : vector<1xf32>
    %reduce_sum3A_1169 = vector.multi_reduction <add>, %reduce_sum3A_1167, %reduce_sum3A_1168 [1, 2] : vector<1x64x1xf32> to vector<1xf32>
    %reduce_sum3A_1170 = vector.shape_cast %reduce_sum3A_1169 : vector<1xf32> to vector<1x1x1xf32>
    %reduce_sum3A_1171 = vector.extract %reduce_sum3A_1170[0, 0, 0] : f32 from vector<1x1x1xf32>
    %add3A_1172 = arith.constant 9.99999993E-9 : f32
    %add3A_1173 = arith.addf %reduce_sum3A_1171, %add3A_1172 : f32
    %div3A_1174 = arith.divf %mul3A_1166, %add3A_1173 : f32
    %add3A_1175 = arith.addf %div3A_1158, %div3A_1174 : f32
    %add3A_1176 = arith.addf %add3A_1139, %add3A_1175 : f32
    %slice3A_1177 = vector.extract_strided_slice %neg3A_31 {offsets = [1984, 0], sizes = [64, 1], strides = [1, 1]} : vector<4096x1xf32> to vector<64x1xf32>
    %slice3A_1178 = vector.extract_strided_slice %convert_element_type3A_14 {offsets = [1984, 0], sizes = [64, 1], strides = [1, 1]} : vector<4096x1xf32> to vector<64x1xf32>
    %slice3A_1179 = vector.extract_strided_slice %convert_element_type3A_10 {offsets = [1984, 0], sizes = [64, 1], strides = [1, 1]} : vector<4096x1xf32> to vector<64x1xf32>
    %mul3A_1180 = arith.mulf %slice3A_1177, %slice3A_1178 : vector<64x1xf32>
    %reduce_sum3A_1181 = vector.shape_cast %mul3A_1180 : vector<64x1xf32> to vector<1x64x1xf32>
    %reduce_sum3A_1182 = arith.constant dense<0.000000e+00> : vector<1xf32>
    %reduce_sum3A_1183 = vector.multi_reduction <add>, %reduce_sum3A_1181, %reduce_sum3A_1182 [1, 2] : vector<1x64x1xf32> to vector<1xf32>
    %reduce_sum3A_1184 = vector.shape_cast %reduce_sum3A_1183 : vector<1xf32> to vector<1x1x1xf32>
    %reduce_sum3A_1185 = vector.extract %reduce_sum3A_1184[0, 0, 0] : f32 from vector<1x1x1xf32>
    %mul3A_1186 = arith.constant 5.000000e-01 : f32
    %mul3A_1187 = arith.mulf %mul3A_1186, %reduce_sum3A_1185 : f32
    %reduce_sum3A_1188 = vector.shape_cast %slice3A_1178 : vector<64x1xf32> to vector<1x64x1xf32>
    %reduce_sum3A_1189 = arith.constant dense<0.000000e+00> : vector<1xf32>
    %reduce_sum3A_1190 = vector.multi_reduction <add>, %reduce_sum3A_1188, %reduce_sum3A_1189 [1, 2] : vector<1x64x1xf32> to vector<1xf32>
    %reduce_sum3A_1191 = vector.shape_cast %reduce_sum3A_1190 : vector<1xf32> to vector<1x1x1xf32>
    %reduce_sum3A_1192 = vector.extract %reduce_sum3A_1191[0, 0, 0] : f32 from vector<1x1x1xf32>
    %add3A_1193 = arith.constant 9.99999993E-9 : f32
    %add3A_1194 = arith.addf %reduce_sum3A_1192, %add3A_1193 : f32
    %div3A_1195 = arith.divf %mul3A_1187, %add3A_1194 : f32
    %mul3A_1196 = arith.mulf %slice3A_1177, %slice3A_1179 : vector<64x1xf32>
    %reduce_sum3A_1197 = vector.shape_cast %mul3A_1196 : vector<64x1xf32> to vector<1x64x1xf32>
    %reduce_sum3A_1198 = arith.constant dense<0.000000e+00> : vector<1xf32>
    %reduce_sum3A_1199 = vector.multi_reduction <add>, %reduce_sum3A_1197, %reduce_sum3A_1198 [1, 2] : vector<1x64x1xf32> to vector<1xf32>
    %reduce_sum3A_1200 = vector.shape_cast %reduce_sum3A_1199 : vector<1xf32> to vector<1x1x1xf32>
    %reduce_sum3A_1201 = vector.extract %reduce_sum3A_1200[0, 0, 0] : f32 from vector<1x1x1xf32>
    %mul3A_1202 = arith.constant 5.000000e-01 : f32
    %mul3A_1203 = arith.mulf %mul3A_1202, %reduce_sum3A_1201 : f32
    %reduce_sum3A_1204 = vector.shape_cast %slice3A_1179 : vector<64x1xf32> to vector<1x64x1xf32>
    %reduce_sum3A_1205 = arith.constant dense<0.000000e+00> : vector<1xf32>
    %reduce_sum3A_1206 = vector.multi_reduction <add>, %reduce_sum3A_1204, %reduce_sum3A_1205 [1, 2] : vector<1x64x1xf32> to vector<1xf32>
    %reduce_sum3A_1207 = vector.shape_cast %reduce_sum3A_1206 : vector<1xf32> to vector<1x1x1xf32>
    %reduce_sum3A_1208 = vector.extract %reduce_sum3A_1207[0, 0, 0] : f32 from vector<1x1x1xf32>
    %add3A_1209 = arith.constant 9.99999993E-9 : f32
    %add3A_1210 = arith.addf %reduce_sum3A_1208, %add3A_1209 : f32
    %div3A_1211 = arith.divf %mul3A_1203, %add3A_1210 : f32
    %add3A_1212 = arith.addf %div3A_1195, %div3A_1211 : f32
    %add3A_1213 = arith.addf %add3A_1176, %add3A_1212 : f32
    %slice3A_1214 = vector.extract_strided_slice %neg3A_31 {offsets = [2048, 0], sizes = [64, 1], strides = [1, 1]} : vector<4096x1xf32> to vector<64x1xf32>
    %slice3A_1215 = vector.extract_strided_slice %convert_element_type3A_14 {offsets = [2048, 0], sizes = [64, 1], strides = [1, 1]} : vector<4096x1xf32> to vector<64x1xf32>
    %slice3A_1216 = vector.extract_strided_slice %convert_element_type3A_10 {offsets = [2048, 0], sizes = [64, 1], strides = [1, 1]} : vector<4096x1xf32> to vector<64x1xf32>
    %mul3A_1217 = arith.mulf %slice3A_1214, %slice3A_1215 : vector<64x1xf32>
    %reduce_sum3A_1218 = vector.shape_cast %mul3A_1217 : vector<64x1xf32> to vector<1x64x1xf32>
    %reduce_sum3A_1219 = arith.constant dense<0.000000e+00> : vector<1xf32>
    %reduce_sum3A_1220 = vector.multi_reduction <add>, %reduce_sum3A_1218, %reduce_sum3A_1219 [1, 2] : vector<1x64x1xf32> to vector<1xf32>
    %reduce_sum3A_1221 = vector.shape_cast %reduce_sum3A_1220 : vector<1xf32> to vector<1x1x1xf32>
    %reduce_sum3A_1222 = vector.extract %reduce_sum3A_1221[0, 0, 0] : f32 from vector<1x1x1xf32>
    %mul3A_1223 = arith.constant 5.000000e-01 : f32
    %mul3A_1224 = arith.mulf %mul3A_1223, %reduce_sum3A_1222 : f32
    %reduce_sum3A_1225 = vector.shape_cast %slice3A_1215 : vector<64x1xf32> to vector<1x64x1xf32>
    %reduce_sum3A_1226 = arith.constant dense<0.000000e+00> : vector<1xf32>
    %reduce_sum3A_1227 = vector.multi_reduction <add>, %reduce_sum3A_1225, %reduce_sum3A_1226 [1, 2] : vector<1x64x1xf32> to vector<1xf32>
    %reduce_sum3A_1228 = vector.shape_cast %reduce_sum3A_1227 : vector<1xf32> to vector<1x1x1xf32>
    %reduce_sum3A_1229 = vector.extract %reduce_sum3A_1228[0, 0, 0] : f32 from vector<1x1x1xf32>
    %add3A_1230 = arith.constant 9.99999993E-9 : f32
    %add3A_1231 = arith.addf %reduce_sum3A_1229, %add3A_1230 : f32
    %div3A_1232 = arith.divf %mul3A_1224, %add3A_1231 : f32
    %mul3A_1233 = arith.mulf %slice3A_1214, %slice3A_1216 : vector<64x1xf32>
    %reduce_sum3A_1234 = vector.shape_cast %mul3A_1233 : vector<64x1xf32> to vector<1x64x1xf32>
    %reduce_sum3A_1235 = arith.constant dense<0.000000e+00> : vector<1xf32>
    %reduce_sum3A_1236 = vector.multi_reduction <add>, %reduce_sum3A_1234, %reduce_sum3A_1235 [1, 2] : vector<1x64x1xf32> to vector<1xf32>
    %reduce_sum3A_1237 = vector.shape_cast %reduce_sum3A_1236 : vector<1xf32> to vector<1x1x1xf32>
    %reduce_sum3A_1238 = vector.extract %reduce_sum3A_1237[0, 0, 0] : f32 from vector<1x1x1xf32>
    %mul3A_1239 = arith.constant 5.000000e-01 : f32
    %mul3A_1240 = arith.mulf %mul3A_1239, %reduce_sum3A_1238 : f32
    %reduce_sum3A_1241 = vector.shape_cast %slice3A_1216 : vector<64x1xf32> to vector<1x64x1xf32>
    %reduce_sum3A_1242 = arith.constant dense<0.000000e+00> : vector<1xf32>
    %reduce_sum3A_1243 = vector.multi_reduction <add>, %reduce_sum3A_1241, %reduce_sum3A_1242 [1, 2] : vector<1x64x1xf32> to vector<1xf32>
    %reduce_sum3A_1244 = vector.shape_cast %reduce_sum3A_1243 : vector<1xf32> to vector<1x1x1xf32>
    %reduce_sum3A_1245 = vector.extract %reduce_sum3A_1244[0, 0, 0] : f32 from vector<1x1x1xf32>
    %add3A_1246 = arith.constant 9.99999993E-9 : f32
    %add3A_1247 = arith.addf %reduce_sum3A_1245, %add3A_1246 : f32
    %div3A_1248 = arith.divf %mul3A_1240, %add3A_1247 : f32
    %add3A_1249 = arith.addf %div3A_1232, %div3A_1248 : f32
    %add3A_1250 = arith.addf %add3A_1213, %add3A_1249 : f32
    %slice3A_1251 = vector.extract_strided_slice %neg3A_31 {offsets = [2112, 0], sizes = [64, 1], strides = [1, 1]} : vector<4096x1xf32> to vector<64x1xf32>
    %slice3A_1252 = vector.extract_strided_slice %convert_element_type3A_14 {offsets = [2112, 0], sizes = [64, 1], strides = [1, 1]} : vector<4096x1xf32> to vector<64x1xf32>
    %slice3A_1253 = vector.extract_strided_slice %convert_element_type3A_10 {offsets = [2112, 0], sizes = [64, 1], strides = [1, 1]} : vector<4096x1xf32> to vector<64x1xf32>
    %mul3A_1254 = arith.mulf %slice3A_1251, %slice3A_1252 : vector<64x1xf32>
    %reduce_sum3A_1255 = vector.shape_cast %mul3A_1254 : vector<64x1xf32> to vector<1x64x1xf32>
    %reduce_sum3A_1256 = arith.constant dense<0.000000e+00> : vector<1xf32>
    %reduce_sum3A_1257 = vector.multi_reduction <add>, %reduce_sum3A_1255, %reduce_sum3A_1256 [1, 2] : vector<1x64x1xf32> to vector<1xf32>
    %reduce_sum3A_1258 = vector.shape_cast %reduce_sum3A_1257 : vector<1xf32> to vector<1x1x1xf32>
    %reduce_sum3A_1259 = vector.extract %reduce_sum3A_1258[0, 0, 0] : f32 from vector<1x1x1xf32>
    %mul3A_1260 = arith.constant 5.000000e-01 : f32
    %mul3A_1261 = arith.mulf %mul3A_1260, %reduce_sum3A_1259 : f32
    %reduce_sum3A_1262 = vector.shape_cast %slice3A_1252 : vector<64x1xf32> to vector<1x64x1xf32>
    %reduce_sum3A_1263 = arith.constant dense<0.000000e+00> : vector<1xf32>
    %reduce_sum3A_1264 = vector.multi_reduction <add>, %reduce_sum3A_1262, %reduce_sum3A_1263 [1, 2] : vector<1x64x1xf32> to vector<1xf32>
    %reduce_sum3A_1265 = vector.shape_cast %reduce_sum3A_1264 : vector<1xf32> to vector<1x1x1xf32>
    %reduce_sum3A_1266 = vector.extract %reduce_sum3A_1265[0, 0, 0] : f32 from vector<1x1x1xf32>
    %add3A_1267 = arith.constant 9.99999993E-9 : f32
    %add3A_1268 = arith.addf %reduce_sum3A_1266, %add3A_1267 : f32
    %div3A_1269 = arith.divf %mul3A_1261, %add3A_1268 : f32
    %mul3A_1270 = arith.mulf %slice3A_1251, %slice3A_1253 : vector<64x1xf32>
    %reduce_sum3A_1271 = vector.shape_cast %mul3A_1270 : vector<64x1xf32> to vector<1x64x1xf32>
    %reduce_sum3A_1272 = arith.constant dense<0.000000e+00> : vector<1xf32>
    %reduce_sum3A_1273 = vector.multi_reduction <add>, %reduce_sum3A_1271, %reduce_sum3A_1272 [1, 2] : vector<1x64x1xf32> to vector<1xf32>
    %reduce_sum3A_1274 = vector.shape_cast %reduce_sum3A_1273 : vector<1xf32> to vector<1x1x1xf32>
    %reduce_sum3A_1275 = vector.extract %reduce_sum3A_1274[0, 0, 0] : f32 from vector<1x1x1xf32>
    %mul3A_1276 = arith.constant 5.000000e-01 : f32
    %mul3A_1277 = arith.mulf %mul3A_1276, %reduce_sum3A_1275 : f32
    %reduce_sum3A_1278 = vector.shape_cast %slice3A_1253 : vector<64x1xf32> to vector<1x64x1xf32>
    %reduce_sum3A_1279 = arith.constant dense<0.000000e+00> : vector<1xf32>
    %reduce_sum3A_1280 = vector.multi_reduction <add>, %reduce_sum3A_1278, %reduce_sum3A_1279 [1, 2] : vector<1x64x1xf32> to vector<1xf32>
    %reduce_sum3A_1281 = vector.shape_cast %reduce_sum3A_1280 : vector<1xf32> to vector<1x1x1xf32>
    %reduce_sum3A_1282 = vector.extract %reduce_sum3A_1281[0, 0, 0] : f32 from vector<1x1x1xf32>
    %add3A_1283 = arith.constant 9.99999993E-9 : f32
    %add3A_1284 = arith.addf %reduce_sum3A_1282, %add3A_1283 : f32
    %div3A_1285 = arith.divf %mul3A_1277, %add3A_1284 : f32
    %add3A_1286 = arith.addf %div3A_1269, %div3A_1285 : f32
    %add3A_1287 = arith.addf %add3A_1250, %add3A_1286 : f32
    %slice3A_1288 = vector.extract_strided_slice %neg3A_31 {offsets = [2176, 0], sizes = [64, 1], strides = [1, 1]} : vector<4096x1xf32> to vector<64x1xf32>
    %slice3A_1289 = vector.extract_strided_slice %convert_element_type3A_14 {offsets = [2176, 0], sizes = [64, 1], strides = [1, 1]} : vector<4096x1xf32> to vector<64x1xf32>
    %slice3A_1290 = vector.extract_strided_slice %convert_element_type3A_10 {offsets = [2176, 0], sizes = [64, 1], strides = [1, 1]} : vector<4096x1xf32> to vector<64x1xf32>
    %mul3A_1291 = arith.mulf %slice3A_1288, %slice3A_1289 : vector<64x1xf32>
    %reduce_sum3A_1292 = vector.shape_cast %mul3A_1291 : vector<64x1xf32> to vector<1x64x1xf32>
    %reduce_sum3A_1293 = arith.constant dense<0.000000e+00> : vector<1xf32>
    %reduce_sum3A_1294 = vector.multi_reduction <add>, %reduce_sum3A_1292, %reduce_sum3A_1293 [1, 2] : vector<1x64x1xf32> to vector<1xf32>
    %reduce_sum3A_1295 = vector.shape_cast %reduce_sum3A_1294 : vector<1xf32> to vector<1x1x1xf32>
    %reduce_sum3A_1296 = vector.extract %reduce_sum3A_1295[0, 0, 0] : f32 from vector<1x1x1xf32>
    %mul3A_1297 = arith.constant 5.000000e-01 : f32
    %mul3A_1298 = arith.mulf %mul3A_1297, %reduce_sum3A_1296 : f32
    %reduce_sum3A_1299 = vector.shape_cast %slice3A_1289 : vector<64x1xf32> to vector<1x64x1xf32>
    %reduce_sum3A_1300 = arith.constant dense<0.000000e+00> : vector<1xf32>
    %reduce_sum3A_1301 = vector.multi_reduction <add>, %reduce_sum3A_1299, %reduce_sum3A_1300 [1, 2] : vector<1x64x1xf32> to vector<1xf32>
    %reduce_sum3A_1302 = vector.shape_cast %reduce_sum3A_1301 : vector<1xf32> to vector<1x1x1xf32>
    %reduce_sum3A_1303 = vector.extract %reduce_sum3A_1302[0, 0, 0] : f32 from vector<1x1x1xf32>
    %add3A_1304 = arith.constant 9.99999993E-9 : f32
    %add3A_1305 = arith.addf %reduce_sum3A_1303, %add3A_1304 : f32
    %div3A_1306 = arith.divf %mul3A_1298, %add3A_1305 : f32
    %mul3A_1307 = arith.mulf %slice3A_1288, %slice3A_1290 : vector<64x1xf32>
    %reduce_sum3A_1308 = vector.shape_cast %mul3A_1307 : vector<64x1xf32> to vector<1x64x1xf32>
    %reduce_sum3A_1309 = arith.constant dense<0.000000e+00> : vector<1xf32>
    %reduce_sum3A_1310 = vector.multi_reduction <add>, %reduce_sum3A_1308, %reduce_sum3A_1309 [1, 2] : vector<1x64x1xf32> to vector<1xf32>
    %reduce_sum3A_1311 = vector.shape_cast %reduce_sum3A_1310 : vector<1xf32> to vector<1x1x1xf32>
    %reduce_sum3A_1312 = vector.extract %reduce_sum3A_1311[0, 0, 0] : f32 from vector<1x1x1xf32>
    %mul3A_1313 = arith.constant 5.000000e-01 : f32
    %mul3A_1314 = arith.mulf %mul3A_1313, %reduce_sum3A_1312 : f32
    %reduce_sum3A_1315 = vector.shape_cast %slice3A_1290 : vector<64x1xf32> to vector<1x64x1xf32>
    %reduce_sum3A_1316 = arith.constant dense<0.000000e+00> : vector<1xf32>
    %reduce_sum3A_1317 = vector.multi_reduction <add>, %reduce_sum3A_1315, %reduce_sum3A_1316 [1, 2] : vector<1x64x1xf32> to vector<1xf32>
    %reduce_sum3A_1318 = vector.shape_cast %reduce_sum3A_1317 : vector<1xf32> to vector<1x1x1xf32>
    %reduce_sum3A_1319 = vector.extract %reduce_sum3A_1318[0, 0, 0] : f32 from vector<1x1x1xf32>
    %add3A_1320 = arith.constant 9.99999993E-9 : f32
    %add3A_1321 = arith.addf %reduce_sum3A_1319, %add3A_1320 : f32
    %div3A_1322 = arith.divf %mul3A_1314, %add3A_1321 : f32
    %add3A_1323 = arith.addf %div3A_1306, %div3A_1322 : f32
    %add3A_1324 = arith.addf %add3A_1287, %add3A_1323 : f32
    %slice3A_1325 = vector.extract_strided_slice %neg3A_31 {offsets = [2240, 0], sizes = [64, 1], strides = [1, 1]} : vector<4096x1xf32> to vector<64x1xf32>
    %slice3A_1326 = vector.extract_strided_slice %convert_element_type3A_14 {offsets = [2240, 0], sizes = [64, 1], strides = [1, 1]} : vector<4096x1xf32> to vector<64x1xf32>
    %slice3A_1327 = vector.extract_strided_slice %convert_element_type3A_10 {offsets = [2240, 0], sizes = [64, 1], strides = [1, 1]} : vector<4096x1xf32> to vector<64x1xf32>
    %mul3A_1328 = arith.mulf %slice3A_1325, %slice3A_1326 : vector<64x1xf32>
    %reduce_sum3A_1329 = vector.shape_cast %mul3A_1328 : vector<64x1xf32> to vector<1x64x1xf32>
    %reduce_sum3A_1330 = arith.constant dense<0.000000e+00> : vector<1xf32>
    %reduce_sum3A_1331 = vector.multi_reduction <add>, %reduce_sum3A_1329, %reduce_sum3A_1330 [1, 2] : vector<1x64x1xf32> to vector<1xf32>
    %reduce_sum3A_1332 = vector.shape_cast %reduce_sum3A_1331 : vector<1xf32> to vector<1x1x1xf32>
    %reduce_sum3A_1333 = vector.extract %reduce_sum3A_1332[0, 0, 0] : f32 from vector<1x1x1xf32>
    %mul3A_1334 = arith.constant 5.000000e-01 : f32
    %mul3A_1335 = arith.mulf %mul3A_1334, %reduce_sum3A_1333 : f32
    %reduce_sum3A_1336 = vector.shape_cast %slice3A_1326 : vector<64x1xf32> to vector<1x64x1xf32>
    %reduce_sum3A_1337 = arith.constant dense<0.000000e+00> : vector<1xf32>
    %reduce_sum3A_1338 = vector.multi_reduction <add>, %reduce_sum3A_1336, %reduce_sum3A_1337 [1, 2] : vector<1x64x1xf32> to vector<1xf32>
    %reduce_sum3A_1339 = vector.shape_cast %reduce_sum3A_1338 : vector<1xf32> to vector<1x1x1xf32>
    %reduce_sum3A_1340 = vector.extract %reduce_sum3A_1339[0, 0, 0] : f32 from vector<1x1x1xf32>
    %add3A_1341 = arith.constant 9.99999993E-9 : f32
    %add3A_1342 = arith.addf %reduce_sum3A_1340, %add3A_1341 : f32
    %div3A_1343 = arith.divf %mul3A_1335, %add3A_1342 : f32
    %mul3A_1344 = arith.mulf %slice3A_1325, %slice3A_1327 : vector<64x1xf32>
    %reduce_sum3A_1345 = vector.shape_cast %mul3A_1344 : vector<64x1xf32> to vector<1x64x1xf32>
    %reduce_sum3A_1346 = arith.constant dense<0.000000e+00> : vector<1xf32>
    %reduce_sum3A_1347 = vector.multi_reduction <add>, %reduce_sum3A_1345, %reduce_sum3A_1346 [1, 2] : vector<1x64x1xf32> to vector<1xf32>
    %reduce_sum3A_1348 = vector.shape_cast %reduce_sum3A_1347 : vector<1xf32> to vector<1x1x1xf32>
    %reduce_sum3A_1349 = vector.extract %reduce_sum3A_1348[0, 0, 0] : f32 from vector<1x1x1xf32>
    %mul3A_1350 = arith.constant 5.000000e-01 : f32
    %mul3A_1351 = arith.mulf %mul3A_1350, %reduce_sum3A_1349 : f32
    %reduce_sum3A_1352 = vector.shape_cast %slice3A_1327 : vector<64x1xf32> to vector<1x64x1xf32>
    %reduce_sum3A_1353 = arith.constant dense<0.000000e+00> : vector<1xf32>
    %reduce_sum3A_1354 = vector.multi_reduction <add>, %reduce_sum3A_1352, %reduce_sum3A_1353 [1, 2] : vector<1x64x1xf32> to vector<1xf32>
    %reduce_sum3A_1355 = vector.shape_cast %reduce_sum3A_1354 : vector<1xf32> to vector<1x1x1xf32>
    %reduce_sum3A_1356 = vector.extract %reduce_sum3A_1355[0, 0, 0] : f32 from vector<1x1x1xf32>
    %add3A_1357 = arith.constant 9.99999993E-9 : f32
    %add3A_1358 = arith.addf %reduce_sum3A_1356, %add3A_1357 : f32
    %div3A_1359 = arith.divf %mul3A_1351, %add3A_1358 : f32
    %add3A_1360 = arith.addf %div3A_1343, %div3A_1359 : f32
    %add3A_1361 = arith.addf %add3A_1324, %add3A_1360 : f32
    %slice3A_1362 = vector.extract_strided_slice %neg3A_31 {offsets = [2304, 0], sizes = [64, 1], strides = [1, 1]} : vector<4096x1xf32> to vector<64x1xf32>
    %slice3A_1363 = vector.extract_strided_slice %convert_element_type3A_14 {offsets = [2304, 0], sizes = [64, 1], strides = [1, 1]} : vector<4096x1xf32> to vector<64x1xf32>
    %slice3A_1364 = vector.extract_strided_slice %convert_element_type3A_10 {offsets = [2304, 0], sizes = [64, 1], strides = [1, 1]} : vector<4096x1xf32> to vector<64x1xf32>
    %mul3A_1365 = arith.mulf %slice3A_1362, %slice3A_1363 : vector<64x1xf32>
    %reduce_sum3A_1366 = vector.shape_cast %mul3A_1365 : vector<64x1xf32> to vector<1x64x1xf32>
    %reduce_sum3A_1367 = arith.constant dense<0.000000e+00> : vector<1xf32>
    %reduce_sum3A_1368 = vector.multi_reduction <add>, %reduce_sum3A_1366, %reduce_sum3A_1367 [1, 2] : vector<1x64x1xf32> to vector<1xf32>
    %reduce_sum3A_1369 = vector.shape_cast %reduce_sum3A_1368 : vector<1xf32> to vector<1x1x1xf32>
    %reduce_sum3A_1370 = vector.extract %reduce_sum3A_1369[0, 0, 0] : f32 from vector<1x1x1xf32>
    %mul3A_1371 = arith.constant 5.000000e-01 : f32
    %mul3A_1372 = arith.mulf %mul3A_1371, %reduce_sum3A_1370 : f32
    %reduce_sum3A_1373 = vector.shape_cast %slice3A_1363 : vector<64x1xf32> to vector<1x64x1xf32>
    %reduce_sum3A_1374 = arith.constant dense<0.000000e+00> : vector<1xf32>
    %reduce_sum3A_1375 = vector.multi_reduction <add>, %reduce_sum3A_1373, %reduce_sum3A_1374 [1, 2] : vector<1x64x1xf32> to vector<1xf32>
    %reduce_sum3A_1376 = vector.shape_cast %reduce_sum3A_1375 : vector<1xf32> to vector<1x1x1xf32>
    %reduce_sum3A_1377 = vector.extract %reduce_sum3A_1376[0, 0, 0] : f32 from vector<1x1x1xf32>
    %add3A_1378 = arith.constant 9.99999993E-9 : f32
    %add3A_1379 = arith.addf %reduce_sum3A_1377, %add3A_1378 : f32
    %div3A_1380 = arith.divf %mul3A_1372, %add3A_1379 : f32
    %mul3A_1381 = arith.mulf %slice3A_1362, %slice3A_1364 : vector<64x1xf32>
    %reduce_sum3A_1382 = vector.shape_cast %mul3A_1381 : vector<64x1xf32> to vector<1x64x1xf32>
    %reduce_sum3A_1383 = arith.constant dense<0.000000e+00> : vector<1xf32>
    %reduce_sum3A_1384 = vector.multi_reduction <add>, %reduce_sum3A_1382, %reduce_sum3A_1383 [1, 2] : vector<1x64x1xf32> to vector<1xf32>
    %reduce_sum3A_1385 = vector.shape_cast %reduce_sum3A_1384 : vector<1xf32> to vector<1x1x1xf32>
    %reduce_sum3A_1386 = vector.extract %reduce_sum3A_1385[0, 0, 0] : f32 from vector<1x1x1xf32>
    %mul3A_1387 = arith.constant 5.000000e-01 : f32
    %mul3A_1388 = arith.mulf %mul3A_1387, %reduce_sum3A_1386 : f32
    %reduce_sum3A_1389 = vector.shape_cast %slice3A_1364 : vector<64x1xf32> to vector<1x64x1xf32>
    %reduce_sum3A_1390 = arith.constant dense<0.000000e+00> : vector<1xf32>
    %reduce_sum3A_1391 = vector.multi_reduction <add>, %reduce_sum3A_1389, %reduce_sum3A_1390 [1, 2] : vector<1x64x1xf32> to vector<1xf32>
    %reduce_sum3A_1392 = vector.shape_cast %reduce_sum3A_1391 : vector<1xf32> to vector<1x1x1xf32>
    %reduce_sum3A_1393 = vector.extract %reduce_sum3A_1392[0, 0, 0] : f32 from vector<1x1x1xf32>
    %add3A_1394 = arith.constant 9.99999993E-9 : f32
    %add3A_1395 = arith.addf %reduce_sum3A_1393, %add3A_1394 : f32
    %div3A_1396 = arith.divf %mul3A_1388, %add3A_1395 : f32
    %add3A_1397 = arith.addf %div3A_1380, %div3A_1396 : f32
    %add3A_1398 = arith.addf %add3A_1361, %add3A_1397 : f32
    %slice3A_1399 = vector.extract_strided_slice %neg3A_31 {offsets = [2368, 0], sizes = [64, 1], strides = [1, 1]} : vector<4096x1xf32> to vector<64x1xf32>
    %slice3A_1400 = vector.extract_strided_slice %convert_element_type3A_14 {offsets = [2368, 0], sizes = [64, 1], strides = [1, 1]} : vector<4096x1xf32> to vector<64x1xf32>
    %slice3A_1401 = vector.extract_strided_slice %convert_element_type3A_10 {offsets = [2368, 0], sizes = [64, 1], strides = [1, 1]} : vector<4096x1xf32> to vector<64x1xf32>
    %mul3A_1402 = arith.mulf %slice3A_1399, %slice3A_1400 : vector<64x1xf32>
    %reduce_sum3A_1403 = vector.shape_cast %mul3A_1402 : vector<64x1xf32> to vector<1x64x1xf32>
    %reduce_sum3A_1404 = arith.constant dense<0.000000e+00> : vector<1xf32>
    %reduce_sum3A_1405 = vector.multi_reduction <add>, %reduce_sum3A_1403, %reduce_sum3A_1404 [1, 2] : vector<1x64x1xf32> to vector<1xf32>
    %reduce_sum3A_1406 = vector.shape_cast %reduce_sum3A_1405 : vector<1xf32> to vector<1x1x1xf32>
    %reduce_sum3A_1407 = vector.extract %reduce_sum3A_1406[0, 0, 0] : f32 from vector<1x1x1xf32>
    %mul3A_1408 = arith.constant 5.000000e-01 : f32
    %mul3A_1409 = arith.mulf %mul3A_1408, %reduce_sum3A_1407 : f32
    %reduce_sum3A_1410 = vector.shape_cast %slice3A_1400 : vector<64x1xf32> to vector<1x64x1xf32>
    %reduce_sum3A_1411 = arith.constant dense<0.000000e+00> : vector<1xf32>
    %reduce_sum3A_1412 = vector.multi_reduction <add>, %reduce_sum3A_1410, %reduce_sum3A_1411 [1, 2] : vector<1x64x1xf32> to vector<1xf32>
    %reduce_sum3A_1413 = vector.shape_cast %reduce_sum3A_1412 : vector<1xf32> to vector<1x1x1xf32>
    %reduce_sum3A_1414 = vector.extract %reduce_sum3A_1413[0, 0, 0] : f32 from vector<1x1x1xf32>
    %add3A_1415 = arith.constant 9.99999993E-9 : f32
    %add3A_1416 = arith.addf %reduce_sum3A_1414, %add3A_1415 : f32
    %div3A_1417 = arith.divf %mul3A_1409, %add3A_1416 : f32
    %mul3A_1418 = arith.mulf %slice3A_1399, %slice3A_1401 : vector<64x1xf32>
    %reduce_sum3A_1419 = vector.shape_cast %mul3A_1418 : vector<64x1xf32> to vector<1x64x1xf32>
    %reduce_sum3A_1420 = arith.constant dense<0.000000e+00> : vector<1xf32>
    %reduce_sum3A_1421 = vector.multi_reduction <add>, %reduce_sum3A_1419, %reduce_sum3A_1420 [1, 2] : vector<1x64x1xf32> to vector<1xf32>
    %reduce_sum3A_1422 = vector.shape_cast %reduce_sum3A_1421 : vector<1xf32> to vector<1x1x1xf32>
    %reduce_sum3A_1423 = vector.extract %reduce_sum3A_1422[0, 0, 0] : f32 from vector<1x1x1xf32>
    %mul3A_1424 = arith.constant 5.000000e-01 : f32
    %mul3A_1425 = arith.mulf %mul3A_1424, %reduce_sum3A_1423 : f32
    %reduce_sum3A_1426 = vector.shape_cast %slice3A_1401 : vector<64x1xf32> to vector<1x64x1xf32>
    %reduce_sum3A_1427 = arith.constant dense<0.000000e+00> : vector<1xf32>
    %reduce_sum3A_1428 = vector.multi_reduction <add>, %reduce_sum3A_1426, %reduce_sum3A_1427 [1, 2] : vector<1x64x1xf32> to vector<1xf32>
    %reduce_sum3A_1429 = vector.shape_cast %reduce_sum3A_1428 : vector<1xf32> to vector<1x1x1xf32>
    %reduce_sum3A_1430 = vector.extract %reduce_sum3A_1429[0, 0, 0] : f32 from vector<1x1x1xf32>
    %add3A_1431 = arith.constant 9.99999993E-9 : f32
    %add3A_1432 = arith.addf %reduce_sum3A_1430, %add3A_1431 : f32
    %div3A_1433 = arith.divf %mul3A_1425, %add3A_1432 : f32
    %add3A_1434 = arith.addf %div3A_1417, %div3A_1433 : f32
    %add3A_1435 = arith.addf %add3A_1398, %add3A_1434 : f32
    %slice3A_1436 = vector.extract_strided_slice %neg3A_31 {offsets = [2432, 0], sizes = [64, 1], strides = [1, 1]} : vector<4096x1xf32> to vector<64x1xf32>
    %slice3A_1437 = vector.extract_strided_slice %convert_element_type3A_14 {offsets = [2432, 0], sizes = [64, 1], strides = [1, 1]} : vector<4096x1xf32> to vector<64x1xf32>
    %slice3A_1438 = vector.extract_strided_slice %convert_element_type3A_10 {offsets = [2432, 0], sizes = [64, 1], strides = [1, 1]} : vector<4096x1xf32> to vector<64x1xf32>
    %mul3A_1439 = arith.mulf %slice3A_1436, %slice3A_1437 : vector<64x1xf32>
    %reduce_sum3A_1440 = vector.shape_cast %mul3A_1439 : vector<64x1xf32> to vector<1x64x1xf32>
    %reduce_sum3A_1441 = arith.constant dense<0.000000e+00> : vector<1xf32>
    %reduce_sum3A_1442 = vector.multi_reduction <add>, %reduce_sum3A_1440, %reduce_sum3A_1441 [1, 2] : vector<1x64x1xf32> to vector<1xf32>
    %reduce_sum3A_1443 = vector.shape_cast %reduce_sum3A_1442 : vector<1xf32> to vector<1x1x1xf32>
    %reduce_sum3A_1444 = vector.extract %reduce_sum3A_1443[0, 0, 0] : f32 from vector<1x1x1xf32>
    %mul3A_1445 = arith.constant 5.000000e-01 : f32
    %mul3A_1446 = arith.mulf %mul3A_1445, %reduce_sum3A_1444 : f32
    %reduce_sum3A_1447 = vector.shape_cast %slice3A_1437 : vector<64x1xf32> to vector<1x64x1xf32>
    %reduce_sum3A_1448 = arith.constant dense<0.000000e+00> : vector<1xf32>
    %reduce_sum3A_1449 = vector.multi_reduction <add>, %reduce_sum3A_1447, %reduce_sum3A_1448 [1, 2] : vector<1x64x1xf32> to vector<1xf32>
    %reduce_sum3A_1450 = vector.shape_cast %reduce_sum3A_1449 : vector<1xf32> to vector<1x1x1xf32>
    %reduce_sum3A_1451 = vector.extract %reduce_sum3A_1450[0, 0, 0] : f32 from vector<1x1x1xf32>
    %add3A_1452 = arith.constant 9.99999993E-9 : f32
    %add3A_1453 = arith.addf %reduce_sum3A_1451, %add3A_1452 : f32
    %div3A_1454 = arith.divf %mul3A_1446, %add3A_1453 : f32
    %mul3A_1455 = arith.mulf %slice3A_1436, %slice3A_1438 : vector<64x1xf32>
    %reduce_sum3A_1456 = vector.shape_cast %mul3A_1455 : vector<64x1xf32> to vector<1x64x1xf32>
    %reduce_sum3A_1457 = arith.constant dense<0.000000e+00> : vector<1xf32>
    %reduce_sum3A_1458 = vector.multi_reduction <add>, %reduce_sum3A_1456, %reduce_sum3A_1457 [1, 2] : vector<1x64x1xf32> to vector<1xf32>
    %reduce_sum3A_1459 = vector.shape_cast %reduce_sum3A_1458 : vector<1xf32> to vector<1x1x1xf32>
    %reduce_sum3A_1460 = vector.extract %reduce_sum3A_1459[0, 0, 0] : f32 from vector<1x1x1xf32>
    %mul3A_1461 = arith.constant 5.000000e-01 : f32
    %mul3A_1462 = arith.mulf %mul3A_1461, %reduce_sum3A_1460 : f32
    %reduce_sum3A_1463 = vector.shape_cast %slice3A_1438 : vector<64x1xf32> to vector<1x64x1xf32>
    %reduce_sum3A_1464 = arith.constant dense<0.000000e+00> : vector<1xf32>
    %reduce_sum3A_1465 = vector.multi_reduction <add>, %reduce_sum3A_1463, %reduce_sum3A_1464 [1, 2] : vector<1x64x1xf32> to vector<1xf32>
    %reduce_sum3A_1466 = vector.shape_cast %reduce_sum3A_1465 : vector<1xf32> to vector<1x1x1xf32>
    %reduce_sum3A_1467 = vector.extract %reduce_sum3A_1466[0, 0, 0] : f32 from vector<1x1x1xf32>
    %add3A_1468 = arith.constant 9.99999993E-9 : f32
    %add3A_1469 = arith.addf %reduce_sum3A_1467, %add3A_1468 : f32
    %div3A_1470 = arith.divf %mul3A_1462, %add3A_1469 : f32
    %add3A_1471 = arith.addf %div3A_1454, %div3A_1470 : f32
    %add3A_1472 = arith.addf %add3A_1435, %add3A_1471 : f32
    %slice3A_1473 = vector.extract_strided_slice %neg3A_31 {offsets = [2496, 0], sizes = [64, 1], strides = [1, 1]} : vector<4096x1xf32> to vector<64x1xf32>
    %slice3A_1474 = vector.extract_strided_slice %convert_element_type3A_14 {offsets = [2496, 0], sizes = [64, 1], strides = [1, 1]} : vector<4096x1xf32> to vector<64x1xf32>
    %slice3A_1475 = vector.extract_strided_slice %convert_element_type3A_10 {offsets = [2496, 0], sizes = [64, 1], strides = [1, 1]} : vector<4096x1xf32> to vector<64x1xf32>
    %mul3A_1476 = arith.mulf %slice3A_1473, %slice3A_1474 : vector<64x1xf32>
    %reduce_sum3A_1477 = vector.shape_cast %mul3A_1476 : vector<64x1xf32> to vector<1x64x1xf32>
    %reduce_sum3A_1478 = arith.constant dense<0.000000e+00> : vector<1xf32>
    %reduce_sum3A_1479 = vector.multi_reduction <add>, %reduce_sum3A_1477, %reduce_sum3A_1478 [1, 2] : vector<1x64x1xf32> to vector<1xf32>
    %reduce_sum3A_1480 = vector.shape_cast %reduce_sum3A_1479 : vector<1xf32> to vector<1x1x1xf32>
    %reduce_sum3A_1481 = vector.extract %reduce_sum3A_1480[0, 0, 0] : f32 from vector<1x1x1xf32>
    %mul3A_1482 = arith.constant 5.000000e-01 : f32
    %mul3A_1483 = arith.mulf %mul3A_1482, %reduce_sum3A_1481 : f32
    %reduce_sum3A_1484 = vector.shape_cast %slice3A_1474 : vector<64x1xf32> to vector<1x64x1xf32>
    %reduce_sum3A_1485 = arith.constant dense<0.000000e+00> : vector<1xf32>
    %reduce_sum3A_1486 = vector.multi_reduction <add>, %reduce_sum3A_1484, %reduce_sum3A_1485 [1, 2] : vector<1x64x1xf32> to vector<1xf32>
    %reduce_sum3A_1487 = vector.shape_cast %reduce_sum3A_1486 : vector<1xf32> to vector<1x1x1xf32>
    %reduce_sum3A_1488 = vector.extract %reduce_sum3A_1487[0, 0, 0] : f32 from vector<1x1x1xf32>
    %add3A_1489 = arith.constant 9.99999993E-9 : f32
    %add3A_1490 = arith.addf %reduce_sum3A_1488, %add3A_1489 : f32
    %div3A_1491 = arith.divf %mul3A_1483, %add3A_1490 : f32
    %mul3A_1492 = arith.mulf %slice3A_1473, %slice3A_1475 : vector<64x1xf32>
    %reduce_sum3A_1493 = vector.shape_cast %mul3A_1492 : vector<64x1xf32> to vector<1x64x1xf32>
    %reduce_sum3A_1494 = arith.constant dense<0.000000e+00> : vector<1xf32>
    %reduce_sum3A_1495 = vector.multi_reduction <add>, %reduce_sum3A_1493, %reduce_sum3A_1494 [1, 2] : vector<1x64x1xf32> to vector<1xf32>
    %reduce_sum3A_1496 = vector.shape_cast %reduce_sum3A_1495 : vector<1xf32> to vector<1x1x1xf32>
    %reduce_sum3A_1497 = vector.extract %reduce_sum3A_1496[0, 0, 0] : f32 from vector<1x1x1xf32>
    %mul3A_1498 = arith.constant 5.000000e-01 : f32
    %mul3A_1499 = arith.mulf %mul3A_1498, %reduce_sum3A_1497 : f32
    %reduce_sum3A_1500 = vector.shape_cast %slice3A_1475 : vector<64x1xf32> to vector<1x64x1xf32>
    %reduce_sum3A_1501 = arith.constant dense<0.000000e+00> : vector<1xf32>
    %reduce_sum3A_1502 = vector.multi_reduction <add>, %reduce_sum3A_1500, %reduce_sum3A_1501 [1, 2] : vector<1x64x1xf32> to vector<1xf32>
    %reduce_sum3A_1503 = vector.shape_cast %reduce_sum3A_1502 : vector<1xf32> to vector<1x1x1xf32>
    %reduce_sum3A_1504 = vector.extract %reduce_sum3A_1503[0, 0, 0] : f32 from vector<1x1x1xf32>
    %add3A_1505 = arith.constant 9.99999993E-9 : f32
    %add3A_1506 = arith.addf %reduce_sum3A_1504, %add3A_1505 : f32
    %div3A_1507 = arith.divf %mul3A_1499, %add3A_1506 : f32
    %add3A_1508 = arith.addf %div3A_1491, %div3A_1507 : f32
    %add3A_1509 = arith.addf %add3A_1472, %add3A_1508 : f32
    %slice3A_1510 = vector.extract_strided_slice %neg3A_31 {offsets = [2560, 0], sizes = [64, 1], strides = [1, 1]} : vector<4096x1xf32> to vector<64x1xf32>
    %slice3A_1511 = vector.extract_strided_slice %convert_element_type3A_14 {offsets = [2560, 0], sizes = [64, 1], strides = [1, 1]} : vector<4096x1xf32> to vector<64x1xf32>
    %slice3A_1512 = vector.extract_strided_slice %convert_element_type3A_10 {offsets = [2560, 0], sizes = [64, 1], strides = [1, 1]} : vector<4096x1xf32> to vector<64x1xf32>
    %mul3A_1513 = arith.mulf %slice3A_1510, %slice3A_1511 : vector<64x1xf32>
    %reduce_sum3A_1514 = vector.shape_cast %mul3A_1513 : vector<64x1xf32> to vector<1x64x1xf32>
    %reduce_sum3A_1515 = arith.constant dense<0.000000e+00> : vector<1xf32>
    %reduce_sum3A_1516 = vector.multi_reduction <add>, %reduce_sum3A_1514, %reduce_sum3A_1515 [1, 2] : vector<1x64x1xf32> to vector<1xf32>
    %reduce_sum3A_1517 = vector.shape_cast %reduce_sum3A_1516 : vector<1xf32> to vector<1x1x1xf32>
    %reduce_sum3A_1518 = vector.extract %reduce_sum3A_1517[0, 0, 0] : f32 from vector<1x1x1xf32>
    %mul3A_1519 = arith.constant 5.000000e-01 : f32
    %mul3A_1520 = arith.mulf %mul3A_1519, %reduce_sum3A_1518 : f32
    %reduce_sum3A_1521 = vector.shape_cast %slice3A_1511 : vector<64x1xf32> to vector<1x64x1xf32>
    %reduce_sum3A_1522 = arith.constant dense<0.000000e+00> : vector<1xf32>
    %reduce_sum3A_1523 = vector.multi_reduction <add>, %reduce_sum3A_1521, %reduce_sum3A_1522 [1, 2] : vector<1x64x1xf32> to vector<1xf32>
    %reduce_sum3A_1524 = vector.shape_cast %reduce_sum3A_1523 : vector<1xf32> to vector<1x1x1xf32>
    %reduce_sum3A_1525 = vector.extract %reduce_sum3A_1524[0, 0, 0] : f32 from vector<1x1x1xf32>
    %add3A_1526 = arith.constant 9.99999993E-9 : f32
    %add3A_1527 = arith.addf %reduce_sum3A_1525, %add3A_1526 : f32
    %div3A_1528 = arith.divf %mul3A_1520, %add3A_1527 : f32
    %mul3A_1529 = arith.mulf %slice3A_1510, %slice3A_1512 : vector<64x1xf32>
    %reduce_sum3A_1530 = vector.shape_cast %mul3A_1529 : vector<64x1xf32> to vector<1x64x1xf32>
    %reduce_sum3A_1531 = arith.constant dense<0.000000e+00> : vector<1xf32>
    %reduce_sum3A_1532 = vector.multi_reduction <add>, %reduce_sum3A_1530, %reduce_sum3A_1531 [1, 2] : vector<1x64x1xf32> to vector<1xf32>
    %reduce_sum3A_1533 = vector.shape_cast %reduce_sum3A_1532 : vector<1xf32> to vector<1x1x1xf32>
    %reduce_sum3A_1534 = vector.extract %reduce_sum3A_1533[0, 0, 0] : f32 from vector<1x1x1xf32>
    %mul3A_1535 = arith.constant 5.000000e-01 : f32
    %mul3A_1536 = arith.mulf %mul3A_1535, %reduce_sum3A_1534 : f32
    %reduce_sum3A_1537 = vector.shape_cast %slice3A_1512 : vector<64x1xf32> to vector<1x64x1xf32>
    %reduce_sum3A_1538 = arith.constant dense<0.000000e+00> : vector<1xf32>
    %reduce_sum3A_1539 = vector.multi_reduction <add>, %reduce_sum3A_1537, %reduce_sum3A_1538 [1, 2] : vector<1x64x1xf32> to vector<1xf32>
    %reduce_sum3A_1540 = vector.shape_cast %reduce_sum3A_1539 : vector<1xf32> to vector<1x1x1xf32>
    %reduce_sum3A_1541 = vector.extract %reduce_sum3A_1540[0, 0, 0] : f32 from vector<1x1x1xf32>
    %add3A_1542 = arith.constant 9.99999993E-9 : f32
    %add3A_1543 = arith.addf %reduce_sum3A_1541, %add3A_1542 : f32
    %div3A_1544 = arith.divf %mul3A_1536, %add3A_1543 : f32
    %add3A_1545 = arith.addf %div3A_1528, %div3A_1544 : f32
    %add3A_1546 = arith.addf %add3A_1509, %add3A_1545 : f32
    %slice3A_1547 = vector.extract_strided_slice %neg3A_31 {offsets = [2624, 0], sizes = [64, 1], strides = [1, 1]} : vector<4096x1xf32> to vector<64x1xf32>
    %slice3A_1548 = vector.extract_strided_slice %convert_element_type3A_14 {offsets = [2624, 0], sizes = [64, 1], strides = [1, 1]} : vector<4096x1xf32> to vector<64x1xf32>
    %slice3A_1549 = vector.extract_strided_slice %convert_element_type3A_10 {offsets = [2624, 0], sizes = [64, 1], strides = [1, 1]} : vector<4096x1xf32> to vector<64x1xf32>
    %mul3A_1550 = arith.mulf %slice3A_1547, %slice3A_1548 : vector<64x1xf32>
    %reduce_sum3A_1551 = vector.shape_cast %mul3A_1550 : vector<64x1xf32> to vector<1x64x1xf32>
    %reduce_sum3A_1552 = arith.constant dense<0.000000e+00> : vector<1xf32>
    %reduce_sum3A_1553 = vector.multi_reduction <add>, %reduce_sum3A_1551, %reduce_sum3A_1552 [1, 2] : vector<1x64x1xf32> to vector<1xf32>
    %reduce_sum3A_1554 = vector.shape_cast %reduce_sum3A_1553 : vector<1xf32> to vector<1x1x1xf32>
    %reduce_sum3A_1555 = vector.extract %reduce_sum3A_1554[0, 0, 0] : f32 from vector<1x1x1xf32>
    %mul3A_1556 = arith.constant 5.000000e-01 : f32
    %mul3A_1557 = arith.mulf %mul3A_1556, %reduce_sum3A_1555 : f32
    %reduce_sum3A_1558 = vector.shape_cast %slice3A_1548 : vector<64x1xf32> to vector<1x64x1xf32>
    %reduce_sum3A_1559 = arith.constant dense<0.000000e+00> : vector<1xf32>
    %reduce_sum3A_1560 = vector.multi_reduction <add>, %reduce_sum3A_1558, %reduce_sum3A_1559 [1, 2] : vector<1x64x1xf32> to vector<1xf32>
    %reduce_sum3A_1561 = vector.shape_cast %reduce_sum3A_1560 : vector<1xf32> to vector<1x1x1xf32>
    %reduce_sum3A_1562 = vector.extract %reduce_sum3A_1561[0, 0, 0] : f32 from vector<1x1x1xf32>
    %add3A_1563 = arith.constant 9.99999993E-9 : f32
    %add3A_1564 = arith.addf %reduce_sum3A_1562, %add3A_1563 : f32
    %div3A_1565 = arith.divf %mul3A_1557, %add3A_1564 : f32
    %mul3A_1566 = arith.mulf %slice3A_1547, %slice3A_1549 : vector<64x1xf32>
    %reduce_sum3A_1567 = vector.shape_cast %mul3A_1566 : vector<64x1xf32> to vector<1x64x1xf32>
    %reduce_sum3A_1568 = arith.constant dense<0.000000e+00> : vector<1xf32>
    %reduce_sum3A_1569 = vector.multi_reduction <add>, %reduce_sum3A_1567, %reduce_sum3A_1568 [1, 2] : vector<1x64x1xf32> to vector<1xf32>
    %reduce_sum3A_1570 = vector.shape_cast %reduce_sum3A_1569 : vector<1xf32> to vector<1x1x1xf32>
    %reduce_sum3A_1571 = vector.extract %reduce_sum3A_1570[0, 0, 0] : f32 from vector<1x1x1xf32>
    %mul3A_1572 = arith.constant 5.000000e-01 : f32
    %mul3A_1573 = arith.mulf %mul3A_1572, %reduce_sum3A_1571 : f32
    %reduce_sum3A_1574 = vector.shape_cast %slice3A_1549 : vector<64x1xf32> to vector<1x64x1xf32>
    %reduce_sum3A_1575 = arith.constant dense<0.000000e+00> : vector<1xf32>
    %reduce_sum3A_1576 = vector.multi_reduction <add>, %reduce_sum3A_1574, %reduce_sum3A_1575 [1, 2] : vector<1x64x1xf32> to vector<1xf32>
    %reduce_sum3A_1577 = vector.shape_cast %reduce_sum3A_1576 : vector<1xf32> to vector<1x1x1xf32>
    %reduce_sum3A_1578 = vector.extract %reduce_sum3A_1577[0, 0, 0] : f32 from vector<1x1x1xf32>
    %add3A_1579 = arith.constant 9.99999993E-9 : f32
    %add3A_1580 = arith.addf %reduce_sum3A_1578, %add3A_1579 : f32
    %div3A_1581 = arith.divf %mul3A_1573, %add3A_1580 : f32
    %add3A_1582 = arith.addf %div3A_1565, %div3A_1581 : f32
    %add3A_1583 = arith.addf %add3A_1546, %add3A_1582 : f32
    %slice3A_1584 = vector.extract_strided_slice %neg3A_31 {offsets = [2688, 0], sizes = [64, 1], strides = [1, 1]} : vector<4096x1xf32> to vector<64x1xf32>
    %slice3A_1585 = vector.extract_strided_slice %convert_element_type3A_14 {offsets = [2688, 0], sizes = [64, 1], strides = [1, 1]} : vector<4096x1xf32> to vector<64x1xf32>
    %slice3A_1586 = vector.extract_strided_slice %convert_element_type3A_10 {offsets = [2688, 0], sizes = [64, 1], strides = [1, 1]} : vector<4096x1xf32> to vector<64x1xf32>
    %mul3A_1587 = arith.mulf %slice3A_1584, %slice3A_1585 : vector<64x1xf32>
    %reduce_sum3A_1588 = vector.shape_cast %mul3A_1587 : vector<64x1xf32> to vector<1x64x1xf32>
    %reduce_sum3A_1589 = arith.constant dense<0.000000e+00> : vector<1xf32>
    %reduce_sum3A_1590 = vector.multi_reduction <add>, %reduce_sum3A_1588, %reduce_sum3A_1589 [1, 2] : vector<1x64x1xf32> to vector<1xf32>
    %reduce_sum3A_1591 = vector.shape_cast %reduce_sum3A_1590 : vector<1xf32> to vector<1x1x1xf32>
    %reduce_sum3A_1592 = vector.extract %reduce_sum3A_1591[0, 0, 0] : f32 from vector<1x1x1xf32>
    %mul3A_1593 = arith.constant 5.000000e-01 : f32
    %mul3A_1594 = arith.mulf %mul3A_1593, %reduce_sum3A_1592 : f32
    %reduce_sum3A_1595 = vector.shape_cast %slice3A_1585 : vector<64x1xf32> to vector<1x64x1xf32>
    %reduce_sum3A_1596 = arith.constant dense<0.000000e+00> : vector<1xf32>
    %reduce_sum3A_1597 = vector.multi_reduction <add>, %reduce_sum3A_1595, %reduce_sum3A_1596 [1, 2] : vector<1x64x1xf32> to vector<1xf32>
    %reduce_sum3A_1598 = vector.shape_cast %reduce_sum3A_1597 : vector<1xf32> to vector<1x1x1xf32>
    %reduce_sum3A_1599 = vector.extract %reduce_sum3A_1598[0, 0, 0] : f32 from vector<1x1x1xf32>
    %add3A_1600 = arith.constant 9.99999993E-9 : f32
    %add3A_1601 = arith.addf %reduce_sum3A_1599, %add3A_1600 : f32
    %div3A_1602 = arith.divf %mul3A_1594, %add3A_1601 : f32
    %mul3A_1603 = arith.mulf %slice3A_1584, %slice3A_1586 : vector<64x1xf32>
    %reduce_sum3A_1604 = vector.shape_cast %mul3A_1603 : vector<64x1xf32> to vector<1x64x1xf32>
    %reduce_sum3A_1605 = arith.constant dense<0.000000e+00> : vector<1xf32>
    %reduce_sum3A_1606 = vector.multi_reduction <add>, %reduce_sum3A_1604, %reduce_sum3A_1605 [1, 2] : vector<1x64x1xf32> to vector<1xf32>
    %reduce_sum3A_1607 = vector.shape_cast %reduce_sum3A_1606 : vector<1xf32> to vector<1x1x1xf32>
    %reduce_sum3A_1608 = vector.extract %reduce_sum3A_1607[0, 0, 0] : f32 from vector<1x1x1xf32>
    %mul3A_1609 = arith.constant 5.000000e-01 : f32
    %mul3A_1610 = arith.mulf %mul3A_1609, %reduce_sum3A_1608 : f32
    %reduce_sum3A_1611 = vector.shape_cast %slice3A_1586 : vector<64x1xf32> to vector<1x64x1xf32>
    %reduce_sum3A_1612 = arith.constant dense<0.000000e+00> : vector<1xf32>
    %reduce_sum3A_1613 = vector.multi_reduction <add>, %reduce_sum3A_1611, %reduce_sum3A_1612 [1, 2] : vector<1x64x1xf32> to vector<1xf32>
    %reduce_sum3A_1614 = vector.shape_cast %reduce_sum3A_1613 : vector<1xf32> to vector<1x1x1xf32>
    %reduce_sum3A_1615 = vector.extract %reduce_sum3A_1614[0, 0, 0] : f32 from vector<1x1x1xf32>
    %add3A_1616 = arith.constant 9.99999993E-9 : f32
    %add3A_1617 = arith.addf %reduce_sum3A_1615, %add3A_1616 : f32
    %div3A_1618 = arith.divf %mul3A_1610, %add3A_1617 : f32
    %add3A_1619 = arith.addf %div3A_1602, %div3A_1618 : f32
    %add3A_1620 = arith.addf %add3A_1583, %add3A_1619 : f32
    %slice3A_1621 = vector.extract_strided_slice %neg3A_31 {offsets = [2752, 0], sizes = [64, 1], strides = [1, 1]} : vector<4096x1xf32> to vector<64x1xf32>
    %slice3A_1622 = vector.extract_strided_slice %convert_element_type3A_14 {offsets = [2752, 0], sizes = [64, 1], strides = [1, 1]} : vector<4096x1xf32> to vector<64x1xf32>
    %slice3A_1623 = vector.extract_strided_slice %convert_element_type3A_10 {offsets = [2752, 0], sizes = [64, 1], strides = [1, 1]} : vector<4096x1xf32> to vector<64x1xf32>
    %mul3A_1624 = arith.mulf %slice3A_1621, %slice3A_1622 : vector<64x1xf32>
    %reduce_sum3A_1625 = vector.shape_cast %mul3A_1624 : vector<64x1xf32> to vector<1x64x1xf32>
    %reduce_sum3A_1626 = arith.constant dense<0.000000e+00> : vector<1xf32>
    %reduce_sum3A_1627 = vector.multi_reduction <add>, %reduce_sum3A_1625, %reduce_sum3A_1626 [1, 2] : vector<1x64x1xf32> to vector<1xf32>
    %reduce_sum3A_1628 = vector.shape_cast %reduce_sum3A_1627 : vector<1xf32> to vector<1x1x1xf32>
    %reduce_sum3A_1629 = vector.extract %reduce_sum3A_1628[0, 0, 0] : f32 from vector<1x1x1xf32>
    %mul3A_1630 = arith.constant 5.000000e-01 : f32
    %mul3A_1631 = arith.mulf %mul3A_1630, %reduce_sum3A_1629 : f32
    %reduce_sum3A_1632 = vector.shape_cast %slice3A_1622 : vector<64x1xf32> to vector<1x64x1xf32>
    %reduce_sum3A_1633 = arith.constant dense<0.000000e+00> : vector<1xf32>
    %reduce_sum3A_1634 = vector.multi_reduction <add>, %reduce_sum3A_1632, %reduce_sum3A_1633 [1, 2] : vector<1x64x1xf32> to vector<1xf32>
    %reduce_sum3A_1635 = vector.shape_cast %reduce_sum3A_1634 : vector<1xf32> to vector<1x1x1xf32>
    %reduce_sum3A_1636 = vector.extract %reduce_sum3A_1635[0, 0, 0] : f32 from vector<1x1x1xf32>
    %add3A_1637 = arith.constant 9.99999993E-9 : f32
    %add3A_1638 = arith.addf %reduce_sum3A_1636, %add3A_1637 : f32
    %div3A_1639 = arith.divf %mul3A_1631, %add3A_1638 : f32
    %mul3A_1640 = arith.mulf %slice3A_1621, %slice3A_1623 : vector<64x1xf32>
    %reduce_sum3A_1641 = vector.shape_cast %mul3A_1640 : vector<64x1xf32> to vector<1x64x1xf32>
    %reduce_sum3A_1642 = arith.constant dense<0.000000e+00> : vector<1xf32>
    %reduce_sum3A_1643 = vector.multi_reduction <add>, %reduce_sum3A_1641, %reduce_sum3A_1642 [1, 2] : vector<1x64x1xf32> to vector<1xf32>
    %reduce_sum3A_1644 = vector.shape_cast %reduce_sum3A_1643 : vector<1xf32> to vector<1x1x1xf32>
    %reduce_sum3A_1645 = vector.extract %reduce_sum3A_1644[0, 0, 0] : f32 from vector<1x1x1xf32>
    %mul3A_1646 = arith.constant 5.000000e-01 : f32
    %mul3A_1647 = arith.mulf %mul3A_1646, %reduce_sum3A_1645 : f32
    %reduce_sum3A_1648 = vector.shape_cast %slice3A_1623 : vector<64x1xf32> to vector<1x64x1xf32>
    %reduce_sum3A_1649 = arith.constant dense<0.000000e+00> : vector<1xf32>
    %reduce_sum3A_1650 = vector.multi_reduction <add>, %reduce_sum3A_1648, %reduce_sum3A_1649 [1, 2] : vector<1x64x1xf32> to vector<1xf32>
    %reduce_sum3A_1651 = vector.shape_cast %reduce_sum3A_1650 : vector<1xf32> to vector<1x1x1xf32>
    %reduce_sum3A_1652 = vector.extract %reduce_sum3A_1651[0, 0, 0] : f32 from vector<1x1x1xf32>
    %add3A_1653 = arith.constant 9.99999993E-9 : f32
    %add3A_1654 = arith.addf %reduce_sum3A_1652, %add3A_1653 : f32
    %div3A_1655 = arith.divf %mul3A_1647, %add3A_1654 : f32
    %add3A_1656 = arith.addf %div3A_1639, %div3A_1655 : f32
    %add3A_1657 = arith.addf %add3A_1620, %add3A_1656 : f32
    %slice3A_1658 = vector.extract_strided_slice %neg3A_31 {offsets = [2816, 0], sizes = [64, 1], strides = [1, 1]} : vector<4096x1xf32> to vector<64x1xf32>
    %slice3A_1659 = vector.extract_strided_slice %convert_element_type3A_14 {offsets = [2816, 0], sizes = [64, 1], strides = [1, 1]} : vector<4096x1xf32> to vector<64x1xf32>
    %slice3A_1660 = vector.extract_strided_slice %convert_element_type3A_10 {offsets = [2816, 0], sizes = [64, 1], strides = [1, 1]} : vector<4096x1xf32> to vector<64x1xf32>
    %mul3A_1661 = arith.mulf %slice3A_1658, %slice3A_1659 : vector<64x1xf32>
    %reduce_sum3A_1662 = vector.shape_cast %mul3A_1661 : vector<64x1xf32> to vector<1x64x1xf32>
    %reduce_sum3A_1663 = arith.constant dense<0.000000e+00> : vector<1xf32>
    %reduce_sum3A_1664 = vector.multi_reduction <add>, %reduce_sum3A_1662, %reduce_sum3A_1663 [1, 2] : vector<1x64x1xf32> to vector<1xf32>
    %reduce_sum3A_1665 = vector.shape_cast %reduce_sum3A_1664 : vector<1xf32> to vector<1x1x1xf32>
    %reduce_sum3A_1666 = vector.extract %reduce_sum3A_1665[0, 0, 0] : f32 from vector<1x1x1xf32>
    %mul3A_1667 = arith.constant 5.000000e-01 : f32
    %mul3A_1668 = arith.mulf %mul3A_1667, %reduce_sum3A_1666 : f32
    %reduce_sum3A_1669 = vector.shape_cast %slice3A_1659 : vector<64x1xf32> to vector<1x64x1xf32>
    %reduce_sum3A_1670 = arith.constant dense<0.000000e+00> : vector<1xf32>
    %reduce_sum3A_1671 = vector.multi_reduction <add>, %reduce_sum3A_1669, %reduce_sum3A_1670 [1, 2] : vector<1x64x1xf32> to vector<1xf32>
    %reduce_sum3A_1672 = vector.shape_cast %reduce_sum3A_1671 : vector<1xf32> to vector<1x1x1xf32>
    %reduce_sum3A_1673 = vector.extract %reduce_sum3A_1672[0, 0, 0] : f32 from vector<1x1x1xf32>
    %add3A_1674 = arith.constant 9.99999993E-9 : f32
    %add3A_1675 = arith.addf %reduce_sum3A_1673, %add3A_1674 : f32
    %div3A_1676 = arith.divf %mul3A_1668, %add3A_1675 : f32
    %mul3A_1677 = arith.mulf %slice3A_1658, %slice3A_1660 : vector<64x1xf32>
    %reduce_sum3A_1678 = vector.shape_cast %mul3A_1677 : vector<64x1xf32> to vector<1x64x1xf32>
    %reduce_sum3A_1679 = arith.constant dense<0.000000e+00> : vector<1xf32>
    %reduce_sum3A_1680 = vector.multi_reduction <add>, %reduce_sum3A_1678, %reduce_sum3A_1679 [1, 2] : vector<1x64x1xf32> to vector<1xf32>
    %reduce_sum3A_1681 = vector.shape_cast %reduce_sum3A_1680 : vector<1xf32> to vector<1x1x1xf32>
    %reduce_sum3A_1682 = vector.extract %reduce_sum3A_1681[0, 0, 0] : f32 from vector<1x1x1xf32>
    %mul3A_1683 = arith.constant 5.000000e-01 : f32
    %mul3A_1684 = arith.mulf %mul3A_1683, %reduce_sum3A_1682 : f32
    %reduce_sum3A_1685 = vector.shape_cast %slice3A_1660 : vector<64x1xf32> to vector<1x64x1xf32>
    %reduce_sum3A_1686 = arith.constant dense<0.000000e+00> : vector<1xf32>
    %reduce_sum3A_1687 = vector.multi_reduction <add>, %reduce_sum3A_1685, %reduce_sum3A_1686 [1, 2] : vector<1x64x1xf32> to vector<1xf32>
    %reduce_sum3A_1688 = vector.shape_cast %reduce_sum3A_1687 : vector<1xf32> to vector<1x1x1xf32>
    %reduce_sum3A_1689 = vector.extract %reduce_sum3A_1688[0, 0, 0] : f32 from vector<1x1x1xf32>
    %add3A_1690 = arith.constant 9.99999993E-9 : f32
    %add3A_1691 = arith.addf %reduce_sum3A_1689, %add3A_1690 : f32
    %div3A_1692 = arith.divf %mul3A_1684, %add3A_1691 : f32
    %add3A_1693 = arith.addf %div3A_1676, %div3A_1692 : f32
    %add3A_1694 = arith.addf %add3A_1657, %add3A_1693 : f32
    %slice3A_1695 = vector.extract_strided_slice %neg3A_31 {offsets = [2880, 0], sizes = [64, 1], strides = [1, 1]} : vector<4096x1xf32> to vector<64x1xf32>
    %slice3A_1696 = vector.extract_strided_slice %convert_element_type3A_14 {offsets = [2880, 0], sizes = [64, 1], strides = [1, 1]} : vector<4096x1xf32> to vector<64x1xf32>
    %slice3A_1697 = vector.extract_strided_slice %convert_element_type3A_10 {offsets = [2880, 0], sizes = [64, 1], strides = [1, 1]} : vector<4096x1xf32> to vector<64x1xf32>
    %mul3A_1698 = arith.mulf %slice3A_1695, %slice3A_1696 : vector<64x1xf32>
    %reduce_sum3A_1699 = vector.shape_cast %mul3A_1698 : vector<64x1xf32> to vector<1x64x1xf32>
    %reduce_sum3A_1700 = arith.constant dense<0.000000e+00> : vector<1xf32>
    %reduce_sum3A_1701 = vector.multi_reduction <add>, %reduce_sum3A_1699, %reduce_sum3A_1700 [1, 2] : vector<1x64x1xf32> to vector<1xf32>
    %reduce_sum3A_1702 = vector.shape_cast %reduce_sum3A_1701 : vector<1xf32> to vector<1x1x1xf32>
    %reduce_sum3A_1703 = vector.extract %reduce_sum3A_1702[0, 0, 0] : f32 from vector<1x1x1xf32>
    %mul3A_1704 = arith.constant 5.000000e-01 : f32
    %mul3A_1705 = arith.mulf %mul3A_1704, %reduce_sum3A_1703 : f32
    %reduce_sum3A_1706 = vector.shape_cast %slice3A_1696 : vector<64x1xf32> to vector<1x64x1xf32>
    %reduce_sum3A_1707 = arith.constant dense<0.000000e+00> : vector<1xf32>
    %reduce_sum3A_1708 = vector.multi_reduction <add>, %reduce_sum3A_1706, %reduce_sum3A_1707 [1, 2] : vector<1x64x1xf32> to vector<1xf32>
    %reduce_sum3A_1709 = vector.shape_cast %reduce_sum3A_1708 : vector<1xf32> to vector<1x1x1xf32>
    %reduce_sum3A_1710 = vector.extract %reduce_sum3A_1709[0, 0, 0] : f32 from vector<1x1x1xf32>
    %add3A_1711 = arith.constant 9.99999993E-9 : f32
    %add3A_1712 = arith.addf %reduce_sum3A_1710, %add3A_1711 : f32
    %div3A_1713 = arith.divf %mul3A_1705, %add3A_1712 : f32
    %mul3A_1714 = arith.mulf %slice3A_1695, %slice3A_1697 : vector<64x1xf32>
    %reduce_sum3A_1715 = vector.shape_cast %mul3A_1714 : vector<64x1xf32> to vector<1x64x1xf32>
    %reduce_sum3A_1716 = arith.constant dense<0.000000e+00> : vector<1xf32>
    %reduce_sum3A_1717 = vector.multi_reduction <add>, %reduce_sum3A_1715, %reduce_sum3A_1716 [1, 2] : vector<1x64x1xf32> to vector<1xf32>
    %reduce_sum3A_1718 = vector.shape_cast %reduce_sum3A_1717 : vector<1xf32> to vector<1x1x1xf32>
    %reduce_sum3A_1719 = vector.extract %reduce_sum3A_1718[0, 0, 0] : f32 from vector<1x1x1xf32>
    %mul3A_1720 = arith.constant 5.000000e-01 : f32
    %mul3A_1721 = arith.mulf %mul3A_1720, %reduce_sum3A_1719 : f32
    %reduce_sum3A_1722 = vector.shape_cast %slice3A_1697 : vector<64x1xf32> to vector<1x64x1xf32>
    %reduce_sum3A_1723 = arith.constant dense<0.000000e+00> : vector<1xf32>
    %reduce_sum3A_1724 = vector.multi_reduction <add>, %reduce_sum3A_1722, %reduce_sum3A_1723 [1, 2] : vector<1x64x1xf32> to vector<1xf32>
    %reduce_sum3A_1725 = vector.shape_cast %reduce_sum3A_1724 : vector<1xf32> to vector<1x1x1xf32>
    %reduce_sum3A_1726 = vector.extract %reduce_sum3A_1725[0, 0, 0] : f32 from vector<1x1x1xf32>
    %add3A_1727 = arith.constant 9.99999993E-9 : f32
    %add3A_1728 = arith.addf %reduce_sum3A_1726, %add3A_1727 : f32
    %div3A_1729 = arith.divf %mul3A_1721, %add3A_1728 : f32
    %add3A_1730 = arith.addf %div3A_1713, %div3A_1729 : f32
    %add3A_1731 = arith.addf %add3A_1694, %add3A_1730 : f32
    %slice3A_1732 = vector.extract_strided_slice %neg3A_31 {offsets = [2944, 0], sizes = [64, 1], strides = [1, 1]} : vector<4096x1xf32> to vector<64x1xf32>
    %slice3A_1733 = vector.extract_strided_slice %convert_element_type3A_14 {offsets = [2944, 0], sizes = [64, 1], strides = [1, 1]} : vector<4096x1xf32> to vector<64x1xf32>
    %slice3A_1734 = vector.extract_strided_slice %convert_element_type3A_10 {offsets = [2944, 0], sizes = [64, 1], strides = [1, 1]} : vector<4096x1xf32> to vector<64x1xf32>
    %mul3A_1735 = arith.mulf %slice3A_1732, %slice3A_1733 : vector<64x1xf32>
    %reduce_sum3A_1736 = vector.shape_cast %mul3A_1735 : vector<64x1xf32> to vector<1x64x1xf32>
    %reduce_sum3A_1737 = arith.constant dense<0.000000e+00> : vector<1xf32>
    %reduce_sum3A_1738 = vector.multi_reduction <add>, %reduce_sum3A_1736, %reduce_sum3A_1737 [1, 2] : vector<1x64x1xf32> to vector<1xf32>
    %reduce_sum3A_1739 = vector.shape_cast %reduce_sum3A_1738 : vector<1xf32> to vector<1x1x1xf32>
    %reduce_sum3A_1740 = vector.extract %reduce_sum3A_1739[0, 0, 0] : f32 from vector<1x1x1xf32>
    %mul3A_1741 = arith.constant 5.000000e-01 : f32
    %mul3A_1742 = arith.mulf %mul3A_1741, %reduce_sum3A_1740 : f32
    %reduce_sum3A_1743 = vector.shape_cast %slice3A_1733 : vector<64x1xf32> to vector<1x64x1xf32>
    %reduce_sum3A_1744 = arith.constant dense<0.000000e+00> : vector<1xf32>
    %reduce_sum3A_1745 = vector.multi_reduction <add>, %reduce_sum3A_1743, %reduce_sum3A_1744 [1, 2] : vector<1x64x1xf32> to vector<1xf32>
    %reduce_sum3A_1746 = vector.shape_cast %reduce_sum3A_1745 : vector<1xf32> to vector<1x1x1xf32>
    %reduce_sum3A_1747 = vector.extract %reduce_sum3A_1746[0, 0, 0] : f32 from vector<1x1x1xf32>
    %add3A_1748 = arith.constant 9.99999993E-9 : f32
    %add3A_1749 = arith.addf %reduce_sum3A_1747, %add3A_1748 : f32
    %div3A_1750 = arith.divf %mul3A_1742, %add3A_1749 : f32
    %mul3A_1751 = arith.mulf %slice3A_1732, %slice3A_1734 : vector<64x1xf32>
    %reduce_sum3A_1752 = vector.shape_cast %mul3A_1751 : vector<64x1xf32> to vector<1x64x1xf32>
    %reduce_sum3A_1753 = arith.constant dense<0.000000e+00> : vector<1xf32>
    %reduce_sum3A_1754 = vector.multi_reduction <add>, %reduce_sum3A_1752, %reduce_sum3A_1753 [1, 2] : vector<1x64x1xf32> to vector<1xf32>
    %reduce_sum3A_1755 = vector.shape_cast %reduce_sum3A_1754 : vector<1xf32> to vector<1x1x1xf32>
    %reduce_sum3A_1756 = vector.extract %reduce_sum3A_1755[0, 0, 0] : f32 from vector<1x1x1xf32>
    %mul3A_1757 = arith.constant 5.000000e-01 : f32
    %mul3A_1758 = arith.mulf %mul3A_1757, %reduce_sum3A_1756 : f32
    %reduce_sum3A_1759 = vector.shape_cast %slice3A_1734 : vector<64x1xf32> to vector<1x64x1xf32>
    %reduce_sum3A_1760 = arith.constant dense<0.000000e+00> : vector<1xf32>
    %reduce_sum3A_1761 = vector.multi_reduction <add>, %reduce_sum3A_1759, %reduce_sum3A_1760 [1, 2] : vector<1x64x1xf32> to vector<1xf32>
    %reduce_sum3A_1762 = vector.shape_cast %reduce_sum3A_1761 : vector<1xf32> to vector<1x1x1xf32>
    %reduce_sum3A_1763 = vector.extract %reduce_sum3A_1762[0, 0, 0] : f32 from vector<1x1x1xf32>
    %add3A_1764 = arith.constant 9.99999993E-9 : f32
    %add3A_1765 = arith.addf %reduce_sum3A_1763, %add3A_1764 : f32
    %div3A_1766 = arith.divf %mul3A_1758, %add3A_1765 : f32
    %add3A_1767 = arith.addf %div3A_1750, %div3A_1766 : f32
    %add3A_1768 = arith.addf %add3A_1731, %add3A_1767 : f32
    %slice3A_1769 = vector.extract_strided_slice %neg3A_31 {offsets = [3008, 0], sizes = [64, 1], strides = [1, 1]} : vector<4096x1xf32> to vector<64x1xf32>
    %slice3A_1770 = vector.extract_strided_slice %convert_element_type3A_14 {offsets = [3008, 0], sizes = [64, 1], strides = [1, 1]} : vector<4096x1xf32> to vector<64x1xf32>
    %slice3A_1771 = vector.extract_strided_slice %convert_element_type3A_10 {offsets = [3008, 0], sizes = [64, 1], strides = [1, 1]} : vector<4096x1xf32> to vector<64x1xf32>
    %mul3A_1772 = arith.mulf %slice3A_1769, %slice3A_1770 : vector<64x1xf32>
    %reduce_sum3A_1773 = vector.shape_cast %mul3A_1772 : vector<64x1xf32> to vector<1x64x1xf32>
    %reduce_sum3A_1774 = arith.constant dense<0.000000e+00> : vector<1xf32>
    %reduce_sum3A_1775 = vector.multi_reduction <add>, %reduce_sum3A_1773, %reduce_sum3A_1774 [1, 2] : vector<1x64x1xf32> to vector<1xf32>
    %reduce_sum3A_1776 = vector.shape_cast %reduce_sum3A_1775 : vector<1xf32> to vector<1x1x1xf32>
    %reduce_sum3A_1777 = vector.extract %reduce_sum3A_1776[0, 0, 0] : f32 from vector<1x1x1xf32>
    %mul3A_1778 = arith.constant 5.000000e-01 : f32
    %mul3A_1779 = arith.mulf %mul3A_1778, %reduce_sum3A_1777 : f32
    %reduce_sum3A_1780 = vector.shape_cast %slice3A_1770 : vector<64x1xf32> to vector<1x64x1xf32>
    %reduce_sum3A_1781 = arith.constant dense<0.000000e+00> : vector<1xf32>
    %reduce_sum3A_1782 = vector.multi_reduction <add>, %reduce_sum3A_1780, %reduce_sum3A_1781 [1, 2] : vector<1x64x1xf32> to vector<1xf32>
    %reduce_sum3A_1783 = vector.shape_cast %reduce_sum3A_1782 : vector<1xf32> to vector<1x1x1xf32>
    %reduce_sum3A_1784 = vector.extract %reduce_sum3A_1783[0, 0, 0] : f32 from vector<1x1x1xf32>
    %add3A_1785 = arith.constant 9.99999993E-9 : f32
    %add3A_1786 = arith.addf %reduce_sum3A_1784, %add3A_1785 : f32
    %div3A_1787 = arith.divf %mul3A_1779, %add3A_1786 : f32
    %mul3A_1788 = arith.mulf %slice3A_1769, %slice3A_1771 : vector<64x1xf32>
    %reduce_sum3A_1789 = vector.shape_cast %mul3A_1788 : vector<64x1xf32> to vector<1x64x1xf32>
    %reduce_sum3A_1790 = arith.constant dense<0.000000e+00> : vector<1xf32>
    %reduce_sum3A_1791 = vector.multi_reduction <add>, %reduce_sum3A_1789, %reduce_sum3A_1790 [1, 2] : vector<1x64x1xf32> to vector<1xf32>
    %reduce_sum3A_1792 = vector.shape_cast %reduce_sum3A_1791 : vector<1xf32> to vector<1x1x1xf32>
    %reduce_sum3A_1793 = vector.extract %reduce_sum3A_1792[0, 0, 0] : f32 from vector<1x1x1xf32>
    %mul3A_1794 = arith.constant 5.000000e-01 : f32
    %mul3A_1795 = arith.mulf %mul3A_1794, %reduce_sum3A_1793 : f32
    %reduce_sum3A_1796 = vector.shape_cast %slice3A_1771 : vector<64x1xf32> to vector<1x64x1xf32>
    %reduce_sum3A_1797 = arith.constant dense<0.000000e+00> : vector<1xf32>
    %reduce_sum3A_1798 = vector.multi_reduction <add>, %reduce_sum3A_1796, %reduce_sum3A_1797 [1, 2] : vector<1x64x1xf32> to vector<1xf32>
    %reduce_sum3A_1799 = vector.shape_cast %reduce_sum3A_1798 : vector<1xf32> to vector<1x1x1xf32>
    %reduce_sum3A_1800 = vector.extract %reduce_sum3A_1799[0, 0, 0] : f32 from vector<1x1x1xf32>
    %add3A_1801 = arith.constant 9.99999993E-9 : f32
    %add3A_1802 = arith.addf %reduce_sum3A_1800, %add3A_1801 : f32
    %div3A_1803 = arith.divf %mul3A_1795, %add3A_1802 : f32
    %add3A_1804 = arith.addf %div3A_1787, %div3A_1803 : f32
    %add3A_1805 = arith.addf %add3A_1768, %add3A_1804 : f32
    %slice3A_1806 = vector.extract_strided_slice %neg3A_31 {offsets = [3072, 0], sizes = [64, 1], strides = [1, 1]} : vector<4096x1xf32> to vector<64x1xf32>
    %slice3A_1807 = vector.extract_strided_slice %convert_element_type3A_14 {offsets = [3072, 0], sizes = [64, 1], strides = [1, 1]} : vector<4096x1xf32> to vector<64x1xf32>
    %slice3A_1808 = vector.extract_strided_slice %convert_element_type3A_10 {offsets = [3072, 0], sizes = [64, 1], strides = [1, 1]} : vector<4096x1xf32> to vector<64x1xf32>
    %mul3A_1809 = arith.mulf %slice3A_1806, %slice3A_1807 : vector<64x1xf32>
    %reduce_sum3A_1810 = vector.shape_cast %mul3A_1809 : vector<64x1xf32> to vector<1x64x1xf32>
    %reduce_sum3A_1811 = arith.constant dense<0.000000e+00> : vector<1xf32>
    %reduce_sum3A_1812 = vector.multi_reduction <add>, %reduce_sum3A_1810, %reduce_sum3A_1811 [1, 2] : vector<1x64x1xf32> to vector<1xf32>
    %reduce_sum3A_1813 = vector.shape_cast %reduce_sum3A_1812 : vector<1xf32> to vector<1x1x1xf32>
    %reduce_sum3A_1814 = vector.extract %reduce_sum3A_1813[0, 0, 0] : f32 from vector<1x1x1xf32>
    %mul3A_1815 = arith.constant 5.000000e-01 : f32
    %mul3A_1816 = arith.mulf %mul3A_1815, %reduce_sum3A_1814 : f32
    %reduce_sum3A_1817 = vector.shape_cast %slice3A_1807 : vector<64x1xf32> to vector<1x64x1xf32>
    %reduce_sum3A_1818 = arith.constant dense<0.000000e+00> : vector<1xf32>
    %reduce_sum3A_1819 = vector.multi_reduction <add>, %reduce_sum3A_1817, %reduce_sum3A_1818 [1, 2] : vector<1x64x1xf32> to vector<1xf32>
    %reduce_sum3A_1820 = vector.shape_cast %reduce_sum3A_1819 : vector<1xf32> to vector<1x1x1xf32>
    %reduce_sum3A_1821 = vector.extract %reduce_sum3A_1820[0, 0, 0] : f32 from vector<1x1x1xf32>
    %add3A_1822 = arith.constant 9.99999993E-9 : f32
    %add3A_1823 = arith.addf %reduce_sum3A_1821, %add3A_1822 : f32
    %div3A_1824 = arith.divf %mul3A_1816, %add3A_1823 : f32
    %mul3A_1825 = arith.mulf %slice3A_1806, %slice3A_1808 : vector<64x1xf32>
    %reduce_sum3A_1826 = vector.shape_cast %mul3A_1825 : vector<64x1xf32> to vector<1x64x1xf32>
    %reduce_sum3A_1827 = arith.constant dense<0.000000e+00> : vector<1xf32>
    %reduce_sum3A_1828 = vector.multi_reduction <add>, %reduce_sum3A_1826, %reduce_sum3A_1827 [1, 2] : vector<1x64x1xf32> to vector<1xf32>
    %reduce_sum3A_1829 = vector.shape_cast %reduce_sum3A_1828 : vector<1xf32> to vector<1x1x1xf32>
    %reduce_sum3A_1830 = vector.extract %reduce_sum3A_1829[0, 0, 0] : f32 from vector<1x1x1xf32>
    %mul3A_1831 = arith.constant 5.000000e-01 : f32
    %mul3A_1832 = arith.mulf %mul3A_1831, %reduce_sum3A_1830 : f32
    %reduce_sum3A_1833 = vector.shape_cast %slice3A_1808 : vector<64x1xf32> to vector<1x64x1xf32>
    %reduce_sum3A_1834 = arith.constant dense<0.000000e+00> : vector<1xf32>
    %reduce_sum3A_1835 = vector.multi_reduction <add>, %reduce_sum3A_1833, %reduce_sum3A_1834 [1, 2] : vector<1x64x1xf32> to vector<1xf32>
    %reduce_sum3A_1836 = vector.shape_cast %reduce_sum3A_1835 : vector<1xf32> to vector<1x1x1xf32>
    %reduce_sum3A_1837 = vector.extract %reduce_sum3A_1836[0, 0, 0] : f32 from vector<1x1x1xf32>
    %add3A_1838 = arith.constant 9.99999993E-9 : f32
    %add3A_1839 = arith.addf %reduce_sum3A_1837, %add3A_1838 : f32
    %div3A_1840 = arith.divf %mul3A_1832, %add3A_1839 : f32
    %add3A_1841 = arith.addf %div3A_1824, %div3A_1840 : f32
    %add3A_1842 = arith.addf %add3A_1805, %add3A_1841 : f32
    %slice3A_1843 = vector.extract_strided_slice %neg3A_31 {offsets = [3136, 0], sizes = [64, 1], strides = [1, 1]} : vector<4096x1xf32> to vector<64x1xf32>
    %slice3A_1844 = vector.extract_strided_slice %convert_element_type3A_14 {offsets = [3136, 0], sizes = [64, 1], strides = [1, 1]} : vector<4096x1xf32> to vector<64x1xf32>
    %slice3A_1845 = vector.extract_strided_slice %convert_element_type3A_10 {offsets = [3136, 0], sizes = [64, 1], strides = [1, 1]} : vector<4096x1xf32> to vector<64x1xf32>
    %mul3A_1846 = arith.mulf %slice3A_1843, %slice3A_1844 : vector<64x1xf32>
    %reduce_sum3A_1847 = vector.shape_cast %mul3A_1846 : vector<64x1xf32> to vector<1x64x1xf32>
    %reduce_sum3A_1848 = arith.constant dense<0.000000e+00> : vector<1xf32>
    %reduce_sum3A_1849 = vector.multi_reduction <add>, %reduce_sum3A_1847, %reduce_sum3A_1848 [1, 2] : vector<1x64x1xf32> to vector<1xf32>
    %reduce_sum3A_1850 = vector.shape_cast %reduce_sum3A_1849 : vector<1xf32> to vector<1x1x1xf32>
    %reduce_sum3A_1851 = vector.extract %reduce_sum3A_1850[0, 0, 0] : f32 from vector<1x1x1xf32>
    %mul3A_1852 = arith.constant 5.000000e-01 : f32
    %mul3A_1853 = arith.mulf %mul3A_1852, %reduce_sum3A_1851 : f32
    %reduce_sum3A_1854 = vector.shape_cast %slice3A_1844 : vector<64x1xf32> to vector<1x64x1xf32>
    %reduce_sum3A_1855 = arith.constant dense<0.000000e+00> : vector<1xf32>
    %reduce_sum3A_1856 = vector.multi_reduction <add>, %reduce_sum3A_1854, %reduce_sum3A_1855 [1, 2] : vector<1x64x1xf32> to vector<1xf32>
    %reduce_sum3A_1857 = vector.shape_cast %reduce_sum3A_1856 : vector<1xf32> to vector<1x1x1xf32>
    %reduce_sum3A_1858 = vector.extract %reduce_sum3A_1857[0, 0, 0] : f32 from vector<1x1x1xf32>
    %add3A_1859 = arith.constant 9.99999993E-9 : f32
    %add3A_1860 = arith.addf %reduce_sum3A_1858, %add3A_1859 : f32
    %div3A_1861 = arith.divf %mul3A_1853, %add3A_1860 : f32
    %mul3A_1862 = arith.mulf %slice3A_1843, %slice3A_1845 : vector<64x1xf32>
    %reduce_sum3A_1863 = vector.shape_cast %mul3A_1862 : vector<64x1xf32> to vector<1x64x1xf32>
    %reduce_sum3A_1864 = arith.constant dense<0.000000e+00> : vector<1xf32>
    %reduce_sum3A_1865 = vector.multi_reduction <add>, %reduce_sum3A_1863, %reduce_sum3A_1864 [1, 2] : vector<1x64x1xf32> to vector<1xf32>
    %reduce_sum3A_1866 = vector.shape_cast %reduce_sum3A_1865 : vector<1xf32> to vector<1x1x1xf32>
    %reduce_sum3A_1867 = vector.extract %reduce_sum3A_1866[0, 0, 0] : f32 from vector<1x1x1xf32>
    %mul3A_1868 = arith.constant 5.000000e-01 : f32
    %mul3A_1869 = arith.mulf %mul3A_1868, %reduce_sum3A_1867 : f32
    %reduce_sum3A_1870 = vector.shape_cast %slice3A_1845 : vector<64x1xf32> to vector<1x64x1xf32>
    %reduce_sum3A_1871 = arith.constant dense<0.000000e+00> : vector<1xf32>
    %reduce_sum3A_1872 = vector.multi_reduction <add>, %reduce_sum3A_1870, %reduce_sum3A_1871 [1, 2] : vector<1x64x1xf32> to vector<1xf32>
    %reduce_sum3A_1873 = vector.shape_cast %reduce_sum3A_1872 : vector<1xf32> to vector<1x1x1xf32>
    %reduce_sum3A_1874 = vector.extract %reduce_sum3A_1873[0, 0, 0] : f32 from vector<1x1x1xf32>
    %add3A_1875 = arith.constant 9.99999993E-9 : f32
    %add3A_1876 = arith.addf %reduce_sum3A_1874, %add3A_1875 : f32
    %div3A_1877 = arith.divf %mul3A_1869, %add3A_1876 : f32
    %add3A_1878 = arith.addf %div3A_1861, %div3A_1877 : f32
    %add3A_1879 = arith.addf %add3A_1842, %add3A_1878 : f32
    %slice3A_1880 = vector.extract_strided_slice %neg3A_31 {offsets = [3200, 0], sizes = [64, 1], strides = [1, 1]} : vector<4096x1xf32> to vector<64x1xf32>
    %slice3A_1881 = vector.extract_strided_slice %convert_element_type3A_14 {offsets = [3200, 0], sizes = [64, 1], strides = [1, 1]} : vector<4096x1xf32> to vector<64x1xf32>
    %slice3A_1882 = vector.extract_strided_slice %convert_element_type3A_10 {offsets = [3200, 0], sizes = [64, 1], strides = [1, 1]} : vector<4096x1xf32> to vector<64x1xf32>
    %mul3A_1883 = arith.mulf %slice3A_1880, %slice3A_1881 : vector<64x1xf32>
    %reduce_sum3A_1884 = vector.shape_cast %mul3A_1883 : vector<64x1xf32> to vector<1x64x1xf32>
    %reduce_sum3A_1885 = arith.constant dense<0.000000e+00> : vector<1xf32>
    %reduce_sum3A_1886 = vector.multi_reduction <add>, %reduce_sum3A_1884, %reduce_sum3A_1885 [1, 2] : vector<1x64x1xf32> to vector<1xf32>
    %reduce_sum3A_1887 = vector.shape_cast %reduce_sum3A_1886 : vector<1xf32> to vector<1x1x1xf32>
    %reduce_sum3A_1888 = vector.extract %reduce_sum3A_1887[0, 0, 0] : f32 from vector<1x1x1xf32>
    %mul3A_1889 = arith.constant 5.000000e-01 : f32
    %mul3A_1890 = arith.mulf %mul3A_1889, %reduce_sum3A_1888 : f32
    %reduce_sum3A_1891 = vector.shape_cast %slice3A_1881 : vector<64x1xf32> to vector<1x64x1xf32>
    %reduce_sum3A_1892 = arith.constant dense<0.000000e+00> : vector<1xf32>
    %reduce_sum3A_1893 = vector.multi_reduction <add>, %reduce_sum3A_1891, %reduce_sum3A_1892 [1, 2] : vector<1x64x1xf32> to vector<1xf32>
    %reduce_sum3A_1894 = vector.shape_cast %reduce_sum3A_1893 : vector<1xf32> to vector<1x1x1xf32>
    %reduce_sum3A_1895 = vector.extract %reduce_sum3A_1894[0, 0, 0] : f32 from vector<1x1x1xf32>
    %add3A_1896 = arith.constant 9.99999993E-9 : f32
    %add3A_1897 = arith.addf %reduce_sum3A_1895, %add3A_1896 : f32
    %div3A_1898 = arith.divf %mul3A_1890, %add3A_1897 : f32
    %mul3A_1899 = arith.mulf %slice3A_1880, %slice3A_1882 : vector<64x1xf32>
    %reduce_sum3A_1900 = vector.shape_cast %mul3A_1899 : vector<64x1xf32> to vector<1x64x1xf32>
    %reduce_sum3A_1901 = arith.constant dense<0.000000e+00> : vector<1xf32>
    %reduce_sum3A_1902 = vector.multi_reduction <add>, %reduce_sum3A_1900, %reduce_sum3A_1901 [1, 2] : vector<1x64x1xf32> to vector<1xf32>
    %reduce_sum3A_1903 = vector.shape_cast %reduce_sum3A_1902 : vector<1xf32> to vector<1x1x1xf32>
    %reduce_sum3A_1904 = vector.extract %reduce_sum3A_1903[0, 0, 0] : f32 from vector<1x1x1xf32>
    %mul3A_1905 = arith.constant 5.000000e-01 : f32
    %mul3A_1906 = arith.mulf %mul3A_1905, %reduce_sum3A_1904 : f32
    %reduce_sum3A_1907 = vector.shape_cast %slice3A_1882 : vector<64x1xf32> to vector<1x64x1xf32>
    %reduce_sum3A_1908 = arith.constant dense<0.000000e+00> : vector<1xf32>
    %reduce_sum3A_1909 = vector.multi_reduction <add>, %reduce_sum3A_1907, %reduce_sum3A_1908 [1, 2] : vector<1x64x1xf32> to vector<1xf32>
    %reduce_sum3A_1910 = vector.shape_cast %reduce_sum3A_1909 : vector<1xf32> to vector<1x1x1xf32>
    %reduce_sum3A_1911 = vector.extract %reduce_sum3A_1910[0, 0, 0] : f32 from vector<1x1x1xf32>
    %add3A_1912 = arith.constant 9.99999993E-9 : f32
    %add3A_1913 = arith.addf %reduce_sum3A_1911, %add3A_1912 : f32
    %div3A_1914 = arith.divf %mul3A_1906, %add3A_1913 : f32
    %add3A_1915 = arith.addf %div3A_1898, %div3A_1914 : f32
    %add3A_1916 = arith.addf %add3A_1879, %add3A_1915 : f32
    %slice3A_1917 = vector.extract_strided_slice %neg3A_31 {offsets = [3264, 0], sizes = [64, 1], strides = [1, 1]} : vector<4096x1xf32> to vector<64x1xf32>
    %slice3A_1918 = vector.extract_strided_slice %convert_element_type3A_14 {offsets = [3264, 0], sizes = [64, 1], strides = [1, 1]} : vector<4096x1xf32> to vector<64x1xf32>
    %slice3A_1919 = vector.extract_strided_slice %convert_element_type3A_10 {offsets = [3264, 0], sizes = [64, 1], strides = [1, 1]} : vector<4096x1xf32> to vector<64x1xf32>
    %mul3A_1920 = arith.mulf %slice3A_1917, %slice3A_1918 : vector<64x1xf32>
    %reduce_sum3A_1921 = vector.shape_cast %mul3A_1920 : vector<64x1xf32> to vector<1x64x1xf32>
    %reduce_sum3A_1922 = arith.constant dense<0.000000e+00> : vector<1xf32>
    %reduce_sum3A_1923 = vector.multi_reduction <add>, %reduce_sum3A_1921, %reduce_sum3A_1922 [1, 2] : vector<1x64x1xf32> to vector<1xf32>
    %reduce_sum3A_1924 = vector.shape_cast %reduce_sum3A_1923 : vector<1xf32> to vector<1x1x1xf32>
    %reduce_sum3A_1925 = vector.extract %reduce_sum3A_1924[0, 0, 0] : f32 from vector<1x1x1xf32>
    %mul3A_1926 = arith.constant 5.000000e-01 : f32
    %mul3A_1927 = arith.mulf %mul3A_1926, %reduce_sum3A_1925 : f32
    %reduce_sum3A_1928 = vector.shape_cast %slice3A_1918 : vector<64x1xf32> to vector<1x64x1xf32>
    %reduce_sum3A_1929 = arith.constant dense<0.000000e+00> : vector<1xf32>
    %reduce_sum3A_1930 = vector.multi_reduction <add>, %reduce_sum3A_1928, %reduce_sum3A_1929 [1, 2] : vector<1x64x1xf32> to vector<1xf32>
    %reduce_sum3A_1931 = vector.shape_cast %reduce_sum3A_1930 : vector<1xf32> to vector<1x1x1xf32>
    %reduce_sum3A_1932 = vector.extract %reduce_sum3A_1931[0, 0, 0] : f32 from vector<1x1x1xf32>
    %add3A_1933 = arith.constant 9.99999993E-9 : f32
    %add3A_1934 = arith.addf %reduce_sum3A_1932, %add3A_1933 : f32
    %div3A_1935 = arith.divf %mul3A_1927, %add3A_1934 : f32
    %mul3A_1936 = arith.mulf %slice3A_1917, %slice3A_1919 : vector<64x1xf32>
    %reduce_sum3A_1937 = vector.shape_cast %mul3A_1936 : vector<64x1xf32> to vector<1x64x1xf32>
    %reduce_sum3A_1938 = arith.constant dense<0.000000e+00> : vector<1xf32>
    %reduce_sum3A_1939 = vector.multi_reduction <add>, %reduce_sum3A_1937, %reduce_sum3A_1938 [1, 2] : vector<1x64x1xf32> to vector<1xf32>
    %reduce_sum3A_1940 = vector.shape_cast %reduce_sum3A_1939 : vector<1xf32> to vector<1x1x1xf32>
    %reduce_sum3A_1941 = vector.extract %reduce_sum3A_1940[0, 0, 0] : f32 from vector<1x1x1xf32>
    %mul3A_1942 = arith.constant 5.000000e-01 : f32
    %mul3A_1943 = arith.mulf %mul3A_1942, %reduce_sum3A_1941 : f32
    %reduce_sum3A_1944 = vector.shape_cast %slice3A_1919 : vector<64x1xf32> to vector<1x64x1xf32>
    %reduce_sum3A_1945 = arith.constant dense<0.000000e+00> : vector<1xf32>
    %reduce_sum3A_1946 = vector.multi_reduction <add>, %reduce_sum3A_1944, %reduce_sum3A_1945 [1, 2] : vector<1x64x1xf32> to vector<1xf32>
    %reduce_sum3A_1947 = vector.shape_cast %reduce_sum3A_1946 : vector<1xf32> to vector<1x1x1xf32>
    %reduce_sum3A_1948 = vector.extract %reduce_sum3A_1947[0, 0, 0] : f32 from vector<1x1x1xf32>
    %add3A_1949 = arith.constant 9.99999993E-9 : f32
    %add3A_1950 = arith.addf %reduce_sum3A_1948, %add3A_1949 : f32
    %div3A_1951 = arith.divf %mul3A_1943, %add3A_1950 : f32
    %add3A_1952 = arith.addf %div3A_1935, %div3A_1951 : f32
    %add3A_1953 = arith.addf %add3A_1916, %add3A_1952 : f32
    %slice3A_1954 = vector.extract_strided_slice %neg3A_31 {offsets = [3328, 0], sizes = [64, 1], strides = [1, 1]} : vector<4096x1xf32> to vector<64x1xf32>
    %slice3A_1955 = vector.extract_strided_slice %convert_element_type3A_14 {offsets = [3328, 0], sizes = [64, 1], strides = [1, 1]} : vector<4096x1xf32> to vector<64x1xf32>
    %slice3A_1956 = vector.extract_strided_slice %convert_element_type3A_10 {offsets = [3328, 0], sizes = [64, 1], strides = [1, 1]} : vector<4096x1xf32> to vector<64x1xf32>
    %mul3A_1957 = arith.mulf %slice3A_1954, %slice3A_1955 : vector<64x1xf32>
    %reduce_sum3A_1958 = vector.shape_cast %mul3A_1957 : vector<64x1xf32> to vector<1x64x1xf32>
    %reduce_sum3A_1959 = arith.constant dense<0.000000e+00> : vector<1xf32>
    %reduce_sum3A_1960 = vector.multi_reduction <add>, %reduce_sum3A_1958, %reduce_sum3A_1959 [1, 2] : vector<1x64x1xf32> to vector<1xf32>
    %reduce_sum3A_1961 = vector.shape_cast %reduce_sum3A_1960 : vector<1xf32> to vector<1x1x1xf32>
    %reduce_sum3A_1962 = vector.extract %reduce_sum3A_1961[0, 0, 0] : f32 from vector<1x1x1xf32>
    %mul3A_1963 = arith.constant 5.000000e-01 : f32
    %mul3A_1964 = arith.mulf %mul3A_1963, %reduce_sum3A_1962 : f32
    %reduce_sum3A_1965 = vector.shape_cast %slice3A_1955 : vector<64x1xf32> to vector<1x64x1xf32>
    %reduce_sum3A_1966 = arith.constant dense<0.000000e+00> : vector<1xf32>
    %reduce_sum3A_1967 = vector.multi_reduction <add>, %reduce_sum3A_1965, %reduce_sum3A_1966 [1, 2] : vector<1x64x1xf32> to vector<1xf32>
    %reduce_sum3A_1968 = vector.shape_cast %reduce_sum3A_1967 : vector<1xf32> to vector<1x1x1xf32>
    %reduce_sum3A_1969 = vector.extract %reduce_sum3A_1968[0, 0, 0] : f32 from vector<1x1x1xf32>
    %add3A_1970 = arith.constant 9.99999993E-9 : f32
    %add3A_1971 = arith.addf %reduce_sum3A_1969, %add3A_1970 : f32
    %div3A_1972 = arith.divf %mul3A_1964, %add3A_1971 : f32
    %mul3A_1973 = arith.mulf %slice3A_1954, %slice3A_1956 : vector<64x1xf32>
    %reduce_sum3A_1974 = vector.shape_cast %mul3A_1973 : vector<64x1xf32> to vector<1x64x1xf32>
    %reduce_sum3A_1975 = arith.constant dense<0.000000e+00> : vector<1xf32>
    %reduce_sum3A_1976 = vector.multi_reduction <add>, %reduce_sum3A_1974, %reduce_sum3A_1975 [1, 2] : vector<1x64x1xf32> to vector<1xf32>
    %reduce_sum3A_1977 = vector.shape_cast %reduce_sum3A_1976 : vector<1xf32> to vector<1x1x1xf32>
    %reduce_sum3A_1978 = vector.extract %reduce_sum3A_1977[0, 0, 0] : f32 from vector<1x1x1xf32>
    %mul3A_1979 = arith.constant 5.000000e-01 : f32
    %mul3A_1980 = arith.mulf %mul3A_1979, %reduce_sum3A_1978 : f32
    %reduce_sum3A_1981 = vector.shape_cast %slice3A_1956 : vector<64x1xf32> to vector<1x64x1xf32>
    %reduce_sum3A_1982 = arith.constant dense<0.000000e+00> : vector<1xf32>
    %reduce_sum3A_1983 = vector.multi_reduction <add>, %reduce_sum3A_1981, %reduce_sum3A_1982 [1, 2] : vector<1x64x1xf32> to vector<1xf32>
    %reduce_sum3A_1984 = vector.shape_cast %reduce_sum3A_1983 : vector<1xf32> to vector<1x1x1xf32>
    %reduce_sum3A_1985 = vector.extract %reduce_sum3A_1984[0, 0, 0] : f32 from vector<1x1x1xf32>
    %add3A_1986 = arith.constant 9.99999993E-9 : f32
    %add3A_1987 = arith.addf %reduce_sum3A_1985, %add3A_1986 : f32
    %div3A_1988 = arith.divf %mul3A_1980, %add3A_1987 : f32
    %add3A_1989 = arith.addf %div3A_1972, %div3A_1988 : f32
    %add3A_1990 = arith.addf %add3A_1953, %add3A_1989 : f32
    %slice3A_1991 = vector.extract_strided_slice %neg3A_31 {offsets = [3392, 0], sizes = [64, 1], strides = [1, 1]} : vector<4096x1xf32> to vector<64x1xf32>
    %slice3A_1992 = vector.extract_strided_slice %convert_element_type3A_14 {offsets = [3392, 0], sizes = [64, 1], strides = [1, 1]} : vector<4096x1xf32> to vector<64x1xf32>
    %slice3A_1993 = vector.extract_strided_slice %convert_element_type3A_10 {offsets = [3392, 0], sizes = [64, 1], strides = [1, 1]} : vector<4096x1xf32> to vector<64x1xf32>
    %mul3A_1994 = arith.mulf %slice3A_1991, %slice3A_1992 : vector<64x1xf32>
    %reduce_sum3A_1995 = vector.shape_cast %mul3A_1994 : vector<64x1xf32> to vector<1x64x1xf32>
    %reduce_sum3A_1996 = arith.constant dense<0.000000e+00> : vector<1xf32>
    %reduce_sum3A_1997 = vector.multi_reduction <add>, %reduce_sum3A_1995, %reduce_sum3A_1996 [1, 2] : vector<1x64x1xf32> to vector<1xf32>
    %reduce_sum3A_1998 = vector.shape_cast %reduce_sum3A_1997 : vector<1xf32> to vector<1x1x1xf32>
    %reduce_sum3A_1999 = vector.extract %reduce_sum3A_1998[0, 0, 0] : f32 from vector<1x1x1xf32>
    %mul3A_2000 = arith.constant 5.000000e-01 : f32
    %mul3A_2001 = arith.mulf %mul3A_2000, %reduce_sum3A_1999 : f32
    %reduce_sum3A_2002 = vector.shape_cast %slice3A_1992 : vector<64x1xf32> to vector<1x64x1xf32>
    %reduce_sum3A_2003 = arith.constant dense<0.000000e+00> : vector<1xf32>
    %reduce_sum3A_2004 = vector.multi_reduction <add>, %reduce_sum3A_2002, %reduce_sum3A_2003 [1, 2] : vector<1x64x1xf32> to vector<1xf32>
    %reduce_sum3A_2005 = vector.shape_cast %reduce_sum3A_2004 : vector<1xf32> to vector<1x1x1xf32>
    %reduce_sum3A_2006 = vector.extract %reduce_sum3A_2005[0, 0, 0] : f32 from vector<1x1x1xf32>
    %add3A_2007 = arith.constant 9.99999993E-9 : f32
    %add3A_2008 = arith.addf %reduce_sum3A_2006, %add3A_2007 : f32
    %div3A_2009 = arith.divf %mul3A_2001, %add3A_2008 : f32
    %mul3A_2010 = arith.mulf %slice3A_1991, %slice3A_1993 : vector<64x1xf32>
    %reduce_sum3A_2011 = vector.shape_cast %mul3A_2010 : vector<64x1xf32> to vector<1x64x1xf32>
    %reduce_sum3A_2012 = arith.constant dense<0.000000e+00> : vector<1xf32>
    %reduce_sum3A_2013 = vector.multi_reduction <add>, %reduce_sum3A_2011, %reduce_sum3A_2012 [1, 2] : vector<1x64x1xf32> to vector<1xf32>
    %reduce_sum3A_2014 = vector.shape_cast %reduce_sum3A_2013 : vector<1xf32> to vector<1x1x1xf32>
    %reduce_sum3A_2015 = vector.extract %reduce_sum3A_2014[0, 0, 0] : f32 from vector<1x1x1xf32>
    %mul3A_2016 = arith.constant 5.000000e-01 : f32
    %mul3A_2017 = arith.mulf %mul3A_2016, %reduce_sum3A_2015 : f32
    %reduce_sum3A_2018 = vector.shape_cast %slice3A_1993 : vector<64x1xf32> to vector<1x64x1xf32>
    %reduce_sum3A_2019 = arith.constant dense<0.000000e+00> : vector<1xf32>
    %reduce_sum3A_2020 = vector.multi_reduction <add>, %reduce_sum3A_2018, %reduce_sum3A_2019 [1, 2] : vector<1x64x1xf32> to vector<1xf32>
    %reduce_sum3A_2021 = vector.shape_cast %reduce_sum3A_2020 : vector<1xf32> to vector<1x1x1xf32>
    %reduce_sum3A_2022 = vector.extract %reduce_sum3A_2021[0, 0, 0] : f32 from vector<1x1x1xf32>
    %add3A_2023 = arith.constant 9.99999993E-9 : f32
    %add3A_2024 = arith.addf %reduce_sum3A_2022, %add3A_2023 : f32
    %div3A_2025 = arith.divf %mul3A_2017, %add3A_2024 : f32
    %add3A_2026 = arith.addf %div3A_2009, %div3A_2025 : f32
    %add3A_2027 = arith.addf %add3A_1990, %add3A_2026 : f32
    %slice3A_2028 = vector.extract_strided_slice %neg3A_31 {offsets = [3456, 0], sizes = [64, 1], strides = [1, 1]} : vector<4096x1xf32> to vector<64x1xf32>
    %slice3A_2029 = vector.extract_strided_slice %convert_element_type3A_14 {offsets = [3456, 0], sizes = [64, 1], strides = [1, 1]} : vector<4096x1xf32> to vector<64x1xf32>
    %slice3A_2030 = vector.extract_strided_slice %convert_element_type3A_10 {offsets = [3456, 0], sizes = [64, 1], strides = [1, 1]} : vector<4096x1xf32> to vector<64x1xf32>
    %mul3A_2031 = arith.mulf %slice3A_2028, %slice3A_2029 : vector<64x1xf32>
    %reduce_sum3A_2032 = vector.shape_cast %mul3A_2031 : vector<64x1xf32> to vector<1x64x1xf32>
    %reduce_sum3A_2033 = arith.constant dense<0.000000e+00> : vector<1xf32>
    %reduce_sum3A_2034 = vector.multi_reduction <add>, %reduce_sum3A_2032, %reduce_sum3A_2033 [1, 2] : vector<1x64x1xf32> to vector<1xf32>
    %reduce_sum3A_2035 = vector.shape_cast %reduce_sum3A_2034 : vector<1xf32> to vector<1x1x1xf32>
    %reduce_sum3A_2036 = vector.extract %reduce_sum3A_2035[0, 0, 0] : f32 from vector<1x1x1xf32>
    %mul3A_2037 = arith.constant 5.000000e-01 : f32
    %mul3A_2038 = arith.mulf %mul3A_2037, %reduce_sum3A_2036 : f32
    %reduce_sum3A_2039 = vector.shape_cast %slice3A_2029 : vector<64x1xf32> to vector<1x64x1xf32>
    %reduce_sum3A_2040 = arith.constant dense<0.000000e+00> : vector<1xf32>
    %reduce_sum3A_2041 = vector.multi_reduction <add>, %reduce_sum3A_2039, %reduce_sum3A_2040 [1, 2] : vector<1x64x1xf32> to vector<1xf32>
    %reduce_sum3A_2042 = vector.shape_cast %reduce_sum3A_2041 : vector<1xf32> to vector<1x1x1xf32>
    %reduce_sum3A_2043 = vector.extract %reduce_sum3A_2042[0, 0, 0] : f32 from vector<1x1x1xf32>
    %add3A_2044 = arith.constant 9.99999993E-9 : f32
    %add3A_2045 = arith.addf %reduce_sum3A_2043, %add3A_2044 : f32
    %div3A_2046 = arith.divf %mul3A_2038, %add3A_2045 : f32
    %mul3A_2047 = arith.mulf %slice3A_2028, %slice3A_2030 : vector<64x1xf32>
    %reduce_sum3A_2048 = vector.shape_cast %mul3A_2047 : vector<64x1xf32> to vector<1x64x1xf32>
    %reduce_sum3A_2049 = arith.constant dense<0.000000e+00> : vector<1xf32>
    %reduce_sum3A_2050 = vector.multi_reduction <add>, %reduce_sum3A_2048, %reduce_sum3A_2049 [1, 2] : vector<1x64x1xf32> to vector<1xf32>
    %reduce_sum3A_2051 = vector.shape_cast %reduce_sum3A_2050 : vector<1xf32> to vector<1x1x1xf32>
    %reduce_sum3A_2052 = vector.extract %reduce_sum3A_2051[0, 0, 0] : f32 from vector<1x1x1xf32>
    %mul3A_2053 = arith.constant 5.000000e-01 : f32
    %mul3A_2054 = arith.mulf %mul3A_2053, %reduce_sum3A_2052 : f32
    %reduce_sum3A_2055 = vector.shape_cast %slice3A_2030 : vector<64x1xf32> to vector<1x64x1xf32>
    %reduce_sum3A_2056 = arith.constant dense<0.000000e+00> : vector<1xf32>
    %reduce_sum3A_2057 = vector.multi_reduction <add>, %reduce_sum3A_2055, %reduce_sum3A_2056 [1, 2] : vector<1x64x1xf32> to vector<1xf32>
    %reduce_sum3A_2058 = vector.shape_cast %reduce_sum3A_2057 : vector<1xf32> to vector<1x1x1xf32>
    %reduce_sum3A_2059 = vector.extract %reduce_sum3A_2058[0, 0, 0] : f32 from vector<1x1x1xf32>
    %add3A_2060 = arith.constant 9.99999993E-9 : f32
    %add3A_2061 = arith.addf %reduce_sum3A_2059, %add3A_2060 : f32
    %div3A_2062 = arith.divf %mul3A_2054, %add3A_2061 : f32
    %add3A_2063 = arith.addf %div3A_2046, %div3A_2062 : f32
    %add3A_2064 = arith.addf %add3A_2027, %add3A_2063 : f32
    %slice3A_2065 = vector.extract_strided_slice %neg3A_31 {offsets = [3520, 0], sizes = [64, 1], strides = [1, 1]} : vector<4096x1xf32> to vector<64x1xf32>
    %slice3A_2066 = vector.extract_strided_slice %convert_element_type3A_14 {offsets = [3520, 0], sizes = [64, 1], strides = [1, 1]} : vector<4096x1xf32> to vector<64x1xf32>
    %slice3A_2067 = vector.extract_strided_slice %convert_element_type3A_10 {offsets = [3520, 0], sizes = [64, 1], strides = [1, 1]} : vector<4096x1xf32> to vector<64x1xf32>
    %mul3A_2068 = arith.mulf %slice3A_2065, %slice3A_2066 : vector<64x1xf32>
    %reduce_sum3A_2069 = vector.shape_cast %mul3A_2068 : vector<64x1xf32> to vector<1x64x1xf32>
    %reduce_sum3A_2070 = arith.constant dense<0.000000e+00> : vector<1xf32>
    %reduce_sum3A_2071 = vector.multi_reduction <add>, %reduce_sum3A_2069, %reduce_sum3A_2070 [1, 2] : vector<1x64x1xf32> to vector<1xf32>
    %reduce_sum3A_2072 = vector.shape_cast %reduce_sum3A_2071 : vector<1xf32> to vector<1x1x1xf32>
    %reduce_sum3A_2073 = vector.extract %reduce_sum3A_2072[0, 0, 0] : f32 from vector<1x1x1xf32>
    %mul3A_2074 = arith.constant 5.000000e-01 : f32
    %mul3A_2075 = arith.mulf %mul3A_2074, %reduce_sum3A_2073 : f32
    %reduce_sum3A_2076 = vector.shape_cast %slice3A_2066 : vector<64x1xf32> to vector<1x64x1xf32>
    %reduce_sum3A_2077 = arith.constant dense<0.000000e+00> : vector<1xf32>
    %reduce_sum3A_2078 = vector.multi_reduction <add>, %reduce_sum3A_2076, %reduce_sum3A_2077 [1, 2] : vector<1x64x1xf32> to vector<1xf32>
    %reduce_sum3A_2079 = vector.shape_cast %reduce_sum3A_2078 : vector<1xf32> to vector<1x1x1xf32>
    %reduce_sum3A_2080 = vector.extract %reduce_sum3A_2079[0, 0, 0] : f32 from vector<1x1x1xf32>
    %add3A_2081 = arith.constant 9.99999993E-9 : f32
    %add3A_2082 = arith.addf %reduce_sum3A_2080, %add3A_2081 : f32
    %div3A_2083 = arith.divf %mul3A_2075, %add3A_2082 : f32
    %mul3A_2084 = arith.mulf %slice3A_2065, %slice3A_2067 : vector<64x1xf32>
    %reduce_sum3A_2085 = vector.shape_cast %mul3A_2084 : vector<64x1xf32> to vector<1x64x1xf32>
    %reduce_sum3A_2086 = arith.constant dense<0.000000e+00> : vector<1xf32>
    %reduce_sum3A_2087 = vector.multi_reduction <add>, %reduce_sum3A_2085, %reduce_sum3A_2086 [1, 2] : vector<1x64x1xf32> to vector<1xf32>
    %reduce_sum3A_2088 = vector.shape_cast %reduce_sum3A_2087 : vector<1xf32> to vector<1x1x1xf32>
    %reduce_sum3A_2089 = vector.extract %reduce_sum3A_2088[0, 0, 0] : f32 from vector<1x1x1xf32>
    %mul3A_2090 = arith.constant 5.000000e-01 : f32
    %mul3A_2091 = arith.mulf %mul3A_2090, %reduce_sum3A_2089 : f32
    %reduce_sum3A_2092 = vector.shape_cast %slice3A_2067 : vector<64x1xf32> to vector<1x64x1xf32>
    %reduce_sum3A_2093 = arith.constant dense<0.000000e+00> : vector<1xf32>
    %reduce_sum3A_2094 = vector.multi_reduction <add>, %reduce_sum3A_2092, %reduce_sum3A_2093 [1, 2] : vector<1x64x1xf32> to vector<1xf32>
    %reduce_sum3A_2095 = vector.shape_cast %reduce_sum3A_2094 : vector<1xf32> to vector<1x1x1xf32>
    %reduce_sum3A_2096 = vector.extract %reduce_sum3A_2095[0, 0, 0] : f32 from vector<1x1x1xf32>
    %add3A_2097 = arith.constant 9.99999993E-9 : f32
    %add3A_2098 = arith.addf %reduce_sum3A_2096, %add3A_2097 : f32
    %div3A_2099 = arith.divf %mul3A_2091, %add3A_2098 : f32
    %add3A_2100 = arith.addf %div3A_2083, %div3A_2099 : f32
    %add3A_2101 = arith.addf %add3A_2064, %add3A_2100 : f32
    %slice3A_2102 = vector.extract_strided_slice %neg3A_31 {offsets = [3584, 0], sizes = [64, 1], strides = [1, 1]} : vector<4096x1xf32> to vector<64x1xf32>
    %slice3A_2103 = vector.extract_strided_slice %convert_element_type3A_14 {offsets = [3584, 0], sizes = [64, 1], strides = [1, 1]} : vector<4096x1xf32> to vector<64x1xf32>
    %slice3A_2104 = vector.extract_strided_slice %convert_element_type3A_10 {offsets = [3584, 0], sizes = [64, 1], strides = [1, 1]} : vector<4096x1xf32> to vector<64x1xf32>
    %mul3A_2105 = arith.mulf %slice3A_2102, %slice3A_2103 : vector<64x1xf32>
    %reduce_sum3A_2106 = vector.shape_cast %mul3A_2105 : vector<64x1xf32> to vector<1x64x1xf32>
    %reduce_sum3A_2107 = arith.constant dense<0.000000e+00> : vector<1xf32>
    %reduce_sum3A_2108 = vector.multi_reduction <add>, %reduce_sum3A_2106, %reduce_sum3A_2107 [1, 2] : vector<1x64x1xf32> to vector<1xf32>
    %reduce_sum3A_2109 = vector.shape_cast %reduce_sum3A_2108 : vector<1xf32> to vector<1x1x1xf32>
    %reduce_sum3A_2110 = vector.extract %reduce_sum3A_2109[0, 0, 0] : f32 from vector<1x1x1xf32>
    %mul3A_2111 = arith.constant 5.000000e-01 : f32
    %mul3A_2112 = arith.mulf %mul3A_2111, %reduce_sum3A_2110 : f32
    %reduce_sum3A_2113 = vector.shape_cast %slice3A_2103 : vector<64x1xf32> to vector<1x64x1xf32>
    %reduce_sum3A_2114 = arith.constant dense<0.000000e+00> : vector<1xf32>
    %reduce_sum3A_2115 = vector.multi_reduction <add>, %reduce_sum3A_2113, %reduce_sum3A_2114 [1, 2] : vector<1x64x1xf32> to vector<1xf32>
    %reduce_sum3A_2116 = vector.shape_cast %reduce_sum3A_2115 : vector<1xf32> to vector<1x1x1xf32>
    %reduce_sum3A_2117 = vector.extract %reduce_sum3A_2116[0, 0, 0] : f32 from vector<1x1x1xf32>
    %add3A_2118 = arith.constant 9.99999993E-9 : f32
    %add3A_2119 = arith.addf %reduce_sum3A_2117, %add3A_2118 : f32
    %div3A_2120 = arith.divf %mul3A_2112, %add3A_2119 : f32
    %mul3A_2121 = arith.mulf %slice3A_2102, %slice3A_2104 : vector<64x1xf32>
    %reduce_sum3A_2122 = vector.shape_cast %mul3A_2121 : vector<64x1xf32> to vector<1x64x1xf32>
    %reduce_sum3A_2123 = arith.constant dense<0.000000e+00> : vector<1xf32>
    %reduce_sum3A_2124 = vector.multi_reduction <add>, %reduce_sum3A_2122, %reduce_sum3A_2123 [1, 2] : vector<1x64x1xf32> to vector<1xf32>
    %reduce_sum3A_2125 = vector.shape_cast %reduce_sum3A_2124 : vector<1xf32> to vector<1x1x1xf32>
    %reduce_sum3A_2126 = vector.extract %reduce_sum3A_2125[0, 0, 0] : f32 from vector<1x1x1xf32>
    %mul3A_2127 = arith.constant 5.000000e-01 : f32
    %mul3A_2128 = arith.mulf %mul3A_2127, %reduce_sum3A_2126 : f32
    %reduce_sum3A_2129 = vector.shape_cast %slice3A_2104 : vector<64x1xf32> to vector<1x64x1xf32>
    %reduce_sum3A_2130 = arith.constant dense<0.000000e+00> : vector<1xf32>
    %reduce_sum3A_2131 = vector.multi_reduction <add>, %reduce_sum3A_2129, %reduce_sum3A_2130 [1, 2] : vector<1x64x1xf32> to vector<1xf32>
    %reduce_sum3A_2132 = vector.shape_cast %reduce_sum3A_2131 : vector<1xf32> to vector<1x1x1xf32>
    %reduce_sum3A_2133 = vector.extract %reduce_sum3A_2132[0, 0, 0] : f32 from vector<1x1x1xf32>
    %add3A_2134 = arith.constant 9.99999993E-9 : f32
    %add3A_2135 = arith.addf %reduce_sum3A_2133, %add3A_2134 : f32
    %div3A_2136 = arith.divf %mul3A_2128, %add3A_2135 : f32
    %add3A_2137 = arith.addf %div3A_2120, %div3A_2136 : f32
    %add3A_2138 = arith.addf %add3A_2101, %add3A_2137 : f32
    %slice3A_2139 = vector.extract_strided_slice %neg3A_31 {offsets = [3648, 0], sizes = [64, 1], strides = [1, 1]} : vector<4096x1xf32> to vector<64x1xf32>
    %slice3A_2140 = vector.extract_strided_slice %convert_element_type3A_14 {offsets = [3648, 0], sizes = [64, 1], strides = [1, 1]} : vector<4096x1xf32> to vector<64x1xf32>
    %slice3A_2141 = vector.extract_strided_slice %convert_element_type3A_10 {offsets = [3648, 0], sizes = [64, 1], strides = [1, 1]} : vector<4096x1xf32> to vector<64x1xf32>
    %mul3A_2142 = arith.mulf %slice3A_2139, %slice3A_2140 : vector<64x1xf32>
    %reduce_sum3A_2143 = vector.shape_cast %mul3A_2142 : vector<64x1xf32> to vector<1x64x1xf32>
    %reduce_sum3A_2144 = arith.constant dense<0.000000e+00> : vector<1xf32>
    %reduce_sum3A_2145 = vector.multi_reduction <add>, %reduce_sum3A_2143, %reduce_sum3A_2144 [1, 2] : vector<1x64x1xf32> to vector<1xf32>
    %reduce_sum3A_2146 = vector.shape_cast %reduce_sum3A_2145 : vector<1xf32> to vector<1x1x1xf32>
    %reduce_sum3A_2147 = vector.extract %reduce_sum3A_2146[0, 0, 0] : f32 from vector<1x1x1xf32>
    %mul3A_2148 = arith.constant 5.000000e-01 : f32
    %mul3A_2149 = arith.mulf %mul3A_2148, %reduce_sum3A_2147 : f32
    %reduce_sum3A_2150 = vector.shape_cast %slice3A_2140 : vector<64x1xf32> to vector<1x64x1xf32>
    %reduce_sum3A_2151 = arith.constant dense<0.000000e+00> : vector<1xf32>
    %reduce_sum3A_2152 = vector.multi_reduction <add>, %reduce_sum3A_2150, %reduce_sum3A_2151 [1, 2] : vector<1x64x1xf32> to vector<1xf32>
    %reduce_sum3A_2153 = vector.shape_cast %reduce_sum3A_2152 : vector<1xf32> to vector<1x1x1xf32>
    %reduce_sum3A_2154 = vector.extract %reduce_sum3A_2153[0, 0, 0] : f32 from vector<1x1x1xf32>
    %add3A_2155 = arith.constant 9.99999993E-9 : f32
    %add3A_2156 = arith.addf %reduce_sum3A_2154, %add3A_2155 : f32
    %div3A_2157 = arith.divf %mul3A_2149, %add3A_2156 : f32
    %mul3A_2158 = arith.mulf %slice3A_2139, %slice3A_2141 : vector<64x1xf32>
    %reduce_sum3A_2159 = vector.shape_cast %mul3A_2158 : vector<64x1xf32> to vector<1x64x1xf32>
    %reduce_sum3A_2160 = arith.constant dense<0.000000e+00> : vector<1xf32>
    %reduce_sum3A_2161 = vector.multi_reduction <add>, %reduce_sum3A_2159, %reduce_sum3A_2160 [1, 2] : vector<1x64x1xf32> to vector<1xf32>
    %reduce_sum3A_2162 = vector.shape_cast %reduce_sum3A_2161 : vector<1xf32> to vector<1x1x1xf32>
    %reduce_sum3A_2163 = vector.extract %reduce_sum3A_2162[0, 0, 0] : f32 from vector<1x1x1xf32>
    %mul3A_2164 = arith.constant 5.000000e-01 : f32
    %mul3A_2165 = arith.mulf %mul3A_2164, %reduce_sum3A_2163 : f32
    %reduce_sum3A_2166 = vector.shape_cast %slice3A_2141 : vector<64x1xf32> to vector<1x64x1xf32>
    %reduce_sum3A_2167 = arith.constant dense<0.000000e+00> : vector<1xf32>
    %reduce_sum3A_2168 = vector.multi_reduction <add>, %reduce_sum3A_2166, %reduce_sum3A_2167 [1, 2] : vector<1x64x1xf32> to vector<1xf32>
    %reduce_sum3A_2169 = vector.shape_cast %reduce_sum3A_2168 : vector<1xf32> to vector<1x1x1xf32>
    %reduce_sum3A_2170 = vector.extract %reduce_sum3A_2169[0, 0, 0] : f32 from vector<1x1x1xf32>
    %add3A_2171 = arith.constant 9.99999993E-9 : f32
    %add3A_2172 = arith.addf %reduce_sum3A_2170, %add3A_2171 : f32
    %div3A_2173 = arith.divf %mul3A_2165, %add3A_2172 : f32
    %add3A_2174 = arith.addf %div3A_2157, %div3A_2173 : f32
    %add3A_2175 = arith.addf %add3A_2138, %add3A_2174 : f32
    %slice3A_2176 = vector.extract_strided_slice %neg3A_31 {offsets = [3712, 0], sizes = [64, 1], strides = [1, 1]} : vector<4096x1xf32> to vector<64x1xf32>
    %slice3A_2177 = vector.extract_strided_slice %convert_element_type3A_14 {offsets = [3712, 0], sizes = [64, 1], strides = [1, 1]} : vector<4096x1xf32> to vector<64x1xf32>
    %slice3A_2178 = vector.extract_strided_slice %convert_element_type3A_10 {offsets = [3712, 0], sizes = [64, 1], strides = [1, 1]} : vector<4096x1xf32> to vector<64x1xf32>
    %mul3A_2179 = arith.mulf %slice3A_2176, %slice3A_2177 : vector<64x1xf32>
    %reduce_sum3A_2180 = vector.shape_cast %mul3A_2179 : vector<64x1xf32> to vector<1x64x1xf32>
    %reduce_sum3A_2181 = arith.constant dense<0.000000e+00> : vector<1xf32>
    %reduce_sum3A_2182 = vector.multi_reduction <add>, %reduce_sum3A_2180, %reduce_sum3A_2181 [1, 2] : vector<1x64x1xf32> to vector<1xf32>
    %reduce_sum3A_2183 = vector.shape_cast %reduce_sum3A_2182 : vector<1xf32> to vector<1x1x1xf32>
    %reduce_sum3A_2184 = vector.extract %reduce_sum3A_2183[0, 0, 0] : f32 from vector<1x1x1xf32>
    %mul3A_2185 = arith.constant 5.000000e-01 : f32
    %mul3A_2186 = arith.mulf %mul3A_2185, %reduce_sum3A_2184 : f32
    %reduce_sum3A_2187 = vector.shape_cast %slice3A_2177 : vector<64x1xf32> to vector<1x64x1xf32>
    %reduce_sum3A_2188 = arith.constant dense<0.000000e+00> : vector<1xf32>
    %reduce_sum3A_2189 = vector.multi_reduction <add>, %reduce_sum3A_2187, %reduce_sum3A_2188 [1, 2] : vector<1x64x1xf32> to vector<1xf32>
    %reduce_sum3A_2190 = vector.shape_cast %reduce_sum3A_2189 : vector<1xf32> to vector<1x1x1xf32>
    %reduce_sum3A_2191 = vector.extract %reduce_sum3A_2190[0, 0, 0] : f32 from vector<1x1x1xf32>
    %add3A_2192 = arith.constant 9.99999993E-9 : f32
    %add3A_2193 = arith.addf %reduce_sum3A_2191, %add3A_2192 : f32
    %div3A_2194 = arith.divf %mul3A_2186, %add3A_2193 : f32
    %mul3A_2195 = arith.mulf %slice3A_2176, %slice3A_2178 : vector<64x1xf32>
    %reduce_sum3A_2196 = vector.shape_cast %mul3A_2195 : vector<64x1xf32> to vector<1x64x1xf32>
    %reduce_sum3A_2197 = arith.constant dense<0.000000e+00> : vector<1xf32>
    %reduce_sum3A_2198 = vector.multi_reduction <add>, %reduce_sum3A_2196, %reduce_sum3A_2197 [1, 2] : vector<1x64x1xf32> to vector<1xf32>
    %reduce_sum3A_2199 = vector.shape_cast %reduce_sum3A_2198 : vector<1xf32> to vector<1x1x1xf32>
    %reduce_sum3A_2200 = vector.extract %reduce_sum3A_2199[0, 0, 0] : f32 from vector<1x1x1xf32>
    %mul3A_2201 = arith.constant 5.000000e-01 : f32
    %mul3A_2202 = arith.mulf %mul3A_2201, %reduce_sum3A_2200 : f32
    %reduce_sum3A_2203 = vector.shape_cast %slice3A_2178 : vector<64x1xf32> to vector<1x64x1xf32>
    %reduce_sum3A_2204 = arith.constant dense<0.000000e+00> : vector<1xf32>
    %reduce_sum3A_2205 = vector.multi_reduction <add>, %reduce_sum3A_2203, %reduce_sum3A_2204 [1, 2] : vector<1x64x1xf32> to vector<1xf32>
    %reduce_sum3A_2206 = vector.shape_cast %reduce_sum3A_2205 : vector<1xf32> to vector<1x1x1xf32>
    %reduce_sum3A_2207 = vector.extract %reduce_sum3A_2206[0, 0, 0] : f32 from vector<1x1x1xf32>
    %add3A_2208 = arith.constant 9.99999993E-9 : f32
    %add3A_2209 = arith.addf %reduce_sum3A_2207, %add3A_2208 : f32
    %div3A_2210 = arith.divf %mul3A_2202, %add3A_2209 : f32
    %add3A_2211 = arith.addf %div3A_2194, %div3A_2210 : f32
    %add3A_2212 = arith.addf %add3A_2175, %add3A_2211 : f32
    %slice3A_2213 = vector.extract_strided_slice %neg3A_31 {offsets = [3776, 0], sizes = [64, 1], strides = [1, 1]} : vector<4096x1xf32> to vector<64x1xf32>
    %slice3A_2214 = vector.extract_strided_slice %convert_element_type3A_14 {offsets = [3776, 0], sizes = [64, 1], strides = [1, 1]} : vector<4096x1xf32> to vector<64x1xf32>
    %slice3A_2215 = vector.extract_strided_slice %convert_element_type3A_10 {offsets = [3776, 0], sizes = [64, 1], strides = [1, 1]} : vector<4096x1xf32> to vector<64x1xf32>
    %mul3A_2216 = arith.mulf %slice3A_2213, %slice3A_2214 : vector<64x1xf32>
    %reduce_sum3A_2217 = vector.shape_cast %mul3A_2216 : vector<64x1xf32> to vector<1x64x1xf32>
    %reduce_sum3A_2218 = arith.constant dense<0.000000e+00> : vector<1xf32>
    %reduce_sum3A_2219 = vector.multi_reduction <add>, %reduce_sum3A_2217, %reduce_sum3A_2218 [1, 2] : vector<1x64x1xf32> to vector<1xf32>
    %reduce_sum3A_2220 = vector.shape_cast %reduce_sum3A_2219 : vector<1xf32> to vector<1x1x1xf32>
    %reduce_sum3A_2221 = vector.extract %reduce_sum3A_2220[0, 0, 0] : f32 from vector<1x1x1xf32>
    %mul3A_2222 = arith.constant 5.000000e-01 : f32
    %mul3A_2223 = arith.mulf %mul3A_2222, %reduce_sum3A_2221 : f32
    %reduce_sum3A_2224 = vector.shape_cast %slice3A_2214 : vector<64x1xf32> to vector<1x64x1xf32>
    %reduce_sum3A_2225 = arith.constant dense<0.000000e+00> : vector<1xf32>
    %reduce_sum3A_2226 = vector.multi_reduction <add>, %reduce_sum3A_2224, %reduce_sum3A_2225 [1, 2] : vector<1x64x1xf32> to vector<1xf32>
    %reduce_sum3A_2227 = vector.shape_cast %reduce_sum3A_2226 : vector<1xf32> to vector<1x1x1xf32>
    %reduce_sum3A_2228 = vector.extract %reduce_sum3A_2227[0, 0, 0] : f32 from vector<1x1x1xf32>
    %add3A_2229 = arith.constant 9.99999993E-9 : f32
    %add3A_2230 = arith.addf %reduce_sum3A_2228, %add3A_2229 : f32
    %div3A_2231 = arith.divf %mul3A_2223, %add3A_2230 : f32
    %mul3A_2232 = arith.mulf %slice3A_2213, %slice3A_2215 : vector<64x1xf32>
    %reduce_sum3A_2233 = vector.shape_cast %mul3A_2232 : vector<64x1xf32> to vector<1x64x1xf32>
    %reduce_sum3A_2234 = arith.constant dense<0.000000e+00> : vector<1xf32>
    %reduce_sum3A_2235 = vector.multi_reduction <add>, %reduce_sum3A_2233, %reduce_sum3A_2234 [1, 2] : vector<1x64x1xf32> to vector<1xf32>
    %reduce_sum3A_2236 = vector.shape_cast %reduce_sum3A_2235 : vector<1xf32> to vector<1x1x1xf32>
    %reduce_sum3A_2237 = vector.extract %reduce_sum3A_2236[0, 0, 0] : f32 from vector<1x1x1xf32>
    %mul3A_2238 = arith.constant 5.000000e-01 : f32
    %mul3A_2239 = arith.mulf %mul3A_2238, %reduce_sum3A_2237 : f32
    %reduce_sum3A_2240 = vector.shape_cast %slice3A_2215 : vector<64x1xf32> to vector<1x64x1xf32>
    %reduce_sum3A_2241 = arith.constant dense<0.000000e+00> : vector<1xf32>
    %reduce_sum3A_2242 = vector.multi_reduction <add>, %reduce_sum3A_2240, %reduce_sum3A_2241 [1, 2] : vector<1x64x1xf32> to vector<1xf32>
    %reduce_sum3A_2243 = vector.shape_cast %reduce_sum3A_2242 : vector<1xf32> to vector<1x1x1xf32>
    %reduce_sum3A_2244 = vector.extract %reduce_sum3A_2243[0, 0, 0] : f32 from vector<1x1x1xf32>
    %add3A_2245 = arith.constant 9.99999993E-9 : f32
    %add3A_2246 = arith.addf %reduce_sum3A_2244, %add3A_2245 : f32
    %div3A_2247 = arith.divf %mul3A_2239, %add3A_2246 : f32
    %add3A_2248 = arith.addf %div3A_2231, %div3A_2247 : f32
    %add3A_2249 = arith.addf %add3A_2212, %add3A_2248 : f32
    %slice3A_2250 = vector.extract_strided_slice %neg3A_31 {offsets = [3840, 0], sizes = [64, 1], strides = [1, 1]} : vector<4096x1xf32> to vector<64x1xf32>
    %slice3A_2251 = vector.extract_strided_slice %convert_element_type3A_14 {offsets = [3840, 0], sizes = [64, 1], strides = [1, 1]} : vector<4096x1xf32> to vector<64x1xf32>
    %slice3A_2252 = vector.extract_strided_slice %convert_element_type3A_10 {offsets = [3840, 0], sizes = [64, 1], strides = [1, 1]} : vector<4096x1xf32> to vector<64x1xf32>
    %mul3A_2253 = arith.mulf %slice3A_2250, %slice3A_2251 : vector<64x1xf32>
    %reduce_sum3A_2254 = vector.shape_cast %mul3A_2253 : vector<64x1xf32> to vector<1x64x1xf32>
    %reduce_sum3A_2255 = arith.constant dense<0.000000e+00> : vector<1xf32>
    %reduce_sum3A_2256 = vector.multi_reduction <add>, %reduce_sum3A_2254, %reduce_sum3A_2255 [1, 2] : vector<1x64x1xf32> to vector<1xf32>
    %reduce_sum3A_2257 = vector.shape_cast %reduce_sum3A_2256 : vector<1xf32> to vector<1x1x1xf32>
    %reduce_sum3A_2258 = vector.extract %reduce_sum3A_2257[0, 0, 0] : f32 from vector<1x1x1xf32>
    %mul3A_2259 = arith.constant 5.000000e-01 : f32
    %mul3A_2260 = arith.mulf %mul3A_2259, %reduce_sum3A_2258 : f32
    %reduce_sum3A_2261 = vector.shape_cast %slice3A_2251 : vector<64x1xf32> to vector<1x64x1xf32>
    %reduce_sum3A_2262 = arith.constant dense<0.000000e+00> : vector<1xf32>
    %reduce_sum3A_2263 = vector.multi_reduction <add>, %reduce_sum3A_2261, %reduce_sum3A_2262 [1, 2] : vector<1x64x1xf32> to vector<1xf32>
    %reduce_sum3A_2264 = vector.shape_cast %reduce_sum3A_2263 : vector<1xf32> to vector<1x1x1xf32>
    %reduce_sum3A_2265 = vector.extract %reduce_sum3A_2264[0, 0, 0] : f32 from vector<1x1x1xf32>
    %add3A_2266 = arith.constant 9.99999993E-9 : f32
    %add3A_2267 = arith.addf %reduce_sum3A_2265, %add3A_2266 : f32
    %div3A_2268 = arith.divf %mul3A_2260, %add3A_2267 : f32
    %mul3A_2269 = arith.mulf %slice3A_2250, %slice3A_2252 : vector<64x1xf32>
    %reduce_sum3A_2270 = vector.shape_cast %mul3A_2269 : vector<64x1xf32> to vector<1x64x1xf32>
    %reduce_sum3A_2271 = arith.constant dense<0.000000e+00> : vector<1xf32>
    %reduce_sum3A_2272 = vector.multi_reduction <add>, %reduce_sum3A_2270, %reduce_sum3A_2271 [1, 2] : vector<1x64x1xf32> to vector<1xf32>
    %reduce_sum3A_2273 = vector.shape_cast %reduce_sum3A_2272 : vector<1xf32> to vector<1x1x1xf32>
    %reduce_sum3A_2274 = vector.extract %reduce_sum3A_2273[0, 0, 0] : f32 from vector<1x1x1xf32>
    %mul3A_2275 = arith.constant 5.000000e-01 : f32
    %mul3A_2276 = arith.mulf %mul3A_2275, %reduce_sum3A_2274 : f32
    %reduce_sum3A_2277 = vector.shape_cast %slice3A_2252 : vector<64x1xf32> to vector<1x64x1xf32>
    %reduce_sum3A_2278 = arith.constant dense<0.000000e+00> : vector<1xf32>
    %reduce_sum3A_2279 = vector.multi_reduction <add>, %reduce_sum3A_2277, %reduce_sum3A_2278 [1, 2] : vector<1x64x1xf32> to vector<1xf32>
    %reduce_sum3A_2280 = vector.shape_cast %reduce_sum3A_2279 : vector<1xf32> to vector<1x1x1xf32>
    %reduce_sum3A_2281 = vector.extract %reduce_sum3A_2280[0, 0, 0] : f32 from vector<1x1x1xf32>
    %add3A_2282 = arith.constant 9.99999993E-9 : f32
    %add3A_2283 = arith.addf %reduce_sum3A_2281, %add3A_2282 : f32
    %div3A_2284 = arith.divf %mul3A_2276, %add3A_2283 : f32
    %add3A_2285 = arith.addf %div3A_2268, %div3A_2284 : f32
    %add3A_2286 = arith.addf %add3A_2249, %add3A_2285 : f32
    %slice3A_2287 = vector.extract_strided_slice %neg3A_31 {offsets = [3904, 0], sizes = [64, 1], strides = [1, 1]} : vector<4096x1xf32> to vector<64x1xf32>
    %slice3A_2288 = vector.extract_strided_slice %convert_element_type3A_14 {offsets = [3904, 0], sizes = [64, 1], strides = [1, 1]} : vector<4096x1xf32> to vector<64x1xf32>
    %slice3A_2289 = vector.extract_strided_slice %convert_element_type3A_10 {offsets = [3904, 0], sizes = [64, 1], strides = [1, 1]} : vector<4096x1xf32> to vector<64x1xf32>
    %mul3A_2290 = arith.mulf %slice3A_2287, %slice3A_2288 : vector<64x1xf32>
    %reduce_sum3A_2291 = vector.shape_cast %mul3A_2290 : vector<64x1xf32> to vector<1x64x1xf32>
    %reduce_sum3A_2292 = arith.constant dense<0.000000e+00> : vector<1xf32>
    %reduce_sum3A_2293 = vector.multi_reduction <add>, %reduce_sum3A_2291, %reduce_sum3A_2292 [1, 2] : vector<1x64x1xf32> to vector<1xf32>
    %reduce_sum3A_2294 = vector.shape_cast %reduce_sum3A_2293 : vector<1xf32> to vector<1x1x1xf32>
    %reduce_sum3A_2295 = vector.extract %reduce_sum3A_2294[0, 0, 0] : f32 from vector<1x1x1xf32>
    %mul3A_2296 = arith.constant 5.000000e-01 : f32
    %mul3A_2297 = arith.mulf %mul3A_2296, %reduce_sum3A_2295 : f32
    %reduce_sum3A_2298 = vector.shape_cast %slice3A_2288 : vector<64x1xf32> to vector<1x64x1xf32>
    %reduce_sum3A_2299 = arith.constant dense<0.000000e+00> : vector<1xf32>
    %reduce_sum3A_2300 = vector.multi_reduction <add>, %reduce_sum3A_2298, %reduce_sum3A_2299 [1, 2] : vector<1x64x1xf32> to vector<1xf32>
    %reduce_sum3A_2301 = vector.shape_cast %reduce_sum3A_2300 : vector<1xf32> to vector<1x1x1xf32>
    %reduce_sum3A_2302 = vector.extract %reduce_sum3A_2301[0, 0, 0] : f32 from vector<1x1x1xf32>
    %add3A_2303 = arith.constant 9.99999993E-9 : f32
    %add3A_2304 = arith.addf %reduce_sum3A_2302, %add3A_2303 : f32
    %div3A_2305 = arith.divf %mul3A_2297, %add3A_2304 : f32
    %mul3A_2306 = arith.mulf %slice3A_2287, %slice3A_2289 : vector<64x1xf32>
    %reduce_sum3A_2307 = vector.shape_cast %mul3A_2306 : vector<64x1xf32> to vector<1x64x1xf32>
    %reduce_sum3A_2308 = arith.constant dense<0.000000e+00> : vector<1xf32>
    %reduce_sum3A_2309 = vector.multi_reduction <add>, %reduce_sum3A_2307, %reduce_sum3A_2308 [1, 2] : vector<1x64x1xf32> to vector<1xf32>
    %reduce_sum3A_2310 = vector.shape_cast %reduce_sum3A_2309 : vector<1xf32> to vector<1x1x1xf32>
    %reduce_sum3A_2311 = vector.extract %reduce_sum3A_2310[0, 0, 0] : f32 from vector<1x1x1xf32>
    %mul3A_2312 = arith.constant 5.000000e-01 : f32
    %mul3A_2313 = arith.mulf %mul3A_2312, %reduce_sum3A_2311 : f32
    %reduce_sum3A_2314 = vector.shape_cast %slice3A_2289 : vector<64x1xf32> to vector<1x64x1xf32>
    %reduce_sum3A_2315 = arith.constant dense<0.000000e+00> : vector<1xf32>
    %reduce_sum3A_2316 = vector.multi_reduction <add>, %reduce_sum3A_2314, %reduce_sum3A_2315 [1, 2] : vector<1x64x1xf32> to vector<1xf32>
    %reduce_sum3A_2317 = vector.shape_cast %reduce_sum3A_2316 : vector<1xf32> to vector<1x1x1xf32>
    %reduce_sum3A_2318 = vector.extract %reduce_sum3A_2317[0, 0, 0] : f32 from vector<1x1x1xf32>
    %add3A_2319 = arith.constant 9.99999993E-9 : f32
    %add3A_2320 = arith.addf %reduce_sum3A_2318, %add3A_2319 : f32
    %div3A_2321 = arith.divf %mul3A_2313, %add3A_2320 : f32
    %add3A_2322 = arith.addf %div3A_2305, %div3A_2321 : f32
    %add3A_2323 = arith.addf %add3A_2286, %add3A_2322 : f32
    %slice3A_2324 = vector.extract_strided_slice %neg3A_31 {offsets = [3968, 0], sizes = [64, 1], strides = [1, 1]} : vector<4096x1xf32> to vector<64x1xf32>
    %slice3A_2325 = vector.extract_strided_slice %convert_element_type3A_14 {offsets = [3968, 0], sizes = [64, 1], strides = [1, 1]} : vector<4096x1xf32> to vector<64x1xf32>
    %slice3A_2326 = vector.extract_strided_slice %convert_element_type3A_10 {offsets = [3968, 0], sizes = [64, 1], strides = [1, 1]} : vector<4096x1xf32> to vector<64x1xf32>
    %mul3A_2327 = arith.mulf %slice3A_2324, %slice3A_2325 : vector<64x1xf32>
    %reduce_sum3A_2328 = vector.shape_cast %mul3A_2327 : vector<64x1xf32> to vector<1x64x1xf32>
    %reduce_sum3A_2329 = arith.constant dense<0.000000e+00> : vector<1xf32>
    %reduce_sum3A_2330 = vector.multi_reduction <add>, %reduce_sum3A_2328, %reduce_sum3A_2329 [1, 2] : vector<1x64x1xf32> to vector<1xf32>
    %reduce_sum3A_2331 = vector.shape_cast %reduce_sum3A_2330 : vector<1xf32> to vector<1x1x1xf32>
    %reduce_sum3A_2332 = vector.extract %reduce_sum3A_2331[0, 0, 0] : f32 from vector<1x1x1xf32>
    %mul3A_2333 = arith.constant 5.000000e-01 : f32
    %mul3A_2334 = arith.mulf %mul3A_2333, %reduce_sum3A_2332 : f32
    %reduce_sum3A_2335 = vector.shape_cast %slice3A_2325 : vector<64x1xf32> to vector<1x64x1xf32>
    %reduce_sum3A_2336 = arith.constant dense<0.000000e+00> : vector<1xf32>
    %reduce_sum3A_2337 = vector.multi_reduction <add>, %reduce_sum3A_2335, %reduce_sum3A_2336 [1, 2] : vector<1x64x1xf32> to vector<1xf32>
    %reduce_sum3A_2338 = vector.shape_cast %reduce_sum3A_2337 : vector<1xf32> to vector<1x1x1xf32>
    %reduce_sum3A_2339 = vector.extract %reduce_sum3A_2338[0, 0, 0] : f32 from vector<1x1x1xf32>
    %add3A_2340 = arith.constant 9.99999993E-9 : f32
    %add3A_2341 = arith.addf %reduce_sum3A_2339, %add3A_2340 : f32
    %div3A_2342 = arith.divf %mul3A_2334, %add3A_2341 : f32
    %mul3A_2343 = arith.mulf %slice3A_2324, %slice3A_2326 : vector<64x1xf32>
    %reduce_sum3A_2344 = vector.shape_cast %mul3A_2343 : vector<64x1xf32> to vector<1x64x1xf32>
    %reduce_sum3A_2345 = arith.constant dense<0.000000e+00> : vector<1xf32>
    %reduce_sum3A_2346 = vector.multi_reduction <add>, %reduce_sum3A_2344, %reduce_sum3A_2345 [1, 2] : vector<1x64x1xf32> to vector<1xf32>
    %reduce_sum3A_2347 = vector.shape_cast %reduce_sum3A_2346 : vector<1xf32> to vector<1x1x1xf32>
    %reduce_sum3A_2348 = vector.extract %reduce_sum3A_2347[0, 0, 0] : f32 from vector<1x1x1xf32>
    %mul3A_2349 = arith.constant 5.000000e-01 : f32
    %mul3A_2350 = arith.mulf %mul3A_2349, %reduce_sum3A_2348 : f32
    %reduce_sum3A_2351 = vector.shape_cast %slice3A_2326 : vector<64x1xf32> to vector<1x64x1xf32>
    %reduce_sum3A_2352 = arith.constant dense<0.000000e+00> : vector<1xf32>
    %reduce_sum3A_2353 = vector.multi_reduction <add>, %reduce_sum3A_2351, %reduce_sum3A_2352 [1, 2] : vector<1x64x1xf32> to vector<1xf32>
    %reduce_sum3A_2354 = vector.shape_cast %reduce_sum3A_2353 : vector<1xf32> to vector<1x1x1xf32>
    %reduce_sum3A_2355 = vector.extract %reduce_sum3A_2354[0, 0, 0] : f32 from vector<1x1x1xf32>
    %add3A_2356 = arith.constant 9.99999993E-9 : f32
    %add3A_2357 = arith.addf %reduce_sum3A_2355, %add3A_2356 : f32
    %div3A_2358 = arith.divf %mul3A_2350, %add3A_2357 : f32
    %add3A_2359 = arith.addf %div3A_2342, %div3A_2358 : f32
    %add3A_2360 = arith.addf %add3A_2323, %add3A_2359 : f32
    %slice3A_2361 = vector.extract_strided_slice %neg3A_31 {offsets = [4032, 0], sizes = [64, 1], strides = [1, 1]} : vector<4096x1xf32> to vector<64x1xf32>
    %slice3A_2362 = vector.extract_strided_slice %convert_element_type3A_14 {offsets = [4032, 0], sizes = [64, 1], strides = [1, 1]} : vector<4096x1xf32> to vector<64x1xf32>
    %slice3A_2363 = vector.extract_strided_slice %convert_element_type3A_10 {offsets = [4032, 0], sizes = [64, 1], strides = [1, 1]} : vector<4096x1xf32> to vector<64x1xf32>
    %mul3A_2364 = arith.mulf %slice3A_2361, %slice3A_2362 : vector<64x1xf32>
    %reduce_sum3A_2365 = vector.shape_cast %mul3A_2364 : vector<64x1xf32> to vector<1x64x1xf32>
    %reduce_sum3A_2366 = arith.constant dense<0.000000e+00> : vector<1xf32>
    %reduce_sum3A_2367 = vector.multi_reduction <add>, %reduce_sum3A_2365, %reduce_sum3A_2366 [1, 2] : vector<1x64x1xf32> to vector<1xf32>
    %reduce_sum3A_2368 = vector.shape_cast %reduce_sum3A_2367 : vector<1xf32> to vector<1x1x1xf32>
    %reduce_sum3A_2369 = vector.extract %reduce_sum3A_2368[0, 0, 0] : f32 from vector<1x1x1xf32>
    %mul3A_2370 = arith.constant 5.000000e-01 : f32
    %mul3A_2371 = arith.mulf %mul3A_2370, %reduce_sum3A_2369 : f32
    %reduce_sum3A_2372 = vector.shape_cast %slice3A_2362 : vector<64x1xf32> to vector<1x64x1xf32>
    %reduce_sum3A_2373 = arith.constant dense<0.000000e+00> : vector<1xf32>
    %reduce_sum3A_2374 = vector.multi_reduction <add>, %reduce_sum3A_2372, %reduce_sum3A_2373 [1, 2] : vector<1x64x1xf32> to vector<1xf32>
    %reduce_sum3A_2375 = vector.shape_cast %reduce_sum3A_2374 : vector<1xf32> to vector<1x1x1xf32>
    %reduce_sum3A_2376 = vector.extract %reduce_sum3A_2375[0, 0, 0] : f32 from vector<1x1x1xf32>
    %add3A_2377 = arith.constant 9.99999993E-9 : f32
    %add3A_2378 = arith.addf %reduce_sum3A_2376, %add3A_2377 : f32
    %div3A_2379 = arith.divf %mul3A_2371, %add3A_2378 : f32
    %mul3A_2380 = arith.mulf %slice3A_2361, %slice3A_2363 : vector<64x1xf32>
    %reduce_sum3A_2381 = vector.shape_cast %mul3A_2380 : vector<64x1xf32> to vector<1x64x1xf32>
    %reduce_sum3A_2382 = arith.constant dense<0.000000e+00> : vector<1xf32>
    %reduce_sum3A_2383 = vector.multi_reduction <add>, %reduce_sum3A_2381, %reduce_sum3A_2382 [1, 2] : vector<1x64x1xf32> to vector<1xf32>
    %reduce_sum3A_2384 = vector.shape_cast %reduce_sum3A_2383 : vector<1xf32> to vector<1x1x1xf32>
    %reduce_sum3A_2385 = vector.extract %reduce_sum3A_2384[0, 0, 0] : f32 from vector<1x1x1xf32>
    %mul3A_2386 = arith.constant 5.000000e-01 : f32
    %mul3A_2387 = arith.mulf %mul3A_2386, %reduce_sum3A_2385 : f32
    %reduce_sum3A_2388 = vector.shape_cast %slice3A_2363 : vector<64x1xf32> to vector<1x64x1xf32>
    %reduce_sum3A_2389 = arith.constant dense<0.000000e+00> : vector<1xf32>
    %reduce_sum3A_2390 = vector.multi_reduction <add>, %reduce_sum3A_2388, %reduce_sum3A_2389 [1, 2] : vector<1x64x1xf32> to vector<1xf32>
    %reduce_sum3A_2391 = vector.shape_cast %reduce_sum3A_2390 : vector<1xf32> to vector<1x1x1xf32>
    %reduce_sum3A_2392 = vector.extract %reduce_sum3A_2391[0, 0, 0] : f32 from vector<1x1x1xf32>
    %add3A_2393 = arith.constant 9.99999993E-9 : f32
    %add3A_2394 = arith.addf %reduce_sum3A_2392, %add3A_2393 : f32
    %div3A_2395 = arith.divf %mul3A_2387, %add3A_2394 : f32
    %add3A_2396 = arith.addf %div3A_2379, %div3A_2395 : f32
    %add3A_2397 = arith.addf %add3A_2360, %add3A_2396 : f32
    %get3A_2398 = arith.constant 0 : index
    %get3A_2399 = arith.constant 0 : index
    %get3A_2400 = vector.load %arg0[%get3A_2398, %get3A_2399] : memref<1x1xf32, #tpu.memory_space<vmem>>, vector<1x1xf32>
    %get3A_2401 = vector.extract %get3A_2400[0, 0] : f32 from vector<1x1xf32>
    %get3A_2402 = arith.constant 0 : index
    %get3A_2403 = arith.constant 0 : index
    %get3A_2404 = vector.load %arg2[%get3A_2402, %get3A_2403] : memref<512x1xf32, #tpu.memory_space<vmem>>, vector<512x1xf32>
    %reduce_sum3A_2405 = vector.shape_cast %get3A_2404 : vector<512x1xf32> to vector<1x512x1xf32>
    %reduce_sum3A_2406 = arith.constant dense<0.000000e+00> : vector<1xf32>
    %reduce_sum3A_2407 = vector.multi_reduction <add>, %reduce_sum3A_2405, %reduce_sum3A_2406 [1, 2] : vector<1x512x1xf32> to vector<1xf32>
    %reduce_sum3A_2408 = vector.shape_cast %reduce_sum3A_2407 : vector<1xf32> to vector<1x1x1xf32>
    %reduce_sum3A_2409 = vector.extract %reduce_sum3A_2408[0, 0, 0] : f32 from vector<1x1x1xf32>
    %add3A_2410 = arith.addf %get3A_2401, %reduce_sum3A_2409 : f32
    %get3A_2411 = arith.constant 0 : index
    %get3A_2412 = arith.constant 0 : index
    %get3A_2413 = vector.load %arg1[%get3A_2411, %get3A_2412] : memref<1x1xf32, #tpu.memory_space<vmem>>, vector<1x1xf32>
    %get3A_2414 = vector.extract %get3A_2413[0, 0] : f32 from vector<1x1xf32>
    %add3A_2415 = arith.addf %get3A_2414, %add3A_2397 : f32
    %div3A_2416 = arith.constant 2.560000e+02 : f32
    %div3A_2417 = arith.divf %add3A_2410, %div3A_2416 : f32
    %reshape3A = vector.broadcast %div3A_2417 : f32 to vector<1x1xf32>
    %swap3A = arith.constant 0 : index
    %swap3A_2418 = arith.constant 0 : index
    %swap3A_2419 = vector.load %arg5[%swap3A, %swap3A_2418] : memref<1x1xf32, #tpu.memory_space<vmem>>, vector<1x1xf32>
    tpu.vector_store %arg5[%swap3A, %swap3A_2418], %reshape3A {strides = array<i32>} : memref<1x1xf32, #tpu.memory_space<vmem>>, vector<1x1xf32>,
    %div3A_2420 = arith.constant 2.560000e+02 : f32
    %div3A_2421 = arith.divf %add3A_2415, %div3A_2420 : f32
    %reshape3A_2422 = vector.broadcast %div3A_2421 : f32 to vector<1x1xf32>
    %swap3A_2423 = arith.constant 0 : index
    %swap3A_2424 = arith.constant 0 : index
    %swap3A_2425 = vector.load %arg6[%swap3A_2423, %swap3A_2424] : memref<1x1xf32, #tpu.memory_space<vmem>>, vector<1x1xf32>
    tpu.vector_store %arg6[%swap3A_2423, %swap3A_2424], %reshape3A_2422 {strides = array<i32>} : memref<1x1xf32, #tpu.memory_space<vmem>>, vector<1x1xf32>,
    return
  }
}

</mosaic_0001>

<sc_bundles>
// kernel: kernel.5.cloned.1.call-start
scs
__scs_entry_jumppad:
0x0: {  	(pc) =	sbr.rel $0x88, $3  }
0x1: {  	(tag) =	ssettag $0x0;
	lr =	simm.s32 $0x1  }
0x2: {  	[smem:$0x3F9F] =	sst lr;
	_ =	strace $0xD0000000  }
0x3: {  	_ = 	snop  }
0x4: {  	_ = 	snop  }
0x5: {  	_ = 	snop  }
0x6: {  	_ = 	snop  }
0x7: {  	_ = 	snop  }
__scs_overlays_trampoline_lowered:
0x8: {  	[smem:$0x3FAE] =	sst s0  }
0x9: {  	[smem:$0x3FAF] =	sst s1  }
0xa: {  	[smem:$0x3FB0] =	sst s2  }
0xb: {  	[smem:$0x3FB1] =	sst s3  }
0xc: {  	[smem:$0x3FB2] =	sst s4  }
0xd: {  	[smem:$0x3FB3] =	sst s5  }
0xe: {  	[smem:$0x3FB4] =	sst s6  }
0xf: {  	[smem:$0x3FB5] =	sst s7  }
0x10: {  	[smem:$0x3FB6] =	sst s8  }
0x11: {  	[smem:$0x3FB7] =	sst s9;
	s0 =	simm.s32 @!p0 $0x0  }
0x12: {  	s1 =	sld [smem:$0x3F9D];
	s0 =	simm.s32 @p0 $0x1  }
0x13: {  	[smem:$0x3FB8] =	sst s0;
	s0 =	simm.s32 @!p1 $0x0  }
0x14: {  	s2 =	sld [smem:$0x3F9C];
	s0 =	simm.s32 @p1 $0x1  }
0x15: {  	[smem:$0x3FB9] =	sst s0;
	s0 =	simm.s32 @!p2 $0x0  }
0x16: {  	s3 =	sld [smem:$0x3FDB];
	s0 =	simm.s32 @p2 $0x1  }
0x17: {  	s4 =	simm.s32 $0x1BF5;
	[smem:$0x3FBB] =	sst s0  }
0x18: {  	s0 =	sld [smem:$0x3F9E];
	_ =	swait.ge [sflag:s4], $0x0  }
0x19: {  	s7 =	sld [smem:$0x3F9F]  }
0x1a: {  	s8 =	sadd.s32 $0xFFFFE003, lr  }
0x1b: {  	s9 =	sadd.s32 $0xFFFFFEF7, lr;
	s5 =	simm.s32 $0xFFFFFFFF;
	p2 =	slt.u32 s8, $0xFFFFF086  }
0x1c: {  	p1 =	slt.u32 s9, $0xF7A;
	s5 =	simm.s32 @!p2 $0x0  }
0x1d: {  	s5 =	simm.s32 @p1 $0x1;
	p0 =	seq.s32 s7, s2  }
0x1e: {  	s7 =	smul.u32 @!p0 $0xF7A, s2;
	p2 =	seq.s32 @!p0 s5, $0x0  }
0x1f: {  	s9 =	smul.u32 $0xF7A, s1;
	s8 =	simm.s32 @!p0 $0x1BF5;
	p2 =	por !p2, p0  }
0x20: {  	[sflag:s8] =	ssyncset.s32 @!p0 $0xFFFFF086;
	s6 =	sadd.s32 @!p0 s3, s7;
	s7 =	simm.s32 @!p0 $0x108  }
0x21: {  	s3 =	sadd.s32 s3, s9;
	s6 =	sadd.s32 @!p0 $0x88, s6;
	s7 =	simm.s32 @p2 $0x1082  }
0x22: {  	[simem:s7], [sflag:s8] =	dma.local @!p0 [hbm:s6], $0xF7A  }
0x23: {  	s9 =	sor.u32 $0xD0000000, s2;
	s6 =	simm.s32 $0x108;
	_ =	swait.ge @!p0 [sflag:s8], $0x0  }
0x24: {  	s3 =	sadd.s32 $0x88, s3;
	s6 =	simm.s32 @!p1 $0x1082;
	[sflag:s4] =	ssyncset.s32 $0xFFFFF086  }
0x25: {  	[simem:s6], [sflag:s4] =	dma.local [hbm:s3], $0xF7A  }
0x26: {  	[smem:$0x3F9F] =	sst s1;
	(tag) =	ssettag s2;
	_ =	strace s9  }
0x27: {  	s1 =	sld [smem:$0x3FAF]  }
0x28: {  	s2 =	sld [smem:$0x3FB0]  }
0x29: {  	s4 =	sld [smem:$0x3FB2]  }
0x2a: {  	p0 =	seq.s32 s5, $0x0;
	s5 =	sld [smem:$0x3FB3]  }
0x2b: {  	s6 =	sld [smem:$0x3FB4]  }
0x2c: {  	s7 =	sld [smem:$0x3FB5]  }
0x2d: {  	s3 =	simm.s32 $0x108;
	s8 =	sld [smem:$0x3FB6]  }
0x2e: {  	s3 =	simm.s32 @!p0 $0x1082;
	s9 =	sld [smem:$0x3FB7]  }
0x2f: {  	lr =	sadd.s32 s0, s3;
	s0 =	sld [smem:$0x3FAE]  }
0x30: {  	s3 =	sld [smem:$0x3FB1]  }
0x31: {  	[smem:$0x3FBA] =	sst s10  }
0x32: {  	s10 =	sld [smem:$0x3FB8];
	_ =	sdelay $0x3  }
0x33: {  	p0 =	seq.s32 s10, $0x1;
	s10 =	sld [smem:$0x3FBA];
	_ =	sdelay $0x3  }
0x34: {  	[smem:$0x3FBA] =	sst s10  }
0x35: {  	s10 =	sld [smem:$0x3FB9];
	_ =	sdelay $0x3  }
0x36: {  	p1 =	seq.s32 s10, $0x1;
	s10 =	sld [smem:$0x3FBA];
	_ =	sdelay $0x3  }
0x37: {  	[smem:$0x3FBA] =	sst s10  }
0x38: {  	s10 =	sld [smem:$0x3FBB]  }
0x39: {  	_ = 	snop;
	(pc) =	sbr.ind lr, $3  }
0x3a: {  	_ = 	snop  }
0x3b: {  	_ = 	snop  }
0x3c: {  	p2 =	seq.s32 s10, $0x1;
	s10 =	sld [smem:$0x3FBA]  }
0x3d: {  	_ =	shalt  }
0x3e: {  	_ =	shalt  }
0x3f: {  	_ =	shalt  }
0x40: {  	_ =	shalt  }
0x41: {  	_ =	shalt  }
0x42: {  	_ =	shalt  }
0x43: {  	_ =	shalt  }
0x44: {  	_ =	shalt  }
0x45: {  	_ =	shalt  }
0x46: {  	_ =	shalt  }
0x47: {  	_ =	shalt  }
0x48: {  	_ =	shalt  }
0x49: {  	_ =	shalt  }
0x4a: {  	_ =	shalt  }
0x4b: {  	_ =	shalt  }
0x4c: {  	_ =	shalt  }
0x4d: {  	_ =	shalt  }
0x4e: {  	_ =	shalt  }
0x4f: {  	_ =	shalt  }
0x50: {  	_ =	shalt  }
0x51: {  	_ =	shalt  }
0x52: {  	_ =	shalt  }
0x53: {  	_ =	shalt  }
0x54: {  	_ =	shalt  }
0x55: {  	_ =	shalt  }
0x56: {  	_ =	shalt  }
0x57: {  	_ =	shalt  }
0x58: {  	_ =	shalt  }
0x59: {  	_ =	shalt  }
0x5a: {  	_ =	shalt  }
0x5b: {  	_ =	shalt  }
0x5c: {  	_ =	shalt  }
0x5d: {  	_ =	shalt  }
0x5e: {  	_ =	shalt  }
0x5f: {  	_ =	shalt  }
0x60: {  	_ =	shalt  }
0x61: {  	_ =	shalt  }
0x62: {  	_ =	shalt  }
0x63: {  	_ =	shalt  }
0x64: {  	_ =	shalt  }
0x65: {  	_ =	shalt  }
0x66: {  	_ =	shalt  }
0x67: {  	_ =	shalt  }
0x68: {  	_ =	shalt  }
0x69: {  	_ =	shalt  }
0x6a: {  	_ =	shalt  }
0x6b: {  	_ =	shalt  }
0x6c: {  	_ =	shalt  }
0x6d: {  	_ =	shalt  }
0x6e: {  	_ =	shalt  }
0x6f: {  	_ =	shalt  }
0x70: {  	_ =	shalt  }
0x71: {  	_ =	shalt  }
0x72: {  	_ =	shalt  }
0x73: {  	_ =	shalt  }
0x74: {  	_ =	shalt  }
0x75: {  	_ =	shalt  }
0x76: {  	_ =	shalt  }
0x77: {  	_ =	shalt  }
0x78: {  	_ =	shalt  }
0x79: {  	_ =	shalt  }
0x7a: {  	_ =	shalt  }
0x7b: {  	_ =	shalt  }
0x7c: {  	_ =	shalt  }
0x7d: {  	_ =	shalt  }
0x7e: {  	_ =	shalt  }
0x7f: {  	_ =	shalt  }
0x80: {  	_ =	shalt  }
0x81: {  	_ =	shalt  }
0x82: {  	_ =	shalt  }
0x83: {  	_ =	shalt  }
0x84: {  	_ =	shalt  }
0x85: {  	_ =	shalt  }
0x86: {  	_ =	shalt  }
0x87: {  	_ =	shalt  }
.Lfunc_end0:
.L_simem_size_0:
called_computation_lowered:
.L_overlay_start_0:
0x88: {  	s2 =	sld [smem:$0x3FD9]  }
0x89: {  	s3 =	sld [smem:$0x3FFE];
	_ =	sdelay $0x1  }
0x8a: {  	s1 =	srdreg.scid  }
0x8b: {  	s0 =	sand.u32 $0x1, s1  }
0x8c: {  	s16 =	sshll.u32 s0, $0xA;
	s2 =	sadd.s32 s3, s2  }
0x8d: {  	s2 =	sadd.s32 s2, s16  }
0x8e: {  	[smem:$0x3FC6] =	sst s2  }
0x8f: {  	_ = 	snop  }
0x90: {  	(tm) =	ssettm $0x1  }
0x91: {  	s17 =	sld [smem:$0x3FFB];
	_ =	sdelay $0x3  }
0x92: {  	_ =	strace s17  }
0x93: {  	s2 =	sld [smem:$0x3FFC];
	_ =	sdelay $0x3  }
0x94: {  	_ =	strace s2  }
0x95: {  	s2 =	sld [smem:$0x3FFD];
	_ =	sdelay $0x3  }
0x96: {  	_ =	strace s2  }
0x97: {  	_ =	strace $0x8FFFFFFF  }
0x98: {  	s18 =	sld [smem:$0x3FDB];
	_ =	sdelay $0x1  }
0x99: {  	s19 =	simm.s32 $_scs_section_size  }
0x9a: {  	s4 =	simm.s32 $_size__tile_overlayer_lowered;
	s5 =	simm.s32 $_tile_overlayer_lowered  }
0x9b: {  	s22 =	simm.s32 $0x1BFF;
	s21 =	sshll.u32 s5, $0x1;
	s2 =	sadd.s32 s19, s18  }
0x9c: {  	s6 =	simm.s32 $0x0;
	s20 =	sshll.u32 s4, $0x1;
	s4 =	sadd.s32 s21, s2  }
0x9d: {  	[timem:s6], [sflag:s22] =	dma.local [hbm:s4], s20  }
0x9e: {  	_ =	swait.ge [sflag:s22], s20  }
0x9f: {  	s3 =	ssub.s32 $0x0, s20;
	[sflag:s22] =	ssyncset.done $0x0  }
0xa0: {  	[sflag:s22] =	ssyncadd.s32 s3;
	_ =	sdelay $0x1  }
0xa1: {  	s23 =	simm.s32 $0x1B8B  }
0xa2: {  	_ =	swait.ge [sflag:s23], $0x1  }
0xa3: {  	[sflag:s23] =	ssyncset.done $0x0  }
0xa4: {  	s25 =	simm.s32 $0x1B8E;
	s24 =	sld [smem:$0x3FFE];
	[sflag:s23] =	ssyncadd.s32 $0xFFFFFFFF  }
0xa5: {  	s26 =	simm.s32 $execute0_lowered;
	[smem:$0x3FD2] =	sst s25  }
0xa6: {  	s4 =	sshll.u32 s26, $0x1;
	_ =	strace $0x80000046;
	[dreg:$0x1] =	wrdreg $0xFFFFFFFF  }
0xa7: {  	s28 =	simm.s32 $_size_execute0_lowered;
	s2 =	sadd.s32 s2, s4;
	[dreg:$0x0] =	wrdreg $0x0  }
0xa8: {  	s4 =	sshll.u32 s28, $0x1;
	[dreg:$0x2] =	wrdreg s2  }
0xa9: {  	[dreg:$0x3] =	wrdreg s4  }
0xaa: {  	[dreg:$0x4] =	wrdreg $0xC0  }
0xab: {  	_ =	task [dreg:s6], $0x5FFFF  }
0xac: {  	[dreg:$0x1] =	wrdreg $0xFFFFFFFF  }
0xad: {  	[dreg:$0x0] =	wrdreg $0x60  }
0xae: {  	[dreg:$0x2] =	wrdreg s24  }
0xaf: {  	[dreg:$0x3] =	wrdreg $0x9  }
0xb0: {  	_ =	task.clear_ibuf [dreg:s6], $0x4FFFF;
	_ =	strace $0x90000046  }
0xb1: {  	s29 =	simm.s32 $0x9;
	_ =	strace $0x80000048  }
0xb2: {  	_ =	swait.ge [sflag:s29], $0x1  }
0xb3: {  	[sflag:s29] =	ssyncadd.s32 $0xFFFFFFFF  }
0xb4: {  	_ =	strace $0x90000048  }
0xb5: {  	_ =	sfence  }
0xb6: {  	s30 =	sld [smem:$0x0];
	_ =	sdelay $0x2  }
0xb7: {  	s31 =	sshll.u32 s1, $0xD;
	s1 =	sshrl.u32 s1, $0x2  }
0xb8: {  	s3 =	sand.u32 $0x4000, s31;
	s1 =	sadd.s32 s1, s30  }
0xb9: {  	s0 =	sor.u32 s3, s0;
	s1 =	sshll.u32 s1, $0x11  }
0xba: {  	s0 =	sor.u32 s1, s0  }
0xbb: {  	s0 =	sadd.s32 $0x8F2B, s0  }
0xbc: {  	[sflag:s0] =	ssyncadd.remote.s32 $0x1  }
0xbd: {  	_ =	sfence.sel $0xFFFF  }
0xbe: {  	[dreg:$0x0] =	wrdreg $0xFFFFFFFF;
	(pc) =	sbr.abs _section_cstart, $3  }
0xbf: {  	[dreg:$0x1] =	wrdreg $0xFFFFFFFF  }
0xc0: {  	_ =	task.clear_ibuf [dreg:s6], $0x2FFFF;
	_ =	strace $0x9FFFFFFF  }
0xc1: {  	(tm) =	ssettm $0x7FFFFFFF  }
tec
execute0_lowered:
.L_overlay_start_1:
0x0: {  	(tag) =	ssettag $0x1  }
0x1: {  	s0 =	rddreg [dreg:$0x0];
	s1 =	srdreg.scid  }
0x2: {  	s3 =	stileid.u32;
	s2 =	simm.s32 $0x0;
	s11 =	simm.s32 $0xE000  }
0x3: {  	s12 =	simm.s32 $0xE080;
	s14 =	simm.s32 $0x0;
	s1 =	sand.u32 $0x1, s1  }
0x4: {  	s3 =	sshll.u32 s3, $0x1;
	[smem:$0x7FF] =	sst s2;
	s5 =	sadd.s32 $0xE00, s0  }
0x5: {  	s6 =	sadd.s32 $0x1C0E00, s0;
	s3 =	sor.u32 s1, s3;
	_ =	strace $0x80000047  }
0x6: {  	s1 =	ssub.s32 $0x2, s1;
	s4 =	sshll.u32 s3, $0x1;
	s28 =	smul.u32 $0x3800, s3  }
0x7: {  	s8 =	sshllo.u32 s3, $0x1;
	s9 =	sshll.u32 s3, $0x4;
	s29 =	sshrl.u32 s1, $0x1  }
0x8: {  	s7 =	sadd.s32 s4, s0;
	s10 =	smul.u32 $0x1C00, s8;
	s0 =	sadd.s32 s9, s0  }
0x9: {  	s1 =	ssub.s32 s1, s29;
	s31 =	sadd.s32 s6, s9;
	s8 =	sshll.u32 s8, $0x3  }
0xa: {  	v0 =	vimm.f32 $0.0e+00;
	s30 =	sadd.s32 s5, s28;
	[dreg:$0x3] =	wrdreg s31;
	s6 =	sadd.s32 s6, s8  }
0xb: {  	vm0 =	vcmask $0x1F00;
	v1 =	vimm.f32 $1.000000000e+00;
	vm1 =	vcmask $0x300;
	s7 =	sadd.s32 $0x1C1800, s7;
	s8 =	sadd.s32 $0x1C1600, s0;
	s9 =	smax.u32 s1, $0x1  }
0xc: {  	v2 =	vimm.s32 $0x0;
	v1 =	vsel vm0, $0x0, v1;
	v3 =	vsel vm1, $0x3F800000, v0;
	[dreg:$0x2] =	wrdreg s30;
	s5 =	sadd.s32 s5, s10;
	s10 =	simm.s32 $0x1  }
.LBB2_1:
0xd: {  	[tilespmem:$0xE080] =	vst v0  }
0xe: {  	[tilespmem:$0xE090] =	vst v0  }
0xf: {  	[tilespmem:$0xE0A0] =	vst v0  }
0x10: {  	[tilespmem:$0xE0B0] =	vst v0  }
0x11: {  	[tilespmem:$0xE0C0] =	vst v0  }
0x12: {  	[tilespmem:$0xE0D0] =	vst v0  }
0x13: {  	[tilespmem:$0xE0E0] =	vst v0  }
0x14: {  	[tilespmem:$0xE0F0] =	vst v0;
	s0 =	rddreg [dreg:$0x2]  }
0x15: {  	[tilespmem:s2], [sflag:$0x1] =	stream.linear.gather [hbm4b:s0+s2], $0xE000, $0x38;
	[tilespmem:$0xE180] =	vst v63  }
0x16: {  	_ =	swait.ge [sflag:s10], $0xE000  }
0x17: {  	[sflag:s10] =	ssyncset.done $0x0  }
0x18: {  	s30 =	rddreg [dreg:$0x3];
	[sflag:s10] =	ssyncadd.s32 $0xFFFF2000  }
0x19: {  	[tilespmem:s11], [sflag:$0x1] =	stream.linear.gather [hbm4b:s30+s2], $0x40, $0x38;
	[tilespmem:$0xE180] =	vst v63  }
0x1a: {  	_ =	swait.ge [sflag:s10], $0x40  }
0x1b: {  	[sflag:s10] =	ssyncset.done $0x0  }
0x1c: {  	[sflag:s10] =	ssyncadd.s32 $0xFFFFFFC0  }
0x1d: {  	v8 =	vld [tilespmem:$0xE000]  }
0x1e: {  	v9 =	vld [tilespmem:$0xE010]  }
0x1f: {  	v10 =	vld [tilespmem:$0xE020];
	_ =	sdelay $0x2  }
0x20: {  	v11 =	vld [tilespmem:$0xE030];
	vm0 =	vne.s32 v8, $0x3E8  }
0x21: {  	vm1 =	vne.s32 v8, $0x0;
	vm6 =	vne.s32 v9, $0x3E8;
	vm2 =	vne.s32 v9, $0x0  }
0x22: {  	vm8 =	vne.s32 v10, $0x3E8;
	vm0 =	vmand vm0, vm1;
	vm7 =	vmand vm6, vm2  }
0x23: {  	vm9 =	vne.s32 v10, $0x0;
	v7 =	vsel vm0, $0x3F800000, v2;
	v5 =	vsel vm7, $0x3F800000, v2  }
0x24: {  	vm0 =	vmand vm8, vm9;
	v4 =	vadd.f32 v5, v7  }
0x25: {  	vm10 =	vne.s32 v11, $0x3E8;
	vm11 =	vne.s32 v11, $0x0;
	v6 =	vsel vm0, $0x3F800000, v2  }
0x26: {  	vm0 =	vmand vm10, vm11;
	v12 =	vadd.f32 v6, v4  }
0x27: {  	v4 =	vsel vm0, $0x3F800000, v2  }
0x28: {  	v12 =	vadd.f32 v4, v12;
	_ =	sdelay $0x1  }
0x29: {  	(xrf2) =	vadd.scan.msk.f32 $0xffff, v12;
	_ =	sdelay $0x9  }
0x2a: {  	v12, _, _ =	vpop (xrf2)  }
0x2b: {  	(v2sf) =	vpush v12, $0xF;
	_ =	sdelay $0xa  }
0x2c: {  	vm12 =	vgt.s32 v8, $0x0;
	vm13 =	vgt.s32 v9, $0x0  }
0x2d: {  	vm14 =	vgt.s32 v10, $0x0;
	vm15 =	vgt.s32 v11, $0x0;
	v8 =	vnsel vm12, $0x0, v8  }
0x2e: {  	v9 =	vnsel vm13, $0x0, v9;
	v10 =	vnsel vm14, $0x0, v10;
	v11 =	vnsel vm15, $0x0, v11  }
0x2f: {  	v8 =	vmin.u32 v8, $0x3E7;
	v9 =	vmin.u32 v9, $0x3E7;
	v10 =	vmin.u32 v10, $0x3E7  }
0x30: {  	v11 =	vmin.u32 v11, $0x3E7;
	v13 =	vshll.u32 v9, $0x3;
	v9 =	vand.u32 $0x7F, v9;
	s15 =	spop (v2sf)  }
0x31: {  	v13 =	vand.u32 $0x1C00, v13;
	v12 =	vand.u32 $0x7F, v8;
	v8 =	vshll.u32 v8, $0x3;
	p0 =	sgt.f32 s15, $0.0e+00  }
0x32: {  	s19 =	simm.f32 $1.000000000e+00;
	v13 =	vor.u32 v13, v9;
	v9 =	vshll.u32 v10, $0x3;
	v8 =	vand.u32 $0x1C00, v8;
	p1 =	slt.f32 s15, $5.000000000e+01  }
0x33: {  	s20 =	simm.f32 $0.0e+00;
	v12 =	vor.u32 v8, v12;
	v8 =	vand.u32 $0x7F, v10;
	v10 =	vshll.u32 v11, $0x3;
	s19 =	simm.s32 @!p0 $0x0  }
0x34: {  	v9 =	vand.u32 $0x1C00, v9;
	v11 =	vand.u32 $0x7F, v11;
	v10 =	vand.u32 $0x1C00, v10;
	s20 =	simm.s32 @!p1 $0x3F800000;
	s31 =	ssub.f32 $1.000000000e+00, s19  }
0x35: {  	s18 =	simm.f32 $0.0e+00;
	s16 =	simm.f32 $3.000000010e+38;
	v14 =	vor.u32 v9, v8;
	v8 =	vimm.f32 $3.000000010e+38;
	v9 =	vimm.f32 $3.000000010e+38;
	s21 =	smul.f32 $3.000000010e+38, s20  }
0x36: {  	s17 =	simm.f32 $0.0e+00;
	s23 =	simm.s32 $0x0;
	v15 =	vor.u32 v10, v11;
	v10 =	vimm.f32 $3.000000010e+38;
	v11 =	vimm.f32 $3.000000010e+38;
	s22 =	smul.f32 $3.000000010e+38, s31  }
.LBB2_2:
0x37: {  	s25 =	sshll.u32 s23, $0xA;
	s26 =	sshll.u32 s23, $0x7  }
0x38: {  	s3 =	simm.s32 $0x0;
	s0 =	sand.u32 $0xE000, s25;
	s1 =	sand.u32 $0x380, s26  }
0x39: {  	s4 =	sand.u32 $0x1C00, s3;
	s24 =	sor.u32 s1, s0  }
0x3a: {  	s0 =	sand.u32 $0x70, s3;
	s1 =	sadd.s32 s4, s24  }
0x3b: {  	s0 =	sadd.s32 s0, s1  }
0x3c: {  	s28 =	simm.s32 $0x80;
	v16 =	vld [tilespmem:s0+$0x0]  }
0x3d: {  	s13 =	simm.s32 $0x10;
	s28 =	sand.u32 $0x1C00, s28  }
0x3e: {  	s13 =	sand.u32 $0x70, s13;
	s28 =	sadd.s32 s28, s24  }
0x3f: {  	s29 =	sadd.s32 s13, s28  }
0x40: {  	v17 =	vld [tilespmem:s29+$0x0]  }
0x41: {  	v16 =	vmul.f32 $1.442695020e+00, v16;
	_ =	sdelay $0x1  }
0x42: {  	(erf) = vpow2.f32 v16  }
0x43: {  	s30 =	simm.s32 $0x100  }
0x44: {  	s31 =	simm.s32 $0x20;
	s0 =	sand.u32 $0x1C00, s30;
	v19 =	vmul.f32 $1.442695020e+00, v17  }
0x45: {  	s1 =	sand.u32 $0x70, s31;
	s0 =	sadd.s32 s0, s24  }
0x46: {  	s1 =	sadd.s32 s1, s0;
	(erf) = vpow2.f32 v19  }
0x47: {  	v18 =	vld [tilespmem:s1+$0x0]  }
0x48: {  	s0 =	simm.s32 $0x30;
	s1 =	simm.s32 $0x180;
	v17 =	vimm.f32 $0.0e+00;
	v16 =	vimm.f32 $0.0e+00  }
.LBB2_3:
0x49: {  	s13 =	sand.u32 $0x1C00, s1  }
0x4a: {  	p0 =	sne.s32 s0, $0x3D0;
	s28 =	smov.u32 s0;
	s0 =	sadd.s32 $0x10, s0  }
.Ltmp0:
0x4b: {  	s28 =	sand.u32 $0x70, s28;
	s13 =	sadd.s32 s13, s24;
	v19 =	vpop (erf);
	(pc) =	sbr.rel @p0 .LBB2_3-.Ltmp0, $4  }
0x4c: {  	s13 =	sadd.s32 s28, s13;
	v20 =	vmul.f32 $1.442695020e+00, v18;
	v17 =	vadd.f32 v19, v17;
	v19 =	vmul.f32 v19, v19  }
0x4d: {  	v18 =	vld [tilespmem:s13+$0x0]  }
0x4e: {  	(erf) = vpow2.f32 v20;
	v16 =	vadd.f32 v19, v16  }
0x4f: {  	s1 =	sadd.s32 $0x80, s1  }
0x50: {  	s0 =	sor.u32 s25, s26  }
0x51: {  	s0 =	sor.u32 $0x1C58, s0  }
0x52: {  	v19 =	vld [tilespmem:s0+$0x0];
	_ =	sdelay $0x3  }
0x53: {  	v18 =	vmul.f32 $1.442695020e+00, v18  }
0x54: {  	v19 =	vmul.f32 $1.442695020e+00, v19  }
0x55: {  	(erf) = vpow2.f32 v18  }
0x56: {  	(erf) = vpow2.f32 v19;
	_ =	sdelay $0x4  }
0x57: {  	v39 =	vpop (erf)  }
0x58: {  	v40 =	vld [tilespmem:s24+$0x0];
	v17 =	vadd.f32 v39, v17  }
0x59: {  	v20 =	vpop (erf)  }
0x5a: {  	v17 =	vadd.f32 v20, v17;
	v21 =	vpop (erf)  }
0x5b: {  	v22 =	vpop (erf)  }
0x5c: {  	v17 =	vadd.f32 v21, v17;
	v22 =	vmul.f32 v1, v22  }
0x5d: {  	v19 =	vmul.f32 $1.442695020e+00, v40  }
0x5e: {  	v18 =	vmul.f32 v39, v39;
	v17 =	vadd.f32 v22, v17  }
0x5f: {  	(erf) = vpow2.f32 v19  }
0x60: {  	v16 =	vadd.f32 v18, v16;
	(xrf2) =	vadd.scan.msk.f32 $0xffff, v17;
	v17 =	vmul.f32 v20, v20;
	_ =	sdelay $0x1  }
0x61: {  	v16 =	vadd.f32 v17, v16;
	v17 =	vmul.f32 v21, v21;
	_ =	sdelay $0x1  }
0x62: {  	v16 =	vadd.f32 v17, v16;
	v17 =	vmul.f32 v22, v22;
	_ =	sdelay $0x3  }
0x63: {  	v16 =	vadd.f32 v17, v16;
	v17 =	vpop (erf)  }
0x64: {  	v17 =	vmul.f32 v3, v17  }
0x65: {  	v41, _, _ =	vpop (xrf2);
	(xrf2) =	vadd.scan.msk.f32 $0xffff, v16  }
0x66: {  	(xrf2) =	vadd.scan.msk.f32 $0xffff, v17;
	v16 =	vbroadcast v41, $0xF;
	_ =	sdelay $0x1  }
0x67: {  	(erf) = vrcp.f32 v16;
	_ =	sdelay $0x6  }
0x68: {  	v16, _, _ =	vpop (xrf2)  }
0x69: {  	(v2sf) =	vpush v16, $0xF;
	v16, _, _ =	vpop (xrf2)  }
0x6a: {  	(v2sf) =	vpush v16, $0xF;
	v16 =	vpop (erf)  }
0x6b: {  	(v2sf) =	vpush v16, $0x0;
	_ =	sdelay $0xa  }
0x6c: {  	v17 =	vmov s23  }
0x6d: {  	v42 =	vshll.u32 v17, $0xA  }
0x6e: {  	v43 =	vshll.u32 v17, $0x7;
	v18 =	vand.u32 $0xE000, v42;
	s24 =	spop (v2sf)  }
0x6f: {  	v19 =	vand.u32 $0x380, v43;
	v44 =	vor.u32 v12, v18;
	s29 =	spop (v2sf)  }
0x70: {  	v45 =	vor.u32 v13, v18;
	v20 =	vor.u32 v19, v44;
	s30 =	spop (v2sf)  }
0x71: {  	v46 =	vor.u32 v14, v18;
	v21 =	vor.u32 v19, v45;
	s1 =	smul.f32 s30, s29  }
0x72: {  	v18 =	vor.u32 v15, v18;
	v22 =	vor.u32 v19, v46  }
0x73: {  	v18 =	vor.u32 v19, v18;
	v23 =	vmov s1  }
0x74: {  	[tilespmem:v17+s12+$0x0] =	vst.idx.msk $0x1, v23  }
0x75: {  	v47 =	vld.idx.msk [tilespmem:v20+s2+$0x0], $0xffff  }
0x76: {  	v48 =	vld.idx.msk [tilespmem:v21+s2+$0x0], $0xffff  }
0x77: {  	v49 =	vld.idx.msk [tilespmem:v22+s2+$0x0], $0xffff  }
0x78: {  	v18 =	vld.idx.msk [tilespmem:v18+s2+$0x0], $0xffff;
	_ =	sdelay $0x1  }
0x79: {  	v19 =	vmul.f32 $1.442695020e+00, v47  }
0x7a: {  	v20 =	vmul.f32 $1.442695020e+00, v48  }
0x7b: {  	v50 =	vmul.f32 $1.442695020e+00, v49;
	(erf) = vpow2.f32 v19  }
0x7c: {  	v18 =	vmul.f32 $1.442695020e+00, v18;
	(erf) = vpow2.f32 v20  }
0x7d: {  	(erf) = vpow2.f32 v50  }
0x7e: {  	(erf) = vpow2.f32 v18;
	_ =	sdelay $0x5  }
0x7f: {  	v51 =	vpop (erf)  }
0x80: {  	v52 =	vpop (erf);
	v53 =	vmul.f32 v7, v51  }
0x81: {  	v54 =	vpop (erf);
	v55 =	vmul.f32 v5, v52  }
0x82: {  	v56 =	vpop (erf);
	(xrf0) =	vmax.scan.msk.f32 $0xffff, v53;
	v57 =	vmul.f32 v6, v54  }
0x83: {  	v17 =	vld.idx.msk [tilespmem:v17+s11+$0x0], $0xffff;
	(xrf0) =	vmax.scan.msk.f32 $0xffff, v55;
	v58 =	vmul.f32 v4, v56  }
0x84: {  	(xrf0) =	vmax.scan.msk.f32 $0xffff, v57  }
0x85: {  	(xrf0) =	vmax.scan.msk.f32 $0xffff, v58;
	_ =	sdelay $0x2  }
0x86: {  	(v2sf) =	vpush v17, $0x0;
	v59, _, _ =	vpop (xrf0)  }
0x87: {  	v17, _, _ =	vpop (xrf0);
	(v2sf) =	vpush v59, $0xF  }
0x88: {  	v60, _, _ =	vpop (xrf0);
	(v2sf) =	vpush v17, $0xF  }
0x89: {  	(v2sf) =	vpush v60, $0xF;
	v17, _, _ =	vpop (xrf0)  }
0x8a: {  	(v2sf) =	vpush v17, $0xF;
	_ =	sdelay $0xa  }
0x8b: {  	s31 =	spop (v2sf)  }
0x8c: {  	s13 =	spop (v2sf)  }
0x8d: {  	s3 =	spop (v2sf);
	s13 =	smax.f32 s13, $0.0e+00  }
0x8e: {  	s13 =	smax.f32 s13, s3;
	s4 =	spop (v2sf)  }
0x8f: {  	s13 =	smax.f32 s13, s4;
	s28 =	spop (v2sf)  }
0x90: {  	s13 =	smax.f32 s13, s28  }
0x91: {  	s13 =	sadd.f32 s13, s13;
	_ =	sdelay $0x1  }
0x92: {  	s13 =	smul.f32 s13, s30  }
0x93: {  	s0 =	smul.f32 s29, s29  }
0x94: {  	s13 =	ssub.f32 $1.000000000e+00, s13  }
0x95: {  	s0 =	ssub.f32 s24, s0  }
0x96: {  	s24 =	simm.f32 $1.000000000e+00;
	p0 =	sne.s32 s31, $0x0;
	s13 =	smul.f32 s13, s19  }
0x97: {  	v16 =	vbroadcast v16, $0x0;
	s0 =	smul.f32 s30, s0;
	v61 =	vadd.f32 v52, v52;
	p1 =	sne.s32 s31, $0x3E8;
	s24 =	simm.s32 @!p0 $0x0;
	v17 =	vadd.f32 v51, v51  }
0x98: {  	v62 =	vadd.f32 v54, v54;
	v63 =	vadd.f32 v56, v56;
	s24 =	simm.s32 @!p1 $0x0;
	s13 =	sadd.f32 s13, s22  }
0x99: {  	s0 =	smul.f32 s0, s30;
	v18 =	vmul.f32 v16, v61;
	v17 =	vmul.f32 v16, v17;
	s30 =	ssub.f32 $1.000000000e+00, s24  }
0x9a: {  	v19 =	vmul.f32 v16, v62;
	v16 =	vmul.f32 v63, v16;
	s29 =	smin.f32 s21, s13  }
0x9b: {  	v18 =	vsub.f32 s0, v18;
	v17 =	vsub.f32 s0, v17;
	s31 =	smul.f32 $3.000000010e+38, s30;
	s1 =	sadd.f32 s29, s0  }
0x9c: {  	s23 =	sadd.s32 $0x1, s23;
	v19 =	vsub.f32 s0, v19;
	v16 =	vsub.f32 s0, v16;
	s0 =	smul.f32 s0, s24  }
0x9d: {  	p0 =	sne.s32 s23, $0x32;
	v18 =	vmul.f32 s24, v18;
	v17 =	vmul.f32 s24, v17;
	s1 =	smul.f32 s1, s24  }
.Ltmp1:
0x9e: {  	v19 =	vmul.f32 s24, v19;
	v16 =	vmul.f32 s24, v16;
	(pc) =	sbr.rel @p0 .LBB2_2-.Ltmp1, $4  }
0x9f: {  	v17 =	vadd.f32 s31, v17;
	v18 =	vadd.f32 s31, v18;
	s0 =	sadd.f32 s0, s31  }
0xa0: {  	v19 =	vadd.f32 s31, v19;
	v16 =	vadd.f32 s31, v16;
	s13 =	smul.f32 s30, s20;
	s1 =	sadd.f32 s1, s17  }
0xa1: {  	s18 =	sadd.f32 s24, s18;
	v11 =	vmin.f32 v11, v17  }
0xa2: {  	v10 =	vmin.f32 v10, v18;
	v9 =	vmin.f32 v9, v19;
	v8 =	vmin.f32 v8, v16;
	s16 =	smin.f32 s16, s0;
	s17 =	sadd.f32 s1, s13  }
0xa3: {  	s22 =	simm.s32 $0x0  }
0xa4: {  	[tilespmem:s22], [sflag:$0x1] =	stream.linear.gather [hbm4b:s5+s22], $0xE000, $0x38;
	[tilespmem:$0xE180] =	vst v63  }
0xa5: {  	_ =	swait.ge [sflag:s10], $0xE000  }
0xa6: {  	[sflag:s10] =	ssyncset.done $0x0  }
0xa7: {  	[sflag:s10] =	ssyncadd.s32 $0xFFFF2000  }
0xa8: {  	[tilespmem:s11], [sflag:$0x1] =	stream.linear.gather [hbm4b:s6+s22], $0x40, $0x38;
	[tilespmem:$0xE180] =	vst v63  }
0xa9: {  	_ =	swait.ge [sflag:s10], $0x40  }
0xaa: {  	[sflag:s10] =	ssyncset.done $0x0  }
0xab: {  	[sflag:s10] =	ssyncadd.s32 $0xFFFFFFC0  }
0xac: {  	v16 =	vld [tilespmem:$0xE000]  }
0xad: {  	v17 =	vld [tilespmem:$0xE010]  }
0xae: {  	v18 =	vld [tilespmem:$0xE020];
	_ =	sdelay $0x2  }
0xaf: {  	v19 =	vld [tilespmem:$0xE030];
	vm0 =	vne.s32 v16, $0x3E8  }
0xb0: {  	vm1 =	vne.s32 v16, $0x0;
	vm6 =	vne.s32 v17, $0x3E8;
	vm2 =	vne.s32 v17, $0x0  }
0xb1: {  	vm8 =	vne.s32 v18, $0x3E8;
	vm0 =	vmand vm0, vm1;
	vm7 =	vmand vm6, vm2  }
0xb2: {  	vm9 =	vne.s32 v18, $0x0;
	v15 =	vsel vm0, $0x3F800000, v2;
	v12 =	vsel vm7, $0x3F800000, v2  }
0xb3: {  	vm0 =	vmand vm8, vm9;
	v13 =	vadd.f32 v12, v15  }
0xb4: {  	vm10 =	vne.s32 v19, $0x3E8;
	vm11 =	vne.s32 v19, $0x0;
	v14 =	vsel vm0, $0x3F800000, v2  }
0xb5: {  	vm0 =	vmand vm10, vm11;
	v20 =	vadd.f32 v14, v13  }
0xb6: {  	v13 =	vsel vm0, $0x3F800000, v2  }
0xb7: {  	v20 =	vadd.f32 v13, v20;
	_ =	sdelay $0x1  }
0xb8: {  	(xrf2) =	vadd.scan.msk.f32 $0xffff, v20;
	_ =	sdelay $0x9  }
0xb9: {  	v20, _, _ =	vpop (xrf2)  }
0xba: {  	(v2sf) =	vpush v20, $0xF;
	_ =	sdelay $0xa  }
0xbb: {  	vm12 =	vgt.s32 v16, $0x0;
	vm13 =	vgt.s32 v17, $0x0  }
0xbc: {  	vm14 =	vgt.s32 v18, $0x0;
	vm15 =	vgt.s32 v19, $0x0;
	v16 =	vnsel vm12, $0x0, v16  }
0xbd: {  	v17 =	vnsel vm13, $0x0, v17;
	v18 =	vnsel vm14, $0x0, v18;
	v19 =	vnsel vm15, $0x0, v19  }
0xbe: {  	v16 =	vmin.u32 v16, $0x3E7;
	v17 =	vmin.u32 v17, $0x3E7;
	v18 =	vmin.u32 v18, $0x3E7  }
0xbf: {  	v19 =	vmin.u32 v19, $0x3E7;
	v21 =	vshll.u32 v17, $0x3;
	v17 =	vand.u32 $0x7F, v17;
	s19 =	spop (v2sf)  }
0xc0: {  	v21 =	vand.u32 $0x1C00, v21;
	v20 =	vand.u32 $0x7F, v16;
	v16 =	vshll.u32 v16, $0x3;
	p0 =	sgt.f32 s19, $0.0e+00  }
0xc1: {  	s23 =	simm.f32 $1.000000000e+00;
	v21 =	vor.u32 v21, v17;
	v17 =	vshll.u32 v18, $0x3;
	v16 =	vand.u32 $0x1C00, v16;
	p1 =	slt.f32 s19, $5.000000000e+01  }
0xc2: {  	s25 =	simm.f32 $0.0e+00;
	v20 =	vor.u32 v16, v20;
	v16 =	vand.u32 $0x7F, v18;
	v18 =	vshll.u32 v19, $0x3;
	s23 =	simm.s32 @!p0 $0x0  }
0xc3: {  	v17 =	vand.u32 $0x1C00, v17;
	v19 =	vand.u32 $0x7F, v19;
	v18 =	vand.u32 $0x1C00, v18;
	s25 =	simm.s32 @!p1 $0x3F800000;
	s0 =	ssub.f32 $1.000000000e+00, s23  }
0xc4: {  	s24 =	simm.f32 $0.0e+00;
	s20 =	simm.f32 $3.000000010e+38;
	v22 =	vor.u32 v17, v16;
	v16 =	vimm.f32 $3.000000010e+38;
	v17 =	vimm.f32 $3.000000010e+38;
	s26 =	smul.f32 $3.000000010e+38, s25  }
0xc5: {  	s21 =	simm.f32 $0.0e+00;
	s29 =	simm.s32 $0x0;
	v23 =	vor.u32 v18, v19;
	v18 =	vimm.f32 $3.000000010e+38;
	v19 =	vimm.f32 $3.000000010e+38;
	s28 =	smul.f32 $3.000000010e+38, s0  }
.LBB2_6:
0xc6: {  	s31 =	sshll.u32 s29, $0xA;
	s0 =	sshll.u32 s29, $0x7  }
0xc7: {  	s1 =	sand.u32 $0xE000, s31;
	s13 =	sand.u32 $0x380, s0  }
0xc8: {  	s30 =	sor.u32 s13, s1;
	s1 =	sand.u32 $0x1C00, s22  }
0xc9: {  	s4 =	sand.u32 $0x70, s22;
	s1 =	sadd.s32 s1, s30  }
0xca: {  	s1 =	sadd.s32 s4, s1  }
0xcb: {  	s3 =	simm.s32 $0x80;
	v24 =	vld [tilespmem:s1+$0x0]  }
0xcc: {  	s3 =	sand.u32 $0x1C00, s3;
	s13 =	simm.s32 $0x10  }
0xcd: {  	s13 =	sand.u32 $0x70, s13;
	s3 =	sadd.s32 s3, s30  }
0xce: {  	s3 =	sadd.s32 s13, s3  }
0xcf: {  	v25 =	vld [tilespmem:s3+$0x0]  }
0xd0: {  	v24 =	vmul.f32 $1.442695020e+00, v24;
	_ =	sdelay $0x1  }
0xd1: {  	(erf) = vpow2.f32 v24  }
0xd2: {  	s4 =	simm.s32 $0x100  }
0xd3: {  	s13 =	simm.s32 $0x20;
	s1 =	sand.u32 $0x1C00, s4;
	v27 =	vmul.f32 $1.442695020e+00, v25  }
0xd4: {  	s3 =	sand.u32 $0x70, s13;
	s1 =	sadd.s32 s1, s30  }
0xd5: {  	s3 =	sadd.s32 s3, s1;
	(erf) = vpow2.f32 v27  }
0xd6: {  	v26 =	vld [tilespmem:s3+$0x0]  }
0xd7: {  	s13 =	simm.s32 $0x180;
	s1 =	simm.s32 $0x30;
	v25 =	vimm.f32 $0.0e+00;
	v24 =	vimm.f32 $0.0e+00  }
.LBB2_7:
0xd8: {  	s3 =	sand.u32 $0x1C00, s13  }
0xd9: {  	p0 =	sne.s32 s1, $0x3D0;
	s4 =	smov.u32 s1;
	s1 =	sadd.s32 $0x10, s1  }
.Ltmp2:
0xda: {  	s4 =	sand.u32 $0x70, s4;
	s3 =	sadd.s32 s3, s30;
	v27 =	vpop (erf);
	(pc) =	sbr.rel @p0 .LBB2_7-.Ltmp2, $4  }
0xdb: {  	s3 =	sadd.s32 s4, s3;
	v28 =	vmul.f32 $1.442695020e+00, v26;
	v25 =	vadd.f32 v27, v25;
	v27 =	vmul.f32 v27, v27  }
0xdc: {  	v26 =	vld [tilespmem:s3+$0x0]  }
0xdd: {  	(erf) = vpow2.f32 v28;
	v24 =	vadd.f32 v27, v24  }
0xde: {  	s13 =	sadd.s32 $0x80, s13  }
0xdf: {  	s0 =	sor.u32 s31, s0  }
0xe0: {  	s0 =	sor.u32 $0x1C58, s0  }
0xe1: {  	v27 =	vld [tilespmem:s0+$0x0];
	_ =	sdelay $0x3  }
0xe2: {  	v26 =	vmul.f32 $1.442695020e+00, v26  }
0xe3: {  	v27 =	vmul.f32 $1.442695020e+00, v27  }
0xe4: {  	(erf) = vpow2.f32 v26  }
0xe5: {  	(erf) = vpow2.f32 v27;
	_ =	sdelay $0x4  }
0xe6: {  	v62 =	vpop (erf)  }
0xe7: {  	v63 =	vld [tilespmem:s30+$0x0];
	v25 =	vadd.f32 v62, v25  }
0xe8: {  	v28 =	vpop (erf)  }
0xe9: {  	v25 =	vadd.f32 v28, v25;
	v29 =	vpop (erf)  }
0xea: {  	v30 =	vpop (erf)  }
0xeb: {  	v25 =	vadd.f32 v29, v25;
	v30 =	vmul.f32 v1, v30  }
0xec: {  	v27 =	vmul.f32 $1.442695020e+00, v63  }
0xed: {  	v25 =	vadd.f32 v30, v25  }
0xee: {  	(erf) = vpow2.f32 v27  }
0xef: {  	v26 =	vmul.f32 v62, v62;
	(xrf2) =	vadd.scan.msk.f32 $0xffff, v25;
	_ =	sdelay $0x1  }
0xf0: {  	v24 =	vadd.f32 v26, v24;
	v28 =	vmul.f32 v28, v28;
	_ =	sdelay $0x1  }
0xf1: {  	v24 =	vadd.f32 v28, v24;
	v31 =	vmul.f32 v29, v29;
	_ =	sdelay $0x1  }
0xf2: {  	v24 =	vadd.f32 v31, v24;
	v32 =	vmul.f32 v30, v30;
	_ =	sdelay $0x1  }
0xf3: {  	v33 =	vpop (erf);
	v24 =	vadd.f32 v32, v24  }
0xf4: {  	v25 =	vmul.f32 v3, v33  }
0xf5: {  	v34, _, _ =	vpop (xrf2);
	(xrf2) =	vadd.scan.msk.f32 $0xffff, v24  }
0xf6: {  	(xrf2) =	vadd.scan.msk.f32 $0xffff, v25;
	v35 =	vbroadcast v34, $0xF;
	_ =	sdelay $0x1  }
0xf7: {  	(erf) = vrcp.f32 v35;
	_ =	sdelay $0x6  }
0xf8: {  	v36, _, _ =	vpop (xrf2)  }
0xf9: {  	(v2sf) =	vpush v36, $0xF;
	v37, _, _ =	vpop (xrf2)  }
0xfa: {  	(v2sf) =	vpush v37, $0xF;
	v38 =	vpop (erf)  }
0xfb: {  	(v2sf) =	vpush v38, $0x0;
	_ =	sdelay $0xa  }
0xfc: {  	v39 =	vmov s29  }
0xfd: {  	v40 =	vshll.u32 v39, $0xA  }
0xfe: {  	s3 =	sor.u32 $0x40, s29;
	v41 =	vshll.u32 v39, $0x7;
	v26 =	vand.u32 $0xE000, v40;
	s30 =	spop (v2sf)  }
0xff: {  	v42 =	vmov s3;
	v43 =	vor.u32 v20, v26;
	v27 =	vand.u32 $0x380, v41;
	s1 =	spop (v2sf)  }
0x100: {  	v44 =	vor.u32 v21, v26;
	v29 =	vor.u32 v27, v43;
	s31 =	spop (v2sf)  }
0x101: {  	v31 =	vor.u32 v22, v26;
	v30 =	vor.u32 v27, v44;
	s4 =	smul.f32 s31, s1  }
0x102: {  	v26 =	vor.u32 v23, v26;
	v31 =	vor.u32 v27, v31  }
0x103: {  	v26 =	vor.u32 v27, v26;
	v45 =	vmov s4  }
0x104: {  	[tilespmem:v42+s12+$0x0] =	vst.idx.msk $0x1, v45  }
0x105: {  	v27 =	vld.idx.msk [tilespmem:v29+s2+$0x0], $0xffff  }
0x106: {  	v28 =	vld.idx.msk [tilespmem:v30+s2+$0x0], $0xffff  }
0x107: {  	v46 =	vld.idx.msk [tilespmem:v31+s2+$0x0], $0xffff  }
0x108: {  	v26 =	vld.idx.msk [tilespmem:v26+s2+$0x0], $0xffff;
	_ =	sdelay $0x1  }
0x109: {  	v27 =	vmul.f32 $1.442695020e+00, v27  }
0x10a: {  	v28 =	vmul.f32 $1.442695020e+00, v28  }
0x10b: {  	v47 =	vmul.f32 $1.442695020e+00, v46;
	(erf) = vpow2.f32 v27  }
0x10c: {  	v26 =	vmul.f32 $1.442695020e+00, v26;
	(erf) = vpow2.f32 v28  }
0x10d: {  	(erf) = vpow2.f32 v47  }
0x10e: {  	(erf) = vpow2.f32 v26;
	_ =	sdelay $0x5  }
0x10f: {  	v48 =	vpop (erf)  }
0x110: {  	v49 =	vpop (erf);
	v50 =	vmul.f32 v15, v48  }
0x111: {  	v51 =	vpop (erf);
	v52 =	vmul.f32 v12, v49  }
0x112: {  	v53 =	vpop (erf);
	(xrf0) =	vmax.scan.msk.f32 $0xffff, v50;
	v54 =	vmul.f32 v14, v51  }
0x113: {  	v25 =	vld.idx.msk [tilespmem:v39+s11+$0x0], $0xffff;
	(xrf0) =	vmax.scan.msk.f32 $0xffff, v52;
	v55 =	vmul.f32 v13, v53  }
0x114: {  	(xrf0) =	vmax.scan.msk.f32 $0xffff, v54  }
0x115: {  	(xrf0) =	vmax.scan.msk.f32 $0xffff, v55;
	_ =	sdelay $0x2  }
0x116: {  	(v2sf) =	vpush v25, $0x0;
	v56, _, _ =	vpop (xrf0)  }
0x117: {  	v57, _, _ =	vpop (xrf0);
	(v2sf) =	vpush v56, $0xF  }
0x118: {  	v58, _, _ =	vpop (xrf0);
	(v2sf) =	vpush v57, $0xF  }
0x119: {  	(v2sf) =	vpush v58, $0xF;
	v59, _, _ =	vpop (xrf0)  }
0x11a: {  	(v2sf) =	vpush v59, $0xF;
	_ =	sdelay $0xa  }
0x11b: {  	s0 =	spop (v2sf)  }
0x11c: {  	s3 =	spop (v2sf)  }
0x11d: {  	s4 =	spop (v2sf);
	s3 =	smax.f32 s3, $0.0e+00  }
0x11e: {  	s3 =	smax.f32 s3, s4;
	s13 =	spop (v2sf)  }
0x11f: {  	s3 =	smax.f32 s3, s13;
	s13 =	spop (v2sf)  }
0x120: {  	s3 =	smax.f32 s3, s13  }
0x121: {  	s3 =	sadd.f32 s3, s3;
	_ =	sdelay $0x1  }
0x122: {  	s3 =	smul.f32 s3, s31  }
0x123: {  	s1 =	smul.f32 s1, s1  }
0x124: {  	s3 =	ssub.f32 $1.000000000e+00, s3  }
0x125: {  	s1 =	ssub.f32 s30, s1  }
0x126: {  	p0 =	sne.s32 s0, $0x0;
	s4 =	simm.f32 $1.000000000e+00;
	s3 =	smul.f32 s3, s23  }
0x127: {  	v24 =	vbroadcast v38, $0x0;
	s1 =	smul.f32 s31, s1;
	v60 =	vadd.f32 v48, v48;
	v61 =	vadd.f32 v49, v49;
	p1 =	sne.s32 s0, $0x3E8;
	s4 =	simm.s32 @!p0 $0x0  }
0x128: {  	v62 =	vadd.f32 v51, v51;
	v63 =	vadd.f32 v53, v53;
	s4 =	simm.s32 @!p1 $0x0;
	s3 =	sadd.f32 s3, s28  }
0x129: {  	s1 =	smul.f32 s1, s31;
	v25 =	vmul.f32 v24, v60;
	v26 =	vmul.f32 v24, v61;
	s31 =	ssub.f32 $1.000000000e+00, s4  }
0x12a: {  	v27 =	vmul.f32 v24, v62;
	v24 =	vmul.f32 v63, v24;
	s30 =	smin.f32 s26, s3  }
0x12b: {  	v25 =	vsub.f32 s1, v25;
	v26 =	vsub.f32 s1, v26;
	s13 =	smul.f32 $3.000000010e+38, s31;
	s0 =	sadd.f32 s30, s1  }
0x12c: {  	s29 =	sadd.s32 $0x1, s29;
	v27 =	vsub.f32 s1, v27;
	v24 =	vsub.f32 s1, v24;
	s1 =	smul.f32 s1, s4  }
0x12d: {  	p0 =	sne.s32 s29, $0x32;
	v25 =	vmul.f32 s4, v25;
	v26 =	vmul.f32 s4, v26;
	s0 =	smul.f32 s0, s4  }
.Ltmp3:
0x12e: {  	v27 =	vmul.f32 s4, v27;
	v24 =	vmul.f32 s4, v24;
	(pc) =	sbr.rel @p0 .LBB2_6-.Ltmp3, $4  }
0x12f: {  	v25 =	vadd.f32 s13, v25;
	v26 =	vadd.f32 s13, v26;
	s1 =	sadd.f32 s1, s13  }
0x130: {  	v27 =	vadd.f32 s13, v27;
	v24 =	vadd.f32 s13, v24;
	s3 =	smul.f32 s31, s25;
	s0 =	sadd.f32 s0, s21  }
0x131: {  	s24 =	sadd.f32 s4, s24;
	v19 =	vmin.f32 v19, v25  }
0x132: {  	v18 =	vmin.f32 v18, v26;
	v17 =	vmin.f32 v17, v27;
	v16 =	vmin.f32 v16, v24;
	s20 =	smin.f32 s20, s1;
	s21 =	sadd.f32 s0, s3  }
0x133: {  	p0 =	slt.f32 s18, $5.000000000e+01  }
0x134: {  	s0 =	simm.f32 $1.000000000e+00  }
0x135: {  	s0 =	simm.s32 @!p0 $0x0  }
0x136: {  	s31 =	ssub.f32 $1.000000000e+00, s0  }
0x137: {  	v20 =	vmin.f32 v11, $0.0e+00  }
0x138: {  	v20 =	vmul.f32 s0, v20;
	v43 =	vmul.f32 s31, v11  }
0x139: {  	v44 =	vmin.f32 v10, $0.0e+00;
	v21 =	vmin.f32 v9, $0.0e+00  }
0x13a: {  	p0 =	slt.f32 s24, $5.000000000e+01;
	v45 =	vmul.f32 s31, v10;
	v11 =	vadd.f32 v43, v20;
	v20 =	vmul.f32 s0, v44  }
0x13b: {  	s1 =	simm.f32 $1.000000000e+00;
	v21 =	vmul.f32 s0, v21;
	v46 =	vmul.f32 s31, v9  }
0x13c: {  	v47 =	vmin.f32 v8, $0.0e+00;
	s1 =	simm.s32 @!p0 $0x0;
	v11 =	vadd.f32 $1.000000000e+00, v11;
	v10 =	vadd.f32 v45, v20  }
0x13d: {  	v49 =	vmin.f32 v19, $0.0e+00;
	s22 =	ssub.f32 $1.000000000e+00, s1;
	v48 =	vmul.f32 s31, v8;
	v9 =	vadd.f32 v46, v21  }
0x13e: {  	v7 =	vmul.f32 v7, v11;
	v10 =	vadd.f32 $1.000000000e+00, v10;
	v11 =	vmul.f32 s0, v47  }
0x13f: {  	v53 =	vmin.f32 v18, $0.0e+00;
	v50 =	vmul.f32 s22, v19;
	v9 =	vadd.f32 $1.000000000e+00, v9  }
0x140: {  	v20 =	vmul.f32 s1, v49;
	v5 =	vmul.f32 v5, v10;
	v51 =	vadd.f32 v48, v11  }
0x141: {  	v56 =	vmin.f32 v17, $0.0e+00;
	v54 =	vmul.f32 s22, v18;
	v6 =	vmul.f32 v6, v9;
	(xrf2) =	vadd.scan.msk.f32 $0xffff, v7  }
0x142: {  	v52 =	vadd.f32 v50, v20;
	v9 =	vmul.f32 s1, v53;
	(xrf2) =	vadd.scan.msk.f32 $0xffff, v5;
	v5 =	vadd.f32 $1.000000000e+00, v51  }
0x143: {  	v8 =	vmul.f32 s1, v56;
	v57 =	vmul.f32 s22, v17  }
0x144: {  	v55 =	vadd.f32 $1.000000000e+00, v52;
	v9 =	vadd.f32 v54, v9;
	v4 =	vmul.f32 v4, v5  }
0x145: {  	v60 =	vmin.f32 v16, $0.0e+00;
	v61 =	vmul.f32 s22, v16;
	v59 =	vadd.f32 v57, v8;
	(xrf2) =	vadd.scan.msk.f32 $0xffff, v6  }
0x146: {  	v58 =	vadd.f32 $1.000000000e+00, v9;
	v5 =	vmul.f32 v15, v55;
	(xrf2) =	vadd.scan.msk.f32 $0xffff, v4;
	v4 =	vmul.f32 s1, v60;
	_ =	sdelay $0x1  }
0x147: {  	v62 =	vadd.f32 $1.000000000e+00, v59;
	(xrf2) =	vadd.scan.msk.f32 $0xffff, v5;
	v5 =	vmul.f32 v12, v58;
	v4 =	vadd.f32 v61, v4;
	_ =	sdelay $0x1  }
0x148: {  	(xrf2) =	vadd.scan.msk.f32 $0xffff, v5;
	v5 =	vmul.f32 v14, v62;
	v4 =	vadd.f32 $1.000000000e+00, v4;
	_ =	sdelay $0x1  }
0x149: {  	v63, _, _ =	vpop (xrf2);
	(xrf2) =	vadd.scan.msk.f32 $0xffff, v5;
	v4 =	vmul.f32 v13, v4;
	_ =	sdelay $0x1  }
0x14a: {  	v5, _, _ =	vpop (xrf2);
	(xrf2) =	vadd.scan.msk.f32 $0xffff, v4  }
0x14b: {  	(v2sf) =	vpush v63, $0xF  }
0x14c: {  	(v2sf) =	vpush v5, $0xF;
	v5, _, _ =	vpop (xrf2)  }
0x14d: {  	(v2sf) =	vpush v5, $0xF;
	v4, _, _ =	vpop (xrf2)  }
0x14e: {  	v5, _, _ =	vpop (xrf2);
	(v2sf) =	vpush v4, $0xF  }
0x14f: {  	(v2sf) =	vpush v5, $0xF  }
0x150: {  	v4, _, _ =	vpop (xrf2)  }
0x151: {  	(v2sf) =	vpush v4, $0xF  }
0x152: {  	v4, _, _ =	vpop (xrf2)  }
0x153: {  	(v2sf) =	vpush v4, $0xF  }
0x154: {  	v4, _, _ =	vpop (xrf2)  }
0x155: {  	(v2sf) =	vpush v4, $0xF;
	_ =	sdelay $0x4  }
0x156: {  	s3 =	spop (v2sf)  }
0x157: {  	s0 =	sadd.f32 $0.0e+00, s3;
	s4 =	spop (v2sf)  }
0x158: {  	s29 =	ssub.f32 $5.000000000e+01, s19;
	s13 =	spop (v2sf)  }
0x159: {  	s0 =	sadd.f32 s0, s4;
	s23 =	spop (v2sf)  }
0x15a: {  	s4 =	ssub.f32 $5.000000000e+01, s15;
	s3 =	spop (v2sf)  }
0x15b: {  	s24 =	sadd.f32 $0.0e+00, s3  }
0x15c: {  	s0 =	sadd.f32 s0, s13;
	s25 =	spop (v2sf)  }
0x15d: {  	s4 =	smul.f32 s31, s4;
	s1 =	sadd.f32 s24, s25  }
0x15e: {  	s0 =	sadd.f32 s0, s23;
	s26 =	spop (v2sf)  }
0x15f: {  	s28 =	smul.f32 s4, s16;
	s1 =	sadd.f32 s1, s26  }
0x160: {  	s0 =	sadd.f32 s0, s17;
	s13 =	spop (v2sf)  }
0x161: {  	s4 =	smul.f32 s22, s29;
	s1 =	sadd.f32 s1, s13  }
0x162: {  	s0 =	sadd.f32 s0, s28  }
0x163: {  	s30 =	smul.f32 s4, s20;
	s1 =	sadd.f32 s1, s21  }
0x164: {  	_ = 	snop  }
0x165: {  	s0 =	smul.f32 $1.999999960e-02, s0;
	s1 =	sadd.f32 s1, s30  }
0x166: {  	_ = 	snop  }
0x167: {  	s0 =	sadd.f32 $0.0e+00, s0;
	s1 =	smul.f32 $1.999999960e-02, s1  }
0x168: {  	_ = 	snop  }
0x169: {  	s0 =	sadd.f32 s1, s0;
	_ =	sdelay $0x1  }
0x16a: {  	v4 =	vmul.f32 s0, v3;
	_ =	sdelay $0x1  }
0x16b: {  	s31 =	simm.s32 $0xE100;
	[tilespmem:$0xE100] =	vst v4  }
0x16c: {  	[hbm4b:s7+s2] =	stream.linear.scatter [tilespmem:s31], [sflag:$0x1], $0x10, $0x38;
	[tilespmem:$0xE180] =	vst v63  }
0x16d: {  	s14 =	sadd.s32 $0x1, s14;
	_ =	swait.ge [sflag:s10], $0x10  }
0x16e: {  	p0 =	sne.s32 s14, s9;
	[sflag:s10] =	ssyncset.done $0x0  }
.Ltmp4:
0x16f: {  	[sflag:s10] =	ssyncadd.s32 $0xFFFFFFF0;
	(pc) =	sbr.rel @p0 .LBB2_1-.Ltmp4, $4  }
0x170: {  	[hbm4b:s8+s2] =	stream.linear.scatter [tilespmem:s12], [sflag:$0x1], $0x80, $0x38;
	[tilespmem:$0xE180] =	vst v63  }
0x171: {  	_ =	swait.ge [sflag:s10], $0x80  }
0x172: {  	[sflag:s10] =	ssyncset.done $0x0  }
0x173: {  	[sflag:s10] =	ssyncadd.s32 $0xFFFFFF80  }
0x174: {  	_ =	sfence.sel $0x180000  }
0x175: {  	[bflag:$0x0] =	sbarrier.arrive $0xFFFF  }
0x176: {  	_ =	strace $0x90000047  }
0x177: {  	s0 =	stileid.u32;
	[bflag:$0x2] =	sbarrier.arrive $0xFFFF  }
0x178: {  	p0 =	sne.s32 s0, $0x0;
	s0 =	rddreg [dreg:$0x1]  }
0x179: {  	s0 =	sadd.s32 @!p0 $0x100000, s0  }
0x17a: {  	[sflag:s0] =	ssyncadd.tile.s32 @!p0 $0x1;
	_ =	shalt  }
.Lfunc_end2:
_tile_overlayer_lowered:
.L_overlay_start_2:
0x17b: {  	(tag) =	ssettag $0x2  }
0x17c: {  	s0 =	rddreg [dreg:$0x0];
	s2 =	stileid.u32  }
0x17d: {  	s1 =	rddreg [dreg:$0x1];
	p0 =	sne.s32 s2, $0x0  }
0x17e: {  	s3 =	rddreg [dreg:$0x2];
	[bflag:$0x3] =	sbarrier.arrive $0xFFFF;
	s2 =	simm.s32 @!p0 $0x1C01  }
0x17f: {  	[timem:s3], [sflag:s2] =	dma.local @!p0 [hbm:s0], s1  }
0x180: {  	s0 =	simm.s32 @!p0 $0x1  }
0x181: {  	_ =	swait.ge @!p0 [sflag:s0], s1  }
0x182: {  	s1 =	ssub.s32 @!p0 $0x0, s1;
	[sflag:s0] =	ssyncset.done @!p0 $0x0  }
0x183: {  	[sflag:s0] =	ssyncadd.s32 @!p0 s1  }
0x184: {  	[bflag:$0x3] =	sbarrier.arrive $0xFFFF  }
0x185: {  	_ =	shalt  }

</sc_bundles>
